<compile_context>
chip_gen: v7x
topology: tpu7x:2x2x1
jax: 0.10.2.dev20260603
libtpu: 0.0.44.dev20260713+nightly
codegen_flags: <defaults>
</compile_context>

<pallas_src>
import functools

import jax
import jax.numpy as jnp
from jax import lax
from jax.experimental import pallas as pl
from jax.experimental.pallas import tpu as pltpu
from jax.experimental.pallas import tpu_sc as plsc

NC, NS = 2, 16
NW = NC * NS
CHUNK = 128


def _sc_mesh():
    return plsc.VectorSubcoreMesh(core_axis_name="c", subcore_axis_name="s")


NBUF = 8
KLAG = 4


def _make_deg(npad, nchunk):

    @functools.partial(
        pl.kernel,
        out_type=jax.ShapeDtypeStruct((NC, npad, 8), jnp.float32),
        mesh=_sc_mesh(),
        scratch_types=[
            pltpu.VMEM((nchunk, CHUNK), jnp.int32),
            pltpu.VMEM((CHUNK, 8), jnp.float32),
            pltpu.VMEM((CHUNK, 8), jnp.float32),
            pltpu.VMEM_SHARED((npad, 8), jnp.float32),
        ] + [pltpu.SemaphoreType.DMA] * NBUF,
        compiler_params=pltpu.CompilerParams(use_tc_tiling_on_sc=False),
    )
    def deg_kernel(dst_hbm, ones_hbm, zeros_hbm, out_hbm, idxb, onesb, zbuf,
                   acc_sh, *ssems):
        c = lax.axis_index("c")
        s = lax.axis_index("s")

        w = c * NS + s
        pltpu.sync_copy(dst_hbm.at[w], idxb)
        pltpu.sync_copy(ones_hbm, onesb)
        pltpu.sync_copy(zeros_hbm, zbuf)
        rpt0 = npad // NS
        for q in range(rpt0 // CHUNK):
            pltpu.sync_copy(zbuf, acc_sh.at[pl.ds(s * rpt0 + q * CHUNK,
                                                  CHUNK)])
        plsc.subcore_barrier()

        def outer(j, carry):
            for b in range(NBUF):
                i = j * NBUF + b
                desc = pltpu.async_copy(onesb, acc_sh.at[idxb.at[i]],
                                        ssems[b], add=True)

                @pl.when(j > 0)
                def _():
                    pltpu.make_async_copy(onesb, acc_sh.at[idxb.at[i]],
                                          ssems[b]).wait()
                del desc
            return carry

        lax.fori_loop(0, nchunk // NBUF, outer, 0)
        for b in range(NBUF):
            pltpu.make_async_copy(onesb, acc_sh.at[idxb.at[b]], ssems[b]).wait()
        plsc.subcore_barrier()
        rpt = npad // NS
        pltpu.sync_copy(acc_sh.at[pl.ds(s * rpt, rpt)],
                        out_hbm.at[c, pl.ds(s * rpt, rpt)])

    return deg_kernel


def _make_agg(npad, nchunk, width, nrows, nh):

    @functools.partial(
        pl.kernel,
        out_type=jax.ShapeDtypeStruct((NC, nh, npad, width), jnp.float32),
        mesh=_sc_mesh(),
        scratch_types=[
            pltpu.VMEM((nchunk, CHUNK), jnp.int32),
            pltpu.VMEM((nchunk, CHUNK), jnp.int32),
        ] + [pltpu.VMEM((CHUNK, width), jnp.float32)] * (NBUF + 1)
          + [pltpu.SemaphoreType.DMA] * (2 * NBUF)
          + [pltpu.VMEM_SHARED((npad, width), jnp.float32)]
          + [pltpu.VMEM_SHARED((nrows, width), jnp.float32)] * nh,
        compiler_params=pltpu.CompilerParams(use_tc_tiling_on_sc=False),
    )
    def agg_kernel(src_hbm, dst_hbm, *rest):
        hs_hbm = rest[:nh]
        zeros_hbm, out_hbm, srcb, dstb = rest[nh:nh + 4]
        rows_and_sems = rest[nh + 4:]
        rows = rows_and_sems[:NBUF]
        zbuf = rows_and_sems[NBUF]
        gsems = rows_and_sems[NBUF + 1:2 * NBUF + 1]
        ssems = rows_and_sems[2 * NBUF + 1:3 * NBUF + 1]
        acc_sh = rows_and_sems[3 * NBUF + 1]
        hs_sh = rows_and_sems[3 * NBUF + 2:]
        c = lax.axis_index("c")
        s = lax.axis_index("s")

        piece = nrows // 10
        for p in range(10 * nh):
            @pl.when(s == p % NS)
            def _():
                hh, r0 = p // 10, (p % 10) * piece
                pltpu.sync_copy(hs_hbm[hh].at[pl.ds(r0, piece)],
                                hs_sh[hh].at[pl.ds(r0, piece)])

        w = c * NS + s
        pltpu.sync_copy(src_hbm.at[w], srcb)
        pltpu.sync_copy(dst_hbm.at[w], dstb)

        pltpu.sync_copy(zeros_hbm, zbuf)

        rpt = npad // NS
        for hh in range(nh):
            h_sh = hs_sh[hh]
            plsc.subcore_barrier()
            for q in range(rpt // CHUNK):
                pltpu.sync_copy(zbuf, acc_sh.at[pl.ds(s * rpt + q * CHUNK,
                                                      CHUNK)])
            plsc.subcore_barrier()

            for b in range(NBUF):
                pltpu.async_copy(h_sh.at[srcb.at[b]], rows[b], gsems[b])

            def outer(jj, carry):
                for b in range(NBUF):
                    i = jj * NBUF + b
                    pltpu.make_async_copy(h_sh.at[srcb.at[i]], rows[b],
                                          gsems[b]).wait()
                    pltpu.async_copy(rows[b], acc_sh.at[dstb.at[i]],
                                     ssems[b], add=True)
                    jbuf = (b - KLAG) % NBUF
                    jc = i - KLAG

                    @pl.when(jc >= 0)
                    def _():
                        pltpu.make_async_copy(rows[jbuf],
                                              acc_sh.at[dstb.at[0]],
                                              ssems[jbuf]).wait()

                    @pl.when((jc >= 0) & (jc + NBUF < nchunk))
                    def _():
                        pltpu.async_copy(h_sh.at[srcb.at[jc + NBUF]],
                                         rows[jbuf], gsems[jbuf])
                return carry

            lax.fori_loop(0, nchunk // NBUF, outer, 0)
            for t in range(KLAG):
                b = (nchunk - KLAG + t) % NBUF
                pltpu.make_async_copy(rows[b], acc_sh.at[dstb.at[0]],
                                      ssems[b]).wait()
            plsc.subcore_barrier()
            pltpu.sync_copy(acc_sh.at[pl.ds(s * rpt, rpt)],
                            out_hbm.at[c, hh, pl.ds(s * rpt, rpt)])

    return agg_kernel


def _elu(z):
    return jnp.where(z > 0, z, jnp.exp(jnp.minimum(z, 0.0)) - 1.0)


def _tc_mm(x, W1, bm=5000):
    n, fin = x.shape
    h = W1.shape[1]

    def body(x_ref, w_ref, h_ref):
        h_ref[...] = jnp.dot(x_ref[...], w_ref[...],
                             preferred_element_type=jnp.float32)

    return pl.pallas_call(
        body,
        grid=(n // bm,),
        in_specs=[
            pl.BlockSpec((bm, fin), lambda i: (i, 0)),
            pl.BlockSpec((fin, h), lambda i: (0, 0)),
        ],
        out_specs=pl.BlockSpec((bm, h), lambda i: (i, 0)),
        out_shape=jax.ShapeDtypeStruct((n, h), jnp.float32),
    )(x, W1)


def _tc_scale(deg_parts, h1, bm=5000):
    n, h = h1.shape

    def body(deg_ref, h_ref, dinv_ref, lo_ref, hi_ref):
        degsum = deg_ref[0, :, 0:1] + deg_ref[1, :, 0:1] + 1.0
        dinv = lax.rsqrt(degsum)
        dinv_ref[...] = dinv
        hp = h_ref[...] * dinv
        lo_ref[...] = hp[:, :h // 2]
        hi_ref[...] = hp[:, h // 2:]

    return pl.pallas_call(
        body,
        grid=(n // bm,),
        in_specs=[
            pl.BlockSpec((NC, bm, 8), lambda i: (0, i, 0)),
            pl.BlockSpec((bm, h), lambda i: (i, 0)),
        ],
        out_specs=[
            pl.BlockSpec((bm, 1), lambda i: (i, 0)),
            pl.BlockSpec((bm, h // 2), lambda i: (i, 0)),
            pl.BlockSpec((bm, h // 2), lambda i: (i, 0)),
        ],
        out_shape=[
            jax.ShapeDtypeStruct((n, 1), jnp.float32),
            jax.ShapeDtypeStruct((n, h // 2), jnp.float32),
            jax.ShapeDtypeStruct((n, h // 2), jnp.float32),
        ],
    )(deg_parts, h1)


def _tc2(parts1, hp_lo, hp_hi, dinv, b1r, W2p, bm=5000):
    n, hh = hp_lo.shape
    h = 2 * hh
    wout = W2p.shape[1]

    def body(p_ref, lo_ref, hi_ref, dinv_ref, b1_ref, w2_ref, h2p_ref):
        lo = p_ref[0, 0] + p_ref[1, 0] + lo_ref[...]
        hi = p_ref[0, 1] + p_ref[1, 1] + hi_ref[...]
        agg = jnp.concatenate([lo, hi], axis=-1)
        z = dinv_ref[...] * agg + b1_ref[...]
        out1 = _elu(z)
        h2p_ref[...] = jnp.dot(out1, w2_ref[...],
                               preferred_element_type=jnp.float32) * dinv_ref[...]

    return pl.pallas_call(
        body,
        grid=(n // bm,),
        in_specs=[
            pl.BlockSpec((NC, 2, bm, hh), lambda i: (0, 0, i, 0)),
            pl.BlockSpec((bm, hh), lambda i: (i, 0)),
            pl.BlockSpec((bm, hh), lambda i: (i, 0)),
            pl.BlockSpec((bm, 1), lambda i: (i, 0)),
            pl.BlockSpec((1, h), lambda i: (0, 0)),
            pl.BlockSpec((h, wout), lambda i: (0, 0)),
        ],
        out_specs=pl.BlockSpec((bm, wout), lambda i: (i, 0)),
        out_shape=jax.ShapeDtypeStruct((n, wout), jnp.float32),
    )(parts1, hp_lo, hp_hi, dinv, b1r, W2p)


def _tc3(parts2, h2p, dinv, b2r, bm=5000):
    n, w = h2p.shape

    def body(p_ref, h2p_ref, dinv_ref, b2_ref, out_ref):
        agg = p_ref[0, 0] + p_ref[1, 0] + h2p_ref[...]
        z = dinv_ref[...] * agg + b2_ref[...]
        out_ref[...] = _elu(z)

    return pl.pallas_call(
        body,
        grid=(n // bm,),
        in_specs=[
            pl.BlockSpec((NC, 1, bm, w), lambda i: (0, 0, i, 0)),
            pl.BlockSpec((bm, w), lambda i: (i, 0)),
            pl.BlockSpec((bm, 1), lambda i: (i, 0)),
            pl.BlockSpec((1, w), lambda i: (0, 0)),
        ],
        out_specs=pl.BlockSpec((bm, w), lambda i: (i, 0)),
        out_shape=jax.ShapeDtypeStruct((n, w), jnp.float32),
    )(parts2, h2p, dinv, b2r)


def kernel(x, adj, num_graphs, in_batch, cluster, W1, b1, W2, b2):
    n, fin = x.shape
    hdim = W1.shape[1]
    fout = W2.shape[1]
    e = adj.shape[1]

    ept = -(-e // (NW * CHUNK * NBUF)) * (CHUNK * NBUF)
    ep = ept * NW
    nchunk = ept // CHUNK
    npad = -(-(n + 1) // (NS * 8)) * (NS * 8) + NS * 8

    src = jnp.concatenate([adj[0], jnp.zeros((ep - e,), jnp.int32)])
    dump = n + jnp.arange(ep - e, dtype=jnp.int32) % (npad - n)
    dst = jnp.concatenate([adj[1], dump])
    src3 = src.reshape(NW, nchunk, CHUNK)
    dst3 = dst.reshape(NW, nchunk, CHUNK)

    ones8 = jnp.ones((CHUNK, 8), jnp.float32)
    zeros8 = jnp.zeros((CHUNK, 8), jnp.float32)
    zerosW = jnp.zeros((CHUNK, hdim // 2), jnp.float32)

    deg_parts = _make_deg(npad, nchunk)(dst3, ones8, zeros8)
    h1 = _tc_mm(x, W1)
    dinv, hp_lo, hp_hi = _tc_scale(deg_parts, h1)
    parts1 = _make_agg(npad, nchunk, hdim // 2, n, 2)(src3, dst3, hp_lo, hp_hi,
                                                      zerosW)
    W2p = jnp.pad(W2, ((0, 0), (0, 8 - fout)))
    b2p = jnp.pad(b2, (0, 8 - fout)).reshape(1, 8)
    h2p = _tc2(parts1, hp_lo, hp_hi, dinv, b1.reshape(1, hdim), W2p)
    parts2 = _make_agg(npad, nchunk, 8, n, 1)(src3, dst3, h2p, zeros8)
    out8 = _tc3(parts2, h2p, dinv, b2p)
    return out8[:, :fout]

# --- scband reference (transcript-rebuilt; emitter-appended) ---
"""Pipeline reference for scband-gcn3-d-feb13-two-layer-25520695673031 (READ-ONLY COPY).

The authoritative reference and input builder live on the scoring server;
editing this copy changes nothing except your own understanding.
"""

import jax, jax.numpy as jnp
import numpy as np

N = 10000
E = 320000
F_IN = 128
H = 64
F_OUT = 3


def setup_inputs(seed: int = 0) -> dict:
    key = jax.random.key(seed)
    ks = jax.random.split(key, 8)
    x = jax.random.normal(ks[0], (N, F_IN), dtype=jnp.float32)
    adj = jax.random.randint(ks[1], (2, E), 0, N, dtype=jnp.int32)
    num_graphs = 1
    in_batch = jnp.zeros((N,), dtype=jnp.int32)
    cluster = jax.random.randint(ks[2], (N,), 0, 50, dtype=jnp.int32)
    # GCNConv params: lin (no bias) applied first, bias added after aggregation
    W1 = jax.random.normal(ks[3], (F_IN, H), dtype=jnp.float32) * (1.0 / np.sqrt(F_IN))
    b1 = jnp.zeros((H,), dtype=jnp.float32)
    W2 = jax.random.normal(ks[4], (H, F_OUT), dtype=jnp.float32) * (1.0 / np.sqrt(H))
    b2 = jnp.zeros((F_OUT,), dtype=jnp.float32)
    return {"x": x, "adj": adj, "num_graphs": num_graphs, "in_batch": in_batch,
            "cluster": cluster, "W1": W1, "b1": b1, "W2": W2, "b2": b2}


def _gcn_conv(x, edge_index, W, b):
    # PyG GCNConv: add self-loops, sym-normalize D^-1/2 (A+I) D^-1/2, h = X W, aggregate, + bias
    n = x.shape[0]
    loop = jnp.arange(n, dtype=edge_index.dtype)
    src = jnp.concatenate([edge_index[0], loop])
    dst = jnp.concatenate([edge_index[1], loop])
    deg = jnp.zeros((n,), dtype=x.dtype).at[dst].add(1.0)
    dinv = jnp.where(deg > 0, 1.0 / jnp.sqrt(deg), 0.0)
    norm = dinv[src] * dinv[dst]
    h = x @ W
    msg = h[src] * norm[:, None]
    out = jnp.zeros((n, W.shape[1]), dtype=x.dtype).at[dst].add(msg)
    return out + b


def reference(x, adj, num_graphs, in_batch, cluster, W1, b1, W2, b2):
    h = jax.nn.elu(_gcn_conv(x, adj, W1, b1))
    out = jax.nn.elu(_gcn_conv(h, adj, W2, b2))
    return out

if __name__ == "__main__":
    import jax
    _d = setup_inputs()
    print(jax.jit(kernel)(*tuple(_d.values())))

</pallas_src>

<mosaic_0001>
#map = affine_map<(d0, d1) -> (0, 0, 0)>
#map1 = affine_map<(d0, d1) -> (0, 0)>
#map2 = affine_map<(d0, d1) -> (0, 0, 0, 0)>
module attributes {stable_mosaic.version = 14 : i64} {
  func.func @agg_kernel(%arg0: i32, %arg1: i32, %arg2: memref<32x80x128xi32, #tpu.memory_space<hbm>>, %arg3: memref<32x80x128xi32, #tpu.memory_space<hbm>>, %arg4: memref<10000x32xf32, #tpu.memory_space<hbm>>, %arg5: memref<10000x32xf32, #tpu.memory_space<hbm>>, %arg6: memref<128x32xf32, #tpu.memory_space<hbm>>, %arg7: memref<2x2x10240x32xf32, #tpu.memory_space<hbm>>, %arg8: memref<80x128xi32, #tpu.memory_space<vmem>>, %arg9: memref<80x128xi32, #tpu.memory_space<vmem>>, %arg10: memref<128x32xf32, #tpu.memory_space<vmem>>, %arg11: memref<128x32xf32, #tpu.memory_space<vmem>>, %arg12: memref<128x32xf32, #tpu.memory_space<vmem>>, %arg13: memref<128x32xf32, #tpu.memory_space<vmem>>, %arg14: memref<128x32xf32, #tpu.memory_space<vmem>>, %arg15: memref<128x32xf32, #tpu.memory_space<vmem>>, %arg16: memref<128x32xf32, #tpu.memory_space<vmem>>, %arg17: memref<128x32xf32, #tpu.memory_space<vmem>>, %arg18: memref<128x32xf32, #tpu.memory_space<vmem>>, %arg19: memref<!tpu.dma_semaphore, #tpu.memory_space<semaphore_mem>>, %arg20: memref<!tpu.dma_semaphore, #tpu.memory_space<semaphore_mem>>, %arg21: memref<!tpu.dma_semaphore, #tpu.memory_space<semaphore_mem>>, %arg22: memref<!tpu.dma_semaphore, #tpu.memory_space<semaphore_mem>>, %arg23: memref<!tpu.dma_semaphore, #tpu.memory_space<semaphore_mem>>, %arg24: memref<!tpu.dma_semaphore, #tpu.memory_space<semaphore_mem>>, %arg25: memref<!tpu.dma_semaphore, #tpu.memory_space<semaphore_mem>>, %arg26: memref<!tpu.dma_semaphore, #tpu.memory_space<semaphore_mem>>, %arg27: memref<!tpu.dma_semaphore, #tpu.memory_space<semaphore_mem>>, %arg28: memref<!tpu.dma_semaphore, #tpu.memory_space<semaphore_mem>>, %arg29: memref<!tpu.dma_semaphore, #tpu.memory_space<semaphore_mem>>, %arg30: memref<!tpu.dma_semaphore, #tpu.memory_space<semaphore_mem>>, %arg31: memref<!tpu.dma_semaphore, #tpu.memory_space<semaphore_mem>>, %arg32: memref<!tpu.dma_semaphore, #tpu.memory_space<semaphore_mem>>, %arg33: memref<!tpu.dma_semaphore, #tpu.memory_space<semaphore_mem>>, %arg34: memref<!tpu.dma_semaphore, #tpu.memory_space<semaphore_mem>>, %arg35: memref<10240x32xf32, #tpu.memory_space<vmem_shared>>, %arg36: memref<10000x32xf32, #tpu.memory_space<vmem_shared>>, %arg37: memref<10000x32xf32, #tpu.memory_space<vmem_shared>>) attributes {dimension_semantics = [#tpu.dimension_semantics<core_parallel>, #tpu.dimension_semantics<subcore_parallel>], iteration_bounds = array<i64: 2, 16>, scalar_prefetch = 0 : i64, scratch_operands = 30 : i64, tpu.core_type = #tpu.core_type<sc_vector_subcore>, window_params = [{transform_indices = #map}, {transform_indices = #map}, {transform_indices = #map1}, {transform_indices = #map1}, {transform_indices = #map1}, {transform_indices = #map2}]} {
    %eq3A = arith.constant 0 : i32
    %eq3A_0 = arith.cmpi eq, %arg1, %eq3A : i32
    %convert_element_type3A = arith.extui %eq3A_0 : i1 to i32
    %cond3A = arith.constant 0 : i32
    %cond3A_1 = arith.cmpi ne, %convert_element_type3A, %cond3A : i32
    scf.if %cond3A_1 {
      "tpu.region"() ({
        %run_scoped3A_329 = tpu.sem_alloc : memref<!tpu.dma_semaphore, #tpu.memory_space<semaphore_mem>>
        %dma_start3A_330 = arith.constant 0 : i32
        %dma_start3A_331 = arith.constant 0 : i32
        %dma_start3A_332 = tpu.memref_slice %arg36[%dma_start3A_330, %dma_start3A_331] : memref<10000x32xf32, #tpu.memory_space<vmem_shared>> -> memref<1000x32xf32, #tpu.memory_space<vmem_shared>>
        %dma_start3A_333 = arith.constant 0 : i32
        %dma_start3A_334 = arith.constant 0 : i32
        %dma_start3A_335 = tpu.memref_slice %arg4[%dma_start3A_333, %dma_start3A_334] : memref<10000x32xf32, #tpu.memory_space<hbm>> -> memref<1000x32xf32, #tpu.memory_space<hbm>>
        tpu.enqueue_dma source(%dma_start3A_335 : memref<1000x32xf32, #tpu.memory_space<hbm>>) target(%dma_start3A_332 : memref<1000x32xf32, #tpu.memory_space<vmem_shared>>) target_semaphore(%run_scoped3A_329 : memref<!tpu.dma_semaphore, #tpu.memory_space<semaphore_mem>>)
        %dma_wait3A_336 = arith.constant 0 : i32
        %dma_wait3A_337 = arith.constant 0 : i32
        %dma_wait3A_338 = tpu.memref_slice %arg36[%dma_wait3A_336, %dma_wait3A_337] : memref<10000x32xf32, #tpu.memory_space<vmem_shared>> -> memref<1000x32xf32, #tpu.memory_space<vmem_shared>>
        %dma_wait3A_339 = arith.constant 0 : i32
        %dma_wait3A_340 = arith.constant 0 : i32
        %dma_wait3A_341 = tpu.memref_slice %arg4[%dma_wait3A_339, %dma_wait3A_340] : memref<10000x32xf32, #tpu.memory_space<hbm>> -> memref<1000x32xf32, #tpu.memory_space<hbm>>
        tpu.wait_dma2 semaphore(%run_scoped3A_329 : memref<!tpu.dma_semaphore, #tpu.memory_space<semaphore_mem>>) src(%dma_wait3A_341 : memref<1000x32xf32, #tpu.memory_space<hbm>>) dst(%dma_wait3A_338 : memref<1000x32xf32, #tpu.memory_space<vmem_shared>>)
        tpu.yield
      }) : () -> ()
    } else {
    }
    %eq3A_2 = arith.constant 1 : i32
    %eq3A_3 = arith.cmpi eq, %arg1, %eq3A_2 : i32
    %convert_element_type3A_4 = arith.extui %eq3A_3 : i1 to i32
    %cond3A_5 = arith.constant 0 : i32
    %cond3A_6 = arith.cmpi ne, %convert_element_type3A_4, %cond3A_5 : i32
    scf.if %cond3A_6 {
      "tpu.region"() ({
        %run_scoped3A_329 = tpu.sem_alloc : memref<!tpu.dma_semaphore, #tpu.memory_space<semaphore_mem>>
        %dma_start3A_330 = arith.constant 1000 : i32
        %dma_start3A_331 = arith.constant 0 : i32
        %dma_start3A_332 = tpu.memref_slice %arg36[%dma_start3A_330, %dma_start3A_331] : memref<10000x32xf32, #tpu.memory_space<vmem_shared>> -> memref<1000x32xf32, #tpu.memory_space<vmem_shared>>
        %dma_start3A_333 = arith.constant 1000 : i32
        %dma_start3A_334 = arith.constant 0 : i32
        %dma_start3A_335 = tpu.memref_slice %arg4[%dma_start3A_333, %dma_start3A_334] : memref<10000x32xf32, #tpu.memory_space<hbm>> -> memref<1000x32xf32, #tpu.memory_space<hbm>>
        tpu.enqueue_dma source(%dma_start3A_335 : memref<1000x32xf32, #tpu.memory_space<hbm>>) target(%dma_start3A_332 : memref<1000x32xf32, #tpu.memory_space<vmem_shared>>) target_semaphore(%run_scoped3A_329 : memref<!tpu.dma_semaphore, #tpu.memory_space<semaphore_mem>>)
        %dma_wait3A_336 = arith.constant 1000 : i32
        %dma_wait3A_337 = arith.constant 0 : i32
        %dma_wait3A_338 = tpu.memref_slice %arg36[%dma_wait3A_336, %dma_wait3A_337] : memref<10000x32xf32, #tpu.memory_space<vmem_shared>> -> memref<1000x32xf32, #tpu.memory_space<vmem_shared>>
        %dma_wait3A_339 = arith.constant 1000 : i32
        %dma_wait3A_340 = arith.constant 0 : i32
        %dma_wait3A_341 = tpu.memref_slice %arg4[%dma_wait3A_339, %dma_wait3A_340] : memref<10000x32xf32, #tpu.memory_space<hbm>> -> memref<1000x32xf32, #tpu.memory_space<hbm>>
        tpu.wait_dma2 semaphore(%run_scoped3A_329 : memref<!tpu.dma_semaphore, #tpu.memory_space<semaphore_mem>>) src(%dma_wait3A_341 : memref<1000x32xf32, #tpu.memory_space<hbm>>) dst(%dma_wait3A_338 : memref<1000x32xf32, #tpu.memory_space<vmem_shared>>)
        tpu.yield
      }) : () -> ()
    } else {
    }
    %eq3A_7 = arith.constant 2 : i32
    %eq3A_8 = arith.cmpi eq, %arg1, %eq3A_7 : i32
    %convert_element_type3A_9 = arith.extui %eq3A_8 : i1 to i32
    %cond3A_10 = arith.constant 0 : i32
    %cond3A_11 = arith.cmpi ne, %convert_element_type3A_9, %cond3A_10 : i32
    scf.if %cond3A_11 {
      "tpu.region"() ({
        %run_scoped3A_329 = tpu.sem_alloc : memref<!tpu.dma_semaphore, #tpu.memory_space<semaphore_mem>>
        %dma_start3A_330 = arith.constant 2000 : i32
        %dma_start3A_331 = arith.constant 0 : i32
        %dma_start3A_332 = tpu.memref_slice %arg36[%dma_start3A_330, %dma_start3A_331] : memref<10000x32xf32, #tpu.memory_space<vmem_shared>> -> memref<1000x32xf32, #tpu.memory_space<vmem_shared>>
        %dma_start3A_333 = arith.constant 2000 : i32
        %dma_start3A_334 = arith.constant 0 : i32
        %dma_start3A_335 = tpu.memref_slice %arg4[%dma_start3A_333, %dma_start3A_334] : memref<10000x32xf32, #tpu.memory_space<hbm>> -> memref<1000x32xf32, #tpu.memory_space<hbm>>
        tpu.enqueue_dma source(%dma_start3A_335 : memref<1000x32xf32, #tpu.memory_space<hbm>>) target(%dma_start3A_332 : memref<1000x32xf32, #tpu.memory_space<vmem_shared>>) target_semaphore(%run_scoped3A_329 : memref<!tpu.dma_semaphore, #tpu.memory_space<semaphore_mem>>)
        %dma_wait3A_336 = arith.constant 2000 : i32
        %dma_wait3A_337 = arith.constant 0 : i32
        %dma_wait3A_338 = tpu.memref_slice %arg36[%dma_wait3A_336, %dma_wait3A_337] : memref<10000x32xf32, #tpu.memory_space<vmem_shared>> -> memref<1000x32xf32, #tpu.memory_space<vmem_shared>>
        %dma_wait3A_339 = arith.constant 2000 : i32
        %dma_wait3A_340 = arith.constant 0 : i32
        %dma_wait3A_341 = tpu.memref_slice %arg4[%dma_wait3A_339, %dma_wait3A_340] : memref<10000x32xf32, #tpu.memory_space<hbm>> -> memref<1000x32xf32, #tpu.memory_space<hbm>>
        tpu.wait_dma2 semaphore(%run_scoped3A_329 : memref<!tpu.dma_semaphore, #tpu.memory_space<semaphore_mem>>) src(%dma_wait3A_341 : memref<1000x32xf32, #tpu.memory_space<hbm>>) dst(%dma_wait3A_338 : memref<1000x32xf32, #tpu.memory_space<vmem_shared>>)
        tpu.yield
      }) : () -> ()
    } else {
    }
    %eq3A_12 = arith.constant 3 : i32
    %eq3A_13 = arith.cmpi eq, %arg1, %eq3A_12 : i32
    %convert_element_type3A_14 = arith.extui %eq3A_13 : i1 to i32
    %cond3A_15 = arith.constant 0 : i32
    %cond3A_16 = arith.cmpi ne, %convert_element_type3A_14, %cond3A_15 : i32
    scf.if %cond3A_16 {
      "tpu.region"() ({
        %run_scoped3A_329 = tpu.sem_alloc : memref<!tpu.dma_semaphore, #tpu.memory_space<semaphore_mem>>
        %dma_start3A_330 = arith.constant 3000 : i32
        %dma_start3A_331 = arith.constant 0 : i32
        %dma_start3A_332 = tpu.memref_slice %arg36[%dma_start3A_330, %dma_start3A_331] : memref<10000x32xf32, #tpu.memory_space<vmem_shared>> -> memref<1000x32xf32, #tpu.memory_space<vmem_shared>>
        %dma_start3A_333 = arith.constant 3000 : i32
        %dma_start3A_334 = arith.constant 0 : i32
        %dma_start3A_335 = tpu.memref_slice %arg4[%dma_start3A_333, %dma_start3A_334] : memref<10000x32xf32, #tpu.memory_space<hbm>> -> memref<1000x32xf32, #tpu.memory_space<hbm>>
        tpu.enqueue_dma source(%dma_start3A_335 : memref<1000x32xf32, #tpu.memory_space<hbm>>) target(%dma_start3A_332 : memref<1000x32xf32, #tpu.memory_space<vmem_shared>>) target_semaphore(%run_scoped3A_329 : memref<!tpu.dma_semaphore, #tpu.memory_space<semaphore_mem>>)
        %dma_wait3A_336 = arith.constant 3000 : i32
        %dma_wait3A_337 = arith.constant 0 : i32
        %dma_wait3A_338 = tpu.memref_slice %arg36[%dma_wait3A_336, %dma_wait3A_337] : memref<10000x32xf32, #tpu.memory_space<vmem_shared>> -> memref<1000x32xf32, #tpu.memory_space<vmem_shared>>
        %dma_wait3A_339 = arith.constant 3000 : i32
        %dma_wait3A_340 = arith.constant 0 : i32
        %dma_wait3A_341 = tpu.memref_slice %arg4[%dma_wait3A_339, %dma_wait3A_340] : memref<10000x32xf32, #tpu.memory_space<hbm>> -> memref<1000x32xf32, #tpu.memory_space<hbm>>
        tpu.wait_dma2 semaphore(%run_scoped3A_329 : memref<!tpu.dma_semaphore, #tpu.memory_space<semaphore_mem>>) src(%dma_wait3A_341 : memref<1000x32xf32, #tpu.memory_space<hbm>>) dst(%dma_wait3A_338 : memref<1000x32xf32, #tpu.memory_space<vmem_shared>>)
        tpu.yield
      }) : () -> ()
    } else {
    }
    %eq3A_17 = arith.constant 4 : i32
    %eq3A_18 = arith.cmpi eq, %arg1, %eq3A_17 : i32
    %convert_element_type3A_19 = arith.extui %eq3A_18 : i1 to i32
    %cond3A_20 = arith.constant 0 : i32
    %cond3A_21 = arith.cmpi ne, %convert_element_type3A_19, %cond3A_20 : i32
    scf.if %cond3A_21 {
      "tpu.region"() ({
        %run_scoped3A_329 = tpu.sem_alloc : memref<!tpu.dma_semaphore, #tpu.memory_space<semaphore_mem>>
        %dma_start3A_330 = arith.constant 4000 : i32
        %dma_start3A_331 = arith.constant 0 : i32
        %dma_start3A_332 = tpu.memref_slice %arg36[%dma_start3A_330, %dma_start3A_331] : memref<10000x32xf32, #tpu.memory_space<vmem_shared>> -> memref<1000x32xf32, #tpu.memory_space<vmem_shared>>
        %dma_start3A_333 = arith.constant 4000 : i32
        %dma_start3A_334 = arith.constant 0 : i32
        %dma_start3A_335 = tpu.memref_slice %arg4[%dma_start3A_333, %dma_start3A_334] : memref<10000x32xf32, #tpu.memory_space<hbm>> -> memref<1000x32xf32, #tpu.memory_space<hbm>>
        tpu.enqueue_dma source(%dma_start3A_335 : memref<1000x32xf32, #tpu.memory_space<hbm>>) target(%dma_start3A_332 : memref<1000x32xf32, #tpu.memory_space<vmem_shared>>) target_semaphore(%run_scoped3A_329 : memref<!tpu.dma_semaphore, #tpu.memory_space<semaphore_mem>>)
        %dma_wait3A_336 = arith.constant 4000 : i32
        %dma_wait3A_337 = arith.constant 0 : i32
        %dma_wait3A_338 = tpu.memref_slice %arg36[%dma_wait3A_336, %dma_wait3A_337] : memref<10000x32xf32, #tpu.memory_space<vmem_shared>> -> memref<1000x32xf32, #tpu.memory_space<vmem_shared>>
        %dma_wait3A_339 = arith.constant 4000 : i32
        %dma_wait3A_340 = arith.constant 0 : i32
        %dma_wait3A_341 = tpu.memref_slice %arg4[%dma_wait3A_339, %dma_wait3A_340] : memref<10000x32xf32, #tpu.memory_space<hbm>> -> memref<1000x32xf32, #tpu.memory_space<hbm>>
        tpu.wait_dma2 semaphore(%run_scoped3A_329 : memref<!tpu.dma_semaphore, #tpu.memory_space<semaphore_mem>>) src(%dma_wait3A_341 : memref<1000x32xf32, #tpu.memory_space<hbm>>) dst(%dma_wait3A_338 : memref<1000x32xf32, #tpu.memory_space<vmem_shared>>)
        tpu.yield
      }) : () -> ()
    } else {
    }
    %eq3A_22 = arith.constant 5 : i32
    %eq3A_23 = arith.cmpi eq, %arg1, %eq3A_22 : i32
    %convert_element_type3A_24 = arith.extui %eq3A_23 : i1 to i32
    %cond3A_25 = arith.constant 0 : i32
    %cond3A_26 = arith.cmpi ne, %convert_element_type3A_24, %cond3A_25 : i32
    scf.if %cond3A_26 {
      "tpu.region"() ({
        %run_scoped3A_329 = tpu.sem_alloc : memref<!tpu.dma_semaphore, #tpu.memory_space<semaphore_mem>>
        %dma_start3A_330 = arith.constant 5000 : i32
        %dma_start3A_331 = arith.constant 0 : i32
        %dma_start3A_332 = tpu.memref_slice %arg36[%dma_start3A_330, %dma_start3A_331] : memref<10000x32xf32, #tpu.memory_space<vmem_shared>> -> memref<1000x32xf32, #tpu.memory_space<vmem_shared>>
        %dma_start3A_333 = arith.constant 5000 : i32
        %dma_start3A_334 = arith.constant 0 : i32
        %dma_start3A_335 = tpu.memref_slice %arg4[%dma_start3A_333, %dma_start3A_334] : memref<10000x32xf32, #tpu.memory_space<hbm>> -> memref<1000x32xf32, #tpu.memory_space<hbm>>
        tpu.enqueue_dma source(%dma_start3A_335 : memref<1000x32xf32, #tpu.memory_space<hbm>>) target(%dma_start3A_332 : memref<1000x32xf32, #tpu.memory_space<vmem_shared>>) target_semaphore(%run_scoped3A_329 : memref<!tpu.dma_semaphore, #tpu.memory_space<semaphore_mem>>)
        %dma_wait3A_336 = arith.constant 5000 : i32
        %dma_wait3A_337 = arith.constant 0 : i32
        %dma_wait3A_338 = tpu.memref_slice %arg36[%dma_wait3A_336, %dma_wait3A_337] : memref<10000x32xf32, #tpu.memory_space<vmem_shared>> -> memref<1000x32xf32, #tpu.memory_space<vmem_shared>>
        %dma_wait3A_339 = arith.constant 5000 : i32
        %dma_wait3A_340 = arith.constant 0 : i32
        %dma_wait3A_341 = tpu.memref_slice %arg4[%dma_wait3A_339, %dma_wait3A_340] : memref<10000x32xf32, #tpu.memory_space<hbm>> -> memref<1000x32xf32, #tpu.memory_space<hbm>>
        tpu.wait_dma2 semaphore(%run_scoped3A_329 : memref<!tpu.dma_semaphore, #tpu.memory_space<semaphore_mem>>) src(%dma_wait3A_341 : memref<1000x32xf32, #tpu.memory_space<hbm>>) dst(%dma_wait3A_338 : memref<1000x32xf32, #tpu.memory_space<vmem_shared>>)
        tpu.yield
      }) : () -> ()
    } else {
    }
    %eq3A_27 = arith.constant 6 : i32
    %eq3A_28 = arith.cmpi eq, %arg1, %eq3A_27 : i32
    %convert_element_type3A_29 = arith.extui %eq3A_28 : i1 to i32
    %cond3A_30 = arith.constant 0 : i32
    %cond3A_31 = arith.cmpi ne, %convert_element_type3A_29, %cond3A_30 : i32
    scf.if %cond3A_31 {
      "tpu.region"() ({
        %run_scoped3A_329 = tpu.sem_alloc : memref<!tpu.dma_semaphore, #tpu.memory_space<semaphore_mem>>
        %dma_start3A_330 = arith.constant 6000 : i32
        %dma_start3A_331 = arith.constant 0 : i32
        %dma_start3A_332 = tpu.memref_slice %arg36[%dma_start3A_330, %dma_start3A_331] : memref<10000x32xf32, #tpu.memory_space<vmem_shared>> -> memref<1000x32xf32, #tpu.memory_space<vmem_shared>>
        %dma_start3A_333 = arith.constant 6000 : i32
        %dma_start3A_334 = arith.constant 0 : i32
        %dma_start3A_335 = tpu.memref_slice %arg4[%dma_start3A_333, %dma_start3A_334] : memref<10000x32xf32, #tpu.memory_space<hbm>> -> memref<1000x32xf32, #tpu.memory_space<hbm>>
        tpu.enqueue_dma source(%dma_start3A_335 : memref<1000x32xf32, #tpu.memory_space<hbm>>) target(%dma_start3A_332 : memref<1000x32xf32, #tpu.memory_space<vmem_shared>>) target_semaphore(%run_scoped3A_329 : memref<!tpu.dma_semaphore, #tpu.memory_space<semaphore_mem>>)
        %dma_wait3A_336 = arith.constant 6000 : i32
        %dma_wait3A_337 = arith.constant 0 : i32
        %dma_wait3A_338 = tpu.memref_slice %arg36[%dma_wait3A_336, %dma_wait3A_337] : memref<10000x32xf32, #tpu.memory_space<vmem_shared>> -> memref<1000x32xf32, #tpu.memory_space<vmem_shared>>
        %dma_wait3A_339 = arith.constant 6000 : i32
        %dma_wait3A_340 = arith.constant 0 : i32
        %dma_wait3A_341 = tpu.memref_slice %arg4[%dma_wait3A_339, %dma_wait3A_340] : memref<10000x32xf32, #tpu.memory_space<hbm>> -> memref<1000x32xf32, #tpu.memory_space<hbm>>
        tpu.wait_dma2 semaphore(%run_scoped3A_329 : memref<!tpu.dma_semaphore, #tpu.memory_space<semaphore_mem>>) src(%dma_wait3A_341 : memref<1000x32xf32, #tpu.memory_space<hbm>>) dst(%dma_wait3A_338 : memref<1000x32xf32, #tpu.memory_space<vmem_shared>>)
        tpu.yield
      }) : () -> ()
    } else {
    }
    %eq3A_32 = arith.constant 7 : i32
    %eq3A_33 = arith.cmpi eq, %arg1, %eq3A_32 : i32
    %convert_element_type3A_34 = arith.extui %eq3A_33 : i1 to i32
    %cond3A_35 = arith.constant 0 : i32
    %cond3A_36 = arith.cmpi ne, %convert_element_type3A_34, %cond3A_35 : i32
    scf.if %cond3A_36 {
      "tpu.region"() ({
        %run_scoped3A_329 = tpu.sem_alloc : memref<!tpu.dma_semaphore, #tpu.memory_space<semaphore_mem>>
        %dma_start3A_330 = arith.constant 7000 : i32
        %dma_start3A_331 = arith.constant 0 : i32
        %dma_start3A_332 = tpu.memref_slice %arg36[%dma_start3A_330, %dma_start3A_331] : memref<10000x32xf32, #tpu.memory_space<vmem_shared>> -> memref<1000x32xf32, #tpu.memory_space<vmem_shared>>
        %dma_start3A_333 = arith.constant 7000 : i32
        %dma_start3A_334 = arith.constant 0 : i32
        %dma_start3A_335 = tpu.memref_slice %arg4[%dma_start3A_333, %dma_start3A_334] : memref<10000x32xf32, #tpu.memory_space<hbm>> -> memref<1000x32xf32, #tpu.memory_space<hbm>>
        tpu.enqueue_dma source(%dma_start3A_335 : memref<1000x32xf32, #tpu.memory_space<hbm>>) target(%dma_start3A_332 : memref<1000x32xf32, #tpu.memory_space<vmem_shared>>) target_semaphore(%run_scoped3A_329 : memref<!tpu.dma_semaphore, #tpu.memory_space<semaphore_mem>>)
        %dma_wait3A_336 = arith.constant 7000 : i32
        %dma_wait3A_337 = arith.constant 0 : i32
        %dma_wait3A_338 = tpu.memref_slice %arg36[%dma_wait3A_336, %dma_wait3A_337] : memref<10000x32xf32, #tpu.memory_space<vmem_shared>> -> memref<1000x32xf32, #tpu.memory_space<vmem_shared>>
        %dma_wait3A_339 = arith.constant 7000 : i32
        %dma_wait3A_340 = arith.constant 0 : i32
        %dma_wait3A_341 = tpu.memref_slice %arg4[%dma_wait3A_339, %dma_wait3A_340] : memref<10000x32xf32, #tpu.memory_space<hbm>> -> memref<1000x32xf32, #tpu.memory_space<hbm>>
        tpu.wait_dma2 semaphore(%run_scoped3A_329 : memref<!tpu.dma_semaphore, #tpu.memory_space<semaphore_mem>>) src(%dma_wait3A_341 : memref<1000x32xf32, #tpu.memory_space<hbm>>) dst(%dma_wait3A_338 : memref<1000x32xf32, #tpu.memory_space<vmem_shared>>)
        tpu.yield
      }) : () -> ()
    } else {
    }
    %eq3A_37 = arith.constant 8 : i32
    %eq3A_38 = arith.cmpi eq, %arg1, %eq3A_37 : i32
    %convert_element_type3A_39 = arith.extui %eq3A_38 : i1 to i32
    %cond3A_40 = arith.constant 0 : i32
    %cond3A_41 = arith.cmpi ne, %convert_element_type3A_39, %cond3A_40 : i32
    scf.if %cond3A_41 {
      "tpu.region"() ({
        %run_scoped3A_329 = tpu.sem_alloc : memref<!tpu.dma_semaphore, #tpu.memory_space<semaphore_mem>>
        %dma_start3A_330 = arith.constant 8000 : i32
        %dma_start3A_331 = arith.constant 0 : i32
        %dma_start3A_332 = tpu.memref_slice %arg36[%dma_start3A_330, %dma_start3A_331] : memref<10000x32xf32, #tpu.memory_space<vmem_shared>> -> memref<1000x32xf32, #tpu.memory_space<vmem_shared>>
        %dma_start3A_333 = arith.constant 8000 : i32
        %dma_start3A_334 = arith.constant 0 : i32
        %dma_start3A_335 = tpu.memref_slice %arg4[%dma_start3A_333, %dma_start3A_334] : memref<10000x32xf32, #tpu.memory_space<hbm>> -> memref<1000x32xf32, #tpu.memory_space<hbm>>
        tpu.enqueue_dma source(%dma_start3A_335 : memref<1000x32xf32, #tpu.memory_space<hbm>>) target(%dma_start3A_332 : memref<1000x32xf32, #tpu.memory_space<vmem_shared>>) target_semaphore(%run_scoped3A_329 : memref<!tpu.dma_semaphore, #tpu.memory_space<semaphore_mem>>)
        %dma_wait3A_336 = arith.constant 8000 : i32
        %dma_wait3A_337 = arith.constant 0 : i32
        %dma_wait3A_338 = tpu.memref_slice %arg36[%dma_wait3A_336, %dma_wait3A_337] : memref<10000x32xf32, #tpu.memory_space<vmem_shared>> -> memref<1000x32xf32, #tpu.memory_space<vmem_shared>>
        %dma_wait3A_339 = arith.constant 8000 : i32
        %dma_wait3A_340 = arith.constant 0 : i32
        %dma_wait3A_341 = tpu.memref_slice %arg4[%dma_wait3A_339, %dma_wait3A_340] : memref<10000x32xf32, #tpu.memory_space<hbm>> -> memref<1000x32xf32, #tpu.memory_space<hbm>>
        tpu.wait_dma2 semaphore(%run_scoped3A_329 : memref<!tpu.dma_semaphore, #tpu.memory_space<semaphore_mem>>) src(%dma_wait3A_341 : memref<1000x32xf32, #tpu.memory_space<hbm>>) dst(%dma_wait3A_338 : memref<1000x32xf32, #tpu.memory_space<vmem_shared>>)
        tpu.yield
      }) : () -> ()
    } else {
    }
    %eq3A_42 = arith.constant 9 : i32
    %eq3A_43 = arith.cmpi eq, %arg1, %eq3A_42 : i32
    %convert_element_type3A_44 = arith.extui %eq3A_43 : i1 to i32
    %cond3A_45 = arith.constant 0 : i32
    %cond3A_46 = arith.cmpi ne, %convert_element_type3A_44, %cond3A_45 : i32
    scf.if %cond3A_46 {
      "tpu.region"() ({
        %run_scoped3A_329 = tpu.sem_alloc : memref<!tpu.dma_semaphore, #tpu.memory_space<semaphore_mem>>
        %dma_start3A_330 = arith.constant 9000 : i32
        %dma_start3A_331 = arith.constant 0 : i32
        %dma_start3A_332 = tpu.memref_slice %arg36[%dma_start3A_330, %dma_start3A_331] : memref<10000x32xf32, #tpu.memory_space<vmem_shared>> -> memref<1000x32xf32, #tpu.memory_space<vmem_shared>>
        %dma_start3A_333 = arith.constant 9000 : i32
        %dma_start3A_334 = arith.constant 0 : i32
        %dma_start3A_335 = tpu.memref_slice %arg4[%dma_start3A_333, %dma_start3A_334] : memref<10000x32xf32, #tpu.memory_space<hbm>> -> memref<1000x32xf32, #tpu.memory_space<hbm>>
        tpu.enqueue_dma source(%dma_start3A_335 : memref<1000x32xf32, #tpu.memory_space<hbm>>) target(%dma_start3A_332 : memref<1000x32xf32, #tpu.memory_space<vmem_shared>>) target_semaphore(%run_scoped3A_329 : memref<!tpu.dma_semaphore, #tpu.memory_space<semaphore_mem>>)
        %dma_wait3A_336 = arith.constant 9000 : i32
        %dma_wait3A_337 = arith.constant 0 : i32
        %dma_wait3A_338 = tpu.memref_slice %arg36[%dma_wait3A_336, %dma_wait3A_337] : memref<10000x32xf32, #tpu.memory_space<vmem_shared>> -> memref<1000x32xf32, #tpu.memory_space<vmem_shared>>
        %dma_wait3A_339 = arith.constant 9000 : i32
        %dma_wait3A_340 = arith.constant 0 : i32
        %dma_wait3A_341 = tpu.memref_slice %arg4[%dma_wait3A_339, %dma_wait3A_340] : memref<10000x32xf32, #tpu.memory_space<hbm>> -> memref<1000x32xf32, #tpu.memory_space<hbm>>
        tpu.wait_dma2 semaphore(%run_scoped3A_329 : memref<!tpu.dma_semaphore, #tpu.memory_space<semaphore_mem>>) src(%dma_wait3A_341 : memref<1000x32xf32, #tpu.memory_space<hbm>>) dst(%dma_wait3A_338 : memref<1000x32xf32, #tpu.memory_space<vmem_shared>>)
        tpu.yield
      }) : () -> ()
    } else {
    }
    %eq3A_47 = arith.constant 10 : i32
    %eq3A_48 = arith.cmpi eq, %arg1, %eq3A_47 : i32
    %convert_element_type3A_49 = arith.extui %eq3A_48 : i1 to i32
    %cond3A_50 = arith.constant 0 : i32
    %cond3A_51 = arith.cmpi ne, %convert_element_type3A_49, %cond3A_50 : i32
    scf.if %cond3A_51 {
      "tpu.region"() ({
        %run_scoped3A_329 = tpu.sem_alloc : memref<!tpu.dma_semaphore, #tpu.memory_space<semaphore_mem>>
        %dma_start3A_330 = arith.constant 0 : i32
        %dma_start3A_331 = arith.constant 0 : i32
        %dma_start3A_332 = tpu.memref_slice %arg37[%dma_start3A_330, %dma_start3A_331] : memref<10000x32xf32, #tpu.memory_space<vmem_shared>> -> memref<1000x32xf32, #tpu.memory_space<vmem_shared>>
        %dma_start3A_333 = arith.constant 0 : i32
        %dma_start3A_334 = arith.constant 0 : i32
        %dma_start3A_335 = tpu.memref_slice %arg5[%dma_start3A_333, %dma_start3A_334] : memref<10000x32xf32, #tpu.memory_space<hbm>> -> memref<1000x32xf32, #tpu.memory_space<hbm>>
        tpu.enqueue_dma source(%dma_start3A_335 : memref<1000x32xf32, #tpu.memory_space<hbm>>) target(%dma_start3A_332 : memref<1000x32xf32, #tpu.memory_space<vmem_shared>>) target_semaphore(%run_scoped3A_329 : memref<!tpu.dma_semaphore, #tpu.memory_space<semaphore_mem>>)
        %dma_wait3A_336 = arith.constant 0 : i32
        %dma_wait3A_337 = arith.constant 0 : i32
        %dma_wait3A_338 = tpu.memref_slice %arg37[%dma_wait3A_336, %dma_wait3A_337] : memref<10000x32xf32, #tpu.memory_space<vmem_shared>> -> memref<1000x32xf32, #tpu.memory_space<vmem_shared>>
        %dma_wait3A_339 = arith.constant 0 : i32
        %dma_wait3A_340 = arith.constant 0 : i32
        %dma_wait3A_341 = tpu.memref_slice %arg5[%dma_wait3A_339, %dma_wait3A_340] : memref<10000x32xf32, #tpu.memory_space<hbm>> -> memref<1000x32xf32, #tpu.memory_space<hbm>>
        tpu.wait_dma2 semaphore(%run_scoped3A_329 : memref<!tpu.dma_semaphore, #tpu.memory_space<semaphore_mem>>) src(%dma_wait3A_341 : memref<1000x32xf32, #tpu.memory_space<hbm>>) dst(%dma_wait3A_338 : memref<1000x32xf32, #tpu.memory_space<vmem_shared>>)
        tpu.yield
      }) : () -> ()
    } else {
    }
    %eq3A_52 = arith.constant 11 : i32
    %eq3A_53 = arith.cmpi eq, %arg1, %eq3A_52 : i32
    %convert_element_type3A_54 = arith.extui %eq3A_53 : i1 to i32
    %cond3A_55 = arith.constant 0 : i32
    %cond3A_56 = arith.cmpi ne, %convert_element_type3A_54, %cond3A_55 : i32
    scf.if %cond3A_56 {
      "tpu.region"() ({
        %run_scoped3A_329 = tpu.sem_alloc : memref<!tpu.dma_semaphore, #tpu.memory_space<semaphore_mem>>
        %dma_start3A_330 = arith.constant 1000 : i32
        %dma_start3A_331 = arith.constant 0 : i32
        %dma_start3A_332 = tpu.memref_slice %arg37[%dma_start3A_330, %dma_start3A_331] : memref<10000x32xf32, #tpu.memory_space<vmem_shared>> -> memref<1000x32xf32, #tpu.memory_space<vmem_shared>>
        %dma_start3A_333 = arith.constant 1000 : i32
        %dma_start3A_334 = arith.constant 0 : i32
        %dma_start3A_335 = tpu.memref_slice %arg5[%dma_start3A_333, %dma_start3A_334] : memref<10000x32xf32, #tpu.memory_space<hbm>> -> memref<1000x32xf32, #tpu.memory_space<hbm>>
        tpu.enqueue_dma source(%dma_start3A_335 : memref<1000x32xf32, #tpu.memory_space<hbm>>) target(%dma_start3A_332 : memref<1000x32xf32, #tpu.memory_space<vmem_shared>>) target_semaphore(%run_scoped3A_329 : memref<!tpu.dma_semaphore, #tpu.memory_space<semaphore_mem>>)
        %dma_wait3A_336 = arith.constant 1000 : i32
        %dma_wait3A_337 = arith.constant 0 : i32
        %dma_wait3A_338 = tpu.memref_slice %arg37[%dma_wait3A_336, %dma_wait3A_337] : memref<10000x32xf32, #tpu.memory_space<vmem_shared>> -> memref<1000x32xf32, #tpu.memory_space<vmem_shared>>
        %dma_wait3A_339 = arith.constant 1000 : i32
        %dma_wait3A_340 = arith.constant 0 : i32
        %dma_wait3A_341 = tpu.memref_slice %arg5[%dma_wait3A_339, %dma_wait3A_340] : memref<10000x32xf32, #tpu.memory_space<hbm>> -> memref<1000x32xf32, #tpu.memory_space<hbm>>
        tpu.wait_dma2 semaphore(%run_scoped3A_329 : memref<!tpu.dma_semaphore, #tpu.memory_space<semaphore_mem>>) src(%dma_wait3A_341 : memref<1000x32xf32, #tpu.memory_space<hbm>>) dst(%dma_wait3A_338 : memref<1000x32xf32, #tpu.memory_space<vmem_shared>>)
        tpu.yield
      }) : () -> ()
    } else {
    }
    %eq3A_57 = arith.constant 12 : i32
    %eq3A_58 = arith.cmpi eq, %arg1, %eq3A_57 : i32
    %convert_element_type3A_59 = arith.extui %eq3A_58 : i1 to i32
    %cond3A_60 = arith.constant 0 : i32
    %cond3A_61 = arith.cmpi ne, %convert_element_type3A_59, %cond3A_60 : i32
    scf.if %cond3A_61 {
      "tpu.region"() ({
        %run_scoped3A_329 = tpu.sem_alloc : memref<!tpu.dma_semaphore, #tpu.memory_space<semaphore_mem>>
        %dma_start3A_330 = arith.constant 2000 : i32
        %dma_start3A_331 = arith.constant 0 : i32
        %dma_start3A_332 = tpu.memref_slice %arg37[%dma_start3A_330, %dma_start3A_331] : memref<10000x32xf32, #tpu.memory_space<vmem_shared>> -> memref<1000x32xf32, #tpu.memory_space<vmem_shared>>
        %dma_start3A_333 = arith.constant 2000 : i32
        %dma_start3A_334 = arith.constant 0 : i32
        %dma_start3A_335 = tpu.memref_slice %arg5[%dma_start3A_333, %dma_start3A_334] : memref<10000x32xf32, #tpu.memory_space<hbm>> -> memref<1000x32xf32, #tpu.memory_space<hbm>>
        tpu.enqueue_dma source(%dma_start3A_335 : memref<1000x32xf32, #tpu.memory_space<hbm>>) target(%dma_start3A_332 : memref<1000x32xf32, #tpu.memory_space<vmem_shared>>) target_semaphore(%run_scoped3A_329 : memref<!tpu.dma_semaphore, #tpu.memory_space<semaphore_mem>>)
        %dma_wait3A_336 = arith.constant 2000 : i32
        %dma_wait3A_337 = arith.constant 0 : i32
        %dma_wait3A_338 = tpu.memref_slice %arg37[%dma_wait3A_336, %dma_wait3A_337] : memref<10000x32xf32, #tpu.memory_space<vmem_shared>> -> memref<1000x32xf32, #tpu.memory_space<vmem_shared>>
        %dma_wait3A_339 = arith.constant 2000 : i32
        %dma_wait3A_340 = arith.constant 0 : i32
        %dma_wait3A_341 = tpu.memref_slice %arg5[%dma_wait3A_339, %dma_wait3A_340] : memref<10000x32xf32, #tpu.memory_space<hbm>> -> memref<1000x32xf32, #tpu.memory_space<hbm>>
        tpu.wait_dma2 semaphore(%run_scoped3A_329 : memref<!tpu.dma_semaphore, #tpu.memory_space<semaphore_mem>>) src(%dma_wait3A_341 : memref<1000x32xf32, #tpu.memory_space<hbm>>) dst(%dma_wait3A_338 : memref<1000x32xf32, #tpu.memory_space<vmem_shared>>)
        tpu.yield
      }) : () -> ()
    } else {
    }
    %eq3A_62 = arith.constant 13 : i32
    %eq3A_63 = arith.cmpi eq, %arg1, %eq3A_62 : i32
    %convert_element_type3A_64 = arith.extui %eq3A_63 : i1 to i32
    %cond3A_65 = arith.constant 0 : i32
    %cond3A_66 = arith.cmpi ne, %convert_element_type3A_64, %cond3A_65 : i32
    scf.if %cond3A_66 {
      "tpu.region"() ({
        %run_scoped3A_329 = tpu.sem_alloc : memref<!tpu.dma_semaphore, #tpu.memory_space<semaphore_mem>>
        %dma_start3A_330 = arith.constant 3000 : i32
        %dma_start3A_331 = arith.constant 0 : i32
        %dma_start3A_332 = tpu.memref_slice %arg37[%dma_start3A_330, %dma_start3A_331] : memref<10000x32xf32, #tpu.memory_space<vmem_shared>> -> memref<1000x32xf32, #tpu.memory_space<vmem_shared>>
        %dma_start3A_333 = arith.constant 3000 : i32
        %dma_start3A_334 = arith.constant 0 : i32
        %dma_start3A_335 = tpu.memref_slice %arg5[%dma_start3A_333, %dma_start3A_334] : memref<10000x32xf32, #tpu.memory_space<hbm>> -> memref<1000x32xf32, #tpu.memory_space<hbm>>
        tpu.enqueue_dma source(%dma_start3A_335 : memref<1000x32xf32, #tpu.memory_space<hbm>>) target(%dma_start3A_332 : memref<1000x32xf32, #tpu.memory_space<vmem_shared>>) target_semaphore(%run_scoped3A_329 : memref<!tpu.dma_semaphore, #tpu.memory_space<semaphore_mem>>)
        %dma_wait3A_336 = arith.constant 3000 : i32
        %dma_wait3A_337 = arith.constant 0 : i32
        %dma_wait3A_338 = tpu.memref_slice %arg37[%dma_wait3A_336, %dma_wait3A_337] : memref<10000x32xf32, #tpu.memory_space<vmem_shared>> -> memref<1000x32xf32, #tpu.memory_space<vmem_shared>>
        %dma_wait3A_339 = arith.constant 3000 : i32
        %dma_wait3A_340 = arith.constant 0 : i32
        %dma_wait3A_341 = tpu.memref_slice %arg5[%dma_wait3A_339, %dma_wait3A_340] : memref<10000x32xf32, #tpu.memory_space<hbm>> -> memref<1000x32xf32, #tpu.memory_space<hbm>>
        tpu.wait_dma2 semaphore(%run_scoped3A_329 : memref<!tpu.dma_semaphore, #tpu.memory_space<semaphore_mem>>) src(%dma_wait3A_341 : memref<1000x32xf32, #tpu.memory_space<hbm>>) dst(%dma_wait3A_338 : memref<1000x32xf32, #tpu.memory_space<vmem_shared>>)
        tpu.yield
      }) : () -> ()
    } else {
    }
    %eq3A_67 = arith.constant 14 : i32
    %eq3A_68 = arith.cmpi eq, %arg1, %eq3A_67 : i32
    %convert_element_type3A_69 = arith.extui %eq3A_68 : i1 to i32
    %cond3A_70 = arith.constant 0 : i32
    %cond3A_71 = arith.cmpi ne, %convert_element_type3A_69, %cond3A_70 : i32
    scf.if %cond3A_71 {
      "tpu.region"() ({
        %run_scoped3A_329 = tpu.sem_alloc : memref<!tpu.dma_semaphore, #tpu.memory_space<semaphore_mem>>
        %dma_start3A_330 = arith.constant 4000 : i32
        %dma_start3A_331 = arith.constant 0 : i32
        %dma_start3A_332 = tpu.memref_slice %arg37[%dma_start3A_330, %dma_start3A_331] : memref<10000x32xf32, #tpu.memory_space<vmem_shared>> -> memref<1000x32xf32, #tpu.memory_space<vmem_shared>>
        %dma_start3A_333 = arith.constant 4000 : i32
        %dma_start3A_334 = arith.constant 0 : i32
        %dma_start3A_335 = tpu.memref_slice %arg5[%dma_start3A_333, %dma_start3A_334] : memref<10000x32xf32, #tpu.memory_space<hbm>> -> memref<1000x32xf32, #tpu.memory_space<hbm>>
        tpu.enqueue_dma source(%dma_start3A_335 : memref<1000x32xf32, #tpu.memory_space<hbm>>) target(%dma_start3A_332 : memref<1000x32xf32, #tpu.memory_space<vmem_shared>>) target_semaphore(%run_scoped3A_329 : memref<!tpu.dma_semaphore, #tpu.memory_space<semaphore_mem>>)
        %dma_wait3A_336 = arith.constant 4000 : i32
        %dma_wait3A_337 = arith.constant 0 : i32
        %dma_wait3A_338 = tpu.memref_slice %arg37[%dma_wait3A_336, %dma_wait3A_337] : memref<10000x32xf32, #tpu.memory_space<vmem_shared>> -> memref<1000x32xf32, #tpu.memory_space<vmem_shared>>
        %dma_wait3A_339 = arith.constant 4000 : i32
        %dma_wait3A_340 = arith.constant 0 : i32
        %dma_wait3A_341 = tpu.memref_slice %arg5[%dma_wait3A_339, %dma_wait3A_340] : memref<10000x32xf32, #tpu.memory_space<hbm>> -> memref<1000x32xf32, #tpu.memory_space<hbm>>
        tpu.wait_dma2 semaphore(%run_scoped3A_329 : memref<!tpu.dma_semaphore, #tpu.memory_space<semaphore_mem>>) src(%dma_wait3A_341 : memref<1000x32xf32, #tpu.memory_space<hbm>>) dst(%dma_wait3A_338 : memref<1000x32xf32, #tpu.memory_space<vmem_shared>>)
        tpu.yield
      }) : () -> ()
    } else {
    }
    %eq3A_72 = arith.constant 15 : i32
    %eq3A_73 = arith.cmpi eq, %arg1, %eq3A_72 : i32
    %convert_element_type3A_74 = arith.extui %eq3A_73 : i1 to i32
    %cond3A_75 = arith.constant 0 : i32
    %cond3A_76 = arith.cmpi ne, %convert_element_type3A_74, %cond3A_75 : i32
    scf.if %cond3A_76 {
      "tpu.region"() ({
        %run_scoped3A_329 = tpu.sem_alloc : memref<!tpu.dma_semaphore, #tpu.memory_space<semaphore_mem>>
        %dma_start3A_330 = arith.constant 5000 : i32
        %dma_start3A_331 = arith.constant 0 : i32
        %dma_start3A_332 = tpu.memref_slice %arg37[%dma_start3A_330, %dma_start3A_331] : memref<10000x32xf32, #tpu.memory_space<vmem_shared>> -> memref<1000x32xf32, #tpu.memory_space<vmem_shared>>
        %dma_start3A_333 = arith.constant 5000 : i32
        %dma_start3A_334 = arith.constant 0 : i32
        %dma_start3A_335 = tpu.memref_slice %arg5[%dma_start3A_333, %dma_start3A_334] : memref<10000x32xf32, #tpu.memory_space<hbm>> -> memref<1000x32xf32, #tpu.memory_space<hbm>>
        tpu.enqueue_dma source(%dma_start3A_335 : memref<1000x32xf32, #tpu.memory_space<hbm>>) target(%dma_start3A_332 : memref<1000x32xf32, #tpu.memory_space<vmem_shared>>) target_semaphore(%run_scoped3A_329 : memref<!tpu.dma_semaphore, #tpu.memory_space<semaphore_mem>>)
        %dma_wait3A_336 = arith.constant 5000 : i32
        %dma_wait3A_337 = arith.constant 0 : i32
        %dma_wait3A_338 = tpu.memref_slice %arg37[%dma_wait3A_336, %dma_wait3A_337] : memref<10000x32xf32, #tpu.memory_space<vmem_shared>> -> memref<1000x32xf32, #tpu.memory_space<vmem_shared>>
        %dma_wait3A_339 = arith.constant 5000 : i32
        %dma_wait3A_340 = arith.constant 0 : i32
        %dma_wait3A_341 = tpu.memref_slice %arg5[%dma_wait3A_339, %dma_wait3A_340] : memref<10000x32xf32, #tpu.memory_space<hbm>> -> memref<1000x32xf32, #tpu.memory_space<hbm>>
        tpu.wait_dma2 semaphore(%run_scoped3A_329 : memref<!tpu.dma_semaphore, #tpu.memory_space<semaphore_mem>>) src(%dma_wait3A_341 : memref<1000x32xf32, #tpu.memory_space<hbm>>) dst(%dma_wait3A_338 : memref<1000x32xf32, #tpu.memory_space<vmem_shared>>)
        tpu.yield
      }) : () -> ()
    } else {
    }
    %eq3A_77 = arith.constant 0 : i32
    %eq3A_78 = arith.cmpi eq, %arg1, %eq3A_77 : i32
    %convert_element_type3A_79 = arith.extui %eq3A_78 : i1 to i32
    %cond3A_80 = arith.constant 0 : i32
    %cond3A_81 = arith.cmpi ne, %convert_element_type3A_79, %cond3A_80 : i32
    scf.if %cond3A_81 {
      "tpu.region"() ({
        %run_scoped3A_329 = tpu.sem_alloc : memref<!tpu.dma_semaphore, #tpu.memory_space<semaphore_mem>>
        %dma_start3A_330 = arith.constant 6000 : i32
        %dma_start3A_331 = arith.constant 0 : i32
        %dma_start3A_332 = tpu.memref_slice %arg37[%dma_start3A_330, %dma_start3A_331] : memref<10000x32xf32, #tpu.memory_space<vmem_shared>> -> memref<1000x32xf32, #tpu.memory_space<vmem_shared>>
        %dma_start3A_333 = arith.constant 6000 : i32
        %dma_start3A_334 = arith.constant 0 : i32
        %dma_start3A_335 = tpu.memref_slice %arg5[%dma_start3A_333, %dma_start3A_334] : memref<10000x32xf32, #tpu.memory_space<hbm>> -> memref<1000x32xf32, #tpu.memory_space<hbm>>
        tpu.enqueue_dma source(%dma_start3A_335 : memref<1000x32xf32, #tpu.memory_space<hbm>>) target(%dma_start3A_332 : memref<1000x32xf32, #tpu.memory_space<vmem_shared>>) target_semaphore(%run_scoped3A_329 : memref<!tpu.dma_semaphore, #tpu.memory_space<semaphore_mem>>)
        %dma_wait3A_336 = arith.constant 6000 : i32
        %dma_wait3A_337 = arith.constant 0 : i32
        %dma_wait3A_338 = tpu.memref_slice %arg37[%dma_wait3A_336, %dma_wait3A_337] : memref<10000x32xf32, #tpu.memory_space<vmem_shared>> -> memref<1000x32xf32, #tpu.memory_space<vmem_shared>>
        %dma_wait3A_339 = arith.constant 6000 : i32
        %dma_wait3A_340 = arith.constant 0 : i32
        %dma_wait3A_341 = tpu.memref_slice %arg5[%dma_wait3A_339, %dma_wait3A_340] : memref<10000x32xf32, #tpu.memory_space<hbm>> -> memref<1000x32xf32, #tpu.memory_space<hbm>>
        tpu.wait_dma2 semaphore(%run_scoped3A_329 : memref<!tpu.dma_semaphore, #tpu.memory_space<semaphore_mem>>) src(%dma_wait3A_341 : memref<1000x32xf32, #tpu.memory_space<hbm>>) dst(%dma_wait3A_338 : memref<1000x32xf32, #tpu.memory_space<vmem_shared>>)
        tpu.yield
      }) : () -> ()
    } else {
    }
    %eq3A_82 = arith.constant 1 : i32
    %eq3A_83 = arith.cmpi eq, %arg1, %eq3A_82 : i32
    %convert_element_type3A_84 = arith.extui %eq3A_83 : i1 to i32
    %cond3A_85 = arith.constant 0 : i32
    %cond3A_86 = arith.cmpi ne, %convert_element_type3A_84, %cond3A_85 : i32
    scf.if %cond3A_86 {
      "tpu.region"() ({
        %run_scoped3A_329 = tpu.sem_alloc : memref<!tpu.dma_semaphore, #tpu.memory_space<semaphore_mem>>
        %dma_start3A_330 = arith.constant 7000 : i32
        %dma_start3A_331 = arith.constant 0 : i32
        %dma_start3A_332 = tpu.memref_slice %arg37[%dma_start3A_330, %dma_start3A_331] : memref<10000x32xf32, #tpu.memory_space<vmem_shared>> -> memref<1000x32xf32, #tpu.memory_space<vmem_shared>>
        %dma_start3A_333 = arith.constant 7000 : i32
        %dma_start3A_334 = arith.constant 0 : i32
        %dma_start3A_335 = tpu.memref_slice %arg5[%dma_start3A_333, %dma_start3A_334] : memref<10000x32xf32, #tpu.memory_space<hbm>> -> memref<1000x32xf32, #tpu.memory_space<hbm>>
        tpu.enqueue_dma source(%dma_start3A_335 : memref<1000x32xf32, #tpu.memory_space<hbm>>) target(%dma_start3A_332 : memref<1000x32xf32, #tpu.memory_space<vmem_shared>>) target_semaphore(%run_scoped3A_329 : memref<!tpu.dma_semaphore, #tpu.memory_space<semaphore_mem>>)
        %dma_wait3A_336 = arith.constant 7000 : i32
        %dma_wait3A_337 = arith.constant 0 : i32
        %dma_wait3A_338 = tpu.memref_slice %arg37[%dma_wait3A_336, %dma_wait3A_337] : memref<10000x32xf32, #tpu.memory_space<vmem_shared>> -> memref<1000x32xf32, #tpu.memory_space<vmem_shared>>
        %dma_wait3A_339 = arith.constant 7000 : i32
        %dma_wait3A_340 = arith.constant 0 : i32
        %dma_wait3A_341 = tpu.memref_slice %arg5[%dma_wait3A_339, %dma_wait3A_340] : memref<10000x32xf32, #tpu.memory_space<hbm>> -> memref<1000x32xf32, #tpu.memory_space<hbm>>
        tpu.wait_dma2 semaphore(%run_scoped3A_329 : memref<!tpu.dma_semaphore, #tpu.memory_space<semaphore_mem>>) src(%dma_wait3A_341 : memref<1000x32xf32, #tpu.memory_space<hbm>>) dst(%dma_wait3A_338 : memref<1000x32xf32, #tpu.memory_space<vmem_shared>>)
        tpu.yield
      }) : () -> ()
    } else {
    }
    %eq3A_87 = arith.constant 2 : i32
    %eq3A_88 = arith.cmpi eq, %arg1, %eq3A_87 : i32
    %convert_element_type3A_89 = arith.extui %eq3A_88 : i1 to i32
    %cond3A_90 = arith.constant 0 : i32
    %cond3A_91 = arith.cmpi ne, %convert_element_type3A_89, %cond3A_90 : i32
    scf.if %cond3A_91 {
      "tpu.region"() ({
        %run_scoped3A_329 = tpu.sem_alloc : memref<!tpu.dma_semaphore, #tpu.memory_space<semaphore_mem>>
        %dma_start3A_330 = arith.constant 8000 : i32
        %dma_start3A_331 = arith.constant 0 : i32
        %dma_start3A_332 = tpu.memref_slice %arg37[%dma_start3A_330, %dma_start3A_331] : memref<10000x32xf32, #tpu.memory_space<vmem_shared>> -> memref<1000x32xf32, #tpu.memory_space<vmem_shared>>
        %dma_start3A_333 = arith.constant 8000 : i32
        %dma_start3A_334 = arith.constant 0 : i32
        %dma_start3A_335 = tpu.memref_slice %arg5[%dma_start3A_333, %dma_start3A_334] : memref<10000x32xf32, #tpu.memory_space<hbm>> -> memref<1000x32xf32, #tpu.memory_space<hbm>>
        tpu.enqueue_dma source(%dma_start3A_335 : memref<1000x32xf32, #tpu.memory_space<hbm>>) target(%dma_start3A_332 : memref<1000x32xf32, #tpu.memory_space<vmem_shared>>) target_semaphore(%run_scoped3A_329 : memref<!tpu.dma_semaphore, #tpu.memory_space<semaphore_mem>>)
        %dma_wait3A_336 = arith.constant 8000 : i32
        %dma_wait3A_337 = arith.constant 0 : i32
        %dma_wait3A_338 = tpu.memref_slice %arg37[%dma_wait3A_336, %dma_wait3A_337] : memref<10000x32xf32, #tpu.memory_space<vmem_shared>> -> memref<1000x32xf32, #tpu.memory_space<vmem_shared>>
        %dma_wait3A_339 = arith.constant 8000 : i32
        %dma_wait3A_340 = arith.constant 0 : i32
        %dma_wait3A_341 = tpu.memref_slice %arg5[%dma_wait3A_339, %dma_wait3A_340] : memref<10000x32xf32, #tpu.memory_space<hbm>> -> memref<1000x32xf32, #tpu.memory_space<hbm>>
        tpu.wait_dma2 semaphore(%run_scoped3A_329 : memref<!tpu.dma_semaphore, #tpu.memory_space<semaphore_mem>>) src(%dma_wait3A_341 : memref<1000x32xf32, #tpu.memory_space<hbm>>) dst(%dma_wait3A_338 : memref<1000x32xf32, #tpu.memory_space<vmem_shared>>)
        tpu.yield
      }) : () -> ()
    } else {
    }
    %eq3A_92 = arith.constant 3 : i32
    %eq3A_93 = arith.cmpi eq, %arg1, %eq3A_92 : i32
    %convert_element_type3A_94 = arith.extui %eq3A_93 : i1 to i32
    %cond3A_95 = arith.constant 0 : i32
    %cond3A_96 = arith.cmpi ne, %convert_element_type3A_94, %cond3A_95 : i32
    scf.if %cond3A_96 {
      "tpu.region"() ({
        %run_scoped3A_329 = tpu.sem_alloc : memref<!tpu.dma_semaphore, #tpu.memory_space<semaphore_mem>>
        %dma_start3A_330 = arith.constant 9000 : i32
        %dma_start3A_331 = arith.constant 0 : i32
        %dma_start3A_332 = tpu.memref_slice %arg37[%dma_start3A_330, %dma_start3A_331] : memref<10000x32xf32, #tpu.memory_space<vmem_shared>> -> memref<1000x32xf32, #tpu.memory_space<vmem_shared>>
        %dma_start3A_333 = arith.constant 9000 : i32
        %dma_start3A_334 = arith.constant 0 : i32
        %dma_start3A_335 = tpu.memref_slice %arg5[%dma_start3A_333, %dma_start3A_334] : memref<10000x32xf32, #tpu.memory_space<hbm>> -> memref<1000x32xf32, #tpu.memory_space<hbm>>
        tpu.enqueue_dma source(%dma_start3A_335 : memref<1000x32xf32, #tpu.memory_space<hbm>>) target(%dma_start3A_332 : memref<1000x32xf32, #tpu.memory_space<vmem_shared>>) target_semaphore(%run_scoped3A_329 : memref<!tpu.dma_semaphore, #tpu.memory_space<semaphore_mem>>)
        %dma_wait3A_336 = arith.constant 9000 : i32
        %dma_wait3A_337 = arith.constant 0 : i32
        %dma_wait3A_338 = tpu.memref_slice %arg37[%dma_wait3A_336, %dma_wait3A_337] : memref<10000x32xf32, #tpu.memory_space<vmem_shared>> -> memref<1000x32xf32, #tpu.memory_space<vmem_shared>>
        %dma_wait3A_339 = arith.constant 9000 : i32
        %dma_wait3A_340 = arith.constant 0 : i32
        %dma_wait3A_341 = tpu.memref_slice %arg5[%dma_wait3A_339, %dma_wait3A_340] : memref<10000x32xf32, #tpu.memory_space<hbm>> -> memref<1000x32xf32, #tpu.memory_space<hbm>>
        tpu.wait_dma2 semaphore(%run_scoped3A_329 : memref<!tpu.dma_semaphore, #tpu.memory_space<semaphore_mem>>) src(%dma_wait3A_341 : memref<1000x32xf32, #tpu.memory_space<hbm>>) dst(%dma_wait3A_338 : memref<1000x32xf32, #tpu.memory_space<vmem_shared>>)
        tpu.yield
      }) : () -> ()
    } else {
    }
    %mul3A = arith.constant 16 : i32
    %mul3A_97 = arith.muli %arg0, %mul3A : i32
    %add3A = arith.addi %mul3A_97, %arg1 : i32
    "tpu.region"() ({
      %run_scoped3A_329 = tpu.sem_alloc : memref<!tpu.dma_semaphore, #tpu.memory_space<semaphore_mem>>
      %dma_start3A_330 = arith.constant 0 : i32
      %dma_start3A_331 = arith.constant 0 : i32
      %dma_start3A_332 = tpu.memref_slice %arg2[%add3A, %dma_start3A_330, %dma_start3A_331] : memref<32x80x128xi32, #tpu.memory_space<hbm>> -> memref<1x80x128xi32, #tpu.memory_space<hbm>>
      %dma_start3A_333 = tpu.memref_squeeze %dma_start3A_332 : memref<1x80x128xi32, #tpu.memory_space<hbm>> -> memref<80x128xi32, #tpu.memory_space<hbm>>
      %dma_start3A_334 = arith.constant 0 : i32
      %dma_start3A_335 = arith.constant 0 : i32
      %dma_start3A_336 = tpu.memref_slice %arg2[%add3A, %dma_start3A_334, %dma_start3A_335] : memref<32x80x128xi32, #tpu.memory_space<hbm>> -> memref<1x80x128xi32, #tpu.memory_space<hbm>>
      %dma_start3A_337 = tpu.memref_squeeze %dma_start3A_336 : memref<1x80x128xi32, #tpu.memory_space<hbm>> -> memref<80x128xi32, #tpu.memory_space<hbm>>
      tpu.enqueue_dma source(%dma_start3A_337 : memref<80x128xi32, #tpu.memory_space<hbm>>) target(%arg8 : memref<80x128xi32, #tpu.memory_space<vmem>>) target_semaphore(%run_scoped3A_329 : memref<!tpu.dma_semaphore, #tpu.memory_space<semaphore_mem>>)
      %dma_wait3A_338 = arith.constant 0 : i32
      %dma_wait3A_339 = arith.constant 0 : i32
      %dma_wait3A_340 = tpu.memref_slice %arg2[%add3A, %dma_wait3A_338, %dma_wait3A_339] : memref<32x80x128xi32, #tpu.memory_space<hbm>> -> memref<1x80x128xi32, #tpu.memory_space<hbm>>
      %dma_wait3A_341 = tpu.memref_squeeze %dma_wait3A_340 : memref<1x80x128xi32, #tpu.memory_space<hbm>> -> memref<80x128xi32, #tpu.memory_space<hbm>>
      %dma_wait3A_342 = arith.constant 0 : i32
      %dma_wait3A_343 = arith.constant 0 : i32
      %dma_wait3A_344 = tpu.memref_slice %arg2[%add3A, %dma_wait3A_342, %dma_wait3A_343] : memref<32x80x128xi32, #tpu.memory_space<hbm>> -> memref<1x80x128xi32, #tpu.memory_space<hbm>>
      %dma_wait3A_345 = tpu.memref_squeeze %dma_wait3A_344 : memref<1x80x128xi32, #tpu.memory_space<hbm>> -> memref<80x128xi32, #tpu.memory_space<hbm>>
      tpu.wait_dma2 semaphore(%run_scoped3A_329 : memref<!tpu.dma_semaphore, #tpu.memory_space<semaphore_mem>>) src(%dma_wait3A_345 : memref<80x128xi32, #tpu.memory_space<hbm>>) dst(%arg8 : memref<80x128xi32, #tpu.memory_space<vmem>>)
      tpu.yield
    }) : () -> ()
    "tpu.region"() ({
      %run_scoped3A_329 = tpu.sem_alloc : memref<!tpu.dma_semaphore, #tpu.memory_space<semaphore_mem>>
      %dma_start3A_330 = arith.constant 0 : i32
      %dma_start3A_331 = arith.constant 0 : i32
      %dma_start3A_332 = tpu.memref_slice %arg3[%add3A, %dma_start3A_330, %dma_start3A_331] : memref<32x80x128xi32, #tpu.memory_space<hbm>> -> memref<1x80x128xi32, #tpu.memory_space<hbm>>
      %dma_start3A_333 = tpu.memref_squeeze %dma_start3A_332 : memref<1x80x128xi32, #tpu.memory_space<hbm>> -> memref<80x128xi32, #tpu.memory_space<hbm>>
      %dma_start3A_334 = arith.constant 0 : i32
      %dma_start3A_335 = arith.constant 0 : i32
      %dma_start3A_336 = tpu.memref_slice %arg3[%add3A, %dma_start3A_334, %dma_start3A_335] : memref<32x80x128xi32, #tpu.memory_space<hbm>> -> memref<1x80x128xi32, #tpu.memory_space<hbm>>
      %dma_start3A_337 = tpu.memref_squeeze %dma_start3A_336 : memref<1x80x128xi32, #tpu.memory_space<hbm>> -> memref<80x128xi32, #tpu.memory_space<hbm>>
      tpu.enqueue_dma source(%dma_start3A_337 : memref<80x128xi32, #tpu.memory_space<hbm>>) target(%arg9 : memref<80x128xi32, #tpu.memory_space<vmem>>) target_semaphore(%run_scoped3A_329 : memref<!tpu.dma_semaphore, #tpu.memory_space<semaphore_mem>>)
      %dma_wait3A_338 = arith.constant 0 : i32
      %dma_wait3A_339 = arith.constant 0 : i32
      %dma_wait3A_340 = tpu.memref_slice %arg3[%add3A, %dma_wait3A_338, %dma_wait3A_339] : memref<32x80x128xi32, #tpu.memory_space<hbm>> -> memref<1x80x128xi32, #tpu.memory_space<hbm>>
      %dma_wait3A_341 = tpu.memref_squeeze %dma_wait3A_340 : memref<1x80x128xi32, #tpu.memory_space<hbm>> -> memref<80x128xi32, #tpu.memory_space<hbm>>
      %dma_wait3A_342 = arith.constant 0 : i32
      %dma_wait3A_343 = arith.constant 0 : i32
      %dma_wait3A_344 = tpu.memref_slice %arg3[%add3A, %dma_wait3A_342, %dma_wait3A_343] : memref<32x80x128xi32, #tpu.memory_space<hbm>> -> memref<1x80x128xi32, #tpu.memory_space<hbm>>
      %dma_wait3A_345 = tpu.memref_squeeze %dma_wait3A_344 : memref<1x80x128xi32, #tpu.memory_space<hbm>> -> memref<80x128xi32, #tpu.memory_space<hbm>>
      tpu.wait_dma2 semaphore(%run_scoped3A_329 : memref<!tpu.dma_semaphore, #tpu.memory_space<semaphore_mem>>) src(%dma_wait3A_345 : memref<80x128xi32, #tpu.memory_space<hbm>>) dst(%arg9 : memref<80x128xi32, #tpu.memory_space<vmem>>)
      tpu.yield
    }) : () -> ()
    "tpu.region"() ({
      %run_scoped3A_329 = tpu.sem_alloc : memref<!tpu.dma_semaphore, #tpu.memory_space<semaphore_mem>>
      tpu.enqueue_dma source(%arg6 : memref<128x32xf32, #tpu.memory_space<hbm>>) target(%arg18 : memref<128x32xf32, #tpu.memory_space<vmem>>) target_semaphore(%run_scoped3A_329 : memref<!tpu.dma_semaphore, #tpu.memory_space<semaphore_mem>>)
      tpu.wait_dma2 semaphore(%run_scoped3A_329 : memref<!tpu.dma_semaphore, #tpu.memory_space<semaphore_mem>>) src(%arg6 : memref<128x32xf32, #tpu.memory_space<hbm>>) dst(%arg18 : memref<128x32xf32, #tpu.memory_space<vmem>>)
      tpu.yield
    }) : () -> ()
    %barrier3A = arith.constant 0 : index
    tpu.barrier barrier_id(%barrier3A)
    %mul3A_98 = arith.constant 640 : i32
    %mul3A_99 = arith.muli %arg1, %mul3A_98 : i32
    %add3A_100 = arith.constant 0 : i32
    %add3A_101 = arith.addi %mul3A_99, %add3A_100 : i32
    "tpu.region"() ({
      %run_scoped3A_329 = tpu.sem_alloc : memref<!tpu.dma_semaphore, #tpu.memory_space<semaphore_mem>>
      %dma_start3A_330 = arith.constant 0 : i32
      %dma_start3A_331 = tpu.memref_slice %arg35[%add3A_101, %dma_start3A_330] : memref<10240x32xf32, #tpu.memory_space<vmem_shared>> -> memref<128x32xf32, #tpu.memory_space<vmem_shared>>
      %dma_start3A_332 = arith.constant 0 : i32
      %dma_start3A_333 = tpu.memref_slice %arg35[%add3A_101, %dma_start3A_332] : memref<10240x32xf32, #tpu.memory_space<vmem_shared>> -> memref<128x32xf32, #tpu.memory_space<vmem_shared>>
      tpu.enqueue_dma source(%arg18 : memref<128x32xf32, #tpu.memory_space<vmem>>) target(%dma_start3A_333 : memref<128x32xf32, #tpu.memory_space<vmem_shared>>) target_semaphore(%run_scoped3A_329 : memref<!tpu.dma_semaphore, #tpu.memory_space<semaphore_mem>>)
      %dma_wait3A_334 = arith.constant 0 : i32
      %dma_wait3A_335 = tpu.memref_slice %arg35[%add3A_101, %dma_wait3A_334] : memref<10240x32xf32, #tpu.memory_space<vmem_shared>> -> memref<128x32xf32, #tpu.memory_space<vmem_shared>>
      %dma_wait3A_336 = arith.constant 0 : i32
      %dma_wait3A_337 = tpu.memref_slice %arg35[%add3A_101, %dma_wait3A_336] : memref<10240x32xf32, #tpu.memory_space<vmem_shared>> -> memref<128x32xf32, #tpu.memory_space<vmem_shared>>
      tpu.wait_dma2 semaphore(%run_scoped3A_329 : memref<!tpu.dma_semaphore, #tpu.memory_space<semaphore_mem>>) src(%arg18 : memref<128x32xf32, #tpu.memory_space<vmem>>) dst(%dma_wait3A_337 : memref<128x32xf32, #tpu.memory_space<vmem_shared>>)
      tpu.yield
    }) : () -> ()
    %mul3A_102 = arith.constant 640 : i32
    %mul3A_103 = arith.muli %arg1, %mul3A_102 : i32
    %add3A_104 = arith.constant 128 : i32
    %add3A_105 = arith.addi %mul3A_103, %add3A_104 : i32
    "tpu.region"() ({
      %run_scoped3A_329 = tpu.sem_alloc : memref<!tpu.dma_semaphore, #tpu.memory_space<semaphore_mem>>
      %dma_start3A_330 = arith.constant 0 : i32
      %dma_start3A_331 = tpu.memref_slice %arg35[%add3A_105, %dma_start3A_330] : memref<10240x32xf32, #tpu.memory_space<vmem_shared>> -> memref<128x32xf32, #tpu.memory_space<vmem_shared>>
      %dma_start3A_332 = arith.constant 0 : i32
      %dma_start3A_333 = tpu.memref_slice %arg35[%add3A_105, %dma_start3A_332] : memref<10240x32xf32, #tpu.memory_space<vmem_shared>> -> memref<128x32xf32, #tpu.memory_space<vmem_shared>>
      tpu.enqueue_dma source(%arg18 : memref<128x32xf32, #tpu.memory_space<vmem>>) target(%dma_start3A_333 : memref<128x32xf32, #tpu.memory_space<vmem_shared>>) target_semaphore(%run_scoped3A_329 : memref<!tpu.dma_semaphore, #tpu.memory_space<semaphore_mem>>)
      %dma_wait3A_334 = arith.constant 0 : i32
      %dma_wait3A_335 = tpu.memref_slice %arg35[%add3A_105, %dma_wait3A_334] : memref<10240x32xf32, #tpu.memory_space<vmem_shared>> -> memref<128x32xf32, #tpu.memory_space<vmem_shared>>
      %dma_wait3A_336 = arith.constant 0 : i32
      %dma_wait3A_337 = tpu.memref_slice %arg35[%add3A_105, %dma_wait3A_336] : memref<10240x32xf32, #tpu.memory_space<vmem_shared>> -> memref<128x32xf32, #tpu.memory_space<vmem_shared>>
      tpu.wait_dma2 semaphore(%run_scoped3A_329 : memref<!tpu.dma_semaphore, #tpu.memory_space<semaphore_mem>>) src(%arg18 : memref<128x32xf32, #tpu.memory_space<vmem>>) dst(%dma_wait3A_337 : memref<128x32xf32, #tpu.memory_space<vmem_shared>>)
      tpu.yield
    }) : () -> ()
    %mul3A_106 = arith.constant 640 : i32
    %mul3A_107 = arith.muli %arg1, %mul3A_106 : i32
    %add3A_108 = arith.constant 256 : i32
    %add3A_109 = arith.addi %mul3A_107, %add3A_108 : i32
    "tpu.region"() ({
      %run_scoped3A_329 = tpu.sem_alloc : memref<!tpu.dma_semaphore, #tpu.memory_space<semaphore_mem>>
      %dma_start3A_330 = arith.constant 0 : i32
      %dma_start3A_331 = tpu.memref_slice %arg35[%add3A_109, %dma_start3A_330] : memref<10240x32xf32, #tpu.memory_space<vmem_shared>> -> memref<128x32xf32, #tpu.memory_space<vmem_shared>>
      %dma_start3A_332 = arith.constant 0 : i32
      %dma_start3A_333 = tpu.memref_slice %arg35[%add3A_109, %dma_start3A_332] : memref<10240x32xf32, #tpu.memory_space<vmem_shared>> -> memref<128x32xf32, #tpu.memory_space<vmem_shared>>
      tpu.enqueue_dma source(%arg18 : memref<128x32xf32, #tpu.memory_space<vmem>>) target(%dma_start3A_333 : memref<128x32xf32, #tpu.memory_space<vmem_shared>>) target_semaphore(%run_scoped3A_329 : memref<!tpu.dma_semaphore, #tpu.memory_space<semaphore_mem>>)
      %dma_wait3A_334 = arith.constant 0 : i32
      %dma_wait3A_335 = tpu.memref_slice %arg35[%add3A_109, %dma_wait3A_334] : memref<10240x32xf32, #tpu.memory_space<vmem_shared>> -> memref<128x32xf32, #tpu.memory_space<vmem_shared>>
      %dma_wait3A_336 = arith.constant 0 : i32
      %dma_wait3A_337 = tpu.memref_slice %arg35[%add3A_109, %dma_wait3A_336] : memref<10240x32xf32, #tpu.memory_space<vmem_shared>> -> memref<128x32xf32, #tpu.memory_space<vmem_shared>>
      tpu.wait_dma2 semaphore(%run_scoped3A_329 : memref<!tpu.dma_semaphore, #tpu.memory_space<semaphore_mem>>) src(%arg18 : memref<128x32xf32, #tpu.memory_space<vmem>>) dst(%dma_wait3A_337 : memref<128x32xf32, #tpu.memory_space<vmem_shared>>)
      tpu.yield
    }) : () -> ()
    %mul3A_110 = arith.constant 640 : i32
    %mul3A_111 = arith.muli %arg1, %mul3A_110 : i32
    %add3A_112 = arith.constant 384 : i32
    %add3A_113 = arith.addi %mul3A_111, %add3A_112 : i32
    "tpu.region"() ({
      %run_scoped3A_329 = tpu.sem_alloc : memref<!tpu.dma_semaphore, #tpu.memory_space<semaphore_mem>>
      %dma_start3A_330 = arith.constant 0 : i32
      %dma_start3A_331 = tpu.memref_slice %arg35[%add3A_113, %dma_start3A_330] : memref<10240x32xf32, #tpu.memory_space<vmem_shared>> -> memref<128x32xf32, #tpu.memory_space<vmem_shared>>
      %dma_start3A_332 = arith.constant 0 : i32
      %dma_start3A_333 = tpu.memref_slice %arg35[%add3A_113, %dma_start3A_332] : memref<10240x32xf32, #tpu.memory_space<vmem_shared>> -> memref<128x32xf32, #tpu.memory_space<vmem_shared>>
      tpu.enqueue_dma source(%arg18 : memref<128x32xf32, #tpu.memory_space<vmem>>) target(%dma_start3A_333 : memref<128x32xf32, #tpu.memory_space<vmem_shared>>) target_semaphore(%run_scoped3A_329 : memref<!tpu.dma_semaphore, #tpu.memory_space<semaphore_mem>>)
      %dma_wait3A_334 = arith.constant 0 : i32
      %dma_wait3A_335 = tpu.memref_slice %arg35[%add3A_113, %dma_wait3A_334] : memref<10240x32xf32, #tpu.memory_space<vmem_shared>> -> memref<128x32xf32, #tpu.memory_space<vmem_shared>>
      %dma_wait3A_336 = arith.constant 0 : i32
      %dma_wait3A_337 = tpu.memref_slice %arg35[%add3A_113, %dma_wait3A_336] : memref<10240x32xf32, #tpu.memory_space<vmem_shared>> -> memref<128x32xf32, #tpu.memory_space<vmem_shared>>
      tpu.wait_dma2 semaphore(%run_scoped3A_329 : memref<!tpu.dma_semaphore, #tpu.memory_space<semaphore_mem>>) src(%arg18 : memref<128x32xf32, #tpu.memory_space<vmem>>) dst(%dma_wait3A_337 : memref<128x32xf32, #tpu.memory_space<vmem_shared>>)
      tpu.yield
    }) : () -> ()
    %mul3A_114 = arith.constant 640 : i32
    %mul3A_115 = arith.muli %arg1, %mul3A_114 : i32
    %add3A_116 = arith.constant 512 : i32
    %add3A_117 = arith.addi %mul3A_115, %add3A_116 : i32
    "tpu.region"() ({
      %run_scoped3A_329 = tpu.sem_alloc : memref<!tpu.dma_semaphore, #tpu.memory_space<semaphore_mem>>
      %dma_start3A_330 = arith.constant 0 : i32
      %dma_start3A_331 = tpu.memref_slice %arg35[%add3A_117, %dma_start3A_330] : memref<10240x32xf32, #tpu.memory_space<vmem_shared>> -> memref<128x32xf32, #tpu.memory_space<vmem_shared>>
      %dma_start3A_332 = arith.constant 0 : i32
      %dma_start3A_333 = tpu.memref_slice %arg35[%add3A_117, %dma_start3A_332] : memref<10240x32xf32, #tpu.memory_space<vmem_shared>> -> memref<128x32xf32, #tpu.memory_space<vmem_shared>>
      tpu.enqueue_dma source(%arg18 : memref<128x32xf32, #tpu.memory_space<vmem>>) target(%dma_start3A_333 : memref<128x32xf32, #tpu.memory_space<vmem_shared>>) target_semaphore(%run_scoped3A_329 : memref<!tpu.dma_semaphore, #tpu.memory_space<semaphore_mem>>)
      %dma_wait3A_334 = arith.constant 0 : i32
      %dma_wait3A_335 = tpu.memref_slice %arg35[%add3A_117, %dma_wait3A_334] : memref<10240x32xf32, #tpu.memory_space<vmem_shared>> -> memref<128x32xf32, #tpu.memory_space<vmem_shared>>
      %dma_wait3A_336 = arith.constant 0 : i32
      %dma_wait3A_337 = tpu.memref_slice %arg35[%add3A_117, %dma_wait3A_336] : memref<10240x32xf32, #tpu.memory_space<vmem_shared>> -> memref<128x32xf32, #tpu.memory_space<vmem_shared>>
      tpu.wait_dma2 semaphore(%run_scoped3A_329 : memref<!tpu.dma_semaphore, #tpu.memory_space<semaphore_mem>>) src(%arg18 : memref<128x32xf32, #tpu.memory_space<vmem>>) dst(%dma_wait3A_337 : memref<128x32xf32, #tpu.memory_space<vmem_shared>>)
      tpu.yield
    }) : () -> ()
    %barrier3A_118 = arith.constant 0 : index
    tpu.barrier barrier_id(%barrier3A_118)
    %dma_start3A = arith.constant 0 : i32
    %dma_start3A_119 = arith.constant 0 : i32
    %dma_start3A_120 = tpu.memref_slice %arg8[%dma_start3A, %dma_start3A_119] : memref<80x128xi32, #tpu.memory_space<vmem>> -> memref<1x128xi32, #tpu.memory_space<vmem>>
    %dma_start3A_121 = tpu.memref_squeeze %dma_start3A_120 : memref<1x128xi32, #tpu.memory_space<vmem>> -> memref<128xi32, #tpu.memory_space<vmem>>
    %dma_start3A_122 = arith.constant 0 : i32
    %dma_start3A_123 = arith.constant 0 : i32
    %dma_start3A_124 = tpu.memref_slice %arg36[%dma_start3A_122, %dma_start3A_123] : memref<10000x32xf32, #tpu.memory_space<vmem_shared>> -> memref<10000x32xf32, #tpu.memory_space<vmem_shared>>
    tpu.enqueue_indirect_dma source(%dma_start3A_124 : memref<10000x32xf32, #tpu.memory_space<vmem_shared>>) target(%arg10 : memref<128x32xf32, #tpu.memory_space<vmem>>) offsets(%dma_start3A_121 : memref<128xi32, #tpu.memory_space<vmem>>) semaphore(%arg19 : memref<!tpu.dma_semaphore, #tpu.memory_space<semaphore_mem>>)
    %dma_start3A_125 = arith.constant 1 : i32
    %dma_start3A_126 = arith.constant 0 : i32
    %dma_start3A_127 = tpu.memref_slice %arg8[%dma_start3A_125, %dma_start3A_126] : memref<80x128xi32, #tpu.memory_space<vmem>> -> memref<1x128xi32, #tpu.memory_space<vmem>>
    %dma_start3A_128 = tpu.memref_squeeze %dma_start3A_127 : memref<1x128xi32, #tpu.memory_space<vmem>> -> memref<128xi32, #tpu.memory_space<vmem>>
    %dma_start3A_129 = arith.constant 0 : i32
    %dma_start3A_130 = arith.constant 0 : i32
    %dma_start3A_131 = tpu.memref_slice %arg36[%dma_start3A_129, %dma_start3A_130] : memref<10000x32xf32, #tpu.memory_space<vmem_shared>> -> memref<10000x32xf32, #tpu.memory_space<vmem_shared>>
    tpu.enqueue_indirect_dma source(%dma_start3A_131 : memref<10000x32xf32, #tpu.memory_space<vmem_shared>>) target(%arg11 : memref<128x32xf32, #tpu.memory_space<vmem>>) offsets(%dma_start3A_128 : memref<128xi32, #tpu.memory_space<vmem>>) semaphore(%arg20 : memref<!tpu.dma_semaphore, #tpu.memory_space<semaphore_mem>>)
    %dma_start3A_132 = arith.constant 2 : i32
    %dma_start3A_133 = arith.constant 0 : i32
    %dma_start3A_134 = tpu.memref_slice %arg8[%dma_start3A_132, %dma_start3A_133] : memref<80x128xi32, #tpu.memory_space<vmem>> -> memref<1x128xi32, #tpu.memory_space<vmem>>
    %dma_start3A_135 = tpu.memref_squeeze %dma_start3A_134 : memref<1x128xi32, #tpu.memory_space<vmem>> -> memref<128xi32, #tpu.memory_space<vmem>>
    %dma_start3A_136 = arith.constant 0 : i32
    %dma_start3A_137 = arith.constant 0 : i32
    %dma_start3A_138 = tpu.memref_slice %arg36[%dma_start3A_136, %dma_start3A_137] : memref<10000x32xf32, #tpu.memory_space<vmem_shared>> -> memref<10000x32xf32, #tpu.memory_space<vmem_shared>>
    tpu.enqueue_indirect_dma source(%dma_start3A_138 : memref<10000x32xf32, #tpu.memory_space<vmem_shared>>) target(%arg12 : memref<128x32xf32, #tpu.memory_space<vmem>>) offsets(%dma_start3A_135 : memref<128xi32, #tpu.memory_space<vmem>>) semaphore(%arg21 : memref<!tpu.dma_semaphore, #tpu.memory_space<semaphore_mem>>)
    %dma_start3A_139 = arith.constant 3 : i32
    %dma_start3A_140 = arith.constant 0 : i32
    %dma_start3A_141 = tpu.memref_slice %arg8[%dma_start3A_139, %dma_start3A_140] : memref<80x128xi32, #tpu.memory_space<vmem>> -> memref<1x128xi32, #tpu.memory_space<vmem>>
    %dma_start3A_142 = tpu.memref_squeeze %dma_start3A_141 : memref<1x128xi32, #tpu.memory_space<vmem>> -> memref<128xi32, #tpu.memory_space<vmem>>
    %dma_start3A_143 = arith.constant 0 : i32
    %dma_start3A_144 = arith.constant 0 : i32
    %dma_start3A_145 = tpu.memref_slice %arg36[%dma_start3A_143, %dma_start3A_144] : memref<10000x32xf32, #tpu.memory_space<vmem_shared>> -> memref<10000x32xf32, #tpu.memory_space<vmem_shared>>
    tpu.enqueue_indirect_dma source(%dma_start3A_145 : memref<10000x32xf32, #tpu.memory_space<vmem_shared>>) target(%arg13 : memref<128x32xf32, #tpu.memory_space<vmem>>) offsets(%dma_start3A_142 : memref<128xi32, #tpu.memory_space<vmem>>) semaphore(%arg22 : memref<!tpu.dma_semaphore, #tpu.memory_space<semaphore_mem>>)
    %dma_start3A_146 = arith.constant 4 : i32
    %dma_start3A_147 = arith.constant 0 : i32
    %dma_start3A_148 = tpu.memref_slice %arg8[%dma_start3A_146, %dma_start3A_147] : memref<80x128xi32, #tpu.memory_space<vmem>> -> memref<1x128xi32, #tpu.memory_space<vmem>>
    %dma_start3A_149 = tpu.memref_squeeze %dma_start3A_148 : memref<1x128xi32, #tpu.memory_space<vmem>> -> memref<128xi32, #tpu.memory_space<vmem>>
    %dma_start3A_150 = arith.constant 0 : i32
    %dma_start3A_151 = arith.constant 0 : i32
    %dma_start3A_152 = tpu.memref_slice %arg36[%dma_start3A_150, %dma_start3A_151] : memref<10000x32xf32, #tpu.memory_space<vmem_shared>> -> memref<10000x32xf32, #tpu.memory_space<vmem_shared>>
    tpu.enqueue_indirect_dma source(%dma_start3A_152 : memref<10000x32xf32, #tpu.memory_space<vmem_shared>>) target(%arg14 : memref<128x32xf32, #tpu.memory_space<vmem>>) offsets(%dma_start3A_149 : memref<128xi32, #tpu.memory_space<vmem>>) semaphore(%arg23 : memref<!tpu.dma_semaphore, #tpu.memory_space<semaphore_mem>>)
    %dma_start3A_153 = arith.constant 5 : i32
    %dma_start3A_154 = arith.constant 0 : i32
    %dma_start3A_155 = tpu.memref_slice %arg8[%dma_start3A_153, %dma_start3A_154] : memref<80x128xi32, #tpu.memory_space<vmem>> -> memref<1x128xi32, #tpu.memory_space<vmem>>
    %dma_start3A_156 = tpu.memref_squeeze %dma_start3A_155 : memref<1x128xi32, #tpu.memory_space<vmem>> -> memref<128xi32, #tpu.memory_space<vmem>>
    %dma_start3A_157 = arith.constant 0 : i32
    %dma_start3A_158 = arith.constant 0 : i32
    %dma_start3A_159 = tpu.memref_slice %arg36[%dma_start3A_157, %dma_start3A_158] : memref<10000x32xf32, #tpu.memory_space<vmem_shared>> -> memref<10000x32xf32, #tpu.memory_space<vmem_shared>>
    tpu.enqueue_indirect_dma source(%dma_start3A_159 : memref<10000x32xf32, #tpu.memory_space<vmem_shared>>) target(%arg15 : memref<128x32xf32, #tpu.memory_space<vmem>>) offsets(%dma_start3A_156 : memref<128xi32, #tpu.memory_space<vmem>>) semaphore(%arg24 : memref<!tpu.dma_semaphore, #tpu.memory_space<semaphore_mem>>)
    %dma_start3A_160 = arith.constant 6 : i32
    %dma_start3A_161 = arith.constant 0 : i32
    %dma_start3A_162 = tpu.memref_slice %arg8[%dma_start3A_160, %dma_start3A_161] : memref<80x128xi32, #tpu.memory_space<vmem>> -> memref<1x128xi32, #tpu.memory_space<vmem>>
    %dma_start3A_163 = tpu.memref_squeeze %dma_start3A_162 : memref<1x128xi32, #tpu.memory_space<vmem>> -> memref<128xi32, #tpu.memory_space<vmem>>
    %dma_start3A_164 = arith.constant 0 : i32
    %dma_start3A_165 = arith.constant 0 : i32
    %dma_start3A_166 = tpu.memref_slice %arg36[%dma_start3A_164, %dma_start3A_165] : memref<10000x32xf32, #tpu.memory_space<vmem_shared>> -> memref<10000x32xf32, #tpu.memory_space<vmem_shared>>
    tpu.enqueue_indirect_dma source(%dma_start3A_166 : memref<10000x32xf32, #tpu.memory_space<vmem_shared>>) target(%arg16 : memref<128x32xf32, #tpu.memory_space<vmem>>) offsets(%dma_start3A_163 : memref<128xi32, #tpu.memory_space<vmem>>) semaphore(%arg25 : memref<!tpu.dma_semaphore, #tpu.memory_space<semaphore_mem>>)
    %dma_start3A_167 = arith.constant 7 : i32
    %dma_start3A_168 = arith.constant 0 : i32
    %dma_start3A_169 = tpu.memref_slice %arg8[%dma_start3A_167, %dma_start3A_168] : memref<80x128xi32, #tpu.memory_space<vmem>> -> memref<1x128xi32, #tpu.memory_space<vmem>>
    %dma_start3A_170 = tpu.memref_squeeze %dma_start3A_169 : memref<1x128xi32, #tpu.memory_space<vmem>> -> memref<128xi32, #tpu.memory_space<vmem>>
    %dma_start3A_171 = arith.constant 0 : i32
    %dma_start3A_172 = arith.constant 0 : i32
    %dma_start3A_173 = tpu.memref_slice %arg36[%dma_start3A_171, %dma_start3A_172] : memref<10000x32xf32, #tpu.memory_space<vmem_shared>> -> memref<10000x32xf32, #tpu.memory_space<vmem_shared>>
    tpu.enqueue_indirect_dma source(%dma_start3A_173 : memref<10000x32xf32, #tpu.memory_space<vmem_shared>>) target(%arg17 : memref<128x32xf32, #tpu.memory_space<vmem>>) offsets(%dma_start3A_170 : memref<128xi32, #tpu.memory_space<vmem>>) semaphore(%arg26 : memref<!tpu.dma_semaphore, #tpu.memory_space<semaphore_mem>>)
    %scan3A = arith.constant 0 : i32
    %scan3A_174 = arith.constant 0 : i32
    %scan3A_175 = arith.constant 10 : i32
    %scan3A_176 = arith.addi %scan3A_174, %scan3A_175 : i32
    %scan3A_177 = arith.constant 1 : i32
    scf.for %scan3A_329 = %scan3A_174 to %scan3A_176 step %scan3A_177  : i32 {
      %mul3A_330 = arith.constant 8 : i32
      %mul3A_331 = arith.muli %scan3A_329, %mul3A_330 : i32
      %add3A_332 = arith.constant 0 : i32
      %add3A_333 = arith.addi %mul3A_331, %add3A_332 : i32
      %dma_wait3A_334 = arith.constant 0 : i32
      %dma_wait3A_335 = tpu.memref_slice %arg8[%add3A_333, %dma_wait3A_334] : memref<80x128xi32, #tpu.memory_space<vmem>> -> memref<1x128xi32, #tpu.memory_space<vmem>>
      %dma_wait3A_336 = tpu.memref_squeeze %dma_wait3A_335 : memref<1x128xi32, #tpu.memory_space<vmem>> -> memref<128xi32, #tpu.memory_space<vmem>>
      %dma_wait3A_337 = arith.constant 0 : i32
      %dma_wait3A_338 = arith.constant 0 : i32
      %dma_wait3A_339 = tpu.memref_slice %arg36[%dma_wait3A_337, %dma_wait3A_338] : memref<10000x32xf32, #tpu.memory_space<vmem_shared>> -> memref<10000x32xf32, #tpu.memory_space<vmem_shared>>
      tpu.wait_indirect_dma semaphore(%arg19 : memref<!tpu.dma_semaphore, #tpu.memory_space<semaphore_mem>>) src(%dma_wait3A_339 : memref<10000x32xf32, #tpu.memory_space<vmem_shared>>) dst(%arg10 : memref<128x32xf32, #tpu.memory_space<vmem>>)
      %dma_start3A_340 = arith.constant 0 : i32
      %dma_start3A_341 = tpu.memref_slice %arg9[%add3A_333, %dma_start3A_340] : memref<80x128xi32, #tpu.memory_space<vmem>> -> memref<1x128xi32, #tpu.memory_space<vmem>>
      %dma_start3A_342 = tpu.memref_squeeze %dma_start3A_341 : memref<1x128xi32, #tpu.memory_space<vmem>> -> memref<128xi32, #tpu.memory_space<vmem>>
      %dma_start3A_343 = arith.constant 0 : i32
      %dma_start3A_344 = arith.constant 0 : i32
      %dma_start3A_345 = tpu.memref_slice %arg35[%dma_start3A_343, %dma_start3A_344] : memref<10240x32xf32, #tpu.memory_space<vmem_shared>> -> memref<10240x32xf32, #tpu.memory_space<vmem_shared>>
      tpu.enqueue_indirect_dma source(%arg10 : memref<128x32xf32, #tpu.memory_space<vmem>>) target(%dma_start3A_345 : memref<10240x32xf32, #tpu.memory_space<vmem_shared>>) offsets(%dma_start3A_342 : memref<128xi32, #tpu.memory_space<vmem>>) semaphore(%arg27 : memref<!tpu.dma_semaphore, #tpu.memory_space<semaphore_mem>>) {add = true}
      %sub3A = arith.constant 4 : i32
      %sub3A_346 = arith.subi %add3A_333, %sub3A : i32
      %ge3A = arith.constant 0 : i32
      %ge3A_347 = arith.cmpi sge, %sub3A_346, %ge3A : i32
      %convert_element_type3A_348 = arith.extui %ge3A_347 : i1 to i32
      %cond3A_349 = arith.constant 0 : i32
      %cond3A_350 = arith.cmpi ne, %convert_element_type3A_348, %cond3A_349 : i32
      scf.if %cond3A_350 {
        %dma_wait3A_590 = arith.constant 0 : i32
        %dma_wait3A_591 = arith.constant 0 : i32
        %dma_wait3A_592 = tpu.memref_slice %arg9[%dma_wait3A_590, %dma_wait3A_591] : memref<80x128xi32, #tpu.memory_space<vmem>> -> memref<1x128xi32, #tpu.memory_space<vmem>>
        %dma_wait3A_593 = tpu.memref_squeeze %dma_wait3A_592 : memref<1x128xi32, #tpu.memory_space<vmem>> -> memref<128xi32, #tpu.memory_space<vmem>>
        %dma_wait3A_594 = arith.constant 0 : i32
        %dma_wait3A_595 = arith.constant 0 : i32
        %dma_wait3A_596 = tpu.memref_slice %arg35[%dma_wait3A_594, %dma_wait3A_595] : memref<10240x32xf32, #tpu.memory_space<vmem_shared>> -> memref<10240x32xf32, #tpu.memory_space<vmem_shared>>
        tpu.wait_indirect_dma semaphore(%arg31 : memref<!tpu.dma_semaphore, #tpu.memory_space<semaphore_mem>>) src(%arg14 : memref<128x32xf32, #tpu.memory_space<vmem>>) dst(%dma_wait3A_596 : memref<10240x32xf32, #tpu.memory_space<vmem_shared>>)
      } else {
      }
      %ge3A_351 = arith.constant 0 : i32
      %ge3A_352 = arith.cmpi sge, %sub3A_346, %ge3A_351 : i32
      %add3A_353 = arith.constant 8 : i32
      %add3A_354 = arith.addi %sub3A_346, %add3A_353 : i32
      %lt3A = arith.constant 80 : i32
      %lt3A_355 = arith.cmpi slt, %add3A_354, %lt3A : i32
      %and3A = arith.andi %ge3A_352, %lt3A_355 : i1
      %convert_element_type3A_356 = arith.extui %and3A : i1 to i32
      %cond3A_357 = arith.constant 0 : i32
      %cond3A_358 = arith.cmpi ne, %convert_element_type3A_356, %cond3A_357 : i32
      scf.if %cond3A_358 {
        %add3A_590 = arith.constant 8 : i32
        %add3A_591 = arith.addi %sub3A_346, %add3A_590 : i32
        %dma_start3A_592 = arith.constant 0 : i32
        %dma_start3A_593 = tpu.memref_slice %arg8[%add3A_591, %dma_start3A_592] : memref<80x128xi32, #tpu.memory_space<vmem>> -> memref<1x128xi32, #tpu.memory_space<vmem>>
        %dma_start3A_594 = tpu.memref_squeeze %dma_start3A_593 : memref<1x128xi32, #tpu.memory_space<vmem>> -> memref<128xi32, #tpu.memory_space<vmem>>
        %dma_start3A_595 = arith.constant 0 : i32
        %dma_start3A_596 = arith.constant 0 : i32
        %dma_start3A_597 = tpu.memref_slice %arg36[%dma_start3A_595, %dma_start3A_596] : memref<10000x32xf32, #tpu.memory_space<vmem_shared>> -> memref<10000x32xf32, #tpu.memory_space<vmem_shared>>
        tpu.enqueue_indirect_dma source(%dma_start3A_597 : memref<10000x32xf32, #tpu.memory_space<vmem_shared>>) target(%arg14 : memref<128x32xf32, #tpu.memory_space<vmem>>) offsets(%dma_start3A_594 : memref<128xi32, #tpu.memory_space<vmem>>) semaphore(%arg23 : memref<!tpu.dma_semaphore, #tpu.memory_space<semaphore_mem>>)
      } else {
      }
      %mul3A_359 = arith.constant 8 : i32
      %mul3A_360 = arith.muli %scan3A_329, %mul3A_359 : i32
      %add3A_361 = arith.constant 1 : i32
      %add3A_362 = arith.addi %mul3A_360, %add3A_361 : i32
      %dma_wait3A_363 = arith.constant 0 : i32
      %dma_wait3A_364 = tpu.memref_slice %arg8[%add3A_362, %dma_wait3A_363] : memref<80x128xi32, #tpu.memory_space<vmem>> -> memref<1x128xi32, #tpu.memory_space<vmem>>
      %dma_wait3A_365 = tpu.memref_squeeze %dma_wait3A_364 : memref<1x128xi32, #tpu.memory_space<vmem>> -> memref<128xi32, #tpu.memory_space<vmem>>
      %dma_wait3A_366 = arith.constant 0 : i32
      %dma_wait3A_367 = arith.constant 0 : i32
      %dma_wait3A_368 = tpu.memref_slice %arg36[%dma_wait3A_366, %dma_wait3A_367] : memref<10000x32xf32, #tpu.memory_space<vmem_shared>> -> memref<10000x32xf32, #tpu.memory_space<vmem_shared>>
      tpu.wait_indirect_dma semaphore(%arg20 : memref<!tpu.dma_semaphore, #tpu.memory_space<semaphore_mem>>) src(%dma_wait3A_368 : memref<10000x32xf32, #tpu.memory_space<vmem_shared>>) dst(%arg11 : memref<128x32xf32, #tpu.memory_space<vmem>>)
      %dma_start3A_369 = arith.constant 0 : i32
      %dma_start3A_370 = tpu.memref_slice %arg9[%add3A_362, %dma_start3A_369] : memref<80x128xi32, #tpu.memory_space<vmem>> -> memref<1x128xi32, #tpu.memory_space<vmem>>
      %dma_start3A_371 = tpu.memref_squeeze %dma_start3A_370 : memref<1x128xi32, #tpu.memory_space<vmem>> -> memref<128xi32, #tpu.memory_space<vmem>>
      %dma_start3A_372 = arith.constant 0 : i32
      %dma_start3A_373 = arith.constant 0 : i32
      %dma_start3A_374 = tpu.memref_slice %arg35[%dma_start3A_372, %dma_start3A_373] : memref<10240x32xf32, #tpu.memory_space<vmem_shared>> -> memref<10240x32xf32, #tpu.memory_space<vmem_shared>>
      tpu.enqueue_indirect_dma source(%arg11 : memref<128x32xf32, #tpu.memory_space<vmem>>) target(%dma_start3A_374 : memref<10240x32xf32, #tpu.memory_space<vmem_shared>>) offsets(%dma_start3A_371 : memref<128xi32, #tpu.memory_space<vmem>>) semaphore(%arg28 : memref<!tpu.dma_semaphore, #tpu.memory_space<semaphore_mem>>) {add = true}
      %sub3A_375 = arith.constant 4 : i32
      %sub3A_376 = arith.subi %add3A_362, %sub3A_375 : i32
      %ge3A_377 = arith.constant 0 : i32
      %ge3A_378 = arith.cmpi sge, %sub3A_376, %ge3A_377 : i32
      %convert_element_type3A_379 = arith.extui %ge3A_378 : i1 to i32
      %cond3A_380 = arith.constant 0 : i32
      %cond3A_381 = arith.cmpi ne, %convert_element_type3A_379, %cond3A_380 : i32
      scf.if %cond3A_381 {
        %dma_wait3A_590 = arith.constant 0 : i32
        %dma_wait3A_591 = arith.constant 0 : i32
        %dma_wait3A_592 = tpu.memref_slice %arg9[%dma_wait3A_590, %dma_wait3A_591] : memref<80x128xi32, #tpu.memory_space<vmem>> -> memref<1x128xi32, #tpu.memory_space<vmem>>
        %dma_wait3A_593 = tpu.memref_squeeze %dma_wait3A_592 : memref<1x128xi32, #tpu.memory_space<vmem>> -> memref<128xi32, #tpu.memory_space<vmem>>
        %dma_wait3A_594 = arith.constant 0 : i32
        %dma_wait3A_595 = arith.constant 0 : i32
        %dma_wait3A_596 = tpu.memref_slice %arg35[%dma_wait3A_594, %dma_wait3A_595] : memref<10240x32xf32, #tpu.memory_space<vmem_shared>> -> memref<10240x32xf32, #tpu.memory_space<vmem_shared>>
        tpu.wait_indirect_dma semaphore(%arg32 : memref<!tpu.dma_semaphore, #tpu.memory_space<semaphore_mem>>) src(%arg15 : memref<128x32xf32, #tpu.memory_space<vmem>>) dst(%dma_wait3A_596 : memref<10240x32xf32, #tpu.memory_space<vmem_shared>>)
      } else {
      }
      %ge3A_382 = arith.constant 0 : i32
      %ge3A_383 = arith.cmpi sge, %sub3A_376, %ge3A_382 : i32
      %add3A_384 = arith.constant 8 : i32
      %add3A_385 = arith.addi %sub3A_376, %add3A_384 : i32
      %lt3A_386 = arith.constant 80 : i32
      %lt3A_387 = arith.cmpi slt, %add3A_385, %lt3A_386 : i32
      %and3A_388 = arith.andi %ge3A_383, %lt3A_387 : i1
      %convert_element_type3A_389 = arith.extui %and3A_388 : i1 to i32
      %cond3A_390 = arith.constant 0 : i32
      %cond3A_391 = arith.cmpi ne, %convert_element_type3A_389, %cond3A_390 : i32
      scf.if %cond3A_391 {
        %add3A_590 = arith.constant 8 : i32
        %add3A_591 = arith.addi %sub3A_376, %add3A_590 : i32
        %dma_start3A_592 = arith.constant 0 : i32
        %dma_start3A_593 = tpu.memref_slice %arg8[%add3A_591, %dma_start3A_592] : memref<80x128xi32, #tpu.memory_space<vmem>> -> memref<1x128xi32, #tpu.memory_space<vmem>>
        %dma_start3A_594 = tpu.memref_squeeze %dma_start3A_593 : memref<1x128xi32, #tpu.memory_space<vmem>> -> memref<128xi32, #tpu.memory_space<vmem>>
        %dma_start3A_595 = arith.constant 0 : i32
        %dma_start3A_596 = arith.constant 0 : i32
        %dma_start3A_597 = tpu.memref_slice %arg36[%dma_start3A_595, %dma_start3A_596] : memref<10000x32xf32, #tpu.memory_space<vmem_shared>> -> memref<10000x32xf32, #tpu.memory_space<vmem_shared>>
        tpu.enqueue_indirect_dma source(%dma_start3A_597 : memref<10000x32xf32, #tpu.memory_space<vmem_shared>>) target(%arg15 : memref<128x32xf32, #tpu.memory_space<vmem>>) offsets(%dma_start3A_594 : memref<128xi32, #tpu.memory_space<vmem>>) semaphore(%arg24 : memref<!tpu.dma_semaphore, #tpu.memory_space<semaphore_mem>>)
      } else {
      }
      %mul3A_392 = arith.constant 8 : i32
      %mul3A_393 = arith.muli %scan3A_329, %mul3A_392 : i32
      %add3A_394 = arith.constant 2 : i32
      %add3A_395 = arith.addi %mul3A_393, %add3A_394 : i32
      %dma_wait3A_396 = arith.constant 0 : i32
      %dma_wait3A_397 = tpu.memref_slice %arg8[%add3A_395, %dma_wait3A_396] : memref<80x128xi32, #tpu.memory_space<vmem>> -> memref<1x128xi32, #tpu.memory_space<vmem>>
      %dma_wait3A_398 = tpu.memref_squeeze %dma_wait3A_397 : memref<1x128xi32, #tpu.memory_space<vmem>> -> memref<128xi32, #tpu.memory_space<vmem>>
      %dma_wait3A_399 = arith.constant 0 : i32
      %dma_wait3A_400 = arith.constant 0 : i32
      %dma_wait3A_401 = tpu.memref_slice %arg36[%dma_wait3A_399, %dma_wait3A_400] : memref<10000x32xf32, #tpu.memory_space<vmem_shared>> -> memref<10000x32xf32, #tpu.memory_space<vmem_shared>>
      tpu.wait_indirect_dma semaphore(%arg21 : memref<!tpu.dma_semaphore, #tpu.memory_space<semaphore_mem>>) src(%dma_wait3A_401 : memref<10000x32xf32, #tpu.memory_space<vmem_shared>>) dst(%arg12 : memref<128x32xf32, #tpu.memory_space<vmem>>)
      %dma_start3A_402 = arith.constant 0 : i32
      %dma_start3A_403 = tpu.memref_slice %arg9[%add3A_395, %dma_start3A_402] : memref<80x128xi32, #tpu.memory_space<vmem>> -> memref<1x128xi32, #tpu.memory_space<vmem>>
      %dma_start3A_404 = tpu.memref_squeeze %dma_start3A_403 : memref<1x128xi32, #tpu.memory_space<vmem>> -> memref<128xi32, #tpu.memory_space<vmem>>
      %dma_start3A_405 = arith.constant 0 : i32
      %dma_start3A_406 = arith.constant 0 : i32
      %dma_start3A_407 = tpu.memref_slice %arg35[%dma_start3A_405, %dma_start3A_406] : memref<10240x32xf32, #tpu.memory_space<vmem_shared>> -> memref<10240x32xf32, #tpu.memory_space<vmem_shared>>
      tpu.enqueue_indirect_dma source(%arg12 : memref<128x32xf32, #tpu.memory_space<vmem>>) target(%dma_start3A_407 : memref<10240x32xf32, #tpu.memory_space<vmem_shared>>) offsets(%dma_start3A_404 : memref<128xi32, #tpu.memory_space<vmem>>) semaphore(%arg29 : memref<!tpu.dma_semaphore, #tpu.memory_space<semaphore_mem>>) {add = true}
      %sub3A_408 = arith.constant 4 : i32
      %sub3A_409 = arith.subi %add3A_395, %sub3A_408 : i32
      %ge3A_410 = arith.constant 0 : i32
      %ge3A_411 = arith.cmpi sge, %sub3A_409, %ge3A_410 : i32
      %convert_element_type3A_412 = arith.extui %ge3A_411 : i1 to i32
      %cond3A_413 = arith.constant 0 : i32
      %cond3A_414 = arith.cmpi ne, %convert_element_type3A_412, %cond3A_413 : i32
      scf.if %cond3A_414 {
        %dma_wait3A_590 = arith.constant 0 : i32
        %dma_wait3A_591 = arith.constant 0 : i32
        %dma_wait3A_592 = tpu.memref_slice %arg9[%dma_wait3A_590, %dma_wait3A_591] : memref<80x128xi32, #tpu.memory_space<vmem>> -> memref<1x128xi32, #tpu.memory_space<vmem>>
        %dma_wait3A_593 = tpu.memref_squeeze %dma_wait3A_592 : memref<1x128xi32, #tpu.memory_space<vmem>> -> memref<128xi32, #tpu.memory_space<vmem>>
        %dma_wait3A_594 = arith.constant 0 : i32
        %dma_wait3A_595 = arith.constant 0 : i32
        %dma_wait3A_596 = tpu.memref_slice %arg35[%dma_wait3A_594, %dma_wait3A_595] : memref<10240x32xf32, #tpu.memory_space<vmem_shared>> -> memref<10240x32xf32, #tpu.memory_space<vmem_shared>>
        tpu.wait_indirect_dma semaphore(%arg33 : memref<!tpu.dma_semaphore, #tpu.memory_space<semaphore_mem>>) src(%arg16 : memref<128x32xf32, #tpu.memory_space<vmem>>) dst(%dma_wait3A_596 : memref<10240x32xf32, #tpu.memory_space<vmem_shared>>)
      } else {
      }
      %ge3A_415 = arith.constant 0 : i32
      %ge3A_416 = arith.cmpi sge, %sub3A_409, %ge3A_415 : i32
      %add3A_417 = arith.constant 8 : i32
      %add3A_418 = arith.addi %sub3A_409, %add3A_417 : i32
      %lt3A_419 = arith.constant 80 : i32
      %lt3A_420 = arith.cmpi slt, %add3A_418, %lt3A_419 : i32
      %and3A_421 = arith.andi %ge3A_416, %lt3A_420 : i1
      %convert_element_type3A_422 = arith.extui %and3A_421 : i1 to i32
      %cond3A_423 = arith.constant 0 : i32
      %cond3A_424 = arith.cmpi ne, %convert_element_type3A_422, %cond3A_423 : i32
      scf.if %cond3A_424 {
        %add3A_590 = arith.constant 8 : i32
        %add3A_591 = arith.addi %sub3A_409, %add3A_590 : i32
        %dma_start3A_592 = arith.constant 0 : i32
        %dma_start3A_593 = tpu.memref_slice %arg8[%add3A_591, %dma_start3A_592] : memref<80x128xi32, #tpu.memory_space<vmem>> -> memref<1x128xi32, #tpu.memory_space<vmem>>
        %dma_start3A_594 = tpu.memref_squeeze %dma_start3A_593 : memref<1x128xi32, #tpu.memory_space<vmem>> -> memref<128xi32, #tpu.memory_space<vmem>>
        %dma_start3A_595 = arith.constant 0 : i32
        %dma_start3A_596 = arith.constant 0 : i32
        %dma_start3A_597 = tpu.memref_slice %arg36[%dma_start3A_595, %dma_start3A_596] : memref<10000x32xf32, #tpu.memory_space<vmem_shared>> -> memref<10000x32xf32, #tpu.memory_space<vmem_shared>>
        tpu.enqueue_indirect_dma source(%dma_start3A_597 : memref<10000x32xf32, #tpu.memory_space<vmem_shared>>) target(%arg16 : memref<128x32xf32, #tpu.memory_space<vmem>>) offsets(%dma_start3A_594 : memref<128xi32, #tpu.memory_space<vmem>>) semaphore(%arg25 : memref<!tpu.dma_semaphore, #tpu.memory_space<semaphore_mem>>)
      } else {
      }
      %mul3A_425 = arith.constant 8 : i32
      %mul3A_426 = arith.muli %scan3A_329, %mul3A_425 : i32
      %add3A_427 = arith.constant 3 : i32
      %add3A_428 = arith.addi %mul3A_426, %add3A_427 : i32
      %dma_wait3A_429 = arith.constant 0 : i32
      %dma_wait3A_430 = tpu.memref_slice %arg8[%add3A_428, %dma_wait3A_429] : memref<80x128xi32, #tpu.memory_space<vmem>> -> memref<1x128xi32, #tpu.memory_space<vmem>>
      %dma_wait3A_431 = tpu.memref_squeeze %dma_wait3A_430 : memref<1x128xi32, #tpu.memory_space<vmem>> -> memref<128xi32, #tpu.memory_space<vmem>>
      %dma_wait3A_432 = arith.constant 0 : i32
      %dma_wait3A_433 = arith.constant 0 : i32
      %dma_wait3A_434 = tpu.memref_slice %arg36[%dma_wait3A_432, %dma_wait3A_433] : memref<10000x32xf32, #tpu.memory_space<vmem_shared>> -> memref<10000x32xf32, #tpu.memory_space<vmem_shared>>
      tpu.wait_indirect_dma semaphore(%arg22 : memref<!tpu.dma_semaphore, #tpu.memory_space<semaphore_mem>>) src(%dma_wait3A_434 : memref<10000x32xf32, #tpu.memory_space<vmem_shared>>) dst(%arg13 : memref<128x32xf32, #tpu.memory_space<vmem>>)
      %dma_start3A_435 = arith.constant 0 : i32
      %dma_start3A_436 = tpu.memref_slice %arg9[%add3A_428, %dma_start3A_435] : memref<80x128xi32, #tpu.memory_space<vmem>> -> memref<1x128xi32, #tpu.memory_space<vmem>>
      %dma_start3A_437 = tpu.memref_squeeze %dma_start3A_436 : memref<1x128xi32, #tpu.memory_space<vmem>> -> memref<128xi32, #tpu.memory_space<vmem>>
      %dma_start3A_438 = arith.constant 0 : i32
      %dma_start3A_439 = arith.constant 0 : i32
      %dma_start3A_440 = tpu.memref_slice %arg35[%dma_start3A_438, %dma_start3A_439] : memref<10240x32xf32, #tpu.memory_space<vmem_shared>> -> memref<10240x32xf32, #tpu.memory_space<vmem_shared>>
      tpu.enqueue_indirect_dma source(%arg13 : memref<128x32xf32, #tpu.memory_space<vmem>>) target(%dma_start3A_440 : memref<10240x32xf32, #tpu.memory_space<vmem_shared>>) offsets(%dma_start3A_437 : memref<128xi32, #tpu.memory_space<vmem>>) semaphore(%arg30 : memref<!tpu.dma_semaphore, #tpu.memory_space<semaphore_mem>>) {add = true}
      %sub3A_441 = arith.constant 4 : i32
      %sub3A_442 = arith.subi %add3A_428, %sub3A_441 : i32
      %ge3A_443 = arith.constant 0 : i32
      %ge3A_444 = arith.cmpi sge, %sub3A_442, %ge3A_443 : i32
      %convert_element_type3A_445 = arith.extui %ge3A_444 : i1 to i32
      %cond3A_446 = arith.constant 0 : i32
      %cond3A_447 = arith.cmpi ne, %convert_element_type3A_445, %cond3A_446 : i32
      scf.if %cond3A_447 {
        %dma_wait3A_590 = arith.constant 0 : i32
        %dma_wait3A_591 = arith.constant 0 : i32
        %dma_wait3A_592 = tpu.memref_slice %arg9[%dma_wait3A_590, %dma_wait3A_591] : memref<80x128xi32, #tpu.memory_space<vmem>> -> memref<1x128xi32, #tpu.memory_space<vmem>>
        %dma_wait3A_593 = tpu.memref_squeeze %dma_wait3A_592 : memref<1x128xi32, #tpu.memory_space<vmem>> -> memref<128xi32, #tpu.memory_space<vmem>>
        %dma_wait3A_594 = arith.constant 0 : i32
        %dma_wait3A_595 = arith.constant 0 : i32
        %dma_wait3A_596 = tpu.memref_slice %arg35[%dma_wait3A_594, %dma_wait3A_595] : memref<10240x32xf32, #tpu.memory_space<vmem_shared>> -> memref<10240x32xf32, #tpu.memory_space<vmem_shared>>
        tpu.wait_indirect_dma semaphore(%arg34 : memref<!tpu.dma_semaphore, #tpu.memory_space<semaphore_mem>>) src(%arg17 : memref<128x32xf32, #tpu.memory_space<vmem>>) dst(%dma_wait3A_596 : memref<10240x32xf32, #tpu.memory_space<vmem_shared>>)
      } else {
      }
      %ge3A_448 = arith.constant 0 : i32
      %ge3A_449 = arith.cmpi sge, %sub3A_442, %ge3A_448 : i32
      %add3A_450 = arith.constant 8 : i32
      %add3A_451 = arith.addi %sub3A_442, %add3A_450 : i32
      %lt3A_452 = arith.constant 80 : i32
      %lt3A_453 = arith.cmpi slt, %add3A_451, %lt3A_452 : i32
      %and3A_454 = arith.andi %ge3A_449, %lt3A_453 : i1
      %convert_element_type3A_455 = arith.extui %and3A_454 : i1 to i32
      %cond3A_456 = arith.constant 0 : i32
      %cond3A_457 = arith.cmpi ne, %convert_element_type3A_455, %cond3A_456 : i32
      scf.if %cond3A_457 {
        %add3A_590 = arith.constant 8 : i32
        %add3A_591 = arith.addi %sub3A_442, %add3A_590 : i32
        %dma_start3A_592 = arith.constant 0 : i32
        %dma_start3A_593 = tpu.memref_slice %arg8[%add3A_591, %dma_start3A_592] : memref<80x128xi32, #tpu.memory_space<vmem>> -> memref<1x128xi32, #tpu.memory_space<vmem>>
        %dma_start3A_594 = tpu.memref_squeeze %dma_start3A_593 : memref<1x128xi32, #tpu.memory_space<vmem>> -> memref<128xi32, #tpu.memory_space<vmem>>
        %dma_start3A_595 = arith.constant 0 : i32
        %dma_start3A_596 = arith.constant 0 : i32
        %dma_start3A_597 = tpu.memref_slice %arg36[%dma_start3A_595, %dma_start3A_596] : memref<10000x32xf32, #tpu.memory_space<vmem_shared>> -> memref<10000x32xf32, #tpu.memory_space<vmem_shared>>
        tpu.enqueue_indirect_dma source(%dma_start3A_597 : memref<10000x32xf32, #tpu.memory_space<vmem_shared>>) target(%arg17 : memref<128x32xf32, #tpu.memory_space<vmem>>) offsets(%dma_start3A_594 : memref<128xi32, #tpu.memory_space<vmem>>) semaphore(%arg26 : memref<!tpu.dma_semaphore, #tpu.memory_space<semaphore_mem>>)
      } else {
      }
      %mul3A_458 = arith.constant 8 : i32
      %mul3A_459 = arith.muli %scan3A_329, %mul3A_458 : i32
      %add3A_460 = arith.constant 4 : i32
      %add3A_461 = arith.addi %mul3A_459, %add3A_460 : i32
      %dma_wait3A_462 = arith.constant 0 : i32
      %dma_wait3A_463 = tpu.memref_slice %arg8[%add3A_461, %dma_wait3A_462] : memref<80x128xi32, #tpu.memory_space<vmem>> -> memref<1x128xi32, #tpu.memory_space<vmem>>
      %dma_wait3A_464 = tpu.memref_squeeze %dma_wait3A_463 : memref<1x128xi32, #tpu.memory_space<vmem>> -> memref<128xi32, #tpu.memory_space<vmem>>
      %dma_wait3A_465 = arith.constant 0 : i32
      %dma_wait3A_466 = arith.constant 0 : i32
      %dma_wait3A_467 = tpu.memref_slice %arg36[%dma_wait3A_465, %dma_wait3A_466] : memref<10000x32xf32, #tpu.memory_space<vmem_shared>> -> memref<10000x32xf32, #tpu.memory_space<vmem_shared>>
      tpu.wait_indirect_dma semaphore(%arg23 : memref<!tpu.dma_semaphore, #tpu.memory_space<semaphore_mem>>) src(%dma_wait3A_467 : memref<10000x32xf32, #tpu.memory_space<vmem_shared>>) dst(%arg14 : memref<128x32xf32, #tpu.memory_space<vmem>>)
      %dma_start3A_468 = arith.constant 0 : i32
      %dma_start3A_469 = tpu.memref_slice %arg9[%add3A_461, %dma_start3A_468] : memref<80x128xi32, #tpu.memory_space<vmem>> -> memref<1x128xi32, #tpu.memory_space<vmem>>
      %dma_start3A_470 = tpu.memref_squeeze %dma_start3A_469 : memref<1x128xi32, #tpu.memory_space<vmem>> -> memref<128xi32, #tpu.memory_space<vmem>>
      %dma_start3A_471 = arith.constant 0 : i32
      %dma_start3A_472 = arith.constant 0 : i32
      %dma_start3A_473 = tpu.memref_slice %arg35[%dma_start3A_471, %dma_start3A_472] : memref<10240x32xf32, #tpu.memory_space<vmem_shared>> -> memref<10240x32xf32, #tpu.memory_space<vmem_shared>>
      tpu.enqueue_indirect_dma source(%arg14 : memref<128x32xf32, #tpu.memory_space<vmem>>) target(%dma_start3A_473 : memref<10240x32xf32, #tpu.memory_space<vmem_shared>>) offsets(%dma_start3A_470 : memref<128xi32, #tpu.memory_space<vmem>>) semaphore(%arg31 : memref<!tpu.dma_semaphore, #tpu.memory_space<semaphore_mem>>) {add = true}
      %sub3A_474 = arith.constant 4 : i32
      %sub3A_475 = arith.subi %add3A_461, %sub3A_474 : i32
      %ge3A_476 = arith.constant 0 : i32
      %ge3A_477 = arith.cmpi sge, %sub3A_475, %ge3A_476 : i32
      %convert_element_type3A_478 = arith.extui %ge3A_477 : i1 to i32
      %cond3A_479 = arith.constant 0 : i32
      %cond3A_480 = arith.cmpi ne, %convert_element_type3A_478, %cond3A_479 : i32
      scf.if %cond3A_480 {
        %dma_wait3A_590 = arith.constant 0 : i32
        %dma_wait3A_591 = arith.constant 0 : i32
        %dma_wait3A_592 = tpu.memref_slice %arg9[%dma_wait3A_590, %dma_wait3A_591] : memref<80x128xi32, #tpu.memory_space<vmem>> -> memref<1x128xi32, #tpu.memory_space<vmem>>
        %dma_wait3A_593 = tpu.memref_squeeze %dma_wait3A_592 : memref<1x128xi32, #tpu.memory_space<vmem>> -> memref<128xi32, #tpu.memory_space<vmem>>
        %dma_wait3A_594 = arith.constant 0 : i32
        %dma_wait3A_595 = arith.constant 0 : i32
        %dma_wait3A_596 = tpu.memref_slice %arg35[%dma_wait3A_594, %dma_wait3A_595] : memref<10240x32xf32, #tpu.memory_space<vmem_shared>> -> memref<10240x32xf32, #tpu.memory_space<vmem_shared>>
        tpu.wait_indirect_dma semaphore(%arg27 : memref<!tpu.dma_semaphore, #tpu.memory_space<semaphore_mem>>) src(%arg10 : memref<128x32xf32, #tpu.memory_space<vmem>>) dst(%dma_wait3A_596 : memref<10240x32xf32, #tpu.memory_space<vmem_shared>>)
      } else {
      }
      %ge3A_481 = arith.constant 0 : i32
      %ge3A_482 = arith.cmpi sge, %sub3A_475, %ge3A_481 : i32
      %add3A_483 = arith.constant 8 : i32
      %add3A_484 = arith.addi %sub3A_475, %add3A_483 : i32
      %lt3A_485 = arith.constant 80 : i32
      %lt3A_486 = arith.cmpi slt, %add3A_484, %lt3A_485 : i32
      %and3A_487 = arith.andi %ge3A_482, %lt3A_486 : i1
      %convert_element_type3A_488 = arith.extui %and3A_487 : i1 to i32
      %cond3A_489 = arith.constant 0 : i32
      %cond3A_490 = arith.cmpi ne, %convert_element_type3A_488, %cond3A_489 : i32
      scf.if %cond3A_490 {
        %add3A_590 = arith.constant 8 : i32
        %add3A_591 = arith.addi %sub3A_475, %add3A_590 : i32
        %dma_start3A_592 = arith.constant 0 : i32
        %dma_start3A_593 = tpu.memref_slice %arg8[%add3A_591, %dma_start3A_592] : memref<80x128xi32, #tpu.memory_space<vmem>> -> memref<1x128xi32, #tpu.memory_space<vmem>>
        %dma_start3A_594 = tpu.memref_squeeze %dma_start3A_593 : memref<1x128xi32, #tpu.memory_space<vmem>> -> memref<128xi32, #tpu.memory_space<vmem>>
        %dma_start3A_595 = arith.constant 0 : i32
        %dma_start3A_596 = arith.constant 0 : i32
        %dma_start3A_597 = tpu.memref_slice %arg36[%dma_start3A_595, %dma_start3A_596] : memref<10000x32xf32, #tpu.memory_space<vmem_shared>> -> memref<10000x32xf32, #tpu.memory_space<vmem_shared>>
        tpu.enqueue_indirect_dma source(%dma_start3A_597 : memref<10000x32xf32, #tpu.memory_space<vmem_shared>>) target(%arg10 : memref<128x32xf32, #tpu.memory_space<vmem>>) offsets(%dma_start3A_594 : memref<128xi32, #tpu.memory_space<vmem>>) semaphore(%arg19 : memref<!tpu.dma_semaphore, #tpu.memory_space<semaphore_mem>>)
      } else {
      }
      %mul3A_491 = arith.constant 8 : i32
      %mul3A_492 = arith.muli %scan3A_329, %mul3A_491 : i32
      %add3A_493 = arith.constant 5 : i32
      %add3A_494 = arith.addi %mul3A_492, %add3A_493 : i32
      %dma_wait3A_495 = arith.constant 0 : i32
      %dma_wait3A_496 = tpu.memref_slice %arg8[%add3A_494, %dma_wait3A_495] : memref<80x128xi32, #tpu.memory_space<vmem>> -> memref<1x128xi32, #tpu.memory_space<vmem>>
      %dma_wait3A_497 = tpu.memref_squeeze %dma_wait3A_496 : memref<1x128xi32, #tpu.memory_space<vmem>> -> memref<128xi32, #tpu.memory_space<vmem>>
      %dma_wait3A_498 = arith.constant 0 : i32
      %dma_wait3A_499 = arith.constant 0 : i32
      %dma_wait3A_500 = tpu.memref_slice %arg36[%dma_wait3A_498, %dma_wait3A_499] : memref<10000x32xf32, #tpu.memory_space<vmem_shared>> -> memref<10000x32xf32, #tpu.memory_space<vmem_shared>>
      tpu.wait_indirect_dma semaphore(%arg24 : memref<!tpu.dma_semaphore, #tpu.memory_space<semaphore_mem>>) src(%dma_wait3A_500 : memref<10000x32xf32, #tpu.memory_space<vmem_shared>>) dst(%arg15 : memref<128x32xf32, #tpu.memory_space<vmem>>)
      %dma_start3A_501 = arith.constant 0 : i32
      %dma_start3A_502 = tpu.memref_slice %arg9[%add3A_494, %dma_start3A_501] : memref<80x128xi32, #tpu.memory_space<vmem>> -> memref<1x128xi32, #tpu.memory_space<vmem>>
      %dma_start3A_503 = tpu.memref_squeeze %dma_start3A_502 : memref<1x128xi32, #tpu.memory_space<vmem>> -> memref<128xi32, #tpu.memory_space<vmem>>
      %dma_start3A_504 = arith.constant 0 : i32
      %dma_start3A_505 = arith.constant 0 : i32
      %dma_start3A_506 = tpu.memref_slice %arg35[%dma_start3A_504, %dma_start3A_505] : memref<10240x32xf32, #tpu.memory_space<vmem_shared>> -> memref<10240x32xf32, #tpu.memory_space<vmem_shared>>
      tpu.enqueue_indirect_dma source(%arg15 : memref<128x32xf32, #tpu.memory_space<vmem>>) target(%dma_start3A_506 : memref<10240x32xf32, #tpu.memory_space<vmem_shared>>) offsets(%dma_start3A_503 : memref<128xi32, #tpu.memory_space<vmem>>) semaphore(%arg32 : memref<!tpu.dma_semaphore, #tpu.memory_space<semaphore_mem>>) {add = true}
      %sub3A_507 = arith.constant 4 : i32
      %sub3A_508 = arith.subi %add3A_494, %sub3A_507 : i32
      %ge3A_509 = arith.constant 0 : i32
      %ge3A_510 = arith.cmpi sge, %sub3A_508, %ge3A_509 : i32
      %convert_element_type3A_511 = arith.extui %ge3A_510 : i1 to i32
      %cond3A_512 = arith.constant 0 : i32
      %cond3A_513 = arith.cmpi ne, %convert_element_type3A_511, %cond3A_512 : i32
      scf.if %cond3A_513 {
        %dma_wait3A_590 = arith.constant 0 : i32
        %dma_wait3A_591 = arith.constant 0 : i32
        %dma_wait3A_592 = tpu.memref_slice %arg9[%dma_wait3A_590, %dma_wait3A_591] : memref<80x128xi32, #tpu.memory_space<vmem>> -> memref<1x128xi32, #tpu.memory_space<vmem>>
        %dma_wait3A_593 = tpu.memref_squeeze %dma_wait3A_592 : memref<1x128xi32, #tpu.memory_space<vmem>> -> memref<128xi32, #tpu.memory_space<vmem>>
        %dma_wait3A_594 = arith.constant 0 : i32
        %dma_wait3A_595 = arith.constant 0 : i32
        %dma_wait3A_596 = tpu.memref_slice %arg35[%dma_wait3A_594, %dma_wait3A_595] : memref<10240x32xf32, #tpu.memory_space<vmem_shared>> -> memref<10240x32xf32, #tpu.memory_space<vmem_shared>>
        tpu.wait_indirect_dma semaphore(%arg28 : memref<!tpu.dma_semaphore, #tpu.memory_space<semaphore_mem>>) src(%arg11 : memref<128x32xf32, #tpu.memory_space<vmem>>) dst(%dma_wait3A_596 : memref<10240x32xf32, #tpu.memory_space<vmem_shared>>)
      } else {
      }
      %ge3A_514 = arith.constant 0 : i32
      %ge3A_515 = arith.cmpi sge, %sub3A_508, %ge3A_514 : i32
      %add3A_516 = arith.constant 8 : i32
      %add3A_517 = arith.addi %sub3A_508, %add3A_516 : i32
      %lt3A_518 = arith.constant 80 : i32
      %lt3A_519 = arith.cmpi slt, %add3A_517, %lt3A_518 : i32
      %and3A_520 = arith.andi %ge3A_515, %lt3A_519 : i1
      %convert_element_type3A_521 = arith.extui %and3A_520 : i1 to i32
      %cond3A_522 = arith.constant 0 : i32
      %cond3A_523 = arith.cmpi ne, %convert_element_type3A_521, %cond3A_522 : i32
      scf.if %cond3A_523 {
        %add3A_590 = arith.constant 8 : i32
        %add3A_591 = arith.addi %sub3A_508, %add3A_590 : i32
        %dma_start3A_592 = arith.constant 0 : i32
        %dma_start3A_593 = tpu.memref_slice %arg8[%add3A_591, %dma_start3A_592] : memref<80x128xi32, #tpu.memory_space<vmem>> -> memref<1x128xi32, #tpu.memory_space<vmem>>
        %dma_start3A_594 = tpu.memref_squeeze %dma_start3A_593 : memref<1x128xi32, #tpu.memory_space<vmem>> -> memref<128xi32, #tpu.memory_space<vmem>>
        %dma_start3A_595 = arith.constant 0 : i32
        %dma_start3A_596 = arith.constant 0 : i32
        %dma_start3A_597 = tpu.memref_slice %arg36[%dma_start3A_595, %dma_start3A_596] : memref<10000x32xf32, #tpu.memory_space<vmem_shared>> -> memref<10000x32xf32, #tpu.memory_space<vmem_shared>>
        tpu.enqueue_indirect_dma source(%dma_start3A_597 : memref<10000x32xf32, #tpu.memory_space<vmem_shared>>) target(%arg11 : memref<128x32xf32, #tpu.memory_space<vmem>>) offsets(%dma_start3A_594 : memref<128xi32, #tpu.memory_space<vmem>>) semaphore(%arg20 : memref<!tpu.dma_semaphore, #tpu.memory_space<semaphore_mem>>)
      } else {
      }
      %mul3A_524 = arith.constant 8 : i32
      %mul3A_525 = arith.muli %scan3A_329, %mul3A_524 : i32
      %add3A_526 = arith.constant 6 : i32
      %add3A_527 = arith.addi %mul3A_525, %add3A_526 : i32
      %dma_wait3A_528 = arith.constant 0 : i32
      %dma_wait3A_529 = tpu.memref_slice %arg8[%add3A_527, %dma_wait3A_528] : memref<80x128xi32, #tpu.memory_space<vmem>> -> memref<1x128xi32, #tpu.memory_space<vmem>>
      %dma_wait3A_530 = tpu.memref_squeeze %dma_wait3A_529 : memref<1x128xi32, #tpu.memory_space<vmem>> -> memref<128xi32, #tpu.memory_space<vmem>>
      %dma_wait3A_531 = arith.constant 0 : i32
      %dma_wait3A_532 = arith.constant 0 : i32
      %dma_wait3A_533 = tpu.memref_slice %arg36[%dma_wait3A_531, %dma_wait3A_532] : memref<10000x32xf32, #tpu.memory_space<vmem_shared>> -> memref<10000x32xf32, #tpu.memory_space<vmem_shared>>
      tpu.wait_indirect_dma semaphore(%arg25 : memref<!tpu.dma_semaphore, #tpu.memory_space<semaphore_mem>>) src(%dma_wait3A_533 : memref<10000x32xf32, #tpu.memory_space<vmem_shared>>) dst(%arg16 : memref<128x32xf32, #tpu.memory_space<vmem>>)
      %dma_start3A_534 = arith.constant 0 : i32
      %dma_start3A_535 = tpu.memref_slice %arg9[%add3A_527, %dma_start3A_534] : memref<80x128xi32, #tpu.memory_space<vmem>> -> memref<1x128xi32, #tpu.memory_space<vmem>>
      %dma_start3A_536 = tpu.memref_squeeze %dma_start3A_535 : memref<1x128xi32, #tpu.memory_space<vmem>> -> memref<128xi32, #tpu.memory_space<vmem>>
      %dma_start3A_537 = arith.constant 0 : i32
      %dma_start3A_538 = arith.constant 0 : i32
      %dma_start3A_539 = tpu.memref_slice %arg35[%dma_start3A_537, %dma_start3A_538] : memref<10240x32xf32, #tpu.memory_space<vmem_shared>> -> memref<10240x32xf32, #tpu.memory_space<vmem_shared>>
      tpu.enqueue_indirect_dma source(%arg16 : memref<128x32xf32, #tpu.memory_space<vmem>>) target(%dma_start3A_539 : memref<10240x32xf32, #tpu.memory_space<vmem_shared>>) offsets(%dma_start3A_536 : memref<128xi32, #tpu.memory_space<vmem>>) semaphore(%arg33 : memref<!tpu.dma_semaphore, #tpu.memory_space<semaphore_mem>>) {add = true}
      %sub3A_540 = arith.constant 4 : i32
      %sub3A_541 = arith.subi %add3A_527, %sub3A_540 : i32
      %ge3A_542 = arith.constant 0 : i32
      %ge3A_543 = arith.cmpi sge, %sub3A_541, %ge3A_542 : i32
      %convert_element_type3A_544 = arith.extui %ge3A_543 : i1 to i32
      %cond3A_545 = arith.constant 0 : i32
      %cond3A_546 = arith.cmpi ne, %convert_element_type3A_544, %cond3A_545 : i32
      scf.if %cond3A_546 {
        %dma_wait3A_590 = arith.constant 0 : i32
        %dma_wait3A_591 = arith.constant 0 : i32
        %dma_wait3A_592 = tpu.memref_slice %arg9[%dma_wait3A_590, %dma_wait3A_591] : memref<80x128xi32, #tpu.memory_space<vmem>> -> memref<1x128xi32, #tpu.memory_space<vmem>>
        %dma_wait3A_593 = tpu.memref_squeeze %dma_wait3A_592 : memref<1x128xi32, #tpu.memory_space<vmem>> -> memref<128xi32, #tpu.memory_space<vmem>>
        %dma_wait3A_594 = arith.constant 0 : i32
        %dma_wait3A_595 = arith.constant 0 : i32
        %dma_wait3A_596 = tpu.memref_slice %arg35[%dma_wait3A_594, %dma_wait3A_595] : memref<10240x32xf32, #tpu.memory_space<vmem_shared>> -> memref<10240x32xf32, #tpu.memory_space<vmem_shared>>
        tpu.wait_indirect_dma semaphore(%arg29 : memref<!tpu.dma_semaphore, #tpu.memory_space<semaphore_mem>>) src(%arg12 : memref<128x32xf32, #tpu.memory_space<vmem>>) dst(%dma_wait3A_596 : memref<10240x32xf32, #tpu.memory_space<vmem_shared>>)
      } else {
      }
      %ge3A_547 = arith.constant 0 : i32
      %ge3A_548 = arith.cmpi sge, %sub3A_541, %ge3A_547 : i32
      %add3A_549 = arith.constant 8 : i32
      %add3A_550 = arith.addi %sub3A_541, %add3A_549 : i32
      %lt3A_551 = arith.constant 80 : i32
      %lt3A_552 = arith.cmpi slt, %add3A_550, %lt3A_551 : i32
      %and3A_553 = arith.andi %ge3A_548, %lt3A_552 : i1
      %convert_element_type3A_554 = arith.extui %and3A_553 : i1 to i32
      %cond3A_555 = arith.constant 0 : i32
      %cond3A_556 = arith.cmpi ne, %convert_element_type3A_554, %cond3A_555 : i32
      scf.if %cond3A_556 {
        %add3A_590 = arith.constant 8 : i32
        %add3A_591 = arith.addi %sub3A_541, %add3A_590 : i32
        %dma_start3A_592 = arith.constant 0 : i32
        %dma_start3A_593 = tpu.memref_slice %arg8[%add3A_591, %dma_start3A_592] : memref<80x128xi32, #tpu.memory_space<vmem>> -> memref<1x128xi32, #tpu.memory_space<vmem>>
        %dma_start3A_594 = tpu.memref_squeeze %dma_start3A_593 : memref<1x128xi32, #tpu.memory_space<vmem>> -> memref<128xi32, #tpu.memory_space<vmem>>
        %dma_start3A_595 = arith.constant 0 : i32
        %dma_start3A_596 = arith.constant 0 : i32
        %dma_start3A_597 = tpu.memref_slice %arg36[%dma_start3A_595, %dma_start3A_596] : memref<10000x32xf32, #tpu.memory_space<vmem_shared>> -> memref<10000x32xf32, #tpu.memory_space<vmem_shared>>
        tpu.enqueue_indirect_dma source(%dma_start3A_597 : memref<10000x32xf32, #tpu.memory_space<vmem_shared>>) target(%arg12 : memref<128x32xf32, #tpu.memory_space<vmem>>) offsets(%dma_start3A_594 : memref<128xi32, #tpu.memory_space<vmem>>) semaphore(%arg21 : memref<!tpu.dma_semaphore, #tpu.memory_space<semaphore_mem>>)
      } else {
      }
      %mul3A_557 = arith.constant 8 : i32
      %mul3A_558 = arith.muli %scan3A_329, %mul3A_557 : i32
      %add3A_559 = arith.constant 7 : i32
      %add3A_560 = arith.addi %mul3A_558, %add3A_559 : i32
      %dma_wait3A_561 = arith.constant 0 : i32
      %dma_wait3A_562 = tpu.memref_slice %arg8[%add3A_560, %dma_wait3A_561] : memref<80x128xi32, #tpu.memory_space<vmem>> -> memref<1x128xi32, #tpu.memory_space<vmem>>
      %dma_wait3A_563 = tpu.memref_squeeze %dma_wait3A_562 : memref<1x128xi32, #tpu.memory_space<vmem>> -> memref<128xi32, #tpu.memory_space<vmem>>
      %dma_wait3A_564 = arith.constant 0 : i32
      %dma_wait3A_565 = arith.constant 0 : i32
      %dma_wait3A_566 = tpu.memref_slice %arg36[%dma_wait3A_564, %dma_wait3A_565] : memref<10000x32xf32, #tpu.memory_space<vmem_shared>> -> memref<10000x32xf32, #tpu.memory_space<vmem_shared>>
      tpu.wait_indirect_dma semaphore(%arg26 : memref<!tpu.dma_semaphore, #tpu.memory_space<semaphore_mem>>) src(%dma_wait3A_566 : memref<10000x32xf32, #tpu.memory_space<vmem_shared>>) dst(%arg17 : memref<128x32xf32, #tpu.memory_space<vmem>>)
      %dma_start3A_567 = arith.constant 0 : i32
      %dma_start3A_568 = tpu.memref_slice %arg9[%add3A_560, %dma_start3A_567] : memref<80x128xi32, #tpu.memory_space<vmem>> -> memref<1x128xi32, #tpu.memory_space<vmem>>
      %dma_start3A_569 = tpu.memref_squeeze %dma_start3A_568 : memref<1x128xi32, #tpu.memory_space<vmem>> -> memref<128xi32, #tpu.memory_space<vmem>>
      %dma_start3A_570 = arith.constant 0 : i32
      %dma_start3A_571 = arith.constant 0 : i32
      %dma_start3A_572 = tpu.memref_slice %arg35[%dma_start3A_570, %dma_start3A_571] : memref<10240x32xf32, #tpu.memory_space<vmem_shared>> -> memref<10240x32xf32, #tpu.memory_space<vmem_shared>>
      tpu.enqueue_indirect_dma source(%arg17 : memref<128x32xf32, #tpu.memory_space<vmem>>) target(%dma_start3A_572 : memref<10240x32xf32, #tpu.memory_space<vmem_shared>>) offsets(%dma_start3A_569 : memref<128xi32, #tpu.memory_space<vmem>>) semaphore(%arg34 : memref<!tpu.dma_semaphore, #tpu.memory_space<semaphore_mem>>) {add = true}
      %sub3A_573 = arith.constant 4 : i32
      %sub3A_574 = arith.subi %add3A_560, %sub3A_573 : i32
      %ge3A_575 = arith.constant 0 : i32
      %ge3A_576 = arith.cmpi sge, %sub3A_574, %ge3A_575 : i32
      %convert_element_type3A_577 = arith.extui %ge3A_576 : i1 to i32
      %cond3A_578 = arith.constant 0 : i32
      %cond3A_579 = arith.cmpi ne, %convert_element_type3A_577, %cond3A_578 : i32
      scf.if %cond3A_579 {
        %dma_wait3A_590 = arith.constant 0 : i32
        %dma_wait3A_591 = arith.constant 0 : i32
        %dma_wait3A_592 = tpu.memref_slice %arg9[%dma_wait3A_590, %dma_wait3A_591] : memref<80x128xi32, #tpu.memory_space<vmem>> -> memref<1x128xi32, #tpu.memory_space<vmem>>
        %dma_wait3A_593 = tpu.memref_squeeze %dma_wait3A_592 : memref<1x128xi32, #tpu.memory_space<vmem>> -> memref<128xi32, #tpu.memory_space<vmem>>
        %dma_wait3A_594 = arith.constant 0 : i32
        %dma_wait3A_595 = arith.constant 0 : i32
        %dma_wait3A_596 = tpu.memref_slice %arg35[%dma_wait3A_594, %dma_wait3A_595] : memref<10240x32xf32, #tpu.memory_space<vmem_shared>> -> memref<10240x32xf32, #tpu.memory_space<vmem_shared>>
        tpu.wait_indirect_dma semaphore(%arg30 : memref<!tpu.dma_semaphore, #tpu.memory_space<semaphore_mem>>) src(%arg13 : memref<128x32xf32, #tpu.memory_space<vmem>>) dst(%dma_wait3A_596 : memref<10240x32xf32, #tpu.memory_space<vmem_shared>>)
      } else {
      }
      %ge3A_580 = arith.constant 0 : i32
      %ge3A_581 = arith.cmpi sge, %sub3A_574, %ge3A_580 : i32
      %add3A_582 = arith.constant 8 : i32
      %add3A_583 = arith.addi %sub3A_574, %add3A_582 : i32
      %lt3A_584 = arith.constant 80 : i32
      %lt3A_585 = arith.cmpi slt, %add3A_583, %lt3A_584 : i32
      %and3A_586 = arith.andi %ge3A_581, %lt3A_585 : i1
      %convert_element_type3A_587 = arith.extui %and3A_586 : i1 to i32
      %cond3A_588 = arith.constant 0 : i32
      %cond3A_589 = arith.cmpi ne, %convert_element_type3A_587, %cond3A_588 : i32
      scf.if %cond3A_589 {
        %add3A_590 = arith.constant 8 : i32
        %add3A_591 = arith.addi %sub3A_574, %add3A_590 : i32
        %dma_start3A_592 = arith.constant 0 : i32
        %dma_start3A_593 = tpu.memref_slice %arg8[%add3A_591, %dma_start3A_592] : memref<80x128xi32, #tpu.memory_space<vmem>> -> memref<1x128xi32, #tpu.memory_space<vmem>>
        %dma_start3A_594 = tpu.memref_squeeze %dma_start3A_593 : memref<1x128xi32, #tpu.memory_space<vmem>> -> memref<128xi32, #tpu.memory_space<vmem>>
        %dma_start3A_595 = arith.constant 0 : i32
        %dma_start3A_596 = arith.constant 0 : i32
        %dma_start3A_597 = tpu.memref_slice %arg36[%dma_start3A_595, %dma_start3A_596] : memref<10000x32xf32, #tpu.memory_space<vmem_shared>> -> memref<10000x32xf32, #tpu.memory_space<vmem_shared>>
        tpu.enqueue_indirect_dma source(%dma_start3A_597 : memref<10000x32xf32, #tpu.memory_space<vmem_shared>>) target(%arg13 : memref<128x32xf32, #tpu.memory_space<vmem>>) offsets(%dma_start3A_594 : memref<128xi32, #tpu.memory_space<vmem>>) semaphore(%arg22 : memref<!tpu.dma_semaphore, #tpu.memory_space<semaphore_mem>>)
      } else {
      }
    }
    %scan3A_178 = arith.constant 10 : i32
    %dma_wait3A = arith.constant 0 : i32
    %dma_wait3A_179 = arith.constant 0 : i32
    %dma_wait3A_180 = tpu.memref_slice %arg9[%dma_wait3A, %dma_wait3A_179] : memref<80x128xi32, #tpu.memory_space<vmem>> -> memref<1x128xi32, #tpu.memory_space<vmem>>
    %dma_wait3A_181 = tpu.memref_squeeze %dma_wait3A_180 : memref<1x128xi32, #tpu.memory_space<vmem>> -> memref<128xi32, #tpu.memory_space<vmem>>
    %dma_wait3A_182 = arith.constant 0 : i32
    %dma_wait3A_183 = arith.constant 0 : i32
    %dma_wait3A_184 = tpu.memref_slice %arg35[%dma_wait3A_182, %dma_wait3A_183] : memref<10240x32xf32, #tpu.memory_space<vmem_shared>> -> memref<10240x32xf32, #tpu.memory_space<vmem_shared>>
    tpu.wait_indirect_dma semaphore(%arg31 : memref<!tpu.dma_semaphore, #tpu.memory_space<semaphore_mem>>) src(%arg14 : memref<128x32xf32, #tpu.memory_space<vmem>>) dst(%dma_wait3A_184 : memref<10240x32xf32, #tpu.memory_space<vmem_shared>>)
    %dma_wait3A_185 = arith.constant 0 : i32
    %dma_wait3A_186 = arith.constant 0 : i32
    %dma_wait3A_187 = tpu.memref_slice %arg9[%dma_wait3A_185, %dma_wait3A_186] : memref<80x128xi32, #tpu.memory_space<vmem>> -> memref<1x128xi32, #tpu.memory_space<vmem>>
    %dma_wait3A_188 = tpu.memref_squeeze %dma_wait3A_187 : memref<1x128xi32, #tpu.memory_space<vmem>> -> memref<128xi32, #tpu.memory_space<vmem>>
    %dma_wait3A_189 = arith.constant 0 : i32
    %dma_wait3A_190 = arith.constant 0 : i32
    %dma_wait3A_191 = tpu.memref_slice %arg35[%dma_wait3A_189, %dma_wait3A_190] : memref<10240x32xf32, #tpu.memory_space<vmem_shared>> -> memref<10240x32xf32, #tpu.memory_space<vmem_shared>>
    tpu.wait_indirect_dma semaphore(%arg32 : memref<!tpu.dma_semaphore, #tpu.memory_space<semaphore_mem>>) src(%arg15 : memref<128x32xf32, #tpu.memory_space<vmem>>) dst(%dma_wait3A_191 : memref<10240x32xf32, #tpu.memory_space<vmem_shared>>)
    %dma_wait3A_192 = arith.constant 0 : i32
    %dma_wait3A_193 = arith.constant 0 : i32
    %dma_wait3A_194 = tpu.memref_slice %arg9[%dma_wait3A_192, %dma_wait3A_193] : memref<80x128xi32, #tpu.memory_space<vmem>> -> memref<1x128xi32, #tpu.memory_space<vmem>>
    %dma_wait3A_195 = tpu.memref_squeeze %dma_wait3A_194 : memref<1x128xi32, #tpu.memory_space<vmem>> -> memref<128xi32, #tpu.memory_space<vmem>>
    %dma_wait3A_196 = arith.constant 0 : i32
    %dma_wait3A_197 = arith.constant 0 : i32
    %dma_wait3A_198 = tpu.memref_slice %arg35[%dma_wait3A_196, %dma_wait3A_197] : memref<10240x32xf32, #tpu.memory_space<vmem_shared>> -> memref<10240x32xf32, #tpu.memory_space<vmem_shared>>
    tpu.wait_indirect_dma semaphore(%arg33 : memref<!tpu.dma_semaphore, #tpu.memory_space<semaphore_mem>>) src(%arg16 : memref<128x32xf32, #tpu.memory_space<vmem>>) dst(%dma_wait3A_198 : memref<10240x32xf32, #tpu.memory_space<vmem_shared>>)
    %dma_wait3A_199 = arith.constant 0 : i32
    %dma_wait3A_200 = arith.constant 0 : i32
    %dma_wait3A_201 = tpu.memref_slice %arg9[%dma_wait3A_199, %dma_wait3A_200] : memref<80x128xi32, #tpu.memory_space<vmem>> -> memref<1x128xi32, #tpu.memory_space<vmem>>
    %dma_wait3A_202 = tpu.memref_squeeze %dma_wait3A_201 : memref<1x128xi32, #tpu.memory_space<vmem>> -> memref<128xi32, #tpu.memory_space<vmem>>
    %dma_wait3A_203 = arith.constant 0 : i32
    %dma_wait3A_204 = arith.constant 0 : i32
    %dma_wait3A_205 = tpu.memref_slice %arg35[%dma_wait3A_203, %dma_wait3A_204] : memref<10240x32xf32, #tpu.memory_space<vmem_shared>> -> memref<10240x32xf32, #tpu.memory_space<vmem_shared>>
    tpu.wait_indirect_dma semaphore(%arg34 : memref<!tpu.dma_semaphore, #tpu.memory_space<semaphore_mem>>) src(%arg17 : memref<128x32xf32, #tpu.memory_space<vmem>>) dst(%dma_wait3A_205 : memref<10240x32xf32, #tpu.memory_space<vmem_shared>>)
    %barrier3A_206 = arith.constant 0 : index
    tpu.barrier barrier_id(%barrier3A_206)
    %mul3A_207 = arith.constant 640 : i32
    %mul3A_208 = arith.muli %arg1, %mul3A_207 : i32
    %mul3A_209 = arith.constant 640 : i32
    %mul3A_210 = arith.muli %arg1, %mul3A_209 : i32
    %run_scoped3A = arith.constant 0 : i32
    "tpu.region"() ({
      %run_scoped3A_329 = tpu.sem_alloc : memref<!tpu.dma_semaphore, #tpu.memory_space<semaphore_mem>>
      %dma_start3A_330 = arith.constant 0 : i32
      %dma_start3A_331 = tpu.memref_slice %arg7[%arg0, %run_scoped3A, %mul3A_210, %dma_start3A_330] : memref<2x2x10240x32xf32, #tpu.memory_space<hbm>> -> memref<1x1x640x32xf32, #tpu.memory_space<hbm>>
      %dma_start3A_332 = tpu.memref_squeeze %dma_start3A_331 : memref<1x1x640x32xf32, #tpu.memory_space<hbm>> -> memref<640x32xf32, #tpu.memory_space<hbm>>
      %dma_start3A_333 = arith.constant 0 : i32
      %dma_start3A_334 = tpu.memref_slice %arg35[%mul3A_208, %dma_start3A_333] : memref<10240x32xf32, #tpu.memory_space<vmem_shared>> -> memref<640x32xf32, #tpu.memory_space<vmem_shared>>
      tpu.enqueue_dma source(%dma_start3A_334 : memref<640x32xf32, #tpu.memory_space<vmem_shared>>) target(%dma_start3A_332 : memref<640x32xf32, #tpu.memory_space<hbm>>) target_semaphore(%run_scoped3A_329 : memref<!tpu.dma_semaphore, #tpu.memory_space<semaphore_mem>>)
      %dma_wait3A_335 = arith.constant 0 : i32
      %dma_wait3A_336 = tpu.memref_slice %arg7[%arg0, %run_scoped3A, %mul3A_210, %dma_wait3A_335] : memref<2x2x10240x32xf32, #tpu.memory_space<hbm>> -> memref<1x1x640x32xf32, #tpu.memory_space<hbm>>
      %dma_wait3A_337 = tpu.memref_squeeze %dma_wait3A_336 : memref<1x1x640x32xf32, #tpu.memory_space<hbm>> -> memref<640x32xf32, #tpu.memory_space<hbm>>
      %dma_wait3A_338 = arith.constant 0 : i32
      %dma_wait3A_339 = tpu.memref_slice %arg35[%mul3A_208, %dma_wait3A_338] : memref<10240x32xf32, #tpu.memory_space<vmem_shared>> -> memref<640x32xf32, #tpu.memory_space<vmem_shared>>
      tpu.wait_dma2 semaphore(%run_scoped3A_329 : memref<!tpu.dma_semaphore, #tpu.memory_space<semaphore_mem>>) src(%dma_wait3A_339 : memref<640x32xf32, #tpu.memory_space<vmem_shared>>) dst(%dma_wait3A_337 : memref<640x32xf32, #tpu.memory_space<hbm>>)
      tpu.yield
    }) : () -> ()
    %barrier3A_211 = arith.constant 0 : index
    tpu.barrier barrier_id(%barrier3A_211)
    %mul3A_212 = arith.constant 640 : i32
    %mul3A_213 = arith.muli %arg1, %mul3A_212 : i32
    %add3A_214 = arith.constant 0 : i32
    %add3A_215 = arith.addi %mul3A_213, %add3A_214 : i32
    "tpu.region"() ({
      %run_scoped3A_329 = tpu.sem_alloc : memref<!tpu.dma_semaphore, #tpu.memory_space<semaphore_mem>>
      %dma_start3A_330 = arith.constant 0 : i32
      %dma_start3A_331 = tpu.memref_slice %arg35[%add3A_215, %dma_start3A_330] : memref<10240x32xf32, #tpu.memory_space<vmem_shared>> -> memref<128x32xf32, #tpu.memory_space<vmem_shared>>
      %dma_start3A_332 = arith.constant 0 : i32
      %dma_start3A_333 = tpu.memref_slice %arg35[%add3A_215, %dma_start3A_332] : memref<10240x32xf32, #tpu.memory_space<vmem_shared>> -> memref<128x32xf32, #tpu.memory_space<vmem_shared>>
      tpu.enqueue_dma source(%arg18 : memref<128x32xf32, #tpu.memory_space<vmem>>) target(%dma_start3A_333 : memref<128x32xf32, #tpu.memory_space<vmem_shared>>) target_semaphore(%run_scoped3A_329 : memref<!tpu.dma_semaphore, #tpu.memory_space<semaphore_mem>>)
      %dma_wait3A_334 = arith.constant 0 : i32
      %dma_wait3A_335 = tpu.memref_slice %arg35[%add3A_215, %dma_wait3A_334] : memref<10240x32xf32, #tpu.memory_space<vmem_shared>> -> memref<128x32xf32, #tpu.memory_space<vmem_shared>>
      %dma_wait3A_336 = arith.constant 0 : i32
      %dma_wait3A_337 = tpu.memref_slice %arg35[%add3A_215, %dma_wait3A_336] : memref<10240x32xf32, #tpu.memory_space<vmem_shared>> -> memref<128x32xf32, #tpu.memory_space<vmem_shared>>
      tpu.wait_dma2 semaphore(%run_scoped3A_329 : memref<!tpu.dma_semaphore, #tpu.memory_space<semaphore_mem>>) src(%arg18 : memref<128x32xf32, #tpu.memory_space<vmem>>) dst(%dma_wait3A_337 : memref<128x32xf32, #tpu.memory_space<vmem_shared>>)
      tpu.yield
    }) : () -> ()
    %mul3A_216 = arith.constant 640 : i32
    %mul3A_217 = arith.muli %arg1, %mul3A_216 : i32
    %add3A_218 = arith.constant 128 : i32
    %add3A_219 = arith.addi %mul3A_217, %add3A_218 : i32
    "tpu.region"() ({
      %run_scoped3A_329 = tpu.sem_alloc : memref<!tpu.dma_semaphore, #tpu.memory_space<semaphore_mem>>
      %dma_start3A_330 = arith.constant 0 : i32
      %dma_start3A_331 = tpu.memref_slice %arg35[%add3A_219, %dma_start3A_330] : memref<10240x32xf32, #tpu.memory_space<vmem_shared>> -> memref<128x32xf32, #tpu.memory_space<vmem_shared>>
      %dma_start3A_332 = arith.constant 0 : i32
      %dma_start3A_333 = tpu.memref_slice %arg35[%add3A_219, %dma_start3A_332] : memref<10240x32xf32, #tpu.memory_space<vmem_shared>> -> memref<128x32xf32, #tpu.memory_space<vmem_shared>>
      tpu.enqueue_dma source(%arg18 : memref<128x32xf32, #tpu.memory_space<vmem>>) target(%dma_start3A_333 : memref<128x32xf32, #tpu.memory_space<vmem_shared>>) target_semaphore(%run_scoped3A_329 : memref<!tpu.dma_semaphore, #tpu.memory_space<semaphore_mem>>)
      %dma_wait3A_334 = arith.constant 0 : i32
      %dma_wait3A_335 = tpu.memref_slice %arg35[%add3A_219, %dma_wait3A_334] : memref<10240x32xf32, #tpu.memory_space<vmem_shared>> -> memref<128x32xf32, #tpu.memory_space<vmem_shared>>
      %dma_wait3A_336 = arith.constant 0 : i32
      %dma_wait3A_337 = tpu.memref_slice %arg35[%add3A_219, %dma_wait3A_336] : memref<10240x32xf32, #tpu.memory_space<vmem_shared>> -> memref<128x32xf32, #tpu.memory_space<vmem_shared>>
      tpu.wait_dma2 semaphore(%run_scoped3A_329 : memref<!tpu.dma_semaphore, #tpu.memory_space<semaphore_mem>>) src(%arg18 : memref<128x32xf32, #tpu.memory_space<vmem>>) dst(%dma_wait3A_337 : memref<128x32xf32, #tpu.memory_space<vmem_shared>>)
      tpu.yield
    }) : () -> ()
    %mul3A_220 = arith.constant 640 : i32
    %mul3A_221 = arith.muli %arg1, %mul3A_220 : i32
    %add3A_222 = arith.constant 256 : i32
    %add3A_223 = arith.addi %mul3A_221, %add3A_222 : i32
    "tpu.region"() ({
      %run_scoped3A_329 = tpu.sem_alloc : memref<!tpu.dma_semaphore, #tpu.memory_space<semaphore_mem>>
      %dma_start3A_330 = arith.constant 0 : i32
      %dma_start3A_331 = tpu.memref_slice %arg35[%add3A_223, %dma_start3A_330] : memref<10240x32xf32, #tpu.memory_space<vmem_shared>> -> memref<128x32xf32, #tpu.memory_space<vmem_shared>>
      %dma_start3A_332 = arith.constant 0 : i32
      %dma_start3A_333 = tpu.memref_slice %arg35[%add3A_223, %dma_start3A_332] : memref<10240x32xf32, #tpu.memory_space<vmem_shared>> -> memref<128x32xf32, #tpu.memory_space<vmem_shared>>
      tpu.enqueue_dma source(%arg18 : memref<128x32xf32, #tpu.memory_space<vmem>>) target(%dma_start3A_333 : memref<128x32xf32, #tpu.memory_space<vmem_shared>>) target_semaphore(%run_scoped3A_329 : memref<!tpu.dma_semaphore, #tpu.memory_space<semaphore_mem>>)
      %dma_wait3A_334 = arith.constant 0 : i32
      %dma_wait3A_335 = tpu.memref_slice %arg35[%add3A_223, %dma_wait3A_334] : memref<10240x32xf32, #tpu.memory_space<vmem_shared>> -> memref<128x32xf32, #tpu.memory_space<vmem_shared>>
      %dma_wait3A_336 = arith.constant 0 : i32
      %dma_wait3A_337 = tpu.memref_slice %arg35[%add3A_223, %dma_wait3A_336] : memref<10240x32xf32, #tpu.memory_space<vmem_shared>> -> memref<128x32xf32, #tpu.memory_space<vmem_shared>>
      tpu.wait_dma2 semaphore(%run_scoped3A_329 : memref<!tpu.dma_semaphore, #tpu.memory_space<semaphore_mem>>) src(%arg18 : memref<128x32xf32, #tpu.memory_space<vmem>>) dst(%dma_wait3A_337 : memref<128x32xf32, #tpu.memory_space<vmem_shared>>)
      tpu.yield
    }) : () -> ()
    %mul3A_224 = arith.constant 640 : i32
    %mul3A_225 = arith.muli %arg1, %mul3A_224 : i32
    %add3A_226 = arith.constant 384 : i32
    %add3A_227 = arith.addi %mul3A_225, %add3A_226 : i32
    "tpu.region"() ({
      %run_scoped3A_329 = tpu.sem_alloc : memref<!tpu.dma_semaphore, #tpu.memory_space<semaphore_mem>>
      %dma_start3A_330 = arith.constant 0 : i32
      %dma_start3A_331 = tpu.memref_slice %arg35[%add3A_227, %dma_start3A_330] : memref<10240x32xf32, #tpu.memory_space<vmem_shared>> -> memref<128x32xf32, #tpu.memory_space<vmem_shared>>
      %dma_start3A_332 = arith.constant 0 : i32
      %dma_start3A_333 = tpu.memref_slice %arg35[%add3A_227, %dma_start3A_332] : memref<10240x32xf32, #tpu.memory_space<vmem_shared>> -> memref<128x32xf32, #tpu.memory_space<vmem_shared>>
      tpu.enqueue_dma source(%arg18 : memref<128x32xf32, #tpu.memory_space<vmem>>) target(%dma_start3A_333 : memref<128x32xf32, #tpu.memory_space<vmem_shared>>) target_semaphore(%run_scoped3A_329 : memref<!tpu.dma_semaphore, #tpu.memory_space<semaphore_mem>>)
      %dma_wait3A_334 = arith.constant 0 : i32
      %dma_wait3A_335 = tpu.memref_slice %arg35[%add3A_227, %dma_wait3A_334] : memref<10240x32xf32, #tpu.memory_space<vmem_shared>> -> memref<128x32xf32, #tpu.memory_space<vmem_shared>>
      %dma_wait3A_336 = arith.constant 0 : i32
      %dma_wait3A_337 = tpu.memref_slice %arg35[%add3A_227, %dma_wait3A_336] : memref<10240x32xf32, #tpu.memory_space<vmem_shared>> -> memref<128x32xf32, #tpu.memory_space<vmem_shared>>
      tpu.wait_dma2 semaphore(%run_scoped3A_329 : memref<!tpu.dma_semaphore, #tpu.memory_space<semaphore_mem>>) src(%arg18 : memref<128x32xf32, #tpu.memory_space<vmem>>) dst(%dma_wait3A_337 : memref<128x32xf32, #tpu.memory_space<vmem_shared>>)
      tpu.yield
    }) : () -> ()
    %mul3A_228 = arith.constant 640 : i32
    %mul3A_229 = arith.muli %arg1, %mul3A_228 : i32
    %add3A_230 = arith.constant 512 : i32
    %add3A_231 = arith.addi %mul3A_229, %add3A_230 : i32
    "tpu.region"() ({
      %run_scoped3A_329 = tpu.sem_alloc : memref<!tpu.dma_semaphore, #tpu.memory_space<semaphore_mem>>
      %dma_start3A_330 = arith.constant 0 : i32
      %dma_start3A_331 = tpu.memref_slice %arg35[%add3A_231, %dma_start3A_330] : memref<10240x32xf32, #tpu.memory_space<vmem_shared>> -> memref<128x32xf32, #tpu.memory_space<vmem_shared>>
      %dma_start3A_332 = arith.constant 0 : i32
      %dma_start3A_333 = tpu.memref_slice %arg35[%add3A_231, %dma_start3A_332] : memref<10240x32xf32, #tpu.memory_space<vmem_shared>> -> memref<128x32xf32, #tpu.memory_space<vmem_shared>>
      tpu.enqueue_dma source(%arg18 : memref<128x32xf32, #tpu.memory_space<vmem>>) target(%dma_start3A_333 : memref<128x32xf32, #tpu.memory_space<vmem_shared>>) target_semaphore(%run_scoped3A_329 : memref<!tpu.dma_semaphore, #tpu.memory_space<semaphore_mem>>)
      %dma_wait3A_334 = arith.constant 0 : i32
      %dma_wait3A_335 = tpu.memref_slice %arg35[%add3A_231, %dma_wait3A_334] : memref<10240x32xf32, #tpu.memory_space<vmem_shared>> -> memref<128x32xf32, #tpu.memory_space<vmem_shared>>
      %dma_wait3A_336 = arith.constant 0 : i32
      %dma_wait3A_337 = tpu.memref_slice %arg35[%add3A_231, %dma_wait3A_336] : memref<10240x32xf32, #tpu.memory_space<vmem_shared>> -> memref<128x32xf32, #tpu.memory_space<vmem_shared>>
      tpu.wait_dma2 semaphore(%run_scoped3A_329 : memref<!tpu.dma_semaphore, #tpu.memory_space<semaphore_mem>>) src(%arg18 : memref<128x32xf32, #tpu.memory_space<vmem>>) dst(%dma_wait3A_337 : memref<128x32xf32, #tpu.memory_space<vmem_shared>>)
      tpu.yield
    }) : () -> ()
    %barrier3A_232 = arith.constant 0 : index
    tpu.barrier barrier_id(%barrier3A_232)
    %dma_start3A_233 = arith.constant 0 : i32
    %dma_start3A_234 = arith.constant 0 : i32
    %dma_start3A_235 = tpu.memref_slice %arg8[%dma_start3A_233, %dma_start3A_234] : memref<80x128xi32, #tpu.memory_space<vmem>> -> memref<1x128xi32, #tpu.memory_space<vmem>>
    %dma_start3A_236 = tpu.memref_squeeze %dma_start3A_235 : memref<1x128xi32, #tpu.memory_space<vmem>> -> memref<128xi32, #tpu.memory_space<vmem>>
    %dma_start3A_237 = arith.constant 0 : i32
    %dma_start3A_238 = arith.constant 0 : i32
    %dma_start3A_239 = tpu.memref_slice %arg37[%dma_start3A_237, %dma_start3A_238] : memref<10000x32xf32, #tpu.memory_space<vmem_shared>> -> memref<10000x32xf32, #tpu.memory_space<vmem_shared>>
    tpu.enqueue_indirect_dma source(%dma_start3A_239 : memref<10000x32xf32, #tpu.memory_space<vmem_shared>>) target(%arg10 : memref<128x32xf32, #tpu.memory_space<vmem>>) offsets(%dma_start3A_236 : memref<128xi32, #tpu.memory_space<vmem>>) semaphore(%arg19 : memref<!tpu.dma_semaphore, #tpu.memory_space<semaphore_mem>>)
    %dma_start3A_240 = arith.constant 1 : i32
    %dma_start3A_241 = arith.constant 0 : i32
    %dma_start3A_242 = tpu.memref_slice %arg8[%dma_start3A_240, %dma_start3A_241] : memref<80x128xi32, #tpu.memory_space<vmem>> -> memref<1x128xi32, #tpu.memory_space<vmem>>
    %dma_start3A_243 = tpu.memref_squeeze %dma_start3A_242 : memref<1x128xi32, #tpu.memory_space<vmem>> -> memref<128xi32, #tpu.memory_space<vmem>>
    %dma_start3A_244 = arith.constant 0 : i32
    %dma_start3A_245 = arith.constant 0 : i32
    %dma_start3A_246 = tpu.memref_slice %arg37[%dma_start3A_244, %dma_start3A_245] : memref<10000x32xf32, #tpu.memory_space<vmem_shared>> -> memref<10000x32xf32, #tpu.memory_space<vmem_shared>>
    tpu.enqueue_indirect_dma source(%dma_start3A_246 : memref<10000x32xf32, #tpu.memory_space<vmem_shared>>) target(%arg11 : memref<128x32xf32, #tpu.memory_space<vmem>>) offsets(%dma_start3A_243 : memref<128xi32, #tpu.memory_space<vmem>>) semaphore(%arg20 : memref<!tpu.dma_semaphore, #tpu.memory_space<semaphore_mem>>)
    %dma_start3A_247 = arith.constant 2 : i32
    %dma_start3A_248 = arith.constant 0 : i32
    %dma_start3A_249 = tpu.memref_slice %arg8[%dma_start3A_247, %dma_start3A_248] : memref<80x128xi32, #tpu.memory_space<vmem>> -> memref<1x128xi32, #tpu.memory_space<vmem>>
    %dma_start3A_250 = tpu.memref_squeeze %dma_start3A_249 : memref<1x128xi32, #tpu.memory_space<vmem>> -> memref<128xi32, #tpu.memory_space<vmem>>
    %dma_start3A_251 = arith.constant 0 : i32
    %dma_start3A_252 = arith.constant 0 : i32
    %dma_start3A_253 = tpu.memref_slice %arg37[%dma_start3A_251, %dma_start3A_252] : memref<10000x32xf32, #tpu.memory_space<vmem_shared>> -> memref<10000x32xf32, #tpu.memory_space<vmem_shared>>
    tpu.enqueue_indirect_dma source(%dma_start3A_253 : memref<10000x32xf32, #tpu.memory_space<vmem_shared>>) target(%arg12 : memref<128x32xf32, #tpu.memory_space<vmem>>) offsets(%dma_start3A_250 : memref<128xi32, #tpu.memory_space<vmem>>) semaphore(%arg21 : memref<!tpu.dma_semaphore, #tpu.memory_space<semaphore_mem>>)
    %dma_start3A_254 = arith.constant 3 : i32
    %dma_start3A_255 = arith.constant 0 : i32
    %dma_start3A_256 = tpu.memref_slice %arg8[%dma_start3A_254, %dma_start3A_255] : memref<80x128xi32, #tpu.memory_space<vmem>> -> memref<1x128xi32, #tpu.memory_space<vmem>>
    %dma_start3A_257 = tpu.memref_squeeze %dma_start3A_256 : memref<1x128xi32, #tpu.memory_space<vmem>> -> memref<128xi32, #tpu.memory_space<vmem>>
    %dma_start3A_258 = arith.constant 0 : i32
    %dma_start3A_259 = arith.constant 0 : i32
    %dma_start3A_260 = tpu.memref_slice %arg37[%dma_start3A_258, %dma_start3A_259] : memref<10000x32xf32, #tpu.memory_space<vmem_shared>> -> memref<10000x32xf32, #tpu.memory_space<vmem_shared>>
    tpu.enqueue_indirect_dma source(%dma_start3A_260 : memref<10000x32xf32, #tpu.memory_space<vmem_shared>>) target(%arg13 : memref<128x32xf32, #tpu.memory_space<vmem>>) offsets(%dma_start3A_257 : memref<128xi32, #tpu.memory_space<vmem>>) semaphore(%arg22 : memref<!tpu.dma_semaphore, #tpu.memory_space<semaphore_mem>>)
    %dma_start3A_261 = arith.constant 4 : i32
    %dma_start3A_262 = arith.constant 0 : i32
    %dma_start3A_263 = tpu.memref_slice %arg8[%dma_start3A_261, %dma_start3A_262] : memref<80x128xi32, #tpu.memory_space<vmem>> -> memref<1x128xi32, #tpu.memory_space<vmem>>
    %dma_start3A_264 = tpu.memref_squeeze %dma_start3A_263 : memref<1x128xi32, #tpu.memory_space<vmem>> -> memref<128xi32, #tpu.memory_space<vmem>>
    %dma_start3A_265 = arith.constant 0 : i32
    %dma_start3A_266 = arith.constant 0 : i32
    %dma_start3A_267 = tpu.memref_slice %arg37[%dma_start3A_265, %dma_start3A_266] : memref<10000x32xf32, #tpu.memory_space<vmem_shared>> -> memref<10000x32xf32, #tpu.memory_space<vmem_shared>>
    tpu.enqueue_indirect_dma source(%dma_start3A_267 : memref<10000x32xf32, #tpu.memory_space<vmem_shared>>) target(%arg14 : memref<128x32xf32, #tpu.memory_space<vmem>>) offsets(%dma_start3A_264 : memref<128xi32, #tpu.memory_space<vmem>>) semaphore(%arg23 : memref<!tpu.dma_semaphore, #tpu.memory_space<semaphore_mem>>)
    %dma_start3A_268 = arith.constant 5 : i32
    %dma_start3A_269 = arith.constant 0 : i32
    %dma_start3A_270 = tpu.memref_slice %arg8[%dma_start3A_268, %dma_start3A_269] : memref<80x128xi32, #tpu.memory_space<vmem>> -> memref<1x128xi32, #tpu.memory_space<vmem>>
    %dma_start3A_271 = tpu.memref_squeeze %dma_start3A_270 : memref<1x128xi32, #tpu.memory_space<vmem>> -> memref<128xi32, #tpu.memory_space<vmem>>
    %dma_start3A_272 = arith.constant 0 : i32
    %dma_start3A_273 = arith.constant 0 : i32
    %dma_start3A_274 = tpu.memref_slice %arg37[%dma_start3A_272, %dma_start3A_273] : memref<10000x32xf32, #tpu.memory_space<vmem_shared>> -> memref<10000x32xf32, #tpu.memory_space<vmem_shared>>
    tpu.enqueue_indirect_dma source(%dma_start3A_274 : memref<10000x32xf32, #tpu.memory_space<vmem_shared>>) target(%arg15 : memref<128x32xf32, #tpu.memory_space<vmem>>) offsets(%dma_start3A_271 : memref<128xi32, #tpu.memory_space<vmem>>) semaphore(%arg24 : memref<!tpu.dma_semaphore, #tpu.memory_space<semaphore_mem>>)
    %dma_start3A_275 = arith.constant 6 : i32
    %dma_start3A_276 = arith.constant 0 : i32
    %dma_start3A_277 = tpu.memref_slice %arg8[%dma_start3A_275, %dma_start3A_276] : memref<80x128xi32, #tpu.memory_space<vmem>> -> memref<1x128xi32, #tpu.memory_space<vmem>>
    %dma_start3A_278 = tpu.memref_squeeze %dma_start3A_277 : memref<1x128xi32, #tpu.memory_space<vmem>> -> memref<128xi32, #tpu.memory_space<vmem>>
    %dma_start3A_279 = arith.constant 0 : i32
    %dma_start3A_280 = arith.constant 0 : i32
    %dma_start3A_281 = tpu.memref_slice %arg37[%dma_start3A_279, %dma_start3A_280] : memref<10000x32xf32, #tpu.memory_space<vmem_shared>> -> memref<10000x32xf32, #tpu.memory_space<vmem_shared>>
    tpu.enqueue_indirect_dma source(%dma_start3A_281 : memref<10000x32xf32, #tpu.memory_space<vmem_shared>>) target(%arg16 : memref<128x32xf32, #tpu.memory_space<vmem>>) offsets(%dma_start3A_278 : memref<128xi32, #tpu.memory_space<vmem>>) semaphore(%arg25 : memref<!tpu.dma_semaphore, #tpu.memory_space<semaphore_mem>>)
    %dma_start3A_282 = arith.constant 7 : i32
    %dma_start3A_283 = arith.constant 0 : i32
    %dma_start3A_284 = tpu.memref_slice %arg8[%dma_start3A_282, %dma_start3A_283] : memref<80x128xi32, #tpu.memory_space<vmem>> -> memref<1x128xi32, #tpu.memory_space<vmem>>
    %dma_start3A_285 = tpu.memref_squeeze %dma_start3A_284 : memref<1x128xi32, #tpu.memory_space<vmem>> -> memref<128xi32, #tpu.memory_space<vmem>>
    %dma_start3A_286 = arith.constant 0 : i32
    %dma_start3A_287 = arith.constant 0 : i32
    %dma_start3A_288 = tpu.memref_slice %arg37[%dma_start3A_286, %dma_start3A_287] : memref<10000x32xf32, #tpu.memory_space<vmem_shared>> -> memref<10000x32xf32, #tpu.memory_space<vmem_shared>>
    tpu.enqueue_indirect_dma source(%dma_start3A_288 : memref<10000x32xf32, #tpu.memory_space<vmem_shared>>) target(%arg17 : memref<128x32xf32, #tpu.memory_space<vmem>>) offsets(%dma_start3A_285 : memref<128xi32, #tpu.memory_space<vmem>>) semaphore(%arg26 : memref<!tpu.dma_semaphore, #tpu.memory_space<semaphore_mem>>)
    %scan3A_289 = arith.constant 0 : i32
    %scan3A_290 = arith.constant 0 : i32
    %scan3A_291 = arith.constant 10 : i32
    %scan3A_292 = arith.addi %scan3A_290, %scan3A_291 : i32
    %scan3A_293 = arith.constant 1 : i32
    scf.for %scan3A_329 = %scan3A_290 to %scan3A_292 step %scan3A_293  : i32 {
      %mul3A_330 = arith.constant 8 : i32
      %mul3A_331 = arith.muli %scan3A_329, %mul3A_330 : i32
      %add3A_332 = arith.constant 0 : i32
      %add3A_333 = arith.addi %mul3A_331, %add3A_332 : i32
      %dma_wait3A_334 = arith.constant 0 : i32
      %dma_wait3A_335 = tpu.memref_slice %arg8[%add3A_333, %dma_wait3A_334] : memref<80x128xi32, #tpu.memory_space<vmem>> -> memref<1x128xi32, #tpu.memory_space<vmem>>
      %dma_wait3A_336 = tpu.memref_squeeze %dma_wait3A_335 : memref<1x128xi32, #tpu.memory_space<vmem>> -> memref<128xi32, #tpu.memory_space<vmem>>
      %dma_wait3A_337 = arith.constant 0 : i32
      %dma_wait3A_338 = arith.constant 0 : i32
      %dma_wait3A_339 = tpu.memref_slice %arg37[%dma_wait3A_337, %dma_wait3A_338] : memref<10000x32xf32, #tpu.memory_space<vmem_shared>> -> memref<10000x32xf32, #tpu.memory_space<vmem_shared>>
      tpu.wait_indirect_dma semaphore(%arg19 : memref<!tpu.dma_semaphore, #tpu.memory_space<semaphore_mem>>) src(%dma_wait3A_339 : memref<10000x32xf32, #tpu.memory_space<vmem_shared>>) dst(%arg10 : memref<128x32xf32, #tpu.memory_space<vmem>>)
      %dma_start3A_340 = arith.constant 0 : i32
      %dma_start3A_341 = tpu.memref_slice %arg9[%add3A_333, %dma_start3A_340] : memref<80x128xi32, #tpu.memory_space<vmem>> -> memref<1x128xi32, #tpu.memory_space<vmem>>
      %dma_start3A_342 = tpu.memref_squeeze %dma_start3A_341 : memref<1x128xi32, #tpu.memory_space<vmem>> -> memref<128xi32, #tpu.memory_space<vmem>>
      %dma_start3A_343 = arith.constant 0 : i32
      %dma_start3A_344 = arith.constant 0 : i32
      %dma_start3A_345 = tpu.memref_slice %arg35[%dma_start3A_343, %dma_start3A_344] : memref<10240x32xf32, #tpu.memory_space<vmem_shared>> -> memref<10240x32xf32, #tpu.memory_space<vmem_shared>>
      tpu.enqueue_indirect_dma source(%arg10 : memref<128x32xf32, #tpu.memory_space<vmem>>) target(%dma_start3A_345 : memref<10240x32xf32, #tpu.memory_space<vmem_shared>>) offsets(%dma_start3A_342 : memref<128xi32, #tpu.memory_space<vmem>>) semaphore(%arg27 : memref<!tpu.dma_semaphore, #tpu.memory_space<semaphore_mem>>) {add = true}
      %sub3A = arith.constant 4 : i32
      %sub3A_346 = arith.subi %add3A_333, %sub3A : i32
      %ge3A = arith.constant 0 : i32
      %ge3A_347 = arith.cmpi sge, %sub3A_346, %ge3A : i32
      %convert_element_type3A_348 = arith.extui %ge3A_347 : i1 to i32
      %cond3A_349 = arith.constant 0 : i32
      %cond3A_350 = arith.cmpi ne, %convert_element_type3A_348, %cond3A_349 : i32
      scf.if %cond3A_350 {
        %dma_wait3A_590 = arith.constant 0 : i32
        %dma_wait3A_591 = arith.constant 0 : i32
        %dma_wait3A_592 = tpu.memref_slice %arg9[%dma_wait3A_590, %dma_wait3A_591] : memref<80x128xi32, #tpu.memory_space<vmem>> -> memref<1x128xi32, #tpu.memory_space<vmem>>
        %dma_wait3A_593 = tpu.memref_squeeze %dma_wait3A_592 : memref<1x128xi32, #tpu.memory_space<vmem>> -> memref<128xi32, #tpu.memory_space<vmem>>
        %dma_wait3A_594 = arith.constant 0 : i32
        %dma_wait3A_595 = arith.constant 0 : i32
        %dma_wait3A_596 = tpu.memref_slice %arg35[%dma_wait3A_594, %dma_wait3A_595] : memref<10240x32xf32, #tpu.memory_space<vmem_shared>> -> memref<10240x32xf32, #tpu.memory_space<vmem_shared>>
        tpu.wait_indirect_dma semaphore(%arg31 : memref<!tpu.dma_semaphore, #tpu.memory_space<semaphore_mem>>) src(%arg14 : memref<128x32xf32, #tpu.memory_space<vmem>>) dst(%dma_wait3A_596 : memref<10240x32xf32, #tpu.memory_space<vmem_shared>>)
      } else {
      }
      %ge3A_351 = arith.constant 0 : i32
      %ge3A_352 = arith.cmpi sge, %sub3A_346, %ge3A_351 : i32
      %add3A_353 = arith.constant 8 : i32
      %add3A_354 = arith.addi %sub3A_346, %add3A_353 : i32
      %lt3A = arith.constant 80 : i32
      %lt3A_355 = arith.cmpi slt, %add3A_354, %lt3A : i32
      %and3A = arith.andi %ge3A_352, %lt3A_355 : i1
      %convert_element_type3A_356 = arith.extui %and3A : i1 to i32
      %cond3A_357 = arith.constant 0 : i32
      %cond3A_358 = arith.cmpi ne, %convert_element_type3A_356, %cond3A_357 : i32
      scf.if %cond3A_358 {
        %add3A_590 = arith.constant 8 : i32
        %add3A_591 = arith.addi %sub3A_346, %add3A_590 : i32
        %dma_start3A_592 = arith.constant 0 : i32
        %dma_start3A_593 = tpu.memref_slice %arg8[%add3A_591, %dma_start3A_592] : memref<80x128xi32, #tpu.memory_space<vmem>> -> memref<1x128xi32, #tpu.memory_space<vmem>>
        %dma_start3A_594 = tpu.memref_squeeze %dma_start3A_593 : memref<1x128xi32, #tpu.memory_space<vmem>> -> memref<128xi32, #tpu.memory_space<vmem>>
        %dma_start3A_595 = arith.constant 0 : i32
        %dma_start3A_596 = arith.constant 0 : i32
        %dma_start3A_597 = tpu.memref_slice %arg37[%dma_start3A_595, %dma_start3A_596] : memref<10000x32xf32, #tpu.memory_space<vmem_shared>> -> memref<10000x32xf32, #tpu.memory_space<vmem_shared>>
        tpu.enqueue_indirect_dma source(%dma_start3A_597 : memref<10000x32xf32, #tpu.memory_space<vmem_shared>>) target(%arg14 : memref<128x32xf32, #tpu.memory_space<vmem>>) offsets(%dma_start3A_594 : memref<128xi32, #tpu.memory_space<vmem>>) semaphore(%arg23 : memref<!tpu.dma_semaphore, #tpu.memory_space<semaphore_mem>>)
      } else {
      }
      %mul3A_359 = arith.constant 8 : i32
      %mul3A_360 = arith.muli %scan3A_329, %mul3A_359 : i32
      %add3A_361 = arith.constant 1 : i32
      %add3A_362 = arith.addi %mul3A_360, %add3A_361 : i32
      %dma_wait3A_363 = arith.constant 0 : i32
      %dma_wait3A_364 = tpu.memref_slice %arg8[%add3A_362, %dma_wait3A_363] : memref<80x128xi32, #tpu.memory_space<vmem>> -> memref<1x128xi32, #tpu.memory_space<vmem>>
      %dma_wait3A_365 = tpu.memref_squeeze %dma_wait3A_364 : memref<1x128xi32, #tpu.memory_space<vmem>> -> memref<128xi32, #tpu.memory_space<vmem>>
      %dma_wait3A_366 = arith.constant 0 : i32
      %dma_wait3A_367 = arith.constant 0 : i32
      %dma_wait3A_368 = tpu.memref_slice %arg37[%dma_wait3A_366, %dma_wait3A_367] : memref<10000x32xf32, #tpu.memory_space<vmem_shared>> -> memref<10000x32xf32, #tpu.memory_space<vmem_shared>>
      tpu.wait_indirect_dma semaphore(%arg20 : memref<!tpu.dma_semaphore, #tpu.memory_space<semaphore_mem>>) src(%dma_wait3A_368 : memref<10000x32xf32, #tpu.memory_space<vmem_shared>>) dst(%arg11 : memref<128x32xf32, #tpu.memory_space<vmem>>)
      %dma_start3A_369 = arith.constant 0 : i32
      %dma_start3A_370 = tpu.memref_slice %arg9[%add3A_362, %dma_start3A_369] : memref<80x128xi32, #tpu.memory_space<vmem>> -> memref<1x128xi32, #tpu.memory_space<vmem>>
      %dma_start3A_371 = tpu.memref_squeeze %dma_start3A_370 : memref<1x128xi32, #tpu.memory_space<vmem>> -> memref<128xi32, #tpu.memory_space<vmem>>
      %dma_start3A_372 = arith.constant 0 : i32
      %dma_start3A_373 = arith.constant 0 : i32
      %dma_start3A_374 = tpu.memref_slice %arg35[%dma_start3A_372, %dma_start3A_373] : memref<10240x32xf32, #tpu.memory_space<vmem_shared>> -> memref<10240x32xf32, #tpu.memory_space<vmem_shared>>
      tpu.enqueue_indirect_dma source(%arg11 : memref<128x32xf32, #tpu.memory_space<vmem>>) target(%dma_start3A_374 : memref<10240x32xf32, #tpu.memory_space<vmem_shared>>) offsets(%dma_start3A_371 : memref<128xi32, #tpu.memory_space<vmem>>) semaphore(%arg28 : memref<!tpu.dma_semaphore, #tpu.memory_space<semaphore_mem>>) {add = true}
      %sub3A_375 = arith.constant 4 : i32
      %sub3A_376 = arith.subi %add3A_362, %sub3A_375 : i32
      %ge3A_377 = arith.constant 0 : i32
      %ge3A_378 = arith.cmpi sge, %sub3A_376, %ge3A_377 : i32
      %convert_element_type3A_379 = arith.extui %ge3A_378 : i1 to i32
      %cond3A_380 = arith.constant 0 : i32
      %cond3A_381 = arith.cmpi ne, %convert_element_type3A_379, %cond3A_380 : i32
      scf.if %cond3A_381 {
        %dma_wait3A_590 = arith.constant 0 : i32
        %dma_wait3A_591 = arith.constant 0 : i32
        %dma_wait3A_592 = tpu.memref_slice %arg9[%dma_wait3A_590, %dma_wait3A_591] : memref<80x128xi32, #tpu.memory_space<vmem>> -> memref<1x128xi32, #tpu.memory_space<vmem>>
        %dma_wait3A_593 = tpu.memref_squeeze %dma_wait3A_592 : memref<1x128xi32, #tpu.memory_space<vmem>> -> memref<128xi32, #tpu.memory_space<vmem>>
        %dma_wait3A_594 = arith.constant 0 : i32
        %dma_wait3A_595 = arith.constant 0 : i32
        %dma_wait3A_596 = tpu.memref_slice %arg35[%dma_wait3A_594, %dma_wait3A_595] : memref<10240x32xf32, #tpu.memory_space<vmem_shared>> -> memref<10240x32xf32, #tpu.memory_space<vmem_shared>>
        tpu.wait_indirect_dma semaphore(%arg32 : memref<!tpu.dma_semaphore, #tpu.memory_space<semaphore_mem>>) src(%arg15 : memref<128x32xf32, #tpu.memory_space<vmem>>) dst(%dma_wait3A_596 : memref<10240x32xf32, #tpu.memory_space<vmem_shared>>)
      } else {
      }
      %ge3A_382 = arith.constant 0 : i32
      %ge3A_383 = arith.cmpi sge, %sub3A_376, %ge3A_382 : i32
      %add3A_384 = arith.constant 8 : i32
      %add3A_385 = arith.addi %sub3A_376, %add3A_384 : i32
      %lt3A_386 = arith.constant 80 : i32
      %lt3A_387 = arith.cmpi slt, %add3A_385, %lt3A_386 : i32
      %and3A_388 = arith.andi %ge3A_383, %lt3A_387 : i1
      %convert_element_type3A_389 = arith.extui %and3A_388 : i1 to i32
      %cond3A_390 = arith.constant 0 : i32
      %cond3A_391 = arith.cmpi ne, %convert_element_type3A_389, %cond3A_390 : i32
      scf.if %cond3A_391 {
        %add3A_590 = arith.constant 8 : i32
        %add3A_591 = arith.addi %sub3A_376, %add3A_590 : i32
        %dma_start3A_592 = arith.constant 0 : i32
        %dma_start3A_593 = tpu.memref_slice %arg8[%add3A_591, %dma_start3A_592] : memref<80x128xi32, #tpu.memory_space<vmem>> -> memref<1x128xi32, #tpu.memory_space<vmem>>
        %dma_start3A_594 = tpu.memref_squeeze %dma_start3A_593 : memref<1x128xi32, #tpu.memory_space<vmem>> -> memref<128xi32, #tpu.memory_space<vmem>>
        %dma_start3A_595 = arith.constant 0 : i32
        %dma_start3A_596 = arith.constant 0 : i32
        %dma_start3A_597 = tpu.memref_slice %arg37[%dma_start3A_595, %dma_start3A_596] : memref<10000x32xf32, #tpu.memory_space<vmem_shared>> -> memref<10000x32xf32, #tpu.memory_space<vmem_shared>>
        tpu.enqueue_indirect_dma source(%dma_start3A_597 : memref<10000x32xf32, #tpu.memory_space<vmem_shared>>) target(%arg15 : memref<128x32xf32, #tpu.memory_space<vmem>>) offsets(%dma_start3A_594 : memref<128xi32, #tpu.memory_space<vmem>>) semaphore(%arg24 : memref<!tpu.dma_semaphore, #tpu.memory_space<semaphore_mem>>)
      } else {
      }
      %mul3A_392 = arith.constant 8 : i32
      %mul3A_393 = arith.muli %scan3A_329, %mul3A_392 : i32
      %add3A_394 = arith.constant 2 : i32
      %add3A_395 = arith.addi %mul3A_393, %add3A_394 : i32
      %dma_wait3A_396 = arith.constant 0 : i32
      %dma_wait3A_397 = tpu.memref_slice %arg8[%add3A_395, %dma_wait3A_396] : memref<80x128xi32, #tpu.memory_space<vmem>> -> memref<1x128xi32, #tpu.memory_space<vmem>>
      %dma_wait3A_398 = tpu.memref_squeeze %dma_wait3A_397 : memref<1x128xi32, #tpu.memory_space<vmem>> -> memref<128xi32, #tpu.memory_space<vmem>>
      %dma_wait3A_399 = arith.constant 0 : i32
      %dma_wait3A_400 = arith.constant 0 : i32
      %dma_wait3A_401 = tpu.memref_slice %arg37[%dma_wait3A_399, %dma_wait3A_400] : memref<10000x32xf32, #tpu.memory_space<vmem_shared>> -> memref<10000x32xf32, #tpu.memory_space<vmem_shared>>
      tpu.wait_indirect_dma semaphore(%arg21 : memref<!tpu.dma_semaphore, #tpu.memory_space<semaphore_mem>>) src(%dma_wait3A_401 : memref<10000x32xf32, #tpu.memory_space<vmem_shared>>) dst(%arg12 : memref<128x32xf32, #tpu.memory_space<vmem>>)
      %dma_start3A_402 = arith.constant 0 : i32
      %dma_start3A_403 = tpu.memref_slice %arg9[%add3A_395, %dma_start3A_402] : memref<80x128xi32, #tpu.memory_space<vmem>> -> memref<1x128xi32, #tpu.memory_space<vmem>>
      %dma_start3A_404 = tpu.memref_squeeze %dma_start3A_403 : memref<1x128xi32, #tpu.memory_space<vmem>> -> memref<128xi32, #tpu.memory_space<vmem>>
      %dma_start3A_405 = arith.constant 0 : i32
      %dma_start3A_406 = arith.constant 0 : i32
      %dma_start3A_407 = tpu.memref_slice %arg35[%dma_start3A_405, %dma_start3A_406] : memref<10240x32xf32, #tpu.memory_space<vmem_shared>> -> memref<10240x32xf32, #tpu.memory_space<vmem_shared>>
      tpu.enqueue_indirect_dma source(%arg12 : memref<128x32xf32, #tpu.memory_space<vmem>>) target(%dma_start3A_407 : memref<10240x32xf32, #tpu.memory_space<vmem_shared>>) offsets(%dma_start3A_404 : memref<128xi32, #tpu.memory_space<vmem>>) semaphore(%arg29 : memref<!tpu.dma_semaphore, #tpu.memory_space<semaphore_mem>>) {add = true}
      %sub3A_408 = arith.constant 4 : i32
      %sub3A_409 = arith.subi %add3A_395, %sub3A_408 : i32
      %ge3A_410 = arith.constant 0 : i32
      %ge3A_411 = arith.cmpi sge, %sub3A_409, %ge3A_410 : i32
      %convert_element_type3A_412 = arith.extui %ge3A_411 : i1 to i32
      %cond3A_413 = arith.constant 0 : i32
      %cond3A_414 = arith.cmpi ne, %convert_element_type3A_412, %cond3A_413 : i32
      scf.if %cond3A_414 {
        %dma_wait3A_590 = arith.constant 0 : i32
        %dma_wait3A_591 = arith.constant 0 : i32
        %dma_wait3A_592 = tpu.memref_slice %arg9[%dma_wait3A_590, %dma_wait3A_591] : memref<80x128xi32, #tpu.memory_space<vmem>> -> memref<1x128xi32, #tpu.memory_space<vmem>>
        %dma_wait3A_593 = tpu.memref_squeeze %dma_wait3A_592 : memref<1x128xi32, #tpu.memory_space<vmem>> -> memref<128xi32, #tpu.memory_space<vmem>>
        %dma_wait3A_594 = arith.constant 0 : i32
        %dma_wait3A_595 = arith.constant 0 : i32
        %dma_wait3A_596 = tpu.memref_slice %arg35[%dma_wait3A_594, %dma_wait3A_595] : memref<10240x32xf32, #tpu.memory_space<vmem_shared>> -> memref<10240x32xf32, #tpu.memory_space<vmem_shared>>
        tpu.wait_indirect_dma semaphore(%arg33 : memref<!tpu.dma_semaphore, #tpu.memory_space<semaphore_mem>>) src(%arg16 : memref<128x32xf32, #tpu.memory_space<vmem>>) dst(%dma_wait3A_596 : memref<10240x32xf32, #tpu.memory_space<vmem_shared>>)
      } else {
      }
      %ge3A_415 = arith.constant 0 : i32
      %ge3A_416 = arith.cmpi sge, %sub3A_409, %ge3A_415 : i32
      %add3A_417 = arith.constant 8 : i32
      %add3A_418 = arith.addi %sub3A_409, %add3A_417 : i32
      %lt3A_419 = arith.constant 80 : i32
      %lt3A_420 = arith.cmpi slt, %add3A_418, %lt3A_419 : i32
      %and3A_421 = arith.andi %ge3A_416, %lt3A_420 : i1
      %convert_element_type3A_422 = arith.extui %and3A_421 : i1 to i32
      %cond3A_423 = arith.constant 0 : i32
      %cond3A_424 = arith.cmpi ne, %convert_element_type3A_422, %cond3A_423 : i32
      scf.if %cond3A_424 {
        %add3A_590 = arith.constant 8 : i32
        %add3A_591 = arith.addi %sub3A_409, %add3A_590 : i32
        %dma_start3A_592 = arith.constant 0 : i32
        %dma_start3A_593 = tpu.memref_slice %arg8[%add3A_591, %dma_start3A_592] : memref<80x128xi32, #tpu.memory_space<vmem>> -> memref<1x128xi32, #tpu.memory_space<vmem>>
        %dma_start3A_594 = tpu.memref_squeeze %dma_start3A_593 : memref<1x128xi32, #tpu.memory_space<vmem>> -> memref<128xi32, #tpu.memory_space<vmem>>
        %dma_start3A_595 = arith.constant 0 : i32
        %dma_start3A_596 = arith.constant 0 : i32
        %dma_start3A_597 = tpu.memref_slice %arg37[%dma_start3A_595, %dma_start3A_596] : memref<10000x32xf32, #tpu.memory_space<vmem_shared>> -> memref<10000x32xf32, #tpu.memory_space<vmem_shared>>
        tpu.enqueue_indirect_dma source(%dma_start3A_597 : memref<10000x32xf32, #tpu.memory_space<vmem_shared>>) target(%arg16 : memref<128x32xf32, #tpu.memory_space<vmem>>) offsets(%dma_start3A_594 : memref<128xi32, #tpu.memory_space<vmem>>) semaphore(%arg25 : memref<!tpu.dma_semaphore, #tpu.memory_space<semaphore_mem>>)
      } else {
      }
      %mul3A_425 = arith.constant 8 : i32
      %mul3A_426 = arith.muli %scan3A_329, %mul3A_425 : i32
      %add3A_427 = arith.constant 3 : i32
      %add3A_428 = arith.addi %mul3A_426, %add3A_427 : i32
      %dma_wait3A_429 = arith.constant 0 : i32
      %dma_wait3A_430 = tpu.memref_slice %arg8[%add3A_428, %dma_wait3A_429] : memref<80x128xi32, #tpu.memory_space<vmem>> -> memref<1x128xi32, #tpu.memory_space<vmem>>
      %dma_wait3A_431 = tpu.memref_squeeze %dma_wait3A_430 : memref<1x128xi32, #tpu.memory_space<vmem>> -> memref<128xi32, #tpu.memory_space<vmem>>
      %dma_wait3A_432 = arith.constant 0 : i32
      %dma_wait3A_433 = arith.constant 0 : i32
      %dma_wait3A_434 = tpu.memref_slice %arg37[%dma_wait3A_432, %dma_wait3A_433] : memref<10000x32xf32, #tpu.memory_space<vmem_shared>> -> memref<10000x32xf32, #tpu.memory_space<vmem_shared>>
      tpu.wait_indirect_dma semaphore(%arg22 : memref<!tpu.dma_semaphore, #tpu.memory_space<semaphore_mem>>) src(%dma_wait3A_434 : memref<10000x32xf32, #tpu.memory_space<vmem_shared>>) dst(%arg13 : memref<128x32xf32, #tpu.memory_space<vmem>>)
      %dma_start3A_435 = arith.constant 0 : i32
      %dma_start3A_436 = tpu.memref_slice %arg9[%add3A_428, %dma_start3A_435] : memref<80x128xi32, #tpu.memory_space<vmem>> -> memref<1x128xi32, #tpu.memory_space<vmem>>
      %dma_start3A_437 = tpu.memref_squeeze %dma_start3A_436 : memref<1x128xi32, #tpu.memory_space<vmem>> -> memref<128xi32, #tpu.memory_space<vmem>>
      %dma_start3A_438 = arith.constant 0 : i32
      %dma_start3A_439 = arith.constant 0 : i32
      %dma_start3A_440 = tpu.memref_slice %arg35[%dma_start3A_438, %dma_start3A_439] : memref<10240x32xf32, #tpu.memory_space<vmem_shared>> -> memref<10240x32xf32, #tpu.memory_space<vmem_shared>>
      tpu.enqueue_indirect_dma source(%arg13 : memref<128x32xf32, #tpu.memory_space<vmem>>) target(%dma_start3A_440 : memref<10240x32xf32, #tpu.memory_space<vmem_shared>>) offsets(%dma_start3A_437 : memref<128xi32, #tpu.memory_space<vmem>>) semaphore(%arg30 : memref<!tpu.dma_semaphore, #tpu.memory_space<semaphore_mem>>) {add = true}
      %sub3A_441 = arith.constant 4 : i32
      %sub3A_442 = arith.subi %add3A_428, %sub3A_441 : i32
      %ge3A_443 = arith.constant 0 : i32
      %ge3A_444 = arith.cmpi sge, %sub3A_442, %ge3A_443 : i32
      %convert_element_type3A_445 = arith.extui %ge3A_444 : i1 to i32
      %cond3A_446 = arith.constant 0 : i32
      %cond3A_447 = arith.cmpi ne, %convert_element_type3A_445, %cond3A_446 : i32
      scf.if %cond3A_447 {
        %dma_wait3A_590 = arith.constant 0 : i32
        %dma_wait3A_591 = arith.constant 0 : i32
        %dma_wait3A_592 = tpu.memref_slice %arg9[%dma_wait3A_590, %dma_wait3A_591] : memref<80x128xi32, #tpu.memory_space<vmem>> -> memref<1x128xi32, #tpu.memory_space<vmem>>
        %dma_wait3A_593 = tpu.memref_squeeze %dma_wait3A_592 : memref<1x128xi32, #tpu.memory_space<vmem>> -> memref<128xi32, #tpu.memory_space<vmem>>
        %dma_wait3A_594 = arith.constant 0 : i32
        %dma_wait3A_595 = arith.constant 0 : i32
        %dma_wait3A_596 = tpu.memref_slice %arg35[%dma_wait3A_594, %dma_wait3A_595] : memref<10240x32xf32, #tpu.memory_space<vmem_shared>> -> memref<10240x32xf32, #tpu.memory_space<vmem_shared>>
        tpu.wait_indirect_dma semaphore(%arg34 : memref<!tpu.dma_semaphore, #tpu.memory_space<semaphore_mem>>) src(%arg17 : memref<128x32xf32, #tpu.memory_space<vmem>>) dst(%dma_wait3A_596 : memref<10240x32xf32, #tpu.memory_space<vmem_shared>>)
      } else {
      }
      %ge3A_448 = arith.constant 0 : i32
      %ge3A_449 = arith.cmpi sge, %sub3A_442, %ge3A_448 : i32
      %add3A_450 = arith.constant 8 : i32
      %add3A_451 = arith.addi %sub3A_442, %add3A_450 : i32
      %lt3A_452 = arith.constant 80 : i32
      %lt3A_453 = arith.cmpi slt, %add3A_451, %lt3A_452 : i32
      %and3A_454 = arith.andi %ge3A_449, %lt3A_453 : i1
      %convert_element_type3A_455 = arith.extui %and3A_454 : i1 to i32
      %cond3A_456 = arith.constant 0 : i32
      %cond3A_457 = arith.cmpi ne, %convert_element_type3A_455, %cond3A_456 : i32
      scf.if %cond3A_457 {
        %add3A_590 = arith.constant 8 : i32
        %add3A_591 = arith.addi %sub3A_442, %add3A_590 : i32
        %dma_start3A_592 = arith.constant 0 : i32
        %dma_start3A_593 = tpu.memref_slice %arg8[%add3A_591, %dma_start3A_592] : memref<80x128xi32, #tpu.memory_space<vmem>> -> memref<1x128xi32, #tpu.memory_space<vmem>>
        %dma_start3A_594 = tpu.memref_squeeze %dma_start3A_593 : memref<1x128xi32, #tpu.memory_space<vmem>> -> memref<128xi32, #tpu.memory_space<vmem>>
        %dma_start3A_595 = arith.constant 0 : i32
        %dma_start3A_596 = arith.constant 0 : i32
        %dma_start3A_597 = tpu.memref_slice %arg37[%dma_start3A_595, %dma_start3A_596] : memref<10000x32xf32, #tpu.memory_space<vmem_shared>> -> memref<10000x32xf32, #tpu.memory_space<vmem_shared>>
        tpu.enqueue_indirect_dma source(%dma_start3A_597 : memref<10000x32xf32, #tpu.memory_space<vmem_shared>>) target(%arg17 : memref<128x32xf32, #tpu.memory_space<vmem>>) offsets(%dma_start3A_594 : memref<128xi32, #tpu.memory_space<vmem>>) semaphore(%arg26 : memref<!tpu.dma_semaphore, #tpu.memory_space<semaphore_mem>>)
      } else {
      }
      %mul3A_458 = arith.constant 8 : i32
      %mul3A_459 = arith.muli %scan3A_329, %mul3A_458 : i32
      %add3A_460 = arith.constant 4 : i32
      %add3A_461 = arith.addi %mul3A_459, %add3A_460 : i32
      %dma_wait3A_462 = arith.constant 0 : i32
      %dma_wait3A_463 = tpu.memref_slice %arg8[%add3A_461, %dma_wait3A_462] : memref<80x128xi32, #tpu.memory_space<vmem>> -> memref<1x128xi32, #tpu.memory_space<vmem>>
      %dma_wait3A_464 = tpu.memref_squeeze %dma_wait3A_463 : memref<1x128xi32, #tpu.memory_space<vmem>> -> memref<128xi32, #tpu.memory_space<vmem>>
      %dma_wait3A_465 = arith.constant 0 : i32
      %dma_wait3A_466 = arith.constant 0 : i32
      %dma_wait3A_467 = tpu.memref_slice %arg37[%dma_wait3A_465, %dma_wait3A_466] : memref<10000x32xf32, #tpu.memory_space<vmem_shared>> -> memref<10000x32xf32, #tpu.memory_space<vmem_shared>>
      tpu.wait_indirect_dma semaphore(%arg23 : memref<!tpu.dma_semaphore, #tpu.memory_space<semaphore_mem>>) src(%dma_wait3A_467 : memref<10000x32xf32, #tpu.memory_space<vmem_shared>>) dst(%arg14 : memref<128x32xf32, #tpu.memory_space<vmem>>)
      %dma_start3A_468 = arith.constant 0 : i32
      %dma_start3A_469 = tpu.memref_slice %arg9[%add3A_461, %dma_start3A_468] : memref<80x128xi32, #tpu.memory_space<vmem>> -> memref<1x128xi32, #tpu.memory_space<vmem>>
      %dma_start3A_470 = tpu.memref_squeeze %dma_start3A_469 : memref<1x128xi32, #tpu.memory_space<vmem>> -> memref<128xi32, #tpu.memory_space<vmem>>
      %dma_start3A_471 = arith.constant 0 : i32
      %dma_start3A_472 = arith.constant 0 : i32
      %dma_start3A_473 = tpu.memref_slice %arg35[%dma_start3A_471, %dma_start3A_472] : memref<10240x32xf32, #tpu.memory_space<vmem_shared>> -> memref<10240x32xf32, #tpu.memory_space<vmem_shared>>
      tpu.enqueue_indirect_dma source(%arg14 : memref<128x32xf32, #tpu.memory_space<vmem>>) target(%dma_start3A_473 : memref<10240x32xf32, #tpu.memory_space<vmem_shared>>) offsets(%dma_start3A_470 : memref<128xi32, #tpu.memory_space<vmem>>) semaphore(%arg31 : memref<!tpu.dma_semaphore, #tpu.memory_space<semaphore_mem>>) {add = true}
      %sub3A_474 = arith.constant 4 : i32
      %sub3A_475 = arith.subi %add3A_461, %sub3A_474 : i32
      %ge3A_476 = arith.constant 0 : i32
      %ge3A_477 = arith.cmpi sge, %sub3A_475, %ge3A_476 : i32
      %convert_element_type3A_478 = arith.extui %ge3A_477 : i1 to i32
      %cond3A_479 = arith.constant 0 : i32
      %cond3A_480 = arith.cmpi ne, %convert_element_type3A_478, %cond3A_479 : i32
      scf.if %cond3A_480 {
        %dma_wait3A_590 = arith.constant 0 : i32
        %dma_wait3A_591 = arith.constant 0 : i32
        %dma_wait3A_592 = tpu.memref_slice %arg9[%dma_wait3A_590, %dma_wait3A_591] : memref<80x128xi32, #tpu.memory_space<vmem>> -> memref<1x128xi32, #tpu.memory_space<vmem>>
        %dma_wait3A_593 = tpu.memref_squeeze %dma_wait3A_592 : memref<1x128xi32, #tpu.memory_space<vmem>> -> memref<128xi32, #tpu.memory_space<vmem>>
        %dma_wait3A_594 = arith.constant 0 : i32
        %dma_wait3A_595 = arith.constant 0 : i32
        %dma_wait3A_596 = tpu.memref_slice %arg35[%dma_wait3A_594, %dma_wait3A_595] : memref<10240x32xf32, #tpu.memory_space<vmem_shared>> -> memref<10240x32xf32, #tpu.memory_space<vmem_shared>>
        tpu.wait_indirect_dma semaphore(%arg27 : memref<!tpu.dma_semaphore, #tpu.memory_space<semaphore_mem>>) src(%arg10 : memref<128x32xf32, #tpu.memory_space<vmem>>) dst(%dma_wait3A_596 : memref<10240x32xf32, #tpu.memory_space<vmem_shared>>)
      } else {
      }
      %ge3A_481 = arith.constant 0 : i32
      %ge3A_482 = arith.cmpi sge, %sub3A_475, %ge3A_481 : i32
      %add3A_483 = arith.constant 8 : i32
      %add3A_484 = arith.addi %sub3A_475, %add3A_483 : i32
      %lt3A_485 = arith.constant 80 : i32
      %lt3A_486 = arith.cmpi slt, %add3A_484, %lt3A_485 : i32
      %and3A_487 = arith.andi %ge3A_482, %lt3A_486 : i1
      %convert_element_type3A_488 = arith.extui %and3A_487 : i1 to i32
      %cond3A_489 = arith.constant 0 : i32
      %cond3A_490 = arith.cmpi ne, %convert_element_type3A_488, %cond3A_489 : i32
      scf.if %cond3A_490 {
        %add3A_590 = arith.constant 8 : i32
        %add3A_591 = arith.addi %sub3A_475, %add3A_590 : i32
        %dma_start3A_592 = arith.constant 0 : i32
        %dma_start3A_593 = tpu.memref_slice %arg8[%add3A_591, %dma_start3A_592] : memref<80x128xi32, #tpu.memory_space<vmem>> -> memref<1x128xi32, #tpu.memory_space<vmem>>
        %dma_start3A_594 = tpu.memref_squeeze %dma_start3A_593 : memref<1x128xi32, #tpu.memory_space<vmem>> -> memref<128xi32, #tpu.memory_space<vmem>>
        %dma_start3A_595 = arith.constant 0 : i32
        %dma_start3A_596 = arith.constant 0 : i32
        %dma_start3A_597 = tpu.memref_slice %arg37[%dma_start3A_595, %dma_start3A_596] : memref<10000x32xf32, #tpu.memory_space<vmem_shared>> -> memref<10000x32xf32, #tpu.memory_space<vmem_shared>>
        tpu.enqueue_indirect_dma source(%dma_start3A_597 : memref<10000x32xf32, #tpu.memory_space<vmem_shared>>) target(%arg10 : memref<128x32xf32, #tpu.memory_space<vmem>>) offsets(%dma_start3A_594 : memref<128xi32, #tpu.memory_space<vmem>>) semaphore(%arg19 : memref<!tpu.dma_semaphore, #tpu.memory_space<semaphore_mem>>)
      } else {
      }
      %mul3A_491 = arith.constant 8 : i32
      %mul3A_492 = arith.muli %scan3A_329, %mul3A_491 : i32
      %add3A_493 = arith.constant 5 : i32
      %add3A_494 = arith.addi %mul3A_492, %add3A_493 : i32
      %dma_wait3A_495 = arith.constant 0 : i32
      %dma_wait3A_496 = tpu.memref_slice %arg8[%add3A_494, %dma_wait3A_495] : memref<80x128xi32, #tpu.memory_space<vmem>> -> memref<1x128xi32, #tpu.memory_space<vmem>>
      %dma_wait3A_497 = tpu.memref_squeeze %dma_wait3A_496 : memref<1x128xi32, #tpu.memory_space<vmem>> -> memref<128xi32, #tpu.memory_space<vmem>>
      %dma_wait3A_498 = arith.constant 0 : i32
      %dma_wait3A_499 = arith.constant 0 : i32
      %dma_wait3A_500 = tpu.memref_slice %arg37[%dma_wait3A_498, %dma_wait3A_499] : memref<10000x32xf32, #tpu.memory_space<vmem_shared>> -> memref<10000x32xf32, #tpu.memory_space<vmem_shared>>
      tpu.wait_indirect_dma semaphore(%arg24 : memref<!tpu.dma_semaphore, #tpu.memory_space<semaphore_mem>>) src(%dma_wait3A_500 : memref<10000x32xf32, #tpu.memory_space<vmem_shared>>) dst(%arg15 : memref<128x32xf32, #tpu.memory_space<vmem>>)
      %dma_start3A_501 = arith.constant 0 : i32
      %dma_start3A_502 = tpu.memref_slice %arg9[%add3A_494, %dma_start3A_501] : memref<80x128xi32, #tpu.memory_space<vmem>> -> memref<1x128xi32, #tpu.memory_space<vmem>>
      %dma_start3A_503 = tpu.memref_squeeze %dma_start3A_502 : memref<1x128xi32, #tpu.memory_space<vmem>> -> memref<128xi32, #tpu.memory_space<vmem>>
      %dma_start3A_504 = arith.constant 0 : i32
      %dma_start3A_505 = arith.constant 0 : i32
      %dma_start3A_506 = tpu.memref_slice %arg35[%dma_start3A_504, %dma_start3A_505] : memref<10240x32xf32, #tpu.memory_space<vmem_shared>> -> memref<10240x32xf32, #tpu.memory_space<vmem_shared>>
      tpu.enqueue_indirect_dma source(%arg15 : memref<128x32xf32, #tpu.memory_space<vmem>>) target(%dma_start3A_506 : memref<10240x32xf32, #tpu.memory_space<vmem_shared>>) offsets(%dma_start3A_503 : memref<128xi32, #tpu.memory_space<vmem>>) semaphore(%arg32 : memref<!tpu.dma_semaphore, #tpu.memory_space<semaphore_mem>>) {add = true}
      %sub3A_507 = arith.constant 4 : i32
      %sub3A_508 = arith.subi %add3A_494, %sub3A_507 : i32
      %ge3A_509 = arith.constant 0 : i32
      %ge3A_510 = arith.cmpi sge, %sub3A_508, %ge3A_509 : i32
      %convert_element_type3A_511 = arith.extui %ge3A_510 : i1 to i32
      %cond3A_512 = arith.constant 0 : i32
      %cond3A_513 = arith.cmpi ne, %convert_element_type3A_511, %cond3A_512 : i32
      scf.if %cond3A_513 {
        %dma_wait3A_590 = arith.constant 0 : i32
        %dma_wait3A_591 = arith.constant 0 : i32
        %dma_wait3A_592 = tpu.memref_slice %arg9[%dma_wait3A_590, %dma_wait3A_591] : memref<80x128xi32, #tpu.memory_space<vmem>> -> memref<1x128xi32, #tpu.memory_space<vmem>>
        %dma_wait3A_593 = tpu.memref_squeeze %dma_wait3A_592 : memref<1x128xi32, #tpu.memory_space<vmem>> -> memref<128xi32, #tpu.memory_space<vmem>>
        %dma_wait3A_594 = arith.constant 0 : i32
        %dma_wait3A_595 = arith.constant 0 : i32
        %dma_wait3A_596 = tpu.memref_slice %arg35[%dma_wait3A_594, %dma_wait3A_595] : memref<10240x32xf32, #tpu.memory_space<vmem_shared>> -> memref<10240x32xf32, #tpu.memory_space<vmem_shared>>
        tpu.wait_indirect_dma semaphore(%arg28 : memref<!tpu.dma_semaphore, #tpu.memory_space<semaphore_mem>>) src(%arg11 : memref<128x32xf32, #tpu.memory_space<vmem>>) dst(%dma_wait3A_596 : memref<10240x32xf32, #tpu.memory_space<vmem_shared>>)
      } else {
      }
      %ge3A_514 = arith.constant 0 : i32
      %ge3A_515 = arith.cmpi sge, %sub3A_508, %ge3A_514 : i32
      %add3A_516 = arith.constant 8 : i32
      %add3A_517 = arith.addi %sub3A_508, %add3A_516 : i32
      %lt3A_518 = arith.constant 80 : i32
      %lt3A_519 = arith.cmpi slt, %add3A_517, %lt3A_518 : i32
      %and3A_520 = arith.andi %ge3A_515, %lt3A_519 : i1
      %convert_element_type3A_521 = arith.extui %and3A_520 : i1 to i32
      %cond3A_522 = arith.constant 0 : i32
      %cond3A_523 = arith.cmpi ne, %convert_element_type3A_521, %cond3A_522 : i32
      scf.if %cond3A_523 {
        %add3A_590 = arith.constant 8 : i32
        %add3A_591 = arith.addi %sub3A_508, %add3A_590 : i32
        %dma_start3A_592 = arith.constant 0 : i32
        %dma_start3A_593 = tpu.memref_slice %arg8[%add3A_591, %dma_start3A_592] : memref<80x128xi32, #tpu.memory_space<vmem>> -> memref<1x128xi32, #tpu.memory_space<vmem>>
        %dma_start3A_594 = tpu.memref_squeeze %dma_start3A_593 : memref<1x128xi32, #tpu.memory_space<vmem>> -> memref<128xi32, #tpu.memory_space<vmem>>
        %dma_start3A_595 = arith.constant 0 : i32
        %dma_start3A_596 = arith.constant 0 : i32
        %dma_start3A_597 = tpu.memref_slice %arg37[%dma_start3A_595, %dma_start3A_596] : memref<10000x32xf32, #tpu.memory_space<vmem_shared>> -> memref<10000x32xf32, #tpu.memory_space<vmem_shared>>
        tpu.enqueue_indirect_dma source(%dma_start3A_597 : memref<10000x32xf32, #tpu.memory_space<vmem_shared>>) target(%arg11 : memref<128x32xf32, #tpu.memory_space<vmem>>) offsets(%dma_start3A_594 : memref<128xi32, #tpu.memory_space<vmem>>) semaphore(%arg20 : memref<!tpu.dma_semaphore, #tpu.memory_space<semaphore_mem>>)
      } else {
      }
      %mul3A_524 = arith.constant 8 : i32
      %mul3A_525 = arith.muli %scan3A_329, %mul3A_524 : i32
      %add3A_526 = arith.constant 6 : i32
      %add3A_527 = arith.addi %mul3A_525, %add3A_526 : i32
      %dma_wait3A_528 = arith.constant 0 : i32
      %dma_wait3A_529 = tpu.memref_slice %arg8[%add3A_527, %dma_wait3A_528] : memref<80x128xi32, #tpu.memory_space<vmem>> -> memref<1x128xi32, #tpu.memory_space<vmem>>
      %dma_wait3A_530 = tpu.memref_squeeze %dma_wait3A_529 : memref<1x128xi32, #tpu.memory_space<vmem>> -> memref<128xi32, #tpu.memory_space<vmem>>
      %dma_wait3A_531 = arith.constant 0 : i32
      %dma_wait3A_532 = arith.constant 0 : i32
      %dma_wait3A_533 = tpu.memref_slice %arg37[%dma_wait3A_531, %dma_wait3A_532] : memref<10000x32xf32, #tpu.memory_space<vmem_shared>> -> memref<10000x32xf32, #tpu.memory_space<vmem_shared>>
      tpu.wait_indirect_dma semaphore(%arg25 : memref<!tpu.dma_semaphore, #tpu.memory_space<semaphore_mem>>) src(%dma_wait3A_533 : memref<10000x32xf32, #tpu.memory_space<vmem_shared>>) dst(%arg16 : memref<128x32xf32, #tpu.memory_space<vmem>>)
      %dma_start3A_534 = arith.constant 0 : i32
      %dma_start3A_535 = tpu.memref_slice %arg9[%add3A_527, %dma_start3A_534] : memref<80x128xi32, #tpu.memory_space<vmem>> -> memref<1x128xi32, #tpu.memory_space<vmem>>
      %dma_start3A_536 = tpu.memref_squeeze %dma_start3A_535 : memref<1x128xi32, #tpu.memory_space<vmem>> -> memref<128xi32, #tpu.memory_space<vmem>>
      %dma_start3A_537 = arith.constant 0 : i32
      %dma_start3A_538 = arith.constant 0 : i32
      %dma_start3A_539 = tpu.memref_slice %arg35[%dma_start3A_537, %dma_start3A_538] : memref<10240x32xf32, #tpu.memory_space<vmem_shared>> -> memref<10240x32xf32, #tpu.memory_space<vmem_shared>>
      tpu.enqueue_indirect_dma source(%arg16 : memref<128x32xf32, #tpu.memory_space<vmem>>) target(%dma_start3A_539 : memref<10240x32xf32, #tpu.memory_space<vmem_shared>>) offsets(%dma_start3A_536 : memref<128xi32, #tpu.memory_space<vmem>>) semaphore(%arg33 : memref<!tpu.dma_semaphore, #tpu.memory_space<semaphore_mem>>) {add = true}
      %sub3A_540 = arith.constant 4 : i32
      %sub3A_541 = arith.subi %add3A_527, %sub3A_540 : i32
      %ge3A_542 = arith.constant 0 : i32
      %ge3A_543 = arith.cmpi sge, %sub3A_541, %ge3A_542 : i32
      %convert_element_type3A_544 = arith.extui %ge3A_543 : i1 to i32
      %cond3A_545 = arith.constant 0 : i32
      %cond3A_546 = arith.cmpi ne, %convert_element_type3A_544, %cond3A_545 : i32
      scf.if %cond3A_546 {
        %dma_wait3A_590 = arith.constant 0 : i32
        %dma_wait3A_591 = arith.constant 0 : i32
        %dma_wait3A_592 = tpu.memref_slice %arg9[%dma_wait3A_590, %dma_wait3A_591] : memref<80x128xi32, #tpu.memory_space<vmem>> -> memref<1x128xi32, #tpu.memory_space<vmem>>
        %dma_wait3A_593 = tpu.memref_squeeze %dma_wait3A_592 : memref<1x128xi32, #tpu.memory_space<vmem>> -> memref<128xi32, #tpu.memory_space<vmem>>
        %dma_wait3A_594 = arith.constant 0 : i32
        %dma_wait3A_595 = arith.constant 0 : i32
        %dma_wait3A_596 = tpu.memref_slice %arg35[%dma_wait3A_594, %dma_wait3A_595] : memref<10240x32xf32, #tpu.memory_space<vmem_shared>> -> memref<10240x32xf32, #tpu.memory_space<vmem_shared>>
        tpu.wait_indirect_dma semaphore(%arg29 : memref<!tpu.dma_semaphore, #tpu.memory_space<semaphore_mem>>) src(%arg12 : memref<128x32xf32, #tpu.memory_space<vmem>>) dst(%dma_wait3A_596 : memref<10240x32xf32, #tpu.memory_space<vmem_shared>>)
      } else {
      }
      %ge3A_547 = arith.constant 0 : i32
      %ge3A_548 = arith.cmpi sge, %sub3A_541, %ge3A_547 : i32
      %add3A_549 = arith.constant 8 : i32
      %add3A_550 = arith.addi %sub3A_541, %add3A_549 : i32
      %lt3A_551 = arith.constant 80 : i32
      %lt3A_552 = arith.cmpi slt, %add3A_550, %lt3A_551 : i32
      %and3A_553 = arith.andi %ge3A_548, %lt3A_552 : i1
      %convert_element_type3A_554 = arith.extui %and3A_553 : i1 to i32
      %cond3A_555 = arith.constant 0 : i32
      %cond3A_556 = arith.cmpi ne, %convert_element_type3A_554, %cond3A_555 : i32
      scf.if %cond3A_556 {
        %add3A_590 = arith.constant 8 : i32
        %add3A_591 = arith.addi %sub3A_541, %add3A_590 : i32
        %dma_start3A_592 = arith.constant 0 : i32
        %dma_start3A_593 = tpu.memref_slice %arg8[%add3A_591, %dma_start3A_592] : memref<80x128xi32, #tpu.memory_space<vmem>> -> memref<1x128xi32, #tpu.memory_space<vmem>>
        %dma_start3A_594 = tpu.memref_squeeze %dma_start3A_593 : memref<1x128xi32, #tpu.memory_space<vmem>> -> memref<128xi32, #tpu.memory_space<vmem>>
        %dma_start3A_595 = arith.constant 0 : i32
        %dma_start3A_596 = arith.constant 0 : i32
        %dma_start3A_597 = tpu.memref_slice %arg37[%dma_start3A_595, %dma_start3A_596] : memref<10000x32xf32, #tpu.memory_space<vmem_shared>> -> memref<10000x32xf32, #tpu.memory_space<vmem_shared>>
        tpu.enqueue_indirect_dma source(%dma_start3A_597 : memref<10000x32xf32, #tpu.memory_space<vmem_shared>>) target(%arg12 : memref<128x32xf32, #tpu.memory_space<vmem>>) offsets(%dma_start3A_594 : memref<128xi32, #tpu.memory_space<vmem>>) semaphore(%arg21 : memref<!tpu.dma_semaphore, #tpu.memory_space<semaphore_mem>>)
      } else {
      }
      %mul3A_557 = arith.constant 8 : i32
      %mul3A_558 = arith.muli %scan3A_329, %mul3A_557 : i32
      %add3A_559 = arith.constant 7 : i32
      %add3A_560 = arith.addi %mul3A_558, %add3A_559 : i32
      %dma_wait3A_561 = arith.constant 0 : i32
      %dma_wait3A_562 = tpu.memref_slice %arg8[%add3A_560, %dma_wait3A_561] : memref<80x128xi32, #tpu.memory_space<vmem>> -> memref<1x128xi32, #tpu.memory_space<vmem>>
      %dma_wait3A_563 = tpu.memref_squeeze %dma_wait3A_562 : memref<1x128xi32, #tpu.memory_space<vmem>> -> memref<128xi32, #tpu.memory_space<vmem>>
      %dma_wait3A_564 = arith.constant 0 : i32
      %dma_wait3A_565 = arith.constant 0 : i32
      %dma_wait3A_566 = tpu.memref_slice %arg37[%dma_wait3A_564, %dma_wait3A_565] : memref<10000x32xf32, #tpu.memory_space<vmem_shared>> -> memref<10000x32xf32, #tpu.memory_space<vmem_shared>>
      tpu.wait_indirect_dma semaphore(%arg26 : memref<!tpu.dma_semaphore, #tpu.memory_space<semaphore_mem>>) src(%dma_wait3A_566 : memref<10000x32xf32, #tpu.memory_space<vmem_shared>>) dst(%arg17 : memref<128x32xf32, #tpu.memory_space<vmem>>)
      %dma_start3A_567 = arith.constant 0 : i32
      %dma_start3A_568 = tpu.memref_slice %arg9[%add3A_560, %dma_start3A_567] : memref<80x128xi32, #tpu.memory_space<vmem>> -> memref<1x128xi32, #tpu.memory_space<vmem>>
      %dma_start3A_569 = tpu.memref_squeeze %dma_start3A_568 : memref<1x128xi32, #tpu.memory_space<vmem>> -> memref<128xi32, #tpu.memory_space<vmem>>
      %dma_start3A_570 = arith.constant 0 : i32
      %dma_start3A_571 = arith.constant 0 : i32
      %dma_start3A_572 = tpu.memref_slice %arg35[%dma_start3A_570, %dma_start3A_571] : memref<10240x32xf32, #tpu.memory_space<vmem_shared>> -> memref<10240x32xf32, #tpu.memory_space<vmem_shared>>
      tpu.enqueue_indirect_dma source(%arg17 : memref<128x32xf32, #tpu.memory_space<vmem>>) target(%dma_start3A_572 : memref<10240x32xf32, #tpu.memory_space<vmem_shared>>) offsets(%dma_start3A_569 : memref<128xi32, #tpu.memory_space<vmem>>) semaphore(%arg34 : memref<!tpu.dma_semaphore, #tpu.memory_space<semaphore_mem>>) {add = true}
      %sub3A_573 = arith.constant 4 : i32
      %sub3A_574 = arith.subi %add3A_560, %sub3A_573 : i32
      %ge3A_575 = arith.constant 0 : i32
      %ge3A_576 = arith.cmpi sge, %sub3A_574, %ge3A_575 : i32
      %convert_element_type3A_577 = arith.extui %ge3A_576 : i1 to i32
      %cond3A_578 = arith.constant 0 : i32
      %cond3A_579 = arith.cmpi ne, %convert_element_type3A_577, %cond3A_578 : i32
      scf.if %cond3A_579 {
        %dma_wait3A_590 = arith.constant 0 : i32
        %dma_wait3A_591 = arith.constant 0 : i32
        %dma_wait3A_592 = tpu.memref_slice %arg9[%dma_wait3A_590, %dma_wait3A_591] : memref<80x128xi32, #tpu.memory_space<vmem>> -> memref<1x128xi32, #tpu.memory_space<vmem>>
        %dma_wait3A_593 = tpu.memref_squeeze %dma_wait3A_592 : memref<1x128xi32, #tpu.memory_space<vmem>> -> memref<128xi32, #tpu.memory_space<vmem>>
        %dma_wait3A_594 = arith.constant 0 : i32
        %dma_wait3A_595 = arith.constant 0 : i32
        %dma_wait3A_596 = tpu.memref_slice %arg35[%dma_wait3A_594, %dma_wait3A_595] : memref<10240x32xf32, #tpu.memory_space<vmem_shared>> -> memref<10240x32xf32, #tpu.memory_space<vmem_shared>>
        tpu.wait_indirect_dma semaphore(%arg30 : memref<!tpu.dma_semaphore, #tpu.memory_space<semaphore_mem>>) src(%arg13 : memref<128x32xf32, #tpu.memory_space<vmem>>) dst(%dma_wait3A_596 : memref<10240x32xf32, #tpu.memory_space<vmem_shared>>)
      } else {
      }
      %ge3A_580 = arith.constant 0 : i32
      %ge3A_581 = arith.cmpi sge, %sub3A_574, %ge3A_580 : i32
      %add3A_582 = arith.constant 8 : i32
      %add3A_583 = arith.addi %sub3A_574, %add3A_582 : i32
      %lt3A_584 = arith.constant 80 : i32
      %lt3A_585 = arith.cmpi slt, %add3A_583, %lt3A_584 : i32
      %and3A_586 = arith.andi %ge3A_581, %lt3A_585 : i1
      %convert_element_type3A_587 = arith.extui %and3A_586 : i1 to i32
      %cond3A_588 = arith.constant 0 : i32
      %cond3A_589 = arith.cmpi ne, %convert_element_type3A_587, %cond3A_588 : i32
      scf.if %cond3A_589 {
        %add3A_590 = arith.constant 8 : i32
        %add3A_591 = arith.addi %sub3A_574, %add3A_590 : i32
        %dma_start3A_592 = arith.constant 0 : i32
        %dma_start3A_593 = tpu.memref_slice %arg8[%add3A_591, %dma_start3A_592] : memref<80x128xi32, #tpu.memory_space<vmem>> -> memref<1x128xi32, #tpu.memory_space<vmem>>
        %dma_start3A_594 = tpu.memref_squeeze %dma_start3A_593 : memref<1x128xi32, #tpu.memory_space<vmem>> -> memref<128xi32, #tpu.memory_space<vmem>>
        %dma_start3A_595 = arith.constant 0 : i32
        %dma_start3A_596 = arith.constant 0 : i32
        %dma_start3A_597 = tpu.memref_slice %arg37[%dma_start3A_595, %dma_start3A_596] : memref<10000x32xf32, #tpu.memory_space<vmem_shared>> -> memref<10000x32xf32, #tpu.memory_space<vmem_shared>>
        tpu.enqueue_indirect_dma source(%dma_start3A_597 : memref<10000x32xf32, #tpu.memory_space<vmem_shared>>) target(%arg13 : memref<128x32xf32, #tpu.memory_space<vmem>>) offsets(%dma_start3A_594 : memref<128xi32, #tpu.memory_space<vmem>>) semaphore(%arg22 : memref<!tpu.dma_semaphore, #tpu.memory_space<semaphore_mem>>)
      } else {
      }
    }
    %scan3A_294 = arith.constant 10 : i32
    %dma_wait3A_295 = arith.constant 0 : i32
    %dma_wait3A_296 = arith.constant 0 : i32
    %dma_wait3A_297 = tpu.memref_slice %arg9[%dma_wait3A_295, %dma_wait3A_296] : memref<80x128xi32, #tpu.memory_space<vmem>> -> memref<1x128xi32, #tpu.memory_space<vmem>>
    %dma_wait3A_298 = tpu.memref_squeeze %dma_wait3A_297 : memref<1x128xi32, #tpu.memory_space<vmem>> -> memref<128xi32, #tpu.memory_space<vmem>>
    %dma_wait3A_299 = arith.constant 0 : i32
    %dma_wait3A_300 = arith.constant 0 : i32
    %dma_wait3A_301 = tpu.memref_slice %arg35[%dma_wait3A_299, %dma_wait3A_300] : memref<10240x32xf32, #tpu.memory_space<vmem_shared>> -> memref<10240x32xf32, #tpu.memory_space<vmem_shared>>
    tpu.wait_indirect_dma semaphore(%arg31 : memref<!tpu.dma_semaphore, #tpu.memory_space<semaphore_mem>>) src(%arg14 : memref<128x32xf32, #tpu.memory_space<vmem>>) dst(%dma_wait3A_301 : memref<10240x32xf32, #tpu.memory_space<vmem_shared>>)
    %dma_wait3A_302 = arith.constant 0 : i32
    %dma_wait3A_303 = arith.constant 0 : i32
    %dma_wait3A_304 = tpu.memref_slice %arg9[%dma_wait3A_302, %dma_wait3A_303] : memref<80x128xi32, #tpu.memory_space<vmem>> -> memref<1x128xi32, #tpu.memory_space<vmem>>
    %dma_wait3A_305 = tpu.memref_squeeze %dma_wait3A_304 : memref<1x128xi32, #tpu.memory_space<vmem>> -> memref<128xi32, #tpu.memory_space<vmem>>
    %dma_wait3A_306 = arith.constant 0 : i32
    %dma_wait3A_307 = arith.constant 0 : i32
    %dma_wait3A_308 = tpu.memref_slice %arg35[%dma_wait3A_306, %dma_wait3A_307] : memref<10240x32xf32, #tpu.memory_space<vmem_shared>> -> memref<10240x32xf32, #tpu.memory_space<vmem_shared>>
    tpu.wait_indirect_dma semaphore(%arg32 : memref<!tpu.dma_semaphore, #tpu.memory_space<semaphore_mem>>) src(%arg15 : memref<128x32xf32, #tpu.memory_space<vmem>>) dst(%dma_wait3A_308 : memref<10240x32xf32, #tpu.memory_space<vmem_shared>>)
    %dma_wait3A_309 = arith.constant 0 : i32
    %dma_wait3A_310 = arith.constant 0 : i32
    %dma_wait3A_311 = tpu.memref_slice %arg9[%dma_wait3A_309, %dma_wait3A_310] : memref<80x128xi32, #tpu.memory_space<vmem>> -> memref<1x128xi32, #tpu.memory_space<vmem>>
    %dma_wait3A_312 = tpu.memref_squeeze %dma_wait3A_311 : memref<1x128xi32, #tpu.memory_space<vmem>> -> memref<128xi32, #tpu.memory_space<vmem>>
    %dma_wait3A_313 = arith.constant 0 : i32
    %dma_wait3A_314 = arith.constant 0 : i32
    %dma_wait3A_315 = tpu.memref_slice %arg35[%dma_wait3A_313, %dma_wait3A_314] : memref<10240x32xf32, #tpu.memory_space<vmem_shared>> -> memref<10240x32xf32, #tpu.memory_space<vmem_shared>>
    tpu.wait_indirect_dma semaphore(%arg33 : memref<!tpu.dma_semaphore, #tpu.memory_space<semaphore_mem>>) src(%arg16 : memref<128x32xf32, #tpu.memory_space<vmem>>) dst(%dma_wait3A_315 : memref<10240x32xf32, #tpu.memory_space<vmem_shared>>)
    %dma_wait3A_316 = arith.constant 0 : i32
    %dma_wait3A_317 = arith.constant 0 : i32
    %dma_wait3A_318 = tpu.memref_slice %arg9[%dma_wait3A_316, %dma_wait3A_317] : memref<80x128xi32, #tpu.memory_space<vmem>> -> memref<1x128xi32, #tpu.memory_space<vmem>>
    %dma_wait3A_319 = tpu.memref_squeeze %dma_wait3A_318 : memref<1x128xi32, #tpu.memory_space<vmem>> -> memref<128xi32, #tpu.memory_space<vmem>>
    %dma_wait3A_320 = arith.constant 0 : i32
    %dma_wait3A_321 = arith.constant 0 : i32
    %dma_wait3A_322 = tpu.memref_slice %arg35[%dma_wait3A_320, %dma_wait3A_321] : memref<10240x32xf32, #tpu.memory_space<vmem_shared>> -> memref<10240x32xf32, #tpu.memory_space<vmem_shared>>
    tpu.wait_indirect_dma semaphore(%arg34 : memref<!tpu.dma_semaphore, #tpu.memory_space<semaphore_mem>>) src(%arg17 : memref<128x32xf32, #tpu.memory_space<vmem>>) dst(%dma_wait3A_322 : memref<10240x32xf32, #tpu.memory_space<vmem_shared>>)
    %barrier3A_323 = arith.constant 0 : index
    tpu.barrier barrier_id(%barrier3A_323)
    %mul3A_324 = arith.constant 640 : i32
    %mul3A_325 = arith.muli %arg1, %mul3A_324 : i32
    %mul3A_326 = arith.constant 640 : i32
    %mul3A_327 = arith.muli %arg1, %mul3A_326 : i32
    %run_scoped3A_328 = arith.constant 1 : i32
    "tpu.region"() ({
      %run_scoped3A_329 = tpu.sem_alloc : memref<!tpu.dma_semaphore, #tpu.memory_space<semaphore_mem>>
      %dma_start3A_330 = arith.constant 0 : i32
      %dma_start3A_331 = tpu.memref_slice %arg7[%arg0, %run_scoped3A_328, %mul3A_327, %dma_start3A_330] : memref<2x2x10240x32xf32, #tpu.memory_space<hbm>> -> memref<1x1x640x32xf32, #tpu.memory_space<hbm>>
      %dma_start3A_332 = tpu.memref_squeeze %dma_start3A_331 : memref<1x1x640x32xf32, #tpu.memory_space<hbm>> -> memref<640x32xf32, #tpu.memory_space<hbm>>
      %dma_start3A_333 = arith.constant 0 : i32
      %dma_start3A_334 = tpu.memref_slice %arg35[%mul3A_325, %dma_start3A_333] : memref<10240x32xf32, #tpu.memory_space<vmem_shared>> -> memref<640x32xf32, #tpu.memory_space<vmem_shared>>
      tpu.enqueue_dma source(%dma_start3A_334 : memref<640x32xf32, #tpu.memory_space<vmem_shared>>) target(%dma_start3A_332 : memref<640x32xf32, #tpu.memory_space<hbm>>) target_semaphore(%run_scoped3A_329 : memref<!tpu.dma_semaphore, #tpu.memory_space<semaphore_mem>>)
      %dma_wait3A_335 = arith.constant 0 : i32
      %dma_wait3A_336 = tpu.memref_slice %arg7[%arg0, %run_scoped3A_328, %mul3A_327, %dma_wait3A_335] : memref<2x2x10240x32xf32, #tpu.memory_space<hbm>> -> memref<1x1x640x32xf32, #tpu.memory_space<hbm>>
      %dma_wait3A_337 = tpu.memref_squeeze %dma_wait3A_336 : memref<1x1x640x32xf32, #tpu.memory_space<hbm>> -> memref<640x32xf32, #tpu.memory_space<hbm>>
      %dma_wait3A_338 = arith.constant 0 : i32
      %dma_wait3A_339 = tpu.memref_slice %arg35[%mul3A_325, %dma_wait3A_338] : memref<10240x32xf32, #tpu.memory_space<vmem_shared>> -> memref<640x32xf32, #tpu.memory_space<vmem_shared>>
      tpu.wait_dma2 semaphore(%run_scoped3A_329 : memref<!tpu.dma_semaphore, #tpu.memory_space<semaphore_mem>>) src(%dma_wait3A_339 : memref<640x32xf32, #tpu.memory_space<vmem_shared>>) dst(%dma_wait3A_337 : memref<640x32xf32, #tpu.memory_space<hbm>>)
      tpu.yield
    }) : () -> ()
    return
  }
}

#map = affine_map<(d0, d1) -> (0, 0, 0)>
#map1 = affine_map<(d0, d1) -> (0, 0)>
module attributes {stable_mosaic.version = 14 : i64} {
  func.func @deg_kernel(%arg0: i32, %arg1: i32, %arg2: memref<32x80x128xi32, #tpu.memory_space<hbm>>, %arg3: memref<128x8xf32, #tpu.memory_space<hbm>>, %arg4: memref<128x8xf32, #tpu.memory_space<hbm>>, %arg5: memref<2x10240x8xf32, #tpu.memory_space<hbm>>, %arg6: memref<80x128xi32, #tpu.memory_space<vmem>>, %arg7: memref<128x8xf32, #tpu.memory_space<vmem>>, %arg8: memref<128x8xf32, #tpu.memory_space<vmem>>, %arg9: memref<10240x8xf32, #tpu.memory_space<vmem_shared>>, %arg10: memref<!tpu.dma_semaphore, #tpu.memory_space<semaphore_mem>>, %arg11: memref<!tpu.dma_semaphore, #tpu.memory_space<semaphore_mem>>, %arg12: memref<!tpu.dma_semaphore, #tpu.memory_space<semaphore_mem>>, %arg13: memref<!tpu.dma_semaphore, #tpu.memory_space<semaphore_mem>>, %arg14: memref<!tpu.dma_semaphore, #tpu.memory_space<semaphore_mem>>, %arg15: memref<!tpu.dma_semaphore, #tpu.memory_space<semaphore_mem>>, %arg16: memref<!tpu.dma_semaphore, #tpu.memory_space<semaphore_mem>>, %arg17: memref<!tpu.dma_semaphore, #tpu.memory_space<semaphore_mem>>) attributes {dimension_semantics = [#tpu.dimension_semantics<core_parallel>, #tpu.dimension_semantics<subcore_parallel>], iteration_bounds = array<i64: 2, 16>, scalar_prefetch = 0 : i64, scratch_operands = 12 : i64, tpu.core_type = #tpu.core_type<sc_vector_subcore>, window_params = [{transform_indices = #map}, {transform_indices = #map1}, {transform_indices = #map1}, {transform_indices = #map}]} {
    %mul3A = arith.constant 16 : i32
    %mul3A_0 = arith.muli %arg0, %mul3A : i32
    %add3A = arith.addi %mul3A_0, %arg1 : i32
    "tpu.region"() ({
      %run_scoped3A = tpu.sem_alloc : memref<!tpu.dma_semaphore, #tpu.memory_space<semaphore_mem>>
      %dma_start3A = arith.constant 0 : i32
      %dma_start3A_86 = arith.constant 0 : i32
      %dma_start3A_87 = tpu.memref_slice %arg2[%add3A, %dma_start3A, %dma_start3A_86] : memref<32x80x128xi32, #tpu.memory_space<hbm>> -> memref<1x80x128xi32, #tpu.memory_space<hbm>>
      %dma_start3A_88 = tpu.memref_squeeze %dma_start3A_87 : memref<1x80x128xi32, #tpu.memory_space<hbm>> -> memref<80x128xi32, #tpu.memory_space<hbm>>
      %dma_start3A_89 = arith.constant 0 : i32
      %dma_start3A_90 = arith.constant 0 : i32
      %dma_start3A_91 = tpu.memref_slice %arg2[%add3A, %dma_start3A_89, %dma_start3A_90] : memref<32x80x128xi32, #tpu.memory_space<hbm>> -> memref<1x80x128xi32, #tpu.memory_space<hbm>>
      %dma_start3A_92 = tpu.memref_squeeze %dma_start3A_91 : memref<1x80x128xi32, #tpu.memory_space<hbm>> -> memref<80x128xi32, #tpu.memory_space<hbm>>
      tpu.enqueue_dma source(%dma_start3A_92 : memref<80x128xi32, #tpu.memory_space<hbm>>) target(%arg6 : memref<80x128xi32, #tpu.memory_space<vmem>>) target_semaphore(%run_scoped3A : memref<!tpu.dma_semaphore, #tpu.memory_space<semaphore_mem>>)
      %dma_wait3A_93 = arith.constant 0 : i32
      %dma_wait3A_94 = arith.constant 0 : i32
      %dma_wait3A_95 = tpu.memref_slice %arg2[%add3A, %dma_wait3A_93, %dma_wait3A_94] : memref<32x80x128xi32, #tpu.memory_space<hbm>> -> memref<1x80x128xi32, #tpu.memory_space<hbm>>
      %dma_wait3A_96 = tpu.memref_squeeze %dma_wait3A_95 : memref<1x80x128xi32, #tpu.memory_space<hbm>> -> memref<80x128xi32, #tpu.memory_space<hbm>>
      %dma_wait3A_97 = arith.constant 0 : i32
      %dma_wait3A_98 = arith.constant 0 : i32
      %dma_wait3A_99 = tpu.memref_slice %arg2[%add3A, %dma_wait3A_97, %dma_wait3A_98] : memref<32x80x128xi32, #tpu.memory_space<hbm>> -> memref<1x80x128xi32, #tpu.memory_space<hbm>>
      %dma_wait3A_100 = tpu.memref_squeeze %dma_wait3A_99 : memref<1x80x128xi32, #tpu.memory_space<hbm>> -> memref<80x128xi32, #tpu.memory_space<hbm>>
      tpu.wait_dma2 semaphore(%run_scoped3A : memref<!tpu.dma_semaphore, #tpu.memory_space<semaphore_mem>>) src(%dma_wait3A_100 : memref<80x128xi32, #tpu.memory_space<hbm>>) dst(%arg6 : memref<80x128xi32, #tpu.memory_space<vmem>>)
      tpu.yield
    }) : () -> ()
    "tpu.region"() ({
      %run_scoped3A = tpu.sem_alloc : memref<!tpu.dma_semaphore, #tpu.memory_space<semaphore_mem>>
      tpu.enqueue_dma source(%arg3 : memref<128x8xf32, #tpu.memory_space<hbm>>) target(%arg7 : memref<128x8xf32, #tpu.memory_space<vmem>>) target_semaphore(%run_scoped3A : memref<!tpu.dma_semaphore, #tpu.memory_space<semaphore_mem>>)
      tpu.wait_dma2 semaphore(%run_scoped3A : memref<!tpu.dma_semaphore, #tpu.memory_space<semaphore_mem>>) src(%arg3 : memref<128x8xf32, #tpu.memory_space<hbm>>) dst(%arg7 : memref<128x8xf32, #tpu.memory_space<vmem>>)
      tpu.yield
    }) : () -> ()
    "tpu.region"() ({
      %run_scoped3A = tpu.sem_alloc : memref<!tpu.dma_semaphore, #tpu.memory_space<semaphore_mem>>
      tpu.enqueue_dma source(%arg4 : memref<128x8xf32, #tpu.memory_space<hbm>>) target(%arg8 : memref<128x8xf32, #tpu.memory_space<vmem>>) target_semaphore(%run_scoped3A : memref<!tpu.dma_semaphore, #tpu.memory_space<semaphore_mem>>)
      tpu.wait_dma2 semaphore(%run_scoped3A : memref<!tpu.dma_semaphore, #tpu.memory_space<semaphore_mem>>) src(%arg4 : memref<128x8xf32, #tpu.memory_space<hbm>>) dst(%arg8 : memref<128x8xf32, #tpu.memory_space<vmem>>)
      tpu.yield
    }) : () -> ()
    %mul3A_1 = arith.constant 640 : i32
    %mul3A_2 = arith.muli %arg1, %mul3A_1 : i32
    %add3A_3 = arith.constant 0 : i32
    %add3A_4 = arith.addi %mul3A_2, %add3A_3 : i32
    "tpu.region"() ({
      %run_scoped3A = tpu.sem_alloc : memref<!tpu.dma_semaphore, #tpu.memory_space<semaphore_mem>>
      %dma_start3A = arith.constant 0 : i32
      %dma_start3A_86 = tpu.memref_slice %arg9[%add3A_4, %dma_start3A] : memref<10240x8xf32, #tpu.memory_space<vmem_shared>> -> memref<128x8xf32, #tpu.memory_space<vmem_shared>>
      %dma_start3A_87 = arith.constant 0 : i32
      %dma_start3A_88 = tpu.memref_slice %arg9[%add3A_4, %dma_start3A_87] : memref<10240x8xf32, #tpu.memory_space<vmem_shared>> -> memref<128x8xf32, #tpu.memory_space<vmem_shared>>
      tpu.enqueue_dma source(%arg8 : memref<128x8xf32, #tpu.memory_space<vmem>>) target(%dma_start3A_88 : memref<128x8xf32, #tpu.memory_space<vmem_shared>>) target_semaphore(%run_scoped3A : memref<!tpu.dma_semaphore, #tpu.memory_space<semaphore_mem>>)
      %dma_wait3A_89 = arith.constant 0 : i32
      %dma_wait3A_90 = tpu.memref_slice %arg9[%add3A_4, %dma_wait3A_89] : memref<10240x8xf32, #tpu.memory_space<vmem_shared>> -> memref<128x8xf32, #tpu.memory_space<vmem_shared>>
      %dma_wait3A_91 = arith.constant 0 : i32
      %dma_wait3A_92 = tpu.memref_slice %arg9[%add3A_4, %dma_wait3A_91] : memref<10240x8xf32, #tpu.memory_space<vmem_shared>> -> memref<128x8xf32, #tpu.memory_space<vmem_shared>>
      tpu.wait_dma2 semaphore(%run_scoped3A : memref<!tpu.dma_semaphore, #tpu.memory_space<semaphore_mem>>) src(%arg8 : memref<128x8xf32, #tpu.memory_space<vmem>>) dst(%dma_wait3A_92 : memref<128x8xf32, #tpu.memory_space<vmem_shared>>)
      tpu.yield
    }) : () -> ()
    %mul3A_5 = arith.constant 640 : i32
    %mul3A_6 = arith.muli %arg1, %mul3A_5 : i32
    %add3A_7 = arith.constant 128 : i32
    %add3A_8 = arith.addi %mul3A_6, %add3A_7 : i32
    "tpu.region"() ({
      %run_scoped3A = tpu.sem_alloc : memref<!tpu.dma_semaphore, #tpu.memory_space<semaphore_mem>>
      %dma_start3A = arith.constant 0 : i32
      %dma_start3A_86 = tpu.memref_slice %arg9[%add3A_8, %dma_start3A] : memref<10240x8xf32, #tpu.memory_space<vmem_shared>> -> memref<128x8xf32, #tpu.memory_space<vmem_shared>>
      %dma_start3A_87 = arith.constant 0 : i32
      %dma_start3A_88 = tpu.memref_slice %arg9[%add3A_8, %dma_start3A_87] : memref<10240x8xf32, #tpu.memory_space<vmem_shared>> -> memref<128x8xf32, #tpu.memory_space<vmem_shared>>
      tpu.enqueue_dma source(%arg8 : memref<128x8xf32, #tpu.memory_space<vmem>>) target(%dma_start3A_88 : memref<128x8xf32, #tpu.memory_space<vmem_shared>>) target_semaphore(%run_scoped3A : memref<!tpu.dma_semaphore, #tpu.memory_space<semaphore_mem>>)
      %dma_wait3A_89 = arith.constant 0 : i32
      %dma_wait3A_90 = tpu.memref_slice %arg9[%add3A_8, %dma_wait3A_89] : memref<10240x8xf32, #tpu.memory_space<vmem_shared>> -> memref<128x8xf32, #tpu.memory_space<vmem_shared>>
      %dma_wait3A_91 = arith.constant 0 : i32
      %dma_wait3A_92 = tpu.memref_slice %arg9[%add3A_8, %dma_wait3A_91] : memref<10240x8xf32, #tpu.memory_space<vmem_shared>> -> memref<128x8xf32, #tpu.memory_space<vmem_shared>>
      tpu.wait_dma2 semaphore(%run_scoped3A : memref<!tpu.dma_semaphore, #tpu.memory_space<semaphore_mem>>) src(%arg8 : memref<128x8xf32, #tpu.memory_space<vmem>>) dst(%dma_wait3A_92 : memref<128x8xf32, #tpu.memory_space<vmem_shared>>)
      tpu.yield
    }) : () -> ()
    %mul3A_9 = arith.constant 640 : i32
    %mul3A_10 = arith.muli %arg1, %mul3A_9 : i32
    %add3A_11 = arith.constant 256 : i32
    %add3A_12 = arith.addi %mul3A_10, %add3A_11 : i32
    "tpu.region"() ({
      %run_scoped3A = tpu.sem_alloc : memref<!tpu.dma_semaphore, #tpu.memory_space<semaphore_mem>>
      %dma_start3A = arith.constant 0 : i32
      %dma_start3A_86 = tpu.memref_slice %arg9[%add3A_12, %dma_start3A] : memref<10240x8xf32, #tpu.memory_space<vmem_shared>> -> memref<128x8xf32, #tpu.memory_space<vmem_shared>>
      %dma_start3A_87 = arith.constant 0 : i32
      %dma_start3A_88 = tpu.memref_slice %arg9[%add3A_12, %dma_start3A_87] : memref<10240x8xf32, #tpu.memory_space<vmem_shared>> -> memref<128x8xf32, #tpu.memory_space<vmem_shared>>
      tpu.enqueue_dma source(%arg8 : memref<128x8xf32, #tpu.memory_space<vmem>>) target(%dma_start3A_88 : memref<128x8xf32, #tpu.memory_space<vmem_shared>>) target_semaphore(%run_scoped3A : memref<!tpu.dma_semaphore, #tpu.memory_space<semaphore_mem>>)
      %dma_wait3A_89 = arith.constant 0 : i32
      %dma_wait3A_90 = tpu.memref_slice %arg9[%add3A_12, %dma_wait3A_89] : memref<10240x8xf32, #tpu.memory_space<vmem_shared>> -> memref<128x8xf32, #tpu.memory_space<vmem_shared>>
      %dma_wait3A_91 = arith.constant 0 : i32
      %dma_wait3A_92 = tpu.memref_slice %arg9[%add3A_12, %dma_wait3A_91] : memref<10240x8xf32, #tpu.memory_space<vmem_shared>> -> memref<128x8xf32, #tpu.memory_space<vmem_shared>>
      tpu.wait_dma2 semaphore(%run_scoped3A : memref<!tpu.dma_semaphore, #tpu.memory_space<semaphore_mem>>) src(%arg8 : memref<128x8xf32, #tpu.memory_space<vmem>>) dst(%dma_wait3A_92 : memref<128x8xf32, #tpu.memory_space<vmem_shared>>)
      tpu.yield
    }) : () -> ()
    %mul3A_13 = arith.constant 640 : i32
    %mul3A_14 = arith.muli %arg1, %mul3A_13 : i32
    %add3A_15 = arith.constant 384 : i32
    %add3A_16 = arith.addi %mul3A_14, %add3A_15 : i32
    "tpu.region"() ({
      %run_scoped3A = tpu.sem_alloc : memref<!tpu.dma_semaphore, #tpu.memory_space<semaphore_mem>>
      %dma_start3A = arith.constant 0 : i32
      %dma_start3A_86 = tpu.memref_slice %arg9[%add3A_16, %dma_start3A] : memref<10240x8xf32, #tpu.memory_space<vmem_shared>> -> memref<128x8xf32, #tpu.memory_space<vmem_shared>>
      %dma_start3A_87 = arith.constant 0 : i32
      %dma_start3A_88 = tpu.memref_slice %arg9[%add3A_16, %dma_start3A_87] : memref<10240x8xf32, #tpu.memory_space<vmem_shared>> -> memref<128x8xf32, #tpu.memory_space<vmem_shared>>
      tpu.enqueue_dma source(%arg8 : memref<128x8xf32, #tpu.memory_space<vmem>>) target(%dma_start3A_88 : memref<128x8xf32, #tpu.memory_space<vmem_shared>>) target_semaphore(%run_scoped3A : memref<!tpu.dma_semaphore, #tpu.memory_space<semaphore_mem>>)
      %dma_wait3A_89 = arith.constant 0 : i32
      %dma_wait3A_90 = tpu.memref_slice %arg9[%add3A_16, %dma_wait3A_89] : memref<10240x8xf32, #tpu.memory_space<vmem_shared>> -> memref<128x8xf32, #tpu.memory_space<vmem_shared>>
      %dma_wait3A_91 = arith.constant 0 : i32
      %dma_wait3A_92 = tpu.memref_slice %arg9[%add3A_16, %dma_wait3A_91] : memref<10240x8xf32, #tpu.memory_space<vmem_shared>> -> memref<128x8xf32, #tpu.memory_space<vmem_shared>>
      tpu.wait_dma2 semaphore(%run_scoped3A : memref<!tpu.dma_semaphore, #tpu.memory_space<semaphore_mem>>) src(%arg8 : memref<128x8xf32, #tpu.memory_space<vmem>>) dst(%dma_wait3A_92 : memref<128x8xf32, #tpu.memory_space<vmem_shared>>)
      tpu.yield
    }) : () -> ()
    %mul3A_17 = arith.constant 640 : i32
    %mul3A_18 = arith.muli %arg1, %mul3A_17 : i32
    %add3A_19 = arith.constant 512 : i32
    %add3A_20 = arith.addi %mul3A_18, %add3A_19 : i32
    "tpu.region"() ({
      %run_scoped3A = tpu.sem_alloc : memref<!tpu.dma_semaphore, #tpu.memory_space<semaphore_mem>>
      %dma_start3A = arith.constant 0 : i32
      %dma_start3A_86 = tpu.memref_slice %arg9[%add3A_20, %dma_start3A] : memref<10240x8xf32, #tpu.memory_space<vmem_shared>> -> memref<128x8xf32, #tpu.memory_space<vmem_shared>>
      %dma_start3A_87 = arith.constant 0 : i32
      %dma_start3A_88 = tpu.memref_slice %arg9[%add3A_20, %dma_start3A_87] : memref<10240x8xf32, #tpu.memory_space<vmem_shared>> -> memref<128x8xf32, #tpu.memory_space<vmem_shared>>
      tpu.enqueue_dma source(%arg8 : memref<128x8xf32, #tpu.memory_space<vmem>>) target(%dma_start3A_88 : memref<128x8xf32, #tpu.memory_space<vmem_shared>>) target_semaphore(%run_scoped3A : memref<!tpu.dma_semaphore, #tpu.memory_space<semaphore_mem>>)
      %dma_wait3A_89 = arith.constant 0 : i32
      %dma_wait3A_90 = tpu.memref_slice %arg9[%add3A_20, %dma_wait3A_89] : memref<10240x8xf32, #tpu.memory_space<vmem_shared>> -> memref<128x8xf32, #tpu.memory_space<vmem_shared>>
      %dma_wait3A_91 = arith.constant 0 : i32
      %dma_wait3A_92 = tpu.memref_slice %arg9[%add3A_20, %dma_wait3A_91] : memref<10240x8xf32, #tpu.memory_space<vmem_shared>> -> memref<128x8xf32, #tpu.memory_space<vmem_shared>>
      tpu.wait_dma2 semaphore(%run_scoped3A : memref<!tpu.dma_semaphore, #tpu.memory_space<semaphore_mem>>) src(%arg8 : memref<128x8xf32, #tpu.memory_space<vmem>>) dst(%dma_wait3A_92 : memref<128x8xf32, #tpu.memory_space<vmem_shared>>)
      tpu.yield
    }) : () -> ()
    %barrier3A = arith.constant 0 : index
    tpu.barrier barrier_id(%barrier3A)
    %scan3A = arith.constant 0 : i32
    %scan3A_21 = arith.constant 0 : i32
    %scan3A_22 = arith.constant 10 : i32
    %scan3A_23 = arith.addi %scan3A_21, %scan3A_22 : i32
    %scan3A_24 = arith.constant 1 : i32
    scf.for %scan3A_86 = %scan3A_21 to %scan3A_23 step %scan3A_24  : i32 {
      %mul3A_87 = arith.constant 8 : i32
      %mul3A_88 = arith.muli %scan3A_86, %mul3A_87 : i32
      %add3A_89 = arith.constant 0 : i32
      %add3A_90 = arith.addi %mul3A_88, %add3A_89 : i32
      %dma_start3A = arith.constant 0 : i32
      %dma_start3A_91 = tpu.memref_slice %arg6[%add3A_90, %dma_start3A] : memref<80x128xi32, #tpu.memory_space<vmem>> -> memref<1x128xi32, #tpu.memory_space<vmem>>
      %dma_start3A_92 = tpu.memref_squeeze %dma_start3A_91 : memref<1x128xi32, #tpu.memory_space<vmem>> -> memref<128xi32, #tpu.memory_space<vmem>>
      %dma_start3A_93 = arith.constant 0 : i32
      %dma_start3A_94 = arith.constant 0 : i32
      %dma_start3A_95 = tpu.memref_slice %arg9[%dma_start3A_93, %dma_start3A_94] : memref<10240x8xf32, #tpu.memory_space<vmem_shared>> -> memref<10240x8xf32, #tpu.memory_space<vmem_shared>>
      tpu.enqueue_indirect_dma source(%arg7 : memref<128x8xf32, #tpu.memory_space<vmem>>) target(%dma_start3A_95 : memref<10240x8xf32, #tpu.memory_space<vmem_shared>>) offsets(%dma_start3A_92 : memref<128xi32, #tpu.memory_space<vmem>>) semaphore(%arg10 : memref<!tpu.dma_semaphore, #tpu.memory_space<semaphore_mem>>) {add = true}
      %gt3A = arith.constant 0 : i32
      %gt3A_96 = arith.cmpi sgt, %scan3A_86, %gt3A : i32
      %convert_element_type3A = arith.extui %gt3A_96 : i1 to i32
      %cond3A = arith.constant 0 : i32
      %cond3A_97 = arith.cmpi ne, %convert_element_type3A, %cond3A : i32
      scf.if %cond3A_97 {
        %dma_wait3A_203 = arith.constant 0 : i32
        %dma_wait3A_204 = tpu.memref_slice %arg6[%add3A_90, %dma_wait3A_203] : memref<80x128xi32, #tpu.memory_space<vmem>> -> memref<1x128xi32, #tpu.memory_space<vmem>>
        %dma_wait3A_205 = tpu.memref_squeeze %dma_wait3A_204 : memref<1x128xi32, #tpu.memory_space<vmem>> -> memref<128xi32, #tpu.memory_space<vmem>>
        %dma_wait3A_206 = arith.constant 0 : i32
        %dma_wait3A_207 = arith.constant 0 : i32
        %dma_wait3A_208 = tpu.memref_slice %arg9[%dma_wait3A_206, %dma_wait3A_207] : memref<10240x8xf32, #tpu.memory_space<vmem_shared>> -> memref<10240x8xf32, #tpu.memory_space<vmem_shared>>
        tpu.wait_indirect_dma semaphore(%arg10 : memref<!tpu.dma_semaphore, #tpu.memory_space<semaphore_mem>>) src(%arg7 : memref<128x8xf32, #tpu.memory_space<vmem>>) dst(%dma_wait3A_208 : memref<10240x8xf32, #tpu.memory_space<vmem_shared>>)
      } else {
      }
      %mul3A_98 = arith.constant 8 : i32
      %mul3A_99 = arith.muli %scan3A_86, %mul3A_98 : i32
      %add3A_100 = arith.constant 1 : i32
      %add3A_101 = arith.addi %mul3A_99, %add3A_100 : i32
      %dma_start3A_102 = arith.constant 0 : i32
      %dma_start3A_103 = tpu.memref_slice %arg6[%add3A_101, %dma_start3A_102] : memref<80x128xi32, #tpu.memory_space<vmem>> -> memref<1x128xi32, #tpu.memory_space<vmem>>
      %dma_start3A_104 = tpu.memref_squeeze %dma_start3A_103 : memref<1x128xi32, #tpu.memory_space<vmem>> -> memref<128xi32, #tpu.memory_space<vmem>>
      %dma_start3A_105 = arith.constant 0 : i32
      %dma_start3A_106 = arith.constant 0 : i32
      %dma_start3A_107 = tpu.memref_slice %arg9[%dma_start3A_105, %dma_start3A_106] : memref<10240x8xf32, #tpu.memory_space<vmem_shared>> -> memref<10240x8xf32, #tpu.memory_space<vmem_shared>>
      tpu.enqueue_indirect_dma source(%arg7 : memref<128x8xf32, #tpu.memory_space<vmem>>) target(%dma_start3A_107 : memref<10240x8xf32, #tpu.memory_space<vmem_shared>>) offsets(%dma_start3A_104 : memref<128xi32, #tpu.memory_space<vmem>>) semaphore(%arg11 : memref<!tpu.dma_semaphore, #tpu.memory_space<semaphore_mem>>) {add = true}
      %gt3A_108 = arith.constant 0 : i32
      %gt3A_109 = arith.cmpi sgt, %scan3A_86, %gt3A_108 : i32
      %convert_element_type3A_110 = arith.extui %gt3A_109 : i1 to i32
      %cond3A_111 = arith.constant 0 : i32
      %cond3A_112 = arith.cmpi ne, %convert_element_type3A_110, %cond3A_111 : i32
      scf.if %cond3A_112 {
        %dma_wait3A_203 = arith.constant 0 : i32
        %dma_wait3A_204 = tpu.memref_slice %arg6[%add3A_101, %dma_wait3A_203] : memref<80x128xi32, #tpu.memory_space<vmem>> -> memref<1x128xi32, #tpu.memory_space<vmem>>
        %dma_wait3A_205 = tpu.memref_squeeze %dma_wait3A_204 : memref<1x128xi32, #tpu.memory_space<vmem>> -> memref<128xi32, #tpu.memory_space<vmem>>
        %dma_wait3A_206 = arith.constant 0 : i32
        %dma_wait3A_207 = arith.constant 0 : i32
        %dma_wait3A_208 = tpu.memref_slice %arg9[%dma_wait3A_206, %dma_wait3A_207] : memref<10240x8xf32, #tpu.memory_space<vmem_shared>> -> memref<10240x8xf32, #tpu.memory_space<vmem_shared>>
        tpu.wait_indirect_dma semaphore(%arg11 : memref<!tpu.dma_semaphore, #tpu.memory_space<semaphore_mem>>) src(%arg7 : memref<128x8xf32, #tpu.memory_space<vmem>>) dst(%dma_wait3A_208 : memref<10240x8xf32, #tpu.memory_space<vmem_shared>>)
      } else {
      }
      %mul3A_113 = arith.constant 8 : i32
      %mul3A_114 = arith.muli %scan3A_86, %mul3A_113 : i32
      %add3A_115 = arith.constant 2 : i32
      %add3A_116 = arith.addi %mul3A_114, %add3A_115 : i32
      %dma_start3A_117 = arith.constant 0 : i32
      %dma_start3A_118 = tpu.memref_slice %arg6[%add3A_116, %dma_start3A_117] : memref<80x128xi32, #tpu.memory_space<vmem>> -> memref<1x128xi32, #tpu.memory_space<vmem>>
      %dma_start3A_119 = tpu.memref_squeeze %dma_start3A_118 : memref<1x128xi32, #tpu.memory_space<vmem>> -> memref<128xi32, #tpu.memory_space<vmem>>
      %dma_start3A_120 = arith.constant 0 : i32
      %dma_start3A_121 = arith.constant 0 : i32
      %dma_start3A_122 = tpu.memref_slice %arg9[%dma_start3A_120, %dma_start3A_121] : memref<10240x8xf32, #tpu.memory_space<vmem_shared>> -> memref<10240x8xf32, #tpu.memory_space<vmem_shared>>
      tpu.enqueue_indirect_dma source(%arg7 : memref<128x8xf32, #tpu.memory_space<vmem>>) target(%dma_start3A_122 : memref<10240x8xf32, #tpu.memory_space<vmem_shared>>) offsets(%dma_start3A_119 : memref<128xi32, #tpu.memory_space<vmem>>) semaphore(%arg12 : memref<!tpu.dma_semaphore, #tpu.memory_space<semaphore_mem>>) {add = true}
      %gt3A_123 = arith.constant 0 : i32
      %gt3A_124 = arith.cmpi sgt, %scan3A_86, %gt3A_123 : i32
      %convert_element_type3A_125 = arith.extui %gt3A_124 : i1 to i32
      %cond3A_126 = arith.constant 0 : i32
      %cond3A_127 = arith.cmpi ne, %convert_element_type3A_125, %cond3A_126 : i32
      scf.if %cond3A_127 {
        %dma_wait3A_203 = arith.constant 0 : i32
        %dma_wait3A_204 = tpu.memref_slice %arg6[%add3A_116, %dma_wait3A_203] : memref<80x128xi32, #tpu.memory_space<vmem>> -> memref<1x128xi32, #tpu.memory_space<vmem>>
        %dma_wait3A_205 = tpu.memref_squeeze %dma_wait3A_204 : memref<1x128xi32, #tpu.memory_space<vmem>> -> memref<128xi32, #tpu.memory_space<vmem>>
        %dma_wait3A_206 = arith.constant 0 : i32
        %dma_wait3A_207 = arith.constant 0 : i32
        %dma_wait3A_208 = tpu.memref_slice %arg9[%dma_wait3A_206, %dma_wait3A_207] : memref<10240x8xf32, #tpu.memory_space<vmem_shared>> -> memref<10240x8xf32, #tpu.memory_space<vmem_shared>>
        tpu.wait_indirect_dma semaphore(%arg12 : memref<!tpu.dma_semaphore, #tpu.memory_space<semaphore_mem>>) src(%arg7 : memref<128x8xf32, #tpu.memory_space<vmem>>) dst(%dma_wait3A_208 : memref<10240x8xf32, #tpu.memory_space<vmem_shared>>)
      } else {
      }
      %mul3A_128 = arith.constant 8 : i32
      %mul3A_129 = arith.muli %scan3A_86, %mul3A_128 : i32
      %add3A_130 = arith.constant 3 : i32
      %add3A_131 = arith.addi %mul3A_129, %add3A_130 : i32
      %dma_start3A_132 = arith.constant 0 : i32
      %dma_start3A_133 = tpu.memref_slice %arg6[%add3A_131, %dma_start3A_132] : memref<80x128xi32, #tpu.memory_space<vmem>> -> memref<1x128xi32, #tpu.memory_space<vmem>>
      %dma_start3A_134 = tpu.memref_squeeze %dma_start3A_133 : memref<1x128xi32, #tpu.memory_space<vmem>> -> memref<128xi32, #tpu.memory_space<vmem>>
      %dma_start3A_135 = arith.constant 0 : i32
      %dma_start3A_136 = arith.constant 0 : i32
      %dma_start3A_137 = tpu.memref_slice %arg9[%dma_start3A_135, %dma_start3A_136] : memref<10240x8xf32, #tpu.memory_space<vmem_shared>> -> memref<10240x8xf32, #tpu.memory_space<vmem_shared>>
      tpu.enqueue_indirect_dma source(%arg7 : memref<128x8xf32, #tpu.memory_space<vmem>>) target(%dma_start3A_137 : memref<10240x8xf32, #tpu.memory_space<vmem_shared>>) offsets(%dma_start3A_134 : memref<128xi32, #tpu.memory_space<vmem>>) semaphore(%arg13 : memref<!tpu.dma_semaphore, #tpu.memory_space<semaphore_mem>>) {add = true}
      %gt3A_138 = arith.constant 0 : i32
      %gt3A_139 = arith.cmpi sgt, %scan3A_86, %gt3A_138 : i32
      %convert_element_type3A_140 = arith.extui %gt3A_139 : i1 to i32
      %cond3A_141 = arith.constant 0 : i32
      %cond3A_142 = arith.cmpi ne, %convert_element_type3A_140, %cond3A_141 : i32
      scf.if %cond3A_142 {
        %dma_wait3A_203 = arith.constant 0 : i32
        %dma_wait3A_204 = tpu.memref_slice %arg6[%add3A_131, %dma_wait3A_203] : memref<80x128xi32, #tpu.memory_space<vmem>> -> memref<1x128xi32, #tpu.memory_space<vmem>>
        %dma_wait3A_205 = tpu.memref_squeeze %dma_wait3A_204 : memref<1x128xi32, #tpu.memory_space<vmem>> -> memref<128xi32, #tpu.memory_space<vmem>>
        %dma_wait3A_206 = arith.constant 0 : i32
        %dma_wait3A_207 = arith.constant 0 : i32
        %dma_wait3A_208 = tpu.memref_slice %arg9[%dma_wait3A_206, %dma_wait3A_207] : memref<10240x8xf32, #tpu.memory_space<vmem_shared>> -> memref<10240x8xf32, #tpu.memory_space<vmem_shared>>
        tpu.wait_indirect_dma semaphore(%arg13 : memref<!tpu.dma_semaphore, #tpu.memory_space<semaphore_mem>>) src(%arg7 : memref<128x8xf32, #tpu.memory_space<vmem>>) dst(%dma_wait3A_208 : memref<10240x8xf32, #tpu.memory_space<vmem_shared>>)
      } else {
      }
      %mul3A_143 = arith.constant 8 : i32
      %mul3A_144 = arith.muli %scan3A_86, %mul3A_143 : i32
      %add3A_145 = arith.constant 4 : i32
      %add3A_146 = arith.addi %mul3A_144, %add3A_145 : i32
      %dma_start3A_147 = arith.constant 0 : i32
      %dma_start3A_148 = tpu.memref_slice %arg6[%add3A_146, %dma_start3A_147] : memref<80x128xi32, #tpu.memory_space<vmem>> -> memref<1x128xi32, #tpu.memory_space<vmem>>
      %dma_start3A_149 = tpu.memref_squeeze %dma_start3A_148 : memref<1x128xi32, #tpu.memory_space<vmem>> -> memref<128xi32, #tpu.memory_space<vmem>>
      %dma_start3A_150 = arith.constant 0 : i32
      %dma_start3A_151 = arith.constant 0 : i32
      %dma_start3A_152 = tpu.memref_slice %arg9[%dma_start3A_150, %dma_start3A_151] : memref<10240x8xf32, #tpu.memory_space<vmem_shared>> -> memref<10240x8xf32, #tpu.memory_space<vmem_shared>>
      tpu.enqueue_indirect_dma source(%arg7 : memref<128x8xf32, #tpu.memory_space<vmem>>) target(%dma_start3A_152 : memref<10240x8xf32, #tpu.memory_space<vmem_shared>>) offsets(%dma_start3A_149 : memref<128xi32, #tpu.memory_space<vmem>>) semaphore(%arg14 : memref<!tpu.dma_semaphore, #tpu.memory_space<semaphore_mem>>) {add = true}
      %gt3A_153 = arith.constant 0 : i32
      %gt3A_154 = arith.cmpi sgt, %scan3A_86, %gt3A_153 : i32
      %convert_element_type3A_155 = arith.extui %gt3A_154 : i1 to i32
      %cond3A_156 = arith.constant 0 : i32
      %cond3A_157 = arith.cmpi ne, %convert_element_type3A_155, %cond3A_156 : i32
      scf.if %cond3A_157 {
        %dma_wait3A_203 = arith.constant 0 : i32
        %dma_wait3A_204 = tpu.memref_slice %arg6[%add3A_146, %dma_wait3A_203] : memref<80x128xi32, #tpu.memory_space<vmem>> -> memref<1x128xi32, #tpu.memory_space<vmem>>
        %dma_wait3A_205 = tpu.memref_squeeze %dma_wait3A_204 : memref<1x128xi32, #tpu.memory_space<vmem>> -> memref<128xi32, #tpu.memory_space<vmem>>
        %dma_wait3A_206 = arith.constant 0 : i32
        %dma_wait3A_207 = arith.constant 0 : i32
        %dma_wait3A_208 = tpu.memref_slice %arg9[%dma_wait3A_206, %dma_wait3A_207] : memref<10240x8xf32, #tpu.memory_space<vmem_shared>> -> memref<10240x8xf32, #tpu.memory_space<vmem_shared>>
        tpu.wait_indirect_dma semaphore(%arg14 : memref<!tpu.dma_semaphore, #tpu.memory_space<semaphore_mem>>) src(%arg7 : memref<128x8xf32, #tpu.memory_space<vmem>>) dst(%dma_wait3A_208 : memref<10240x8xf32, #tpu.memory_space<vmem_shared>>)
      } else {
      }
      %mul3A_158 = arith.constant 8 : i32
      %mul3A_159 = arith.muli %scan3A_86, %mul3A_158 : i32
      %add3A_160 = arith.constant 5 : i32
      %add3A_161 = arith.addi %mul3A_159, %add3A_160 : i32
      %dma_start3A_162 = arith.constant 0 : i32
      %dma_start3A_163 = tpu.memref_slice %arg6[%add3A_161, %dma_start3A_162] : memref<80x128xi32, #tpu.memory_space<vmem>> -> memref<1x128xi32, #tpu.memory_space<vmem>>
      %dma_start3A_164 = tpu.memref_squeeze %dma_start3A_163 : memref<1x128xi32, #tpu.memory_space<vmem>> -> memref<128xi32, #tpu.memory_space<vmem>>
      %dma_start3A_165 = arith.constant 0 : i32
      %dma_start3A_166 = arith.constant 0 : i32
      %dma_start3A_167 = tpu.memref_slice %arg9[%dma_start3A_165, %dma_start3A_166] : memref<10240x8xf32, #tpu.memory_space<vmem_shared>> -> memref<10240x8xf32, #tpu.memory_space<vmem_shared>>
      tpu.enqueue_indirect_dma source(%arg7 : memref<128x8xf32, #tpu.memory_space<vmem>>) target(%dma_start3A_167 : memref<10240x8xf32, #tpu.memory_space<vmem_shared>>) offsets(%dma_start3A_164 : memref<128xi32, #tpu.memory_space<vmem>>) semaphore(%arg15 : memref<!tpu.dma_semaphore, #tpu.memory_space<semaphore_mem>>) {add = true}
      %gt3A_168 = arith.constant 0 : i32
      %gt3A_169 = arith.cmpi sgt, %scan3A_86, %gt3A_168 : i32
      %convert_element_type3A_170 = arith.extui %gt3A_169 : i1 to i32
      %cond3A_171 = arith.constant 0 : i32
      %cond3A_172 = arith.cmpi ne, %convert_element_type3A_170, %cond3A_171 : i32
      scf.if %cond3A_172 {
        %dma_wait3A_203 = arith.constant 0 : i32
        %dma_wait3A_204 = tpu.memref_slice %arg6[%add3A_161, %dma_wait3A_203] : memref<80x128xi32, #tpu.memory_space<vmem>> -> memref<1x128xi32, #tpu.memory_space<vmem>>
        %dma_wait3A_205 = tpu.memref_squeeze %dma_wait3A_204 : memref<1x128xi32, #tpu.memory_space<vmem>> -> memref<128xi32, #tpu.memory_space<vmem>>
        %dma_wait3A_206 = arith.constant 0 : i32
        %dma_wait3A_207 = arith.constant 0 : i32
        %dma_wait3A_208 = tpu.memref_slice %arg9[%dma_wait3A_206, %dma_wait3A_207] : memref<10240x8xf32, #tpu.memory_space<vmem_shared>> -> memref<10240x8xf32, #tpu.memory_space<vmem_shared>>
        tpu.wait_indirect_dma semaphore(%arg15 : memref<!tpu.dma_semaphore, #tpu.memory_space<semaphore_mem>>) src(%arg7 : memref<128x8xf32, #tpu.memory_space<vmem>>) dst(%dma_wait3A_208 : memref<10240x8xf32, #tpu.memory_space<vmem_shared>>)
      } else {
      }
      %mul3A_173 = arith.constant 8 : i32
      %mul3A_174 = arith.muli %scan3A_86, %mul3A_173 : i32
      %add3A_175 = arith.constant 6 : i32
      %add3A_176 = arith.addi %mul3A_174, %add3A_175 : i32
      %dma_start3A_177 = arith.constant 0 : i32
      %dma_start3A_178 = tpu.memref_slice %arg6[%add3A_176, %dma_start3A_177] : memref<80x128xi32, #tpu.memory_space<vmem>> -> memref<1x128xi32, #tpu.memory_space<vmem>>
      %dma_start3A_179 = tpu.memref_squeeze %dma_start3A_178 : memref<1x128xi32, #tpu.memory_space<vmem>> -> memref<128xi32, #tpu.memory_space<vmem>>
      %dma_start3A_180 = arith.constant 0 : i32
      %dma_start3A_181 = arith.constant 0 : i32
      %dma_start3A_182 = tpu.memref_slice %arg9[%dma_start3A_180, %dma_start3A_181] : memref<10240x8xf32, #tpu.memory_space<vmem_shared>> -> memref<10240x8xf32, #tpu.memory_space<vmem_shared>>
      tpu.enqueue_indirect_dma source(%arg7 : memref<128x8xf32, #tpu.memory_space<vmem>>) target(%dma_start3A_182 : memref<10240x8xf32, #tpu.memory_space<vmem_shared>>) offsets(%dma_start3A_179 : memref<128xi32, #tpu.memory_space<vmem>>) semaphore(%arg16 : memref<!tpu.dma_semaphore, #tpu.memory_space<semaphore_mem>>) {add = true}
      %gt3A_183 = arith.constant 0 : i32
      %gt3A_184 = arith.cmpi sgt, %scan3A_86, %gt3A_183 : i32
      %convert_element_type3A_185 = arith.extui %gt3A_184 : i1 to i32
      %cond3A_186 = arith.constant 0 : i32
      %cond3A_187 = arith.cmpi ne, %convert_element_type3A_185, %cond3A_186 : i32
      scf.if %cond3A_187 {
        %dma_wait3A_203 = arith.constant 0 : i32
        %dma_wait3A_204 = tpu.memref_slice %arg6[%add3A_176, %dma_wait3A_203] : memref<80x128xi32, #tpu.memory_space<vmem>> -> memref<1x128xi32, #tpu.memory_space<vmem>>
        %dma_wait3A_205 = tpu.memref_squeeze %dma_wait3A_204 : memref<1x128xi32, #tpu.memory_space<vmem>> -> memref<128xi32, #tpu.memory_space<vmem>>
        %dma_wait3A_206 = arith.constant 0 : i32
        %dma_wait3A_207 = arith.constant 0 : i32
        %dma_wait3A_208 = tpu.memref_slice %arg9[%dma_wait3A_206, %dma_wait3A_207] : memref<10240x8xf32, #tpu.memory_space<vmem_shared>> -> memref<10240x8xf32, #tpu.memory_space<vmem_shared>>
        tpu.wait_indirect_dma semaphore(%arg16 : memref<!tpu.dma_semaphore, #tpu.memory_space<semaphore_mem>>) src(%arg7 : memref<128x8xf32, #tpu.memory_space<vmem>>) dst(%dma_wait3A_208 : memref<10240x8xf32, #tpu.memory_space<vmem_shared>>)
      } else {
      }
      %mul3A_188 = arith.constant 8 : i32
      %mul3A_189 = arith.muli %scan3A_86, %mul3A_188 : i32
      %add3A_190 = arith.constant 7 : i32
      %add3A_191 = arith.addi %mul3A_189, %add3A_190 : i32
      %dma_start3A_192 = arith.constant 0 : i32
      %dma_start3A_193 = tpu.memref_slice %arg6[%add3A_191, %dma_start3A_192] : memref<80x128xi32, #tpu.memory_space<vmem>> -> memref<1x128xi32, #tpu.memory_space<vmem>>
      %dma_start3A_194 = tpu.memref_squeeze %dma_start3A_193 : memref<1x128xi32, #tpu.memory_space<vmem>> -> memref<128xi32, #tpu.memory_space<vmem>>
      %dma_start3A_195 = arith.constant 0 : i32
      %dma_start3A_196 = arith.constant 0 : i32
      %dma_start3A_197 = tpu.memref_slice %arg9[%dma_start3A_195, %dma_start3A_196] : memref<10240x8xf32, #tpu.memory_space<vmem_shared>> -> memref<10240x8xf32, #tpu.memory_space<vmem_shared>>
      tpu.enqueue_indirect_dma source(%arg7 : memref<128x8xf32, #tpu.memory_space<vmem>>) target(%dma_start3A_197 : memref<10240x8xf32, #tpu.memory_space<vmem_shared>>) offsets(%dma_start3A_194 : memref<128xi32, #tpu.memory_space<vmem>>) semaphore(%arg17 : memref<!tpu.dma_semaphore, #tpu.memory_space<semaphore_mem>>) {add = true}
      %gt3A_198 = arith.constant 0 : i32
      %gt3A_199 = arith.cmpi sgt, %scan3A_86, %gt3A_198 : i32
      %convert_element_type3A_200 = arith.extui %gt3A_199 : i1 to i32
      %cond3A_201 = arith.constant 0 : i32
      %cond3A_202 = arith.cmpi ne, %convert_element_type3A_200, %cond3A_201 : i32
      scf.if %cond3A_202 {
        %dma_wait3A_203 = arith.constant 0 : i32
        %dma_wait3A_204 = tpu.memref_slice %arg6[%add3A_191, %dma_wait3A_203] : memref<80x128xi32, #tpu.memory_space<vmem>> -> memref<1x128xi32, #tpu.memory_space<vmem>>
        %dma_wait3A_205 = tpu.memref_squeeze %dma_wait3A_204 : memref<1x128xi32, #tpu.memory_space<vmem>> -> memref<128xi32, #tpu.memory_space<vmem>>
        %dma_wait3A_206 = arith.constant 0 : i32
        %dma_wait3A_207 = arith.constant 0 : i32
        %dma_wait3A_208 = tpu.memref_slice %arg9[%dma_wait3A_206, %dma_wait3A_207] : memref<10240x8xf32, #tpu.memory_space<vmem_shared>> -> memref<10240x8xf32, #tpu.memory_space<vmem_shared>>
        tpu.wait_indirect_dma semaphore(%arg17 : memref<!tpu.dma_semaphore, #tpu.memory_space<semaphore_mem>>) src(%arg7 : memref<128x8xf32, #tpu.memory_space<vmem>>) dst(%dma_wait3A_208 : memref<10240x8xf32, #tpu.memory_space<vmem_shared>>)
      } else {
      }
    }
    %scan3A_25 = arith.constant 10 : i32
    %dma_wait3A = arith.constant 0 : i32
    %dma_wait3A_26 = arith.constant 0 : i32
    %dma_wait3A_27 = tpu.memref_slice %arg6[%dma_wait3A, %dma_wait3A_26] : memref<80x128xi32, #tpu.memory_space<vmem>> -> memref<1x128xi32, #tpu.memory_space<vmem>>
    %dma_wait3A_28 = tpu.memref_squeeze %dma_wait3A_27 : memref<1x128xi32, #tpu.memory_space<vmem>> -> memref<128xi32, #tpu.memory_space<vmem>>
    %dma_wait3A_29 = arith.constant 0 : i32
    %dma_wait3A_30 = arith.constant 0 : i32
    %dma_wait3A_31 = tpu.memref_slice %arg9[%dma_wait3A_29, %dma_wait3A_30] : memref<10240x8xf32, #tpu.memory_space<vmem_shared>> -> memref<10240x8xf32, #tpu.memory_space<vmem_shared>>
    tpu.wait_indirect_dma semaphore(%arg10 : memref<!tpu.dma_semaphore, #tpu.memory_space<semaphore_mem>>) src(%arg7 : memref<128x8xf32, #tpu.memory_space<vmem>>) dst(%dma_wait3A_31 : memref<10240x8xf32, #tpu.memory_space<vmem_shared>>)
    %dma_wait3A_32 = arith.constant 1 : i32
    %dma_wait3A_33 = arith.constant 0 : i32
    %dma_wait3A_34 = tpu.memref_slice %arg6[%dma_wait3A_32, %dma_wait3A_33] : memref<80x128xi32, #tpu.memory_space<vmem>> -> memref<1x128xi32, #tpu.memory_space<vmem>>
    %dma_wait3A_35 = tpu.memref_squeeze %dma_wait3A_34 : memref<1x128xi32, #tpu.memory_space<vmem>> -> memref<128xi32, #tpu.memory_space<vmem>>
    %dma_wait3A_36 = arith.constant 0 : i32
    %dma_wait3A_37 = arith.constant 0 : i32
    %dma_wait3A_38 = tpu.memref_slice %arg9[%dma_wait3A_36, %dma_wait3A_37] : memref<10240x8xf32, #tpu.memory_space<vmem_shared>> -> memref<10240x8xf32, #tpu.memory_space<vmem_shared>>
    tpu.wait_indirect_dma semaphore(%arg11 : memref<!tpu.dma_semaphore, #tpu.memory_space<semaphore_mem>>) src(%arg7 : memref<128x8xf32, #tpu.memory_space<vmem>>) dst(%dma_wait3A_38 : memref<10240x8xf32, #tpu.memory_space<vmem_shared>>)
    %dma_wait3A_39 = arith.constant 2 : i32
    %dma_wait3A_40 = arith.constant 0 : i32
    %dma_wait3A_41 = tpu.memref_slice %arg6[%dma_wait3A_39, %dma_wait3A_40] : memref<80x128xi32, #tpu.memory_space<vmem>> -> memref<1x128xi32, #tpu.memory_space<vmem>>
    %dma_wait3A_42 = tpu.memref_squeeze %dma_wait3A_41 : memref<1x128xi32, #tpu.memory_space<vmem>> -> memref<128xi32, #tpu.memory_space<vmem>>
    %dma_wait3A_43 = arith.constant 0 : i32
    %dma_wait3A_44 = arith.constant 0 : i32
    %dma_wait3A_45 = tpu.memref_slice %arg9[%dma_wait3A_43, %dma_wait3A_44] : memref<10240x8xf32, #tpu.memory_space<vmem_shared>> -> memref<10240x8xf32, #tpu.memory_space<vmem_shared>>
    tpu.wait_indirect_dma semaphore(%arg12 : memref<!tpu.dma_semaphore, #tpu.memory_space<semaphore_mem>>) src(%arg7 : memref<128x8xf32, #tpu.memory_space<vmem>>) dst(%dma_wait3A_45 : memref<10240x8xf32, #tpu.memory_space<vmem_shared>>)
    %dma_wait3A_46 = arith.constant 3 : i32
    %dma_wait3A_47 = arith.constant 0 : i32
    %dma_wait3A_48 = tpu.memref_slice %arg6[%dma_wait3A_46, %dma_wait3A_47] : memref<80x128xi32, #tpu.memory_space<vmem>> -> memref<1x128xi32, #tpu.memory_space<vmem>>
    %dma_wait3A_49 = tpu.memref_squeeze %dma_wait3A_48 : memref<1x128xi32, #tpu.memory_space<vmem>> -> memref<128xi32, #tpu.memory_space<vmem>>
    %dma_wait3A_50 = arith.constant 0 : i32
    %dma_wait3A_51 = arith.constant 0 : i32
    %dma_wait3A_52 = tpu.memref_slice %arg9[%dma_wait3A_50, %dma_wait3A_51] : memref<10240x8xf32, #tpu.memory_space<vmem_shared>> -> memref<10240x8xf32, #tpu.memory_space<vmem_shared>>
    tpu.wait_indirect_dma semaphore(%arg13 : memref<!tpu.dma_semaphore, #tpu.memory_space<semaphore_mem>>) src(%arg7 : memref<128x8xf32, #tpu.memory_space<vmem>>) dst(%dma_wait3A_52 : memref<10240x8xf32, #tpu.memory_space<vmem_shared>>)
    %dma_wait3A_53 = arith.constant 4 : i32
    %dma_wait3A_54 = arith.constant 0 : i32
    %dma_wait3A_55 = tpu.memref_slice %arg6[%dma_wait3A_53, %dma_wait3A_54] : memref<80x128xi32, #tpu.memory_space<vmem>> -> memref<1x128xi32, #tpu.memory_space<vmem>>
    %dma_wait3A_56 = tpu.memref_squeeze %dma_wait3A_55 : memref<1x128xi32, #tpu.memory_space<vmem>> -> memref<128xi32, #tpu.memory_space<vmem>>
    %dma_wait3A_57 = arith.constant 0 : i32
    %dma_wait3A_58 = arith.constant 0 : i32
    %dma_wait3A_59 = tpu.memref_slice %arg9[%dma_wait3A_57, %dma_wait3A_58] : memref<10240x8xf32, #tpu.memory_space<vmem_shared>> -> memref<10240x8xf32, #tpu.memory_space<vmem_shared>>
    tpu.wait_indirect_dma semaphore(%arg14 : memref<!tpu.dma_semaphore, #tpu.memory_space<semaphore_mem>>) src(%arg7 : memref<128x8xf32, #tpu.memory_space<vmem>>) dst(%dma_wait3A_59 : memref<10240x8xf32, #tpu.memory_space<vmem_shared>>)
    %dma_wait3A_60 = arith.constant 5 : i32
    %dma_wait3A_61 = arith.constant 0 : i32
    %dma_wait3A_62 = tpu.memref_slice %arg6[%dma_wait3A_60, %dma_wait3A_61] : memref<80x128xi32, #tpu.memory_space<vmem>> -> memref<1x128xi32, #tpu.memory_space<vmem>>
    %dma_wait3A_63 = tpu.memref_squeeze %dma_wait3A_62 : memref<1x128xi32, #tpu.memory_space<vmem>> -> memref<128xi32, #tpu.memory_space<vmem>>
    %dma_wait3A_64 = arith.constant 0 : i32
    %dma_wait3A_65 = arith.constant 0 : i32
    %dma_wait3A_66 = tpu.memref_slice %arg9[%dma_wait3A_64, %dma_wait3A_65] : memref<10240x8xf32, #tpu.memory_space<vmem_shared>> -> memref<10240x8xf32, #tpu.memory_space<vmem_shared>>
    tpu.wait_indirect_dma semaphore(%arg15 : memref<!tpu.dma_semaphore, #tpu.memory_space<semaphore_mem>>) src(%arg7 : memref<128x8xf32, #tpu.memory_space<vmem>>) dst(%dma_wait3A_66 : memref<10240x8xf32, #tpu.memory_space<vmem_shared>>)
    %dma_wait3A_67 = arith.constant 6 : i32
    %dma_wait3A_68 = arith.constant 0 : i32
    %dma_wait3A_69 = tpu.memref_slice %arg6[%dma_wait3A_67, %dma_wait3A_68] : memref<80x128xi32, #tpu.memory_space<vmem>> -> memref<1x128xi32, #tpu.memory_space<vmem>>
    %dma_wait3A_70 = tpu.memref_squeeze %dma_wait3A_69 : memref<1x128xi32, #tpu.memory_space<vmem>> -> memref<128xi32, #tpu.memory_space<vmem>>
    %dma_wait3A_71 = arith.constant 0 : i32
    %dma_wait3A_72 = arith.constant 0 : i32
    %dma_wait3A_73 = tpu.memref_slice %arg9[%dma_wait3A_71, %dma_wait3A_72] : memref<10240x8xf32, #tpu.memory_space<vmem_shared>> -> memref<10240x8xf32, #tpu.memory_space<vmem_shared>>
    tpu.wait_indirect_dma semaphore(%arg16 : memref<!tpu.dma_semaphore, #tpu.memory_space<semaphore_mem>>) src(%arg7 : memref<128x8xf32, #tpu.memory_space<vmem>>) dst(%dma_wait3A_73 : memref<10240x8xf32, #tpu.memory_space<vmem_shared>>)
    %dma_wait3A_74 = arith.constant 7 : i32
    %dma_wait3A_75 = arith.constant 0 : i32
    %dma_wait3A_76 = tpu.memref_slice %arg6[%dma_wait3A_74, %dma_wait3A_75] : memref<80x128xi32, #tpu.memory_space<vmem>> -> memref<1x128xi32, #tpu.memory_space<vmem>>
    %dma_wait3A_77 = tpu.memref_squeeze %dma_wait3A_76 : memref<1x128xi32, #tpu.memory_space<vmem>> -> memref<128xi32, #tpu.memory_space<vmem>>
    %dma_wait3A_78 = arith.constant 0 : i32
    %dma_wait3A_79 = arith.constant 0 : i32
    %dma_wait3A_80 = tpu.memref_slice %arg9[%dma_wait3A_78, %dma_wait3A_79] : memref<10240x8xf32, #tpu.memory_space<vmem_shared>> -> memref<10240x8xf32, #tpu.memory_space<vmem_shared>>
    tpu.wait_indirect_dma semaphore(%arg17 : memref<!tpu.dma_semaphore, #tpu.memory_space<semaphore_mem>>) src(%arg7 : memref<128x8xf32, #tpu.memory_space<vmem>>) dst(%dma_wait3A_80 : memref<10240x8xf32, #tpu.memory_space<vmem_shared>>)
    %barrier3A_81 = arith.constant 0 : index
    tpu.barrier barrier_id(%barrier3A_81)
    %mul3A_82 = arith.constant 640 : i32
    %mul3A_83 = arith.muli %arg1, %mul3A_82 : i32
    %mul3A_84 = arith.constant 640 : i32
    %mul3A_85 = arith.muli %arg1, %mul3A_84 : i32
    "tpu.region"() ({
      %run_scoped3A = tpu.sem_alloc : memref<!tpu.dma_semaphore, #tpu.memory_space<semaphore_mem>>
      %dma_start3A = arith.constant 0 : i32
      %dma_start3A_86 = tpu.memref_slice %arg5[%arg0, %mul3A_85, %dma_start3A] : memref<2x10240x8xf32, #tpu.memory_space<hbm>> -> memref<1x640x8xf32, #tpu.memory_space<hbm>>
      %dma_start3A_87 = tpu.memref_squeeze %dma_start3A_86 : memref<1x640x8xf32, #tpu.memory_space<hbm>> -> memref<640x8xf32, #tpu.memory_space<hbm>>
      %dma_start3A_88 = arith.constant 0 : i32
      %dma_start3A_89 = tpu.memref_slice %arg9[%mul3A_83, %dma_start3A_88] : memref<10240x8xf32, #tpu.memory_space<vmem_shared>> -> memref<640x8xf32, #tpu.memory_space<vmem_shared>>
      tpu.enqueue_dma source(%dma_start3A_89 : memref<640x8xf32, #tpu.memory_space<vmem_shared>>) target(%dma_start3A_87 : memref<640x8xf32, #tpu.memory_space<hbm>>) target_semaphore(%run_scoped3A : memref<!tpu.dma_semaphore, #tpu.memory_space<semaphore_mem>>)
      %dma_wait3A_90 = arith.constant 0 : i32
      %dma_wait3A_91 = tpu.memref_slice %arg5[%arg0, %mul3A_85, %dma_wait3A_90] : memref<2x10240x8xf32, #tpu.memory_space<hbm>> -> memref<1x640x8xf32, #tpu.memory_space<hbm>>
      %dma_wait3A_92 = tpu.memref_squeeze %dma_wait3A_91 : memref<1x640x8xf32, #tpu.memory_space<hbm>> -> memref<640x8xf32, #tpu.memory_space<hbm>>
      %dma_wait3A_93 = arith.constant 0 : i32
      %dma_wait3A_94 = tpu.memref_slice %arg9[%mul3A_83, %dma_wait3A_93] : memref<10240x8xf32, #tpu.memory_space<vmem_shared>> -> memref<640x8xf32, #tpu.memory_space<vmem_shared>>
      tpu.wait_dma2 semaphore(%run_scoped3A : memref<!tpu.dma_semaphore, #tpu.memory_space<semaphore_mem>>) src(%dma_wait3A_94 : memref<640x8xf32, #tpu.memory_space<vmem_shared>>) dst(%dma_wait3A_92 : memref<640x8xf32, #tpu.memory_space<hbm>>)
      tpu.yield
    }) : () -> ()
    return
  }
}

#map = affine_map<(d0, d1) -> (0, 0, 0)>
#map1 = affine_map<(d0, d1) -> (0, 0)>
#map2 = affine_map<(d0, d1) -> (0, 0, 0, 0)>
module attributes {stable_mosaic.version = 14 : i64} {
  func.func @agg_kernel(%arg0: i32, %arg1: i32, %arg2: memref<32x80x128xi32, #tpu.memory_space<hbm>>, %arg3: memref<32x80x128xi32, #tpu.memory_space<hbm>>, %arg4: memref<10000x8xf32, #tpu.memory_space<hbm>>, %arg5: memref<128x8xf32, #tpu.memory_space<hbm>>, %arg6: memref<2x1x10240x8xf32, #tpu.memory_space<hbm>>, %arg7: memref<80x128xi32, #tpu.memory_space<vmem>>, %arg8: memref<80x128xi32, #tpu.memory_space<vmem>>, %arg9: memref<128x8xf32, #tpu.memory_space<vmem>>, %arg10: memref<128x8xf32, #tpu.memory_space<vmem>>, %arg11: memref<128x8xf32, #tpu.memory_space<vmem>>, %arg12: memref<128x8xf32, #tpu.memory_space<vmem>>, %arg13: memref<128x8xf32, #tpu.memory_space<vmem>>, %arg14: memref<128x8xf32, #tpu.memory_space<vmem>>, %arg15: memref<128x8xf32, #tpu.memory_space<vmem>>, %arg16: memref<128x8xf32, #tpu.memory_space<vmem>>, %arg17: memref<128x8xf32, #tpu.memory_space<vmem>>, %arg18: memref<!tpu.dma_semaphore, #tpu.memory_space<semaphore_mem>>, %arg19: memref<!tpu.dma_semaphore, #tpu.memory_space<semaphore_mem>>, %arg20: memref<!tpu.dma_semaphore, #tpu.memory_space<semaphore_mem>>, %arg21: memref<!tpu.dma_semaphore, #tpu.memory_space<semaphore_mem>>, %arg22: memref<!tpu.dma_semaphore, #tpu.memory_space<semaphore_mem>>, %arg23: memref<!tpu.dma_semaphore, #tpu.memory_space<semaphore_mem>>, %arg24: memref<!tpu.dma_semaphore, #tpu.memory_space<semaphore_mem>>, %arg25: memref<!tpu.dma_semaphore, #tpu.memory_space<semaphore_mem>>, %arg26: memref<!tpu.dma_semaphore, #tpu.memory_space<semaphore_mem>>, %arg27: memref<!tpu.dma_semaphore, #tpu.memory_space<semaphore_mem>>, %arg28: memref<!tpu.dma_semaphore, #tpu.memory_space<semaphore_mem>>, %arg29: memref<!tpu.dma_semaphore, #tpu.memory_space<semaphore_mem>>, %arg30: memref<!tpu.dma_semaphore, #tpu.memory_space<semaphore_mem>>, %arg31: memref<!tpu.dma_semaphore, #tpu.memory_space<semaphore_mem>>, %arg32: memref<!tpu.dma_semaphore, #tpu.memory_space<semaphore_mem>>, %arg33: memref<!tpu.dma_semaphore, #tpu.memory_space<semaphore_mem>>, %arg34: memref<10240x8xf32, #tpu.memory_space<vmem_shared>>, %arg35: memref<10000x8xf32, #tpu.memory_space<vmem_shared>>) attributes {dimension_semantics = [#tpu.dimension_semantics<core_parallel>, #tpu.dimension_semantics<subcore_parallel>], iteration_bounds = array<i64: 2, 16>, scalar_prefetch = 0 : i64, scratch_operands = 29 : i64, tpu.core_type = #tpu.core_type<sc_vector_subcore>, window_params = [{transform_indices = #map}, {transform_indices = #map}, {transform_indices = #map1}, {transform_indices = #map1}, {transform_indices = #map2}]} {
    %eq3A = arith.constant 0 : i32
    %eq3A_0 = arith.cmpi eq, %arg1, %eq3A : i32
    %convert_element_type3A = arith.extui %eq3A_0 : i1 to i32
    %cond3A = arith.constant 0 : i32
    %cond3A_1 = arith.cmpi ne, %convert_element_type3A, %cond3A : i32
    scf.if %cond3A_1 {
      "tpu.region"() ({
        %run_scoped3A_161 = tpu.sem_alloc : memref<!tpu.dma_semaphore, #tpu.memory_space<semaphore_mem>>
        %dma_start3A_162 = arith.constant 0 : i32
        %dma_start3A_163 = arith.constant 0 : i32
        %dma_start3A_164 = tpu.memref_slice %arg35[%dma_start3A_162, %dma_start3A_163] : memref<10000x8xf32, #tpu.memory_space<vmem_shared>> -> memref<1000x8xf32, #tpu.memory_space<vmem_shared>>
        %dma_start3A_165 = arith.constant 0 : i32
        %dma_start3A_166 = arith.constant 0 : i32
        %dma_start3A_167 = tpu.memref_slice %arg4[%dma_start3A_165, %dma_start3A_166] : memref<10000x8xf32, #tpu.memory_space<hbm>> -> memref<1000x8xf32, #tpu.memory_space<hbm>>
        tpu.enqueue_dma source(%dma_start3A_167 : memref<1000x8xf32, #tpu.memory_space<hbm>>) target(%dma_start3A_164 : memref<1000x8xf32, #tpu.memory_space<vmem_shared>>) target_semaphore(%run_scoped3A_161 : memref<!tpu.dma_semaphore, #tpu.memory_space<semaphore_mem>>)
        %dma_wait3A_168 = arith.constant 0 : i32
        %dma_wait3A_169 = arith.constant 0 : i32
        %dma_wait3A_170 = tpu.memref_slice %arg35[%dma_wait3A_168, %dma_wait3A_169] : memref<10000x8xf32, #tpu.memory_space<vmem_shared>> -> memref<1000x8xf32, #tpu.memory_space<vmem_shared>>
        %dma_wait3A_171 = arith.constant 0 : i32
        %dma_wait3A_172 = arith.constant 0 : i32
        %dma_wait3A_173 = tpu.memref_slice %arg4[%dma_wait3A_171, %dma_wait3A_172] : memref<10000x8xf32, #tpu.memory_space<hbm>> -> memref<1000x8xf32, #tpu.memory_space<hbm>>
        tpu.wait_dma2 semaphore(%run_scoped3A_161 : memref<!tpu.dma_semaphore, #tpu.memory_space<semaphore_mem>>) src(%dma_wait3A_173 : memref<1000x8xf32, #tpu.memory_space<hbm>>) dst(%dma_wait3A_170 : memref<1000x8xf32, #tpu.memory_space<vmem_shared>>)
        tpu.yield
      }) : () -> ()
    } else {
    }
    %eq3A_2 = arith.constant 1 : i32
    %eq3A_3 = arith.cmpi eq, %arg1, %eq3A_2 : i32
    %convert_element_type3A_4 = arith.extui %eq3A_3 : i1 to i32
    %cond3A_5 = arith.constant 0 : i32
    %cond3A_6 = arith.cmpi ne, %convert_element_type3A_4, %cond3A_5 : i32
    scf.if %cond3A_6 {
      "tpu.region"() ({
        %run_scoped3A_161 = tpu.sem_alloc : memref<!tpu.dma_semaphore, #tpu.memory_space<semaphore_mem>>
        %dma_start3A_162 = arith.constant 1000 : i32
        %dma_start3A_163 = arith.constant 0 : i32
        %dma_start3A_164 = tpu.memref_slice %arg35[%dma_start3A_162, %dma_start3A_163] : memref<10000x8xf32, #tpu.memory_space<vmem_shared>> -> memref<1000x8xf32, #tpu.memory_space<vmem_shared>>
        %dma_start3A_165 = arith.constant 1000 : i32
        %dma_start3A_166 = arith.constant 0 : i32
        %dma_start3A_167 = tpu.memref_slice %arg4[%dma_start3A_165, %dma_start3A_166] : memref<10000x8xf32, #tpu.memory_space<hbm>> -> memref<1000x8xf32, #tpu.memory_space<hbm>>
        tpu.enqueue_dma source(%dma_start3A_167 : memref<1000x8xf32, #tpu.memory_space<hbm>>) target(%dma_start3A_164 : memref<1000x8xf32, #tpu.memory_space<vmem_shared>>) target_semaphore(%run_scoped3A_161 : memref<!tpu.dma_semaphore, #tpu.memory_space<semaphore_mem>>)
        %dma_wait3A_168 = arith.constant 1000 : i32
        %dma_wait3A_169 = arith.constant 0 : i32
        %dma_wait3A_170 = tpu.memref_slice %arg35[%dma_wait3A_168, %dma_wait3A_169] : memref<10000x8xf32, #tpu.memory_space<vmem_shared>> -> memref<1000x8xf32, #tpu.memory_space<vmem_shared>>
        %dma_wait3A_171 = arith.constant 1000 : i32
        %dma_wait3A_172 = arith.constant 0 : i32
        %dma_wait3A_173 = tpu.memref_slice %arg4[%dma_wait3A_171, %dma_wait3A_172] : memref<10000x8xf32, #tpu.memory_space<hbm>> -> memref<1000x8xf32, #tpu.memory_space<hbm>>
        tpu.wait_dma2 semaphore(%run_scoped3A_161 : memref<!tpu.dma_semaphore, #tpu.memory_space<semaphore_mem>>) src(%dma_wait3A_173 : memref<1000x8xf32, #tpu.memory_space<hbm>>) dst(%dma_wait3A_170 : memref<1000x8xf32, #tpu.memory_space<vmem_shared>>)
        tpu.yield
      }) : () -> ()
    } else {
    }
    %eq3A_7 = arith.constant 2 : i32
    %eq3A_8 = arith.cmpi eq, %arg1, %eq3A_7 : i32
    %convert_element_type3A_9 = arith.extui %eq3A_8 : i1 to i32
    %cond3A_10 = arith.constant 0 : i32
    %cond3A_11 = arith.cmpi ne, %convert_element_type3A_9, %cond3A_10 : i32
    scf.if %cond3A_11 {
      "tpu.region"() ({
        %run_scoped3A_161 = tpu.sem_alloc : memref<!tpu.dma_semaphore, #tpu.memory_space<semaphore_mem>>
        %dma_start3A_162 = arith.constant 2000 : i32
        %dma_start3A_163 = arith.constant 0 : i32
        %dma_start3A_164 = tpu.memref_slice %arg35[%dma_start3A_162, %dma_start3A_163] : memref<10000x8xf32, #tpu.memory_space<vmem_shared>> -> memref<1000x8xf32, #tpu.memory_space<vmem_shared>>
        %dma_start3A_165 = arith.constant 2000 : i32
        %dma_start3A_166 = arith.constant 0 : i32
        %dma_start3A_167 = tpu.memref_slice %arg4[%dma_start3A_165, %dma_start3A_166] : memref<10000x8xf32, #tpu.memory_space<hbm>> -> memref<1000x8xf32, #tpu.memory_space<hbm>>
        tpu.enqueue_dma source(%dma_start3A_167 : memref<1000x8xf32, #tpu.memory_space<hbm>>) target(%dma_start3A_164 : memref<1000x8xf32, #tpu.memory_space<vmem_shared>>) target_semaphore(%run_scoped3A_161 : memref<!tpu.dma_semaphore, #tpu.memory_space<semaphore_mem>>)
        %dma_wait3A_168 = arith.constant 2000 : i32
        %dma_wait3A_169 = arith.constant 0 : i32
        %dma_wait3A_170 = tpu.memref_slice %arg35[%dma_wait3A_168, %dma_wait3A_169] : memref<10000x8xf32, #tpu.memory_space<vmem_shared>> -> memref<1000x8xf32, #tpu.memory_space<vmem_shared>>
        %dma_wait3A_171 = arith.constant 2000 : i32
        %dma_wait3A_172 = arith.constant 0 : i32
        %dma_wait3A_173 = tpu.memref_slice %arg4[%dma_wait3A_171, %dma_wait3A_172] : memref<10000x8xf32, #tpu.memory_space<hbm>> -> memref<1000x8xf32, #tpu.memory_space<hbm>>
        tpu.wait_dma2 semaphore(%run_scoped3A_161 : memref<!tpu.dma_semaphore, #tpu.memory_space<semaphore_mem>>) src(%dma_wait3A_173 : memref<1000x8xf32, #tpu.memory_space<hbm>>) dst(%dma_wait3A_170 : memref<1000x8xf32, #tpu.memory_space<vmem_shared>>)
        tpu.yield
      }) : () -> ()
    } else {
    }
    %eq3A_12 = arith.constant 3 : i32
    %eq3A_13 = arith.cmpi eq, %arg1, %eq3A_12 : i32
    %convert_element_type3A_14 = arith.extui %eq3A_13 : i1 to i32
    %cond3A_15 = arith.constant 0 : i32
    %cond3A_16 = arith.cmpi ne, %convert_element_type3A_14, %cond3A_15 : i32
    scf.if %cond3A_16 {
      "tpu.region"() ({
        %run_scoped3A_161 = tpu.sem_alloc : memref<!tpu.dma_semaphore, #tpu.memory_space<semaphore_mem>>
        %dma_start3A_162 = arith.constant 3000 : i32
        %dma_start3A_163 = arith.constant 0 : i32
        %dma_start3A_164 = tpu.memref_slice %arg35[%dma_start3A_162, %dma_start3A_163] : memref<10000x8xf32, #tpu.memory_space<vmem_shared>> -> memref<1000x8xf32, #tpu.memory_space<vmem_shared>>
        %dma_start3A_165 = arith.constant 3000 : i32
        %dma_start3A_166 = arith.constant 0 : i32
        %dma_start3A_167 = tpu.memref_slice %arg4[%dma_start3A_165, %dma_start3A_166] : memref<10000x8xf32, #tpu.memory_space<hbm>> -> memref<1000x8xf32, #tpu.memory_space<hbm>>
        tpu.enqueue_dma source(%dma_start3A_167 : memref<1000x8xf32, #tpu.memory_space<hbm>>) target(%dma_start3A_164 : memref<1000x8xf32, #tpu.memory_space<vmem_shared>>) target_semaphore(%run_scoped3A_161 : memref<!tpu.dma_semaphore, #tpu.memory_space<semaphore_mem>>)
        %dma_wait3A_168 = arith.constant 3000 : i32
        %dma_wait3A_169 = arith.constant 0 : i32
        %dma_wait3A_170 = tpu.memref_slice %arg35[%dma_wait3A_168, %dma_wait3A_169] : memref<10000x8xf32, #tpu.memory_space<vmem_shared>> -> memref<1000x8xf32, #tpu.memory_space<vmem_shared>>
        %dma_wait3A_171 = arith.constant 3000 : i32
        %dma_wait3A_172 = arith.constant 0 : i32
        %dma_wait3A_173 = tpu.memref_slice %arg4[%dma_wait3A_171, %dma_wait3A_172] : memref<10000x8xf32, #tpu.memory_space<hbm>> -> memref<1000x8xf32, #tpu.memory_space<hbm>>
        tpu.wait_dma2 semaphore(%run_scoped3A_161 : memref<!tpu.dma_semaphore, #tpu.memory_space<semaphore_mem>>) src(%dma_wait3A_173 : memref<1000x8xf32, #tpu.memory_space<hbm>>) dst(%dma_wait3A_170 : memref<1000x8xf32, #tpu.memory_space<vmem_shared>>)
        tpu.yield
      }) : () -> ()
    } else {
    }
    %eq3A_17 = arith.constant 4 : i32
    %eq3A_18 = arith.cmpi eq, %arg1, %eq3A_17 : i32
    %convert_element_type3A_19 = arith.extui %eq3A_18 : i1 to i32
    %cond3A_20 = arith.constant 0 : i32
    %cond3A_21 = arith.cmpi ne, %convert_element_type3A_19, %cond3A_20 : i32
    scf.if %cond3A_21 {
      "tpu.region"() ({
        %run_scoped3A_161 = tpu.sem_alloc : memref<!tpu.dma_semaphore, #tpu.memory_space<semaphore_mem>>
        %dma_start3A_162 = arith.constant 4000 : i32
        %dma_start3A_163 = arith.constant 0 : i32
        %dma_start3A_164 = tpu.memref_slice %arg35[%dma_start3A_162, %dma_start3A_163] : memref<10000x8xf32, #tpu.memory_space<vmem_shared>> -> memref<1000x8xf32, #tpu.memory_space<vmem_shared>>
        %dma_start3A_165 = arith.constant 4000 : i32
        %dma_start3A_166 = arith.constant 0 : i32
        %dma_start3A_167 = tpu.memref_slice %arg4[%dma_start3A_165, %dma_start3A_166] : memref<10000x8xf32, #tpu.memory_space<hbm>> -> memref<1000x8xf32, #tpu.memory_space<hbm>>
        tpu.enqueue_dma source(%dma_start3A_167 : memref<1000x8xf32, #tpu.memory_space<hbm>>) target(%dma_start3A_164 : memref<1000x8xf32, #tpu.memory_space<vmem_shared>>) target_semaphore(%run_scoped3A_161 : memref<!tpu.dma_semaphore, #tpu.memory_space<semaphore_mem>>)
        %dma_wait3A_168 = arith.constant 4000 : i32
        %dma_wait3A_169 = arith.constant 0 : i32
        %dma_wait3A_170 = tpu.memref_slice %arg35[%dma_wait3A_168, %dma_wait3A_169] : memref<10000x8xf32, #tpu.memory_space<vmem_shared>> -> memref<1000x8xf32, #tpu.memory_space<vmem_shared>>
        %dma_wait3A_171 = arith.constant 4000 : i32
        %dma_wait3A_172 = arith.constant 0 : i32
        %dma_wait3A_173 = tpu.memref_slice %arg4[%dma_wait3A_171, %dma_wait3A_172] : memref<10000x8xf32, #tpu.memory_space<hbm>> -> memref<1000x8xf32, #tpu.memory_space<hbm>>
        tpu.wait_dma2 semaphore(%run_scoped3A_161 : memref<!tpu.dma_semaphore, #tpu.memory_space<semaphore_mem>>) src(%dma_wait3A_173 : memref<1000x8xf32, #tpu.memory_space<hbm>>) dst(%dma_wait3A_170 : memref<1000x8xf32, #tpu.memory_space<vmem_shared>>)
        tpu.yield
      }) : () -> ()
    } else {
    }
    %eq3A_22 = arith.constant 5 : i32
    %eq3A_23 = arith.cmpi eq, %arg1, %eq3A_22 : i32
    %convert_element_type3A_24 = arith.extui %eq3A_23 : i1 to i32
    %cond3A_25 = arith.constant 0 : i32
    %cond3A_26 = arith.cmpi ne, %convert_element_type3A_24, %cond3A_25 : i32
    scf.if %cond3A_26 {
      "tpu.region"() ({
        %run_scoped3A_161 = tpu.sem_alloc : memref<!tpu.dma_semaphore, #tpu.memory_space<semaphore_mem>>
        %dma_start3A_162 = arith.constant 5000 : i32
        %dma_start3A_163 = arith.constant 0 : i32
        %dma_start3A_164 = tpu.memref_slice %arg35[%dma_start3A_162, %dma_start3A_163] : memref<10000x8xf32, #tpu.memory_space<vmem_shared>> -> memref<1000x8xf32, #tpu.memory_space<vmem_shared>>
        %dma_start3A_165 = arith.constant 5000 : i32
        %dma_start3A_166 = arith.constant 0 : i32
        %dma_start3A_167 = tpu.memref_slice %arg4[%dma_start3A_165, %dma_start3A_166] : memref<10000x8xf32, #tpu.memory_space<hbm>> -> memref<1000x8xf32, #tpu.memory_space<hbm>>
        tpu.enqueue_dma source(%dma_start3A_167 : memref<1000x8xf32, #tpu.memory_space<hbm>>) target(%dma_start3A_164 : memref<1000x8xf32, #tpu.memory_space<vmem_shared>>) target_semaphore(%run_scoped3A_161 : memref<!tpu.dma_semaphore, #tpu.memory_space<semaphore_mem>>)
        %dma_wait3A_168 = arith.constant 5000 : i32
        %dma_wait3A_169 = arith.constant 0 : i32
        %dma_wait3A_170 = tpu.memref_slice %arg35[%dma_wait3A_168, %dma_wait3A_169] : memref<10000x8xf32, #tpu.memory_space<vmem_shared>> -> memref<1000x8xf32, #tpu.memory_space<vmem_shared>>
        %dma_wait3A_171 = arith.constant 5000 : i32
        %dma_wait3A_172 = arith.constant 0 : i32
        %dma_wait3A_173 = tpu.memref_slice %arg4[%dma_wait3A_171, %dma_wait3A_172] : memref<10000x8xf32, #tpu.memory_space<hbm>> -> memref<1000x8xf32, #tpu.memory_space<hbm>>
        tpu.wait_dma2 semaphore(%run_scoped3A_161 : memref<!tpu.dma_semaphore, #tpu.memory_space<semaphore_mem>>) src(%dma_wait3A_173 : memref<1000x8xf32, #tpu.memory_space<hbm>>) dst(%dma_wait3A_170 : memref<1000x8xf32, #tpu.memory_space<vmem_shared>>)
        tpu.yield
      }) : () -> ()
    } else {
    }
    %eq3A_27 = arith.constant 6 : i32
    %eq3A_28 = arith.cmpi eq, %arg1, %eq3A_27 : i32
    %convert_element_type3A_29 = arith.extui %eq3A_28 : i1 to i32
    %cond3A_30 = arith.constant 0 : i32
    %cond3A_31 = arith.cmpi ne, %convert_element_type3A_29, %cond3A_30 : i32
    scf.if %cond3A_31 {
      "tpu.region"() ({
        %run_scoped3A_161 = tpu.sem_alloc : memref<!tpu.dma_semaphore, #tpu.memory_space<semaphore_mem>>
        %dma_start3A_162 = arith.constant 6000 : i32
        %dma_start3A_163 = arith.constant 0 : i32
        %dma_start3A_164 = tpu.memref_slice %arg35[%dma_start3A_162, %dma_start3A_163] : memref<10000x8xf32, #tpu.memory_space<vmem_shared>> -> memref<1000x8xf32, #tpu.memory_space<vmem_shared>>
        %dma_start3A_165 = arith.constant 6000 : i32
        %dma_start3A_166 = arith.constant 0 : i32
        %dma_start3A_167 = tpu.memref_slice %arg4[%dma_start3A_165, %dma_start3A_166] : memref<10000x8xf32, #tpu.memory_space<hbm>> -> memref<1000x8xf32, #tpu.memory_space<hbm>>
        tpu.enqueue_dma source(%dma_start3A_167 : memref<1000x8xf32, #tpu.memory_space<hbm>>) target(%dma_start3A_164 : memref<1000x8xf32, #tpu.memory_space<vmem_shared>>) target_semaphore(%run_scoped3A_161 : memref<!tpu.dma_semaphore, #tpu.memory_space<semaphore_mem>>)
        %dma_wait3A_168 = arith.constant 6000 : i32
        %dma_wait3A_169 = arith.constant 0 : i32
        %dma_wait3A_170 = tpu.memref_slice %arg35[%dma_wait3A_168, %dma_wait3A_169] : memref<10000x8xf32, #tpu.memory_space<vmem_shared>> -> memref<1000x8xf32, #tpu.memory_space<vmem_shared>>
        %dma_wait3A_171 = arith.constant 6000 : i32
        %dma_wait3A_172 = arith.constant 0 : i32
        %dma_wait3A_173 = tpu.memref_slice %arg4[%dma_wait3A_171, %dma_wait3A_172] : memref<10000x8xf32, #tpu.memory_space<hbm>> -> memref<1000x8xf32, #tpu.memory_space<hbm>>
        tpu.wait_dma2 semaphore(%run_scoped3A_161 : memref<!tpu.dma_semaphore, #tpu.memory_space<semaphore_mem>>) src(%dma_wait3A_173 : memref<1000x8xf32, #tpu.memory_space<hbm>>) dst(%dma_wait3A_170 : memref<1000x8xf32, #tpu.memory_space<vmem_shared>>)
        tpu.yield
      }) : () -> ()
    } else {
    }
    %eq3A_32 = arith.constant 7 : i32
    %eq3A_33 = arith.cmpi eq, %arg1, %eq3A_32 : i32
    %convert_element_type3A_34 = arith.extui %eq3A_33 : i1 to i32
    %cond3A_35 = arith.constant 0 : i32
    %cond3A_36 = arith.cmpi ne, %convert_element_type3A_34, %cond3A_35 : i32
    scf.if %cond3A_36 {
      "tpu.region"() ({
        %run_scoped3A_161 = tpu.sem_alloc : memref<!tpu.dma_semaphore, #tpu.memory_space<semaphore_mem>>
        %dma_start3A_162 = arith.constant 7000 : i32
        %dma_start3A_163 = arith.constant 0 : i32
        %dma_start3A_164 = tpu.memref_slice %arg35[%dma_start3A_162, %dma_start3A_163] : memref<10000x8xf32, #tpu.memory_space<vmem_shared>> -> memref<1000x8xf32, #tpu.memory_space<vmem_shared>>
        %dma_start3A_165 = arith.constant 7000 : i32
        %dma_start3A_166 = arith.constant 0 : i32
        %dma_start3A_167 = tpu.memref_slice %arg4[%dma_start3A_165, %dma_start3A_166] : memref<10000x8xf32, #tpu.memory_space<hbm>> -> memref<1000x8xf32, #tpu.memory_space<hbm>>
        tpu.enqueue_dma source(%dma_start3A_167 : memref<1000x8xf32, #tpu.memory_space<hbm>>) target(%dma_start3A_164 : memref<1000x8xf32, #tpu.memory_space<vmem_shared>>) target_semaphore(%run_scoped3A_161 : memref<!tpu.dma_semaphore, #tpu.memory_space<semaphore_mem>>)
        %dma_wait3A_168 = arith.constant 7000 : i32
        %dma_wait3A_169 = arith.constant 0 : i32
        %dma_wait3A_170 = tpu.memref_slice %arg35[%dma_wait3A_168, %dma_wait3A_169] : memref<10000x8xf32, #tpu.memory_space<vmem_shared>> -> memref<1000x8xf32, #tpu.memory_space<vmem_shared>>
        %dma_wait3A_171 = arith.constant 7000 : i32
        %dma_wait3A_172 = arith.constant 0 : i32
        %dma_wait3A_173 = tpu.memref_slice %arg4[%dma_wait3A_171, %dma_wait3A_172] : memref<10000x8xf32, #tpu.memory_space<hbm>> -> memref<1000x8xf32, #tpu.memory_space<hbm>>
        tpu.wait_dma2 semaphore(%run_scoped3A_161 : memref<!tpu.dma_semaphore, #tpu.memory_space<semaphore_mem>>) src(%dma_wait3A_173 : memref<1000x8xf32, #tpu.memory_space<hbm>>) dst(%dma_wait3A_170 : memref<1000x8xf32, #tpu.memory_space<vmem_shared>>)
        tpu.yield
      }) : () -> ()
    } else {
    }
    %eq3A_37 = arith.constant 8 : i32
    %eq3A_38 = arith.cmpi eq, %arg1, %eq3A_37 : i32
    %convert_element_type3A_39 = arith.extui %eq3A_38 : i1 to i32
    %cond3A_40 = arith.constant 0 : i32
    %cond3A_41 = arith.cmpi ne, %convert_element_type3A_39, %cond3A_40 : i32
    scf.if %cond3A_41 {
      "tpu.region"() ({
        %run_scoped3A_161 = tpu.sem_alloc : memref<!tpu.dma_semaphore, #tpu.memory_space<semaphore_mem>>
        %dma_start3A_162 = arith.constant 8000 : i32
        %dma_start3A_163 = arith.constant 0 : i32
        %dma_start3A_164 = tpu.memref_slice %arg35[%dma_start3A_162, %dma_start3A_163] : memref<10000x8xf32, #tpu.memory_space<vmem_shared>> -> memref<1000x8xf32, #tpu.memory_space<vmem_shared>>
        %dma_start3A_165 = arith.constant 8000 : i32
        %dma_start3A_166 = arith.constant 0 : i32
        %dma_start3A_167 = tpu.memref_slice %arg4[%dma_start3A_165, %dma_start3A_166] : memref<10000x8xf32, #tpu.memory_space<hbm>> -> memref<1000x8xf32, #tpu.memory_space<hbm>>
        tpu.enqueue_dma source(%dma_start3A_167 : memref<1000x8xf32, #tpu.memory_space<hbm>>) target(%dma_start3A_164 : memref<1000x8xf32, #tpu.memory_space<vmem_shared>>) target_semaphore(%run_scoped3A_161 : memref<!tpu.dma_semaphore, #tpu.memory_space<semaphore_mem>>)
        %dma_wait3A_168 = arith.constant 8000 : i32
        %dma_wait3A_169 = arith.constant 0 : i32
        %dma_wait3A_170 = tpu.memref_slice %arg35[%dma_wait3A_168, %dma_wait3A_169] : memref<10000x8xf32, #tpu.memory_space<vmem_shared>> -> memref<1000x8xf32, #tpu.memory_space<vmem_shared>>
        %dma_wait3A_171 = arith.constant 8000 : i32
        %dma_wait3A_172 = arith.constant 0 : i32
        %dma_wait3A_173 = tpu.memref_slice %arg4[%dma_wait3A_171, %dma_wait3A_172] : memref<10000x8xf32, #tpu.memory_space<hbm>> -> memref<1000x8xf32, #tpu.memory_space<hbm>>
        tpu.wait_dma2 semaphore(%run_scoped3A_161 : memref<!tpu.dma_semaphore, #tpu.memory_space<semaphore_mem>>) src(%dma_wait3A_173 : memref<1000x8xf32, #tpu.memory_space<hbm>>) dst(%dma_wait3A_170 : memref<1000x8xf32, #tpu.memory_space<vmem_shared>>)
        tpu.yield
      }) : () -> ()
    } else {
    }
    %eq3A_42 = arith.constant 9 : i32
    %eq3A_43 = arith.cmpi eq, %arg1, %eq3A_42 : i32
    %convert_element_type3A_44 = arith.extui %eq3A_43 : i1 to i32
    %cond3A_45 = arith.constant 0 : i32
    %cond3A_46 = arith.cmpi ne, %convert_element_type3A_44, %cond3A_45 : i32
    scf.if %cond3A_46 {
      "tpu.region"() ({
        %run_scoped3A_161 = tpu.sem_alloc : memref<!tpu.dma_semaphore, #tpu.memory_space<semaphore_mem>>
        %dma_start3A_162 = arith.constant 9000 : i32
        %dma_start3A_163 = arith.constant 0 : i32
        %dma_start3A_164 = tpu.memref_slice %arg35[%dma_start3A_162, %dma_start3A_163] : memref<10000x8xf32, #tpu.memory_space<vmem_shared>> -> memref<1000x8xf32, #tpu.memory_space<vmem_shared>>
        %dma_start3A_165 = arith.constant 9000 : i32
        %dma_start3A_166 = arith.constant 0 : i32
        %dma_start3A_167 = tpu.memref_slice %arg4[%dma_start3A_165, %dma_start3A_166] : memref<10000x8xf32, #tpu.memory_space<hbm>> -> memref<1000x8xf32, #tpu.memory_space<hbm>>
        tpu.enqueue_dma source(%dma_start3A_167 : memref<1000x8xf32, #tpu.memory_space<hbm>>) target(%dma_start3A_164 : memref<1000x8xf32, #tpu.memory_space<vmem_shared>>) target_semaphore(%run_scoped3A_161 : memref<!tpu.dma_semaphore, #tpu.memory_space<semaphore_mem>>)
        %dma_wait3A_168 = arith.constant 9000 : i32
        %dma_wait3A_169 = arith.constant 0 : i32
        %dma_wait3A_170 = tpu.memref_slice %arg35[%dma_wait3A_168, %dma_wait3A_169] : memref<10000x8xf32, #tpu.memory_space<vmem_shared>> -> memref<1000x8xf32, #tpu.memory_space<vmem_shared>>
        %dma_wait3A_171 = arith.constant 9000 : i32
        %dma_wait3A_172 = arith.constant 0 : i32
        %dma_wait3A_173 = tpu.memref_slice %arg4[%dma_wait3A_171, %dma_wait3A_172] : memref<10000x8xf32, #tpu.memory_space<hbm>> -> memref<1000x8xf32, #tpu.memory_space<hbm>>
        tpu.wait_dma2 semaphore(%run_scoped3A_161 : memref<!tpu.dma_semaphore, #tpu.memory_space<semaphore_mem>>) src(%dma_wait3A_173 : memref<1000x8xf32, #tpu.memory_space<hbm>>) dst(%dma_wait3A_170 : memref<1000x8xf32, #tpu.memory_space<vmem_shared>>)
        tpu.yield
      }) : () -> ()
    } else {
    }
    %mul3A = arith.constant 16 : i32
    %mul3A_47 = arith.muli %arg0, %mul3A : i32
    %add3A = arith.addi %mul3A_47, %arg1 : i32
    "tpu.region"() ({
      %run_scoped3A_161 = tpu.sem_alloc : memref<!tpu.dma_semaphore, #tpu.memory_space<semaphore_mem>>
      %dma_start3A_162 = arith.constant 0 : i32
      %dma_start3A_163 = arith.constant 0 : i32
      %dma_start3A_164 = tpu.memref_slice %arg2[%add3A, %dma_start3A_162, %dma_start3A_163] : memref<32x80x128xi32, #tpu.memory_space<hbm>> -> memref<1x80x128xi32, #tpu.memory_space<hbm>>
      %dma_start3A_165 = tpu.memref_squeeze %dma_start3A_164 : memref<1x80x128xi32, #tpu.memory_space<hbm>> -> memref<80x128xi32, #tpu.memory_space<hbm>>
      %dma_start3A_166 = arith.constant 0 : i32
      %dma_start3A_167 = arith.constant 0 : i32
      %dma_start3A_168 = tpu.memref_slice %arg2[%add3A, %dma_start3A_166, %dma_start3A_167] : memref<32x80x128xi32, #tpu.memory_space<hbm>> -> memref<1x80x128xi32, #tpu.memory_space<hbm>>
      %dma_start3A_169 = tpu.memref_squeeze %dma_start3A_168 : memref<1x80x128xi32, #tpu.memory_space<hbm>> -> memref<80x128xi32, #tpu.memory_space<hbm>>
      tpu.enqueue_dma source(%dma_start3A_169 : memref<80x128xi32, #tpu.memory_space<hbm>>) target(%arg7 : memref<80x128xi32, #tpu.memory_space<vmem>>) target_semaphore(%run_scoped3A_161 : memref<!tpu.dma_semaphore, #tpu.memory_space<semaphore_mem>>)
      %dma_wait3A_170 = arith.constant 0 : i32
      %dma_wait3A_171 = arith.constant 0 : i32
      %dma_wait3A_172 = tpu.memref_slice %arg2[%add3A, %dma_wait3A_170, %dma_wait3A_171] : memref<32x80x128xi32, #tpu.memory_space<hbm>> -> memref<1x80x128xi32, #tpu.memory_space<hbm>>
      %dma_wait3A_173 = tpu.memref_squeeze %dma_wait3A_172 : memref<1x80x128xi32, #tpu.memory_space<hbm>> -> memref<80x128xi32, #tpu.memory_space<hbm>>
      %dma_wait3A_174 = arith.constant 0 : i32
      %dma_wait3A_175 = arith.constant 0 : i32
      %dma_wait3A_176 = tpu.memref_slice %arg2[%add3A, %dma_wait3A_174, %dma_wait3A_175] : memref<32x80x128xi32, #tpu.memory_space<hbm>> -> memref<1x80x128xi32, #tpu.memory_space<hbm>>
      %dma_wait3A_177 = tpu.memref_squeeze %dma_wait3A_176 : memref<1x80x128xi32, #tpu.memory_space<hbm>> -> memref<80x128xi32, #tpu.memory_space<hbm>>
      tpu.wait_dma2 semaphore(%run_scoped3A_161 : memref<!tpu.dma_semaphore, #tpu.memory_space<semaphore_mem>>) src(%dma_wait3A_177 : memref<80x128xi32, #tpu.memory_space<hbm>>) dst(%arg7 : memref<80x128xi32, #tpu.memory_space<vmem>>)
      tpu.yield
    }) : () -> ()
    "tpu.region"() ({
      %run_scoped3A_161 = tpu.sem_alloc : memref<!tpu.dma_semaphore, #tpu.memory_space<semaphore_mem>>
      %dma_start3A_162 = arith.constant 0 : i32
      %dma_start3A_163 = arith.constant 0 : i32
      %dma_start3A_164 = tpu.memref_slice %arg3[%add3A, %dma_start3A_162, %dma_start3A_163] : memref<32x80x128xi32, #tpu.memory_space<hbm>> -> memref<1x80x128xi32, #tpu.memory_space<hbm>>
      %dma_start3A_165 = tpu.memref_squeeze %dma_start3A_164 : memref<1x80x128xi32, #tpu.memory_space<hbm>> -> memref<80x128xi32, #tpu.memory_space<hbm>>
      %dma_start3A_166 = arith.constant 0 : i32
      %dma_start3A_167 = arith.constant 0 : i32
      %dma_start3A_168 = tpu.memref_slice %arg3[%add3A, %dma_start3A_166, %dma_start3A_167] : memref<32x80x128xi32, #tpu.memory_space<hbm>> -> memref<1x80x128xi32, #tpu.memory_space<hbm>>
      %dma_start3A_169 = tpu.memref_squeeze %dma_start3A_168 : memref<1x80x128xi32, #tpu.memory_space<hbm>> -> memref<80x128xi32, #tpu.memory_space<hbm>>
      tpu.enqueue_dma source(%dma_start3A_169 : memref<80x128xi32, #tpu.memory_space<hbm>>) target(%arg8 : memref<80x128xi32, #tpu.memory_space<vmem>>) target_semaphore(%run_scoped3A_161 : memref<!tpu.dma_semaphore, #tpu.memory_space<semaphore_mem>>)
      %dma_wait3A_170 = arith.constant 0 : i32
      %dma_wait3A_171 = arith.constant 0 : i32
      %dma_wait3A_172 = tpu.memref_slice %arg3[%add3A, %dma_wait3A_170, %dma_wait3A_171] : memref<32x80x128xi32, #tpu.memory_space<hbm>> -> memref<1x80x128xi32, #tpu.memory_space<hbm>>
      %dma_wait3A_173 = tpu.memref_squeeze %dma_wait3A_172 : memref<1x80x128xi32, #tpu.memory_space<hbm>> -> memref<80x128xi32, #tpu.memory_space<hbm>>
      %dma_wait3A_174 = arith.constant 0 : i32
      %dma_wait3A_175 = arith.constant 0 : i32
      %dma_wait3A_176 = tpu.memref_slice %arg3[%add3A, %dma_wait3A_174, %dma_wait3A_175] : memref<32x80x128xi32, #tpu.memory_space<hbm>> -> memref<1x80x128xi32, #tpu.memory_space<hbm>>
      %dma_wait3A_177 = tpu.memref_squeeze %dma_wait3A_176 : memref<1x80x128xi32, #tpu.memory_space<hbm>> -> memref<80x128xi32, #tpu.memory_space<hbm>>
      tpu.wait_dma2 semaphore(%run_scoped3A_161 : memref<!tpu.dma_semaphore, #tpu.memory_space<semaphore_mem>>) src(%dma_wait3A_177 : memref<80x128xi32, #tpu.memory_space<hbm>>) dst(%arg8 : memref<80x128xi32, #tpu.memory_space<vmem>>)
      tpu.yield
    }) : () -> ()
    "tpu.region"() ({
      %run_scoped3A_161 = tpu.sem_alloc : memref<!tpu.dma_semaphore, #tpu.memory_space<semaphore_mem>>
      tpu.enqueue_dma source(%arg5 : memref<128x8xf32, #tpu.memory_space<hbm>>) target(%arg17 : memref<128x8xf32, #tpu.memory_space<vmem>>) target_semaphore(%run_scoped3A_161 : memref<!tpu.dma_semaphore, #tpu.memory_space<semaphore_mem>>)
      tpu.wait_dma2 semaphore(%run_scoped3A_161 : memref<!tpu.dma_semaphore, #tpu.memory_space<semaphore_mem>>) src(%arg5 : memref<128x8xf32, #tpu.memory_space<hbm>>) dst(%arg17 : memref<128x8xf32, #tpu.memory_space<vmem>>)
      tpu.yield
    }) : () -> ()
    %barrier3A = arith.constant 0 : index
    tpu.barrier barrier_id(%barrier3A)
    %mul3A_48 = arith.constant 640 : i32
    %mul3A_49 = arith.muli %arg1, %mul3A_48 : i32
    %add3A_50 = arith.constant 0 : i32
    %add3A_51 = arith.addi %mul3A_49, %add3A_50 : i32
    "tpu.region"() ({
      %run_scoped3A_161 = tpu.sem_alloc : memref<!tpu.dma_semaphore, #tpu.memory_space<semaphore_mem>>
      %dma_start3A_162 = arith.constant 0 : i32
      %dma_start3A_163 = tpu.memref_slice %arg34[%add3A_51, %dma_start3A_162] : memref<10240x8xf32, #tpu.memory_space<vmem_shared>> -> memref<128x8xf32, #tpu.memory_space<vmem_shared>>
      %dma_start3A_164 = arith.constant 0 : i32
      %dma_start3A_165 = tpu.memref_slice %arg34[%add3A_51, %dma_start3A_164] : memref<10240x8xf32, #tpu.memory_space<vmem_shared>> -> memref<128x8xf32, #tpu.memory_space<vmem_shared>>
      tpu.enqueue_dma source(%arg17 : memref<128x8xf32, #tpu.memory_space<vmem>>) target(%dma_start3A_165 : memref<128x8xf32, #tpu.memory_space<vmem_shared>>) target_semaphore(%run_scoped3A_161 : memref<!tpu.dma_semaphore, #tpu.memory_space<semaphore_mem>>)
      %dma_wait3A_166 = arith.constant 0 : i32
      %dma_wait3A_167 = tpu.memref_slice %arg34[%add3A_51, %dma_wait3A_166] : memref<10240x8xf32, #tpu.memory_space<vmem_shared>> -> memref<128x8xf32, #tpu.memory_space<vmem_shared>>
      %dma_wait3A_168 = arith.constant 0 : i32
      %dma_wait3A_169 = tpu.memref_slice %arg34[%add3A_51, %dma_wait3A_168] : memref<10240x8xf32, #tpu.memory_space<vmem_shared>> -> memref<128x8xf32, #tpu.memory_space<vmem_shared>>
      tpu.wait_dma2 semaphore(%run_scoped3A_161 : memref<!tpu.dma_semaphore, #tpu.memory_space<semaphore_mem>>) src(%arg17 : memref<128x8xf32, #tpu.memory_space<vmem>>) dst(%dma_wait3A_169 : memref<128x8xf32, #tpu.memory_space<vmem_shared>>)
      tpu.yield
    }) : () -> ()
    %mul3A_52 = arith.constant 640 : i32
    %mul3A_53 = arith.muli %arg1, %mul3A_52 : i32
    %add3A_54 = arith.constant 128 : i32
    %add3A_55 = arith.addi %mul3A_53, %add3A_54 : i32
    "tpu.region"() ({
      %run_scoped3A_161 = tpu.sem_alloc : memref<!tpu.dma_semaphore, #tpu.memory_space<semaphore_mem>>
      %dma_start3A_162 = arith.constant 0 : i32
      %dma_start3A_163 = tpu.memref_slice %arg34[%add3A_55, %dma_start3A_162] : memref<10240x8xf32, #tpu.memory_space<vmem_shared>> -> memref<128x8xf32, #tpu.memory_space<vmem_shared>>
      %dma_start3A_164 = arith.constant 0 : i32
      %dma_start3A_165 = tpu.memref_slice %arg34[%add3A_55, %dma_start3A_164] : memref<10240x8xf32, #tpu.memory_space<vmem_shared>> -> memref<128x8xf32, #tpu.memory_space<vmem_shared>>
      tpu.enqueue_dma source(%arg17 : memref<128x8xf32, #tpu.memory_space<vmem>>) target(%dma_start3A_165 : memref<128x8xf32, #tpu.memory_space<vmem_shared>>) target_semaphore(%run_scoped3A_161 : memref<!tpu.dma_semaphore, #tpu.memory_space<semaphore_mem>>)
      %dma_wait3A_166 = arith.constant 0 : i32
      %dma_wait3A_167 = tpu.memref_slice %arg34[%add3A_55, %dma_wait3A_166] : memref<10240x8xf32, #tpu.memory_space<vmem_shared>> -> memref<128x8xf32, #tpu.memory_space<vmem_shared>>
      %dma_wait3A_168 = arith.constant 0 : i32
      %dma_wait3A_169 = tpu.memref_slice %arg34[%add3A_55, %dma_wait3A_168] : memref<10240x8xf32, #tpu.memory_space<vmem_shared>> -> memref<128x8xf32, #tpu.memory_space<vmem_shared>>
      tpu.wait_dma2 semaphore(%run_scoped3A_161 : memref<!tpu.dma_semaphore, #tpu.memory_space<semaphore_mem>>) src(%arg17 : memref<128x8xf32, #tpu.memory_space<vmem>>) dst(%dma_wait3A_169 : memref<128x8xf32, #tpu.memory_space<vmem_shared>>)
      tpu.yield
    }) : () -> ()
    %mul3A_56 = arith.constant 640 : i32
    %mul3A_57 = arith.muli %arg1, %mul3A_56 : i32
    %add3A_58 = arith.constant 256 : i32
    %add3A_59 = arith.addi %mul3A_57, %add3A_58 : i32
    "tpu.region"() ({
      %run_scoped3A_161 = tpu.sem_alloc : memref<!tpu.dma_semaphore, #tpu.memory_space<semaphore_mem>>
      %dma_start3A_162 = arith.constant 0 : i32
      %dma_start3A_163 = tpu.memref_slice %arg34[%add3A_59, %dma_start3A_162] : memref<10240x8xf32, #tpu.memory_space<vmem_shared>> -> memref<128x8xf32, #tpu.memory_space<vmem_shared>>
      %dma_start3A_164 = arith.constant 0 : i32
      %dma_start3A_165 = tpu.memref_slice %arg34[%add3A_59, %dma_start3A_164] : memref<10240x8xf32, #tpu.memory_space<vmem_shared>> -> memref<128x8xf32, #tpu.memory_space<vmem_shared>>
      tpu.enqueue_dma source(%arg17 : memref<128x8xf32, #tpu.memory_space<vmem>>) target(%dma_start3A_165 : memref<128x8xf32, #tpu.memory_space<vmem_shared>>) target_semaphore(%run_scoped3A_161 : memref<!tpu.dma_semaphore, #tpu.memory_space<semaphore_mem>>)
      %dma_wait3A_166 = arith.constant 0 : i32
      %dma_wait3A_167 = tpu.memref_slice %arg34[%add3A_59, %dma_wait3A_166] : memref<10240x8xf32, #tpu.memory_space<vmem_shared>> -> memref<128x8xf32, #tpu.memory_space<vmem_shared>>
      %dma_wait3A_168 = arith.constant 0 : i32
      %dma_wait3A_169 = tpu.memref_slice %arg34[%add3A_59, %dma_wait3A_168] : memref<10240x8xf32, #tpu.memory_space<vmem_shared>> -> memref<128x8xf32, #tpu.memory_space<vmem_shared>>
      tpu.wait_dma2 semaphore(%run_scoped3A_161 : memref<!tpu.dma_semaphore, #tpu.memory_space<semaphore_mem>>) src(%arg17 : memref<128x8xf32, #tpu.memory_space<vmem>>) dst(%dma_wait3A_169 : memref<128x8xf32, #tpu.memory_space<vmem_shared>>)
      tpu.yield
    }) : () -> ()
    %mul3A_60 = arith.constant 640 : i32
    %mul3A_61 = arith.muli %arg1, %mul3A_60 : i32
    %add3A_62 = arith.constant 384 : i32
    %add3A_63 = arith.addi %mul3A_61, %add3A_62 : i32
    "tpu.region"() ({
      %run_scoped3A_161 = tpu.sem_alloc : memref<!tpu.dma_semaphore, #tpu.memory_space<semaphore_mem>>
      %dma_start3A_162 = arith.constant 0 : i32
      %dma_start3A_163 = tpu.memref_slice %arg34[%add3A_63, %dma_start3A_162] : memref<10240x8xf32, #tpu.memory_space<vmem_shared>> -> memref<128x8xf32, #tpu.memory_space<vmem_shared>>
      %dma_start3A_164 = arith.constant 0 : i32
      %dma_start3A_165 = tpu.memref_slice %arg34[%add3A_63, %dma_start3A_164] : memref<10240x8xf32, #tpu.memory_space<vmem_shared>> -> memref<128x8xf32, #tpu.memory_space<vmem_shared>>
      tpu.enqueue_dma source(%arg17 : memref<128x8xf32, #tpu.memory_space<vmem>>) target(%dma_start3A_165 : memref<128x8xf32, #tpu.memory_space<vmem_shared>>) target_semaphore(%run_scoped3A_161 : memref<!tpu.dma_semaphore, #tpu.memory_space<semaphore_mem>>)
      %dma_wait3A_166 = arith.constant 0 : i32
      %dma_wait3A_167 = tpu.memref_slice %arg34[%add3A_63, %dma_wait3A_166] : memref<10240x8xf32, #tpu.memory_space<vmem_shared>> -> memref<128x8xf32, #tpu.memory_space<vmem_shared>>
      %dma_wait3A_168 = arith.constant 0 : i32
      %dma_wait3A_169 = tpu.memref_slice %arg34[%add3A_63, %dma_wait3A_168] : memref<10240x8xf32, #tpu.memory_space<vmem_shared>> -> memref<128x8xf32, #tpu.memory_space<vmem_shared>>
      tpu.wait_dma2 semaphore(%run_scoped3A_161 : memref<!tpu.dma_semaphore, #tpu.memory_space<semaphore_mem>>) src(%arg17 : memref<128x8xf32, #tpu.memory_space<vmem>>) dst(%dma_wait3A_169 : memref<128x8xf32, #tpu.memory_space<vmem_shared>>)
      tpu.yield
    }) : () -> ()
    %mul3A_64 = arith.constant 640 : i32
    %mul3A_65 = arith.muli %arg1, %mul3A_64 : i32
    %add3A_66 = arith.constant 512 : i32
    %add3A_67 = arith.addi %mul3A_65, %add3A_66 : i32
    "tpu.region"() ({
      %run_scoped3A_161 = tpu.sem_alloc : memref<!tpu.dma_semaphore, #tpu.memory_space<semaphore_mem>>
      %dma_start3A_162 = arith.constant 0 : i32
      %dma_start3A_163 = tpu.memref_slice %arg34[%add3A_67, %dma_start3A_162] : memref<10240x8xf32, #tpu.memory_space<vmem_shared>> -> memref<128x8xf32, #tpu.memory_space<vmem_shared>>
      %dma_start3A_164 = arith.constant 0 : i32
      %dma_start3A_165 = tpu.memref_slice %arg34[%add3A_67, %dma_start3A_164] : memref<10240x8xf32, #tpu.memory_space<vmem_shared>> -> memref<128x8xf32, #tpu.memory_space<vmem_shared>>
      tpu.enqueue_dma source(%arg17 : memref<128x8xf32, #tpu.memory_space<vmem>>) target(%dma_start3A_165 : memref<128x8xf32, #tpu.memory_space<vmem_shared>>) target_semaphore(%run_scoped3A_161 : memref<!tpu.dma_semaphore, #tpu.memory_space<semaphore_mem>>)
      %dma_wait3A_166 = arith.constant 0 : i32
      %dma_wait3A_167 = tpu.memref_slice %arg34[%add3A_67, %dma_wait3A_166] : memref<10240x8xf32, #tpu.memory_space<vmem_shared>> -> memref<128x8xf32, #tpu.memory_space<vmem_shared>>
      %dma_wait3A_168 = arith.constant 0 : i32
      %dma_wait3A_169 = tpu.memref_slice %arg34[%add3A_67, %dma_wait3A_168] : memref<10240x8xf32, #tpu.memory_space<vmem_shared>> -> memref<128x8xf32, #tpu.memory_space<vmem_shared>>
      tpu.wait_dma2 semaphore(%run_scoped3A_161 : memref<!tpu.dma_semaphore, #tpu.memory_space<semaphore_mem>>) src(%arg17 : memref<128x8xf32, #tpu.memory_space<vmem>>) dst(%dma_wait3A_169 : memref<128x8xf32, #tpu.memory_space<vmem_shared>>)
      tpu.yield
    }) : () -> ()
    %barrier3A_68 = arith.constant 0 : index
    tpu.barrier barrier_id(%barrier3A_68)
    %dma_start3A = arith.constant 0 : i32
    %dma_start3A_69 = arith.constant 0 : i32
    %dma_start3A_70 = tpu.memref_slice %arg7[%dma_start3A, %dma_start3A_69] : memref<80x128xi32, #tpu.memory_space<vmem>> -> memref<1x128xi32, #tpu.memory_space<vmem>>
    %dma_start3A_71 = tpu.memref_squeeze %dma_start3A_70 : memref<1x128xi32, #tpu.memory_space<vmem>> -> memref<128xi32, #tpu.memory_space<vmem>>
    %dma_start3A_72 = arith.constant 0 : i32
    %dma_start3A_73 = arith.constant 0 : i32
    %dma_start3A_74 = tpu.memref_slice %arg35[%dma_start3A_72, %dma_start3A_73] : memref<10000x8xf32, #tpu.memory_space<vmem_shared>> -> memref<10000x8xf32, #tpu.memory_space<vmem_shared>>
    tpu.enqueue_indirect_dma source(%dma_start3A_74 : memref<10000x8xf32, #tpu.memory_space<vmem_shared>>) target(%arg9 : memref<128x8xf32, #tpu.memory_space<vmem>>) offsets(%dma_start3A_71 : memref<128xi32, #tpu.memory_space<vmem>>) semaphore(%arg18 : memref<!tpu.dma_semaphore, #tpu.memory_space<semaphore_mem>>)
    %dma_start3A_75 = arith.constant 1 : i32
    %dma_start3A_76 = arith.constant 0 : i32
    %dma_start3A_77 = tpu.memref_slice %arg7[%dma_start3A_75, %dma_start3A_76] : memref<80x128xi32, #tpu.memory_space<vmem>> -> memref<1x128xi32, #tpu.memory_space<vmem>>
    %dma_start3A_78 = tpu.memref_squeeze %dma_start3A_77 : memref<1x128xi32, #tpu.memory_space<vmem>> -> memref<128xi32, #tpu.memory_space<vmem>>
    %dma_start3A_79 = arith.constant 0 : i32
    %dma_start3A_80 = arith.constant 0 : i32
    %dma_start3A_81 = tpu.memref_slice %arg35[%dma_start3A_79, %dma_start3A_80] : memref<10000x8xf32, #tpu.memory_space<vmem_shared>> -> memref<10000x8xf32, #tpu.memory_space<vmem_shared>>
    tpu.enqueue_indirect_dma source(%dma_start3A_81 : memref<10000x8xf32, #tpu.memory_space<vmem_shared>>) target(%arg10 : memref<128x8xf32, #tpu.memory_space<vmem>>) offsets(%dma_start3A_78 : memref<128xi32, #tpu.memory_space<vmem>>) semaphore(%arg19 : memref<!tpu.dma_semaphore, #tpu.memory_space<semaphore_mem>>)
    %dma_start3A_82 = arith.constant 2 : i32
    %dma_start3A_83 = arith.constant 0 : i32
    %dma_start3A_84 = tpu.memref_slice %arg7[%dma_start3A_82, %dma_start3A_83] : memref<80x128xi32, #tpu.memory_space<vmem>> -> memref<1x128xi32, #tpu.memory_space<vmem>>
    %dma_start3A_85 = tpu.memref_squeeze %dma_start3A_84 : memref<1x128xi32, #tpu.memory_space<vmem>> -> memref<128xi32, #tpu.memory_space<vmem>>
    %dma_start3A_86 = arith.constant 0 : i32
    %dma_start3A_87 = arith.constant 0 : i32
    %dma_start3A_88 = tpu.memref_slice %arg35[%dma_start3A_86, %dma_start3A_87] : memref<10000x8xf32, #tpu.memory_space<vmem_shared>> -> memref<10000x8xf32, #tpu.memory_space<vmem_shared>>
    tpu.enqueue_indirect_dma source(%dma_start3A_88 : memref<10000x8xf32, #tpu.memory_space<vmem_shared>>) target(%arg11 : memref<128x8xf32, #tpu.memory_space<vmem>>) offsets(%dma_start3A_85 : memref<128xi32, #tpu.memory_space<vmem>>) semaphore(%arg20 : memref<!tpu.dma_semaphore, #tpu.memory_space<semaphore_mem>>)
    %dma_start3A_89 = arith.constant 3 : i32
    %dma_start3A_90 = arith.constant 0 : i32
    %dma_start3A_91 = tpu.memref_slice %arg7[%dma_start3A_89, %dma_start3A_90] : memref<80x128xi32, #tpu.memory_space<vmem>> -> memref<1x128xi32, #tpu.memory_space<vmem>>
    %dma_start3A_92 = tpu.memref_squeeze %dma_start3A_91 : memref<1x128xi32, #tpu.memory_space<vmem>> -> memref<128xi32, #tpu.memory_space<vmem>>
    %dma_start3A_93 = arith.constant 0 : i32
    %dma_start3A_94 = arith.constant 0 : i32
    %dma_start3A_95 = tpu.memref_slice %arg35[%dma_start3A_93, %dma_start3A_94] : memref<10000x8xf32, #tpu.memory_space<vmem_shared>> -> memref<10000x8xf32, #tpu.memory_space<vmem_shared>>
    tpu.enqueue_indirect_dma source(%dma_start3A_95 : memref<10000x8xf32, #tpu.memory_space<vmem_shared>>) target(%arg12 : memref<128x8xf32, #tpu.memory_space<vmem>>) offsets(%dma_start3A_92 : memref<128xi32, #tpu.memory_space<vmem>>) semaphore(%arg21 : memref<!tpu.dma_semaphore, #tpu.memory_space<semaphore_mem>>)
    %dma_start3A_96 = arith.constant 4 : i32
    %dma_start3A_97 = arith.constant 0 : i32
    %dma_start3A_98 = tpu.memref_slice %arg7[%dma_start3A_96, %dma_start3A_97] : memref<80x128xi32, #tpu.memory_space<vmem>> -> memref<1x128xi32, #tpu.memory_space<vmem>>
    %dma_start3A_99 = tpu.memref_squeeze %dma_start3A_98 : memref<1x128xi32, #tpu.memory_space<vmem>> -> memref<128xi32, #tpu.memory_space<vmem>>
    %dma_start3A_100 = arith.constant 0 : i32
    %dma_start3A_101 = arith.constant 0 : i32
    %dma_start3A_102 = tpu.memref_slice %arg35[%dma_start3A_100, %dma_start3A_101] : memref<10000x8xf32, #tpu.memory_space<vmem_shared>> -> memref<10000x8xf32, #tpu.memory_space<vmem_shared>>
    tpu.enqueue_indirect_dma source(%dma_start3A_102 : memref<10000x8xf32, #tpu.memory_space<vmem_shared>>) target(%arg13 : memref<128x8xf32, #tpu.memory_space<vmem>>) offsets(%dma_start3A_99 : memref<128xi32, #tpu.memory_space<vmem>>) semaphore(%arg22 : memref<!tpu.dma_semaphore, #tpu.memory_space<semaphore_mem>>)
    %dma_start3A_103 = arith.constant 5 : i32
    %dma_start3A_104 = arith.constant 0 : i32
    %dma_start3A_105 = tpu.memref_slice %arg7[%dma_start3A_103, %dma_start3A_104] : memref<80x128xi32, #tpu.memory_space<vmem>> -> memref<1x128xi32, #tpu.memory_space<vmem>>
    %dma_start3A_106 = tpu.memref_squeeze %dma_start3A_105 : memref<1x128xi32, #tpu.memory_space<vmem>> -> memref<128xi32, #tpu.memory_space<vmem>>
    %dma_start3A_107 = arith.constant 0 : i32
    %dma_start3A_108 = arith.constant 0 : i32
    %dma_start3A_109 = tpu.memref_slice %arg35[%dma_start3A_107, %dma_start3A_108] : memref<10000x8xf32, #tpu.memory_space<vmem_shared>> -> memref<10000x8xf32, #tpu.memory_space<vmem_shared>>
    tpu.enqueue_indirect_dma source(%dma_start3A_109 : memref<10000x8xf32, #tpu.memory_space<vmem_shared>>) target(%arg14 : memref<128x8xf32, #tpu.memory_space<vmem>>) offsets(%dma_start3A_106 : memref<128xi32, #tpu.memory_space<vmem>>) semaphore(%arg23 : memref<!tpu.dma_semaphore, #tpu.memory_space<semaphore_mem>>)
    %dma_start3A_110 = arith.constant 6 : i32
    %dma_start3A_111 = arith.constant 0 : i32
    %dma_start3A_112 = tpu.memref_slice %arg7[%dma_start3A_110, %dma_start3A_111] : memref<80x128xi32, #tpu.memory_space<vmem>> -> memref<1x128xi32, #tpu.memory_space<vmem>>
    %dma_start3A_113 = tpu.memref_squeeze %dma_start3A_112 : memref<1x128xi32, #tpu.memory_space<vmem>> -> memref<128xi32, #tpu.memory_space<vmem>>
    %dma_start3A_114 = arith.constant 0 : i32
    %dma_start3A_115 = arith.constant 0 : i32
    %dma_start3A_116 = tpu.memref_slice %arg35[%dma_start3A_114, %dma_start3A_115] : memref<10000x8xf32, #tpu.memory_space<vmem_shared>> -> memref<10000x8xf32, #tpu.memory_space<vmem_shared>>
    tpu.enqueue_indirect_dma source(%dma_start3A_116 : memref<10000x8xf32, #tpu.memory_space<vmem_shared>>) target(%arg15 : memref<128x8xf32, #tpu.memory_space<vmem>>) offsets(%dma_start3A_113 : memref<128xi32, #tpu.memory_space<vmem>>) semaphore(%arg24 : memref<!tpu.dma_semaphore, #tpu.memory_space<semaphore_mem>>)
    %dma_start3A_117 = arith.constant 7 : i32
    %dma_start3A_118 = arith.constant 0 : i32
    %dma_start3A_119 = tpu.memref_slice %arg7[%dma_start3A_117, %dma_start3A_118] : memref<80x128xi32, #tpu.memory_space<vmem>> -> memref<1x128xi32, #tpu.memory_space<vmem>>
    %dma_start3A_120 = tpu.memref_squeeze %dma_start3A_119 : memref<1x128xi32, #tpu.memory_space<vmem>> -> memref<128xi32, #tpu.memory_space<vmem>>
    %dma_start3A_121 = arith.constant 0 : i32
    %dma_start3A_122 = arith.constant 0 : i32
    %dma_start3A_123 = tpu.memref_slice %arg35[%dma_start3A_121, %dma_start3A_122] : memref<10000x8xf32, #tpu.memory_space<vmem_shared>> -> memref<10000x8xf32, #tpu.memory_space<vmem_shared>>
    tpu.enqueue_indirect_dma source(%dma_start3A_123 : memref<10000x8xf32, #tpu.memory_space<vmem_shared>>) target(%arg16 : memref<128x8xf32, #tpu.memory_space<vmem>>) offsets(%dma_start3A_120 : memref<128xi32, #tpu.memory_space<vmem>>) semaphore(%arg25 : memref<!tpu.dma_semaphore, #tpu.memory_space<semaphore_mem>>)
    %scan3A = arith.constant 0 : i32
    %scan3A_124 = arith.constant 0 : i32
    %scan3A_125 = arith.constant 10 : i32
    %scan3A_126 = arith.addi %scan3A_124, %scan3A_125 : i32
    %scan3A_127 = arith.constant 1 : i32
    scf.for %scan3A_161 = %scan3A_124 to %scan3A_126 step %scan3A_127  : i32 {
      %mul3A_162 = arith.constant 8 : i32
      %mul3A_163 = arith.muli %scan3A_161, %mul3A_162 : i32
      %add3A_164 = arith.constant 0 : i32
      %add3A_165 = arith.addi %mul3A_163, %add3A_164 : i32
      %dma_wait3A_166 = arith.constant 0 : i32
      %dma_wait3A_167 = tpu.memref_slice %arg7[%add3A_165, %dma_wait3A_166] : memref<80x128xi32, #tpu.memory_space<vmem>> -> memref<1x128xi32, #tpu.memory_space<vmem>>
      %dma_wait3A_168 = tpu.memref_squeeze %dma_wait3A_167 : memref<1x128xi32, #tpu.memory_space<vmem>> -> memref<128xi32, #tpu.memory_space<vmem>>
      %dma_wait3A_169 = arith.constant 0 : i32
      %dma_wait3A_170 = arith.constant 0 : i32
      %dma_wait3A_171 = tpu.memref_slice %arg35[%dma_wait3A_169, %dma_wait3A_170] : memref<10000x8xf32, #tpu.memory_space<vmem_shared>> -> memref<10000x8xf32, #tpu.memory_space<vmem_shared>>
      tpu.wait_indirect_dma semaphore(%arg18 : memref<!tpu.dma_semaphore, #tpu.memory_space<semaphore_mem>>) src(%dma_wait3A_171 : memref<10000x8xf32, #tpu.memory_space<vmem_shared>>) dst(%arg9 : memref<128x8xf32, #tpu.memory_space<vmem>>)
      %dma_start3A_172 = arith.constant 0 : i32
      %dma_start3A_173 = tpu.memref_slice %arg8[%add3A_165, %dma_start3A_172] : memref<80x128xi32, #tpu.memory_space<vmem>> -> memref<1x128xi32, #tpu.memory_space<vmem>>
      %dma_start3A_174 = tpu.memref_squeeze %dma_start3A_173 : memref<1x128xi32, #tpu.memory_space<vmem>> -> memref<128xi32, #tpu.memory_space<vmem>>
      %dma_start3A_175 = arith.constant 0 : i32
      %dma_start3A_176 = arith.constant 0 : i32
      %dma_start3A_177 = tpu.memref_slice %arg34[%dma_start3A_175, %dma_start3A_176] : memref<10240x8xf32, #tpu.memory_space<vmem_shared>> -> memref<10240x8xf32, #tpu.memory_space<vmem_shared>>
      tpu.enqueue_indirect_dma source(%arg9 : memref<128x8xf32, #tpu.memory_space<vmem>>) target(%dma_start3A_177 : memref<10240x8xf32, #tpu.memory_space<vmem_shared>>) offsets(%dma_start3A_174 : memref<128xi32, #tpu.memory_space<vmem>>) semaphore(%arg26 : memref<!tpu.dma_semaphore, #tpu.memory_space<semaphore_mem>>) {add = true}
      %sub3A = arith.constant 4 : i32
      %sub3A_178 = arith.subi %add3A_165, %sub3A : i32
      %ge3A = arith.constant 0 : i32
      %ge3A_179 = arith.cmpi sge, %sub3A_178, %ge3A : i32
      %convert_element_type3A_180 = arith.extui %ge3A_179 : i1 to i32
      %cond3A_181 = arith.constant 0 : i32
      %cond3A_182 = arith.cmpi ne, %convert_element_type3A_180, %cond3A_181 : i32
      scf.if %cond3A_182 {
        %dma_wait3A_422 = arith.constant 0 : i32
        %dma_wait3A_423 = arith.constant 0 : i32
        %dma_wait3A_424 = tpu.memref_slice %arg8[%dma_wait3A_422, %dma_wait3A_423] : memref<80x128xi32, #tpu.memory_space<vmem>> -> memref<1x128xi32, #tpu.memory_space<vmem>>
        %dma_wait3A_425 = tpu.memref_squeeze %dma_wait3A_424 : memref<1x128xi32, #tpu.memory_space<vmem>> -> memref<128xi32, #tpu.memory_space<vmem>>
        %dma_wait3A_426 = arith.constant 0 : i32
        %dma_wait3A_427 = arith.constant 0 : i32
        %dma_wait3A_428 = tpu.memref_slice %arg34[%dma_wait3A_426, %dma_wait3A_427] : memref<10240x8xf32, #tpu.memory_space<vmem_shared>> -> memref<10240x8xf32, #tpu.memory_space<vmem_shared>>
        tpu.wait_indirect_dma semaphore(%arg30 : memref<!tpu.dma_semaphore, #tpu.memory_space<semaphore_mem>>) src(%arg13 : memref<128x8xf32, #tpu.memory_space<vmem>>) dst(%dma_wait3A_428 : memref<10240x8xf32, #tpu.memory_space<vmem_shared>>)
      } else {
      }
      %ge3A_183 = arith.constant 0 : i32
      %ge3A_184 = arith.cmpi sge, %sub3A_178, %ge3A_183 : i32
      %add3A_185 = arith.constant 8 : i32
      %add3A_186 = arith.addi %sub3A_178, %add3A_185 : i32
      %lt3A = arith.constant 80 : i32
      %lt3A_187 = arith.cmpi slt, %add3A_186, %lt3A : i32
      %and3A = arith.andi %ge3A_184, %lt3A_187 : i1
      %convert_element_type3A_188 = arith.extui %and3A : i1 to i32
      %cond3A_189 = arith.constant 0 : i32
      %cond3A_190 = arith.cmpi ne, %convert_element_type3A_188, %cond3A_189 : i32
      scf.if %cond3A_190 {
        %add3A_422 = arith.constant 8 : i32
        %add3A_423 = arith.addi %sub3A_178, %add3A_422 : i32
        %dma_start3A_424 = arith.constant 0 : i32
        %dma_start3A_425 = tpu.memref_slice %arg7[%add3A_423, %dma_start3A_424] : memref<80x128xi32, #tpu.memory_space<vmem>> -> memref<1x128xi32, #tpu.memory_space<vmem>>
        %dma_start3A_426 = tpu.memref_squeeze %dma_start3A_425 : memref<1x128xi32, #tpu.memory_space<vmem>> -> memref<128xi32, #tpu.memory_space<vmem>>
        %dma_start3A_427 = arith.constant 0 : i32
        %dma_start3A_428 = arith.constant 0 : i32
        %dma_start3A_429 = tpu.memref_slice %arg35[%dma_start3A_427, %dma_start3A_428] : memref<10000x8xf32, #tpu.memory_space<vmem_shared>> -> memref<10000x8xf32, #tpu.memory_space<vmem_shared>>
        tpu.enqueue_indirect_dma source(%dma_start3A_429 : memref<10000x8xf32, #tpu.memory_space<vmem_shared>>) target(%arg13 : memref<128x8xf32, #tpu.memory_space<vmem>>) offsets(%dma_start3A_426 : memref<128xi32, #tpu.memory_space<vmem>>) semaphore(%arg22 : memref<!tpu.dma_semaphore, #tpu.memory_space<semaphore_mem>>)
      } else {
      }
      %mul3A_191 = arith.constant 8 : i32
      %mul3A_192 = arith.muli %scan3A_161, %mul3A_191 : i32
      %add3A_193 = arith.constant 1 : i32
      %add3A_194 = arith.addi %mul3A_192, %add3A_193 : i32
      %dma_wait3A_195 = arith.constant 0 : i32
      %dma_wait3A_196 = tpu.memref_slice %arg7[%add3A_194, %dma_wait3A_195] : memref<80x128xi32, #tpu.memory_space<vmem>> -> memref<1x128xi32, #tpu.memory_space<vmem>>
      %dma_wait3A_197 = tpu.memref_squeeze %dma_wait3A_196 : memref<1x128xi32, #tpu.memory_space<vmem>> -> memref<128xi32, #tpu.memory_space<vmem>>
      %dma_wait3A_198 = arith.constant 0 : i32
      %dma_wait3A_199 = arith.constant 0 : i32
      %dma_wait3A_200 = tpu.memref_slice %arg35[%dma_wait3A_198, %dma_wait3A_199] : memref<10000x8xf32, #tpu.memory_space<vmem_shared>> -> memref<10000x8xf32, #tpu.memory_space<vmem_shared>>
      tpu.wait_indirect_dma semaphore(%arg19 : memref<!tpu.dma_semaphore, #tpu.memory_space<semaphore_mem>>) src(%dma_wait3A_200 : memref<10000x8xf32, #tpu.memory_space<vmem_shared>>) dst(%arg10 : memref<128x8xf32, #tpu.memory_space<vmem>>)
      %dma_start3A_201 = arith.constant 0 : i32
      %dma_start3A_202 = tpu.memref_slice %arg8[%add3A_194, %dma_start3A_201] : memref<80x128xi32, #tpu.memory_space<vmem>> -> memref<1x128xi32, #tpu.memory_space<vmem>>
      %dma_start3A_203 = tpu.memref_squeeze %dma_start3A_202 : memref<1x128xi32, #tpu.memory_space<vmem>> -> memref<128xi32, #tpu.memory_space<vmem>>
      %dma_start3A_204 = arith.constant 0 : i32
      %dma_start3A_205 = arith.constant 0 : i32
      %dma_start3A_206 = tpu.memref_slice %arg34[%dma_start3A_204, %dma_start3A_205] : memref<10240x8xf32, #tpu.memory_space<vmem_shared>> -> memref<10240x8xf32, #tpu.memory_space<vmem_shared>>
      tpu.enqueue_indirect_dma source(%arg10 : memref<128x8xf32, #tpu.memory_space<vmem>>) target(%dma_start3A_206 : memref<10240x8xf32, #tpu.memory_space<vmem_shared>>) offsets(%dma_start3A_203 : memref<128xi32, #tpu.memory_space<vmem>>) semaphore(%arg27 : memref<!tpu.dma_semaphore, #tpu.memory_space<semaphore_mem>>) {add = true}
      %sub3A_207 = arith.constant 4 : i32
      %sub3A_208 = arith.subi %add3A_194, %sub3A_207 : i32
      %ge3A_209 = arith.constant 0 : i32
      %ge3A_210 = arith.cmpi sge, %sub3A_208, %ge3A_209 : i32
      %convert_element_type3A_211 = arith.extui %ge3A_210 : i1 to i32
      %cond3A_212 = arith.constant 0 : i32
      %cond3A_213 = arith.cmpi ne, %convert_element_type3A_211, %cond3A_212 : i32
      scf.if %cond3A_213 {
        %dma_wait3A_422 = arith.constant 0 : i32
        %dma_wait3A_423 = arith.constant 0 : i32
        %dma_wait3A_424 = tpu.memref_slice %arg8[%dma_wait3A_422, %dma_wait3A_423] : memref<80x128xi32, #tpu.memory_space<vmem>> -> memref<1x128xi32, #tpu.memory_space<vmem>>
        %dma_wait3A_425 = tpu.memref_squeeze %dma_wait3A_424 : memref<1x128xi32, #tpu.memory_space<vmem>> -> memref<128xi32, #tpu.memory_space<vmem>>
        %dma_wait3A_426 = arith.constant 0 : i32
        %dma_wait3A_427 = arith.constant 0 : i32
        %dma_wait3A_428 = tpu.memref_slice %arg34[%dma_wait3A_426, %dma_wait3A_427] : memref<10240x8xf32, #tpu.memory_space<vmem_shared>> -> memref<10240x8xf32, #tpu.memory_space<vmem_shared>>
        tpu.wait_indirect_dma semaphore(%arg31 : memref<!tpu.dma_semaphore, #tpu.memory_space<semaphore_mem>>) src(%arg14 : memref<128x8xf32, #tpu.memory_space<vmem>>) dst(%dma_wait3A_428 : memref<10240x8xf32, #tpu.memory_space<vmem_shared>>)
      } else {
      }
      %ge3A_214 = arith.constant 0 : i32
      %ge3A_215 = arith.cmpi sge, %sub3A_208, %ge3A_214 : i32
      %add3A_216 = arith.constant 8 : i32
      %add3A_217 = arith.addi %sub3A_208, %add3A_216 : i32
      %lt3A_218 = arith.constant 80 : i32
      %lt3A_219 = arith.cmpi slt, %add3A_217, %lt3A_218 : i32
      %and3A_220 = arith.andi %ge3A_215, %lt3A_219 : i1
      %convert_element_type3A_221 = arith.extui %and3A_220 : i1 to i32
      %cond3A_222 = arith.constant 0 : i32
      %cond3A_223 = arith.cmpi ne, %convert_element_type3A_221, %cond3A_222 : i32
      scf.if %cond3A_223 {
        %add3A_422 = arith.constant 8 : i32
        %add3A_423 = arith.addi %sub3A_208, %add3A_422 : i32
        %dma_start3A_424 = arith.constant 0 : i32
        %dma_start3A_425 = tpu.memref_slice %arg7[%add3A_423, %dma_start3A_424] : memref<80x128xi32, #tpu.memory_space<vmem>> -> memref<1x128xi32, #tpu.memory_space<vmem>>
        %dma_start3A_426 = tpu.memref_squeeze %dma_start3A_425 : memref<1x128xi32, #tpu.memory_space<vmem>> -> memref<128xi32, #tpu.memory_space<vmem>>
        %dma_start3A_427 = arith.constant 0 : i32
        %dma_start3A_428 = arith.constant 0 : i32
        %dma_start3A_429 = tpu.memref_slice %arg35[%dma_start3A_427, %dma_start3A_428] : memref<10000x8xf32, #tpu.memory_space<vmem_shared>> -> memref<10000x8xf32, #tpu.memory_space<vmem_shared>>
        tpu.enqueue_indirect_dma source(%dma_start3A_429 : memref<10000x8xf32, #tpu.memory_space<vmem_shared>>) target(%arg14 : memref<128x8xf32, #tpu.memory_space<vmem>>) offsets(%dma_start3A_426 : memref<128xi32, #tpu.memory_space<vmem>>) semaphore(%arg23 : memref<!tpu.dma_semaphore, #tpu.memory_space<semaphore_mem>>)
      } else {
      }
      %mul3A_224 = arith.constant 8 : i32
      %mul3A_225 = arith.muli %scan3A_161, %mul3A_224 : i32
      %add3A_226 = arith.constant 2 : i32
      %add3A_227 = arith.addi %mul3A_225, %add3A_226 : i32
      %dma_wait3A_228 = arith.constant 0 : i32
      %dma_wait3A_229 = tpu.memref_slice %arg7[%add3A_227, %dma_wait3A_228] : memref<80x128xi32, #tpu.memory_space<vmem>> -> memref<1x128xi32, #tpu.memory_space<vmem>>
      %dma_wait3A_230 = tpu.memref_squeeze %dma_wait3A_229 : memref<1x128xi32, #tpu.memory_space<vmem>> -> memref<128xi32, #tpu.memory_space<vmem>>
      %dma_wait3A_231 = arith.constant 0 : i32
      %dma_wait3A_232 = arith.constant 0 : i32
      %dma_wait3A_233 = tpu.memref_slice %arg35[%dma_wait3A_231, %dma_wait3A_232] : memref<10000x8xf32, #tpu.memory_space<vmem_shared>> -> memref<10000x8xf32, #tpu.memory_space<vmem_shared>>
      tpu.wait_indirect_dma semaphore(%arg20 : memref<!tpu.dma_semaphore, #tpu.memory_space<semaphore_mem>>) src(%dma_wait3A_233 : memref<10000x8xf32, #tpu.memory_space<vmem_shared>>) dst(%arg11 : memref<128x8xf32, #tpu.memory_space<vmem>>)
      %dma_start3A_234 = arith.constant 0 : i32
      %dma_start3A_235 = tpu.memref_slice %arg8[%add3A_227, %dma_start3A_234] : memref<80x128xi32, #tpu.memory_space<vmem>> -> memref<1x128xi32, #tpu.memory_space<vmem>>
      %dma_start3A_236 = tpu.memref_squeeze %dma_start3A_235 : memref<1x128xi32, #tpu.memory_space<vmem>> -> memref<128xi32, #tpu.memory_space<vmem>>
      %dma_start3A_237 = arith.constant 0 : i32
      %dma_start3A_238 = arith.constant 0 : i32
      %dma_start3A_239 = tpu.memref_slice %arg34[%dma_start3A_237, %dma_start3A_238] : memref<10240x8xf32, #tpu.memory_space<vmem_shared>> -> memref<10240x8xf32, #tpu.memory_space<vmem_shared>>
      tpu.enqueue_indirect_dma source(%arg11 : memref<128x8xf32, #tpu.memory_space<vmem>>) target(%dma_start3A_239 : memref<10240x8xf32, #tpu.memory_space<vmem_shared>>) offsets(%dma_start3A_236 : memref<128xi32, #tpu.memory_space<vmem>>) semaphore(%arg28 : memref<!tpu.dma_semaphore, #tpu.memory_space<semaphore_mem>>) {add = true}
      %sub3A_240 = arith.constant 4 : i32
      %sub3A_241 = arith.subi %add3A_227, %sub3A_240 : i32
      %ge3A_242 = arith.constant 0 : i32
      %ge3A_243 = arith.cmpi sge, %sub3A_241, %ge3A_242 : i32
      %convert_element_type3A_244 = arith.extui %ge3A_243 : i1 to i32
      %cond3A_245 = arith.constant 0 : i32
      %cond3A_246 = arith.cmpi ne, %convert_element_type3A_244, %cond3A_245 : i32
      scf.if %cond3A_246 {
        %dma_wait3A_422 = arith.constant 0 : i32
        %dma_wait3A_423 = arith.constant 0 : i32
        %dma_wait3A_424 = tpu.memref_slice %arg8[%dma_wait3A_422, %dma_wait3A_423] : memref<80x128xi32, #tpu.memory_space<vmem>> -> memref<1x128xi32, #tpu.memory_space<vmem>>
        %dma_wait3A_425 = tpu.memref_squeeze %dma_wait3A_424 : memref<1x128xi32, #tpu.memory_space<vmem>> -> memref<128xi32, #tpu.memory_space<vmem>>
        %dma_wait3A_426 = arith.constant 0 : i32
        %dma_wait3A_427 = arith.constant 0 : i32
        %dma_wait3A_428 = tpu.memref_slice %arg34[%dma_wait3A_426, %dma_wait3A_427] : memref<10240x8xf32, #tpu.memory_space<vmem_shared>> -> memref<10240x8xf32, #tpu.memory_space<vmem_shared>>
        tpu.wait_indirect_dma semaphore(%arg32 : memref<!tpu.dma_semaphore, #tpu.memory_space<semaphore_mem>>) src(%arg15 : memref<128x8xf32, #tpu.memory_space<vmem>>) dst(%dma_wait3A_428 : memref<10240x8xf32, #tpu.memory_space<vmem_shared>>)
      } else {
      }
      %ge3A_247 = arith.constant 0 : i32
      %ge3A_248 = arith.cmpi sge, %sub3A_241, %ge3A_247 : i32
      %add3A_249 = arith.constant 8 : i32
      %add3A_250 = arith.addi %sub3A_241, %add3A_249 : i32
      %lt3A_251 = arith.constant 80 : i32
      %lt3A_252 = arith.cmpi slt, %add3A_250, %lt3A_251 : i32
      %and3A_253 = arith.andi %ge3A_248, %lt3A_252 : i1
      %convert_element_type3A_254 = arith.extui %and3A_253 : i1 to i32
      %cond3A_255 = arith.constant 0 : i32
      %cond3A_256 = arith.cmpi ne, %convert_element_type3A_254, %cond3A_255 : i32
      scf.if %cond3A_256 {
        %add3A_422 = arith.constant 8 : i32
        %add3A_423 = arith.addi %sub3A_241, %add3A_422 : i32
        %dma_start3A_424 = arith.constant 0 : i32
        %dma_start3A_425 = tpu.memref_slice %arg7[%add3A_423, %dma_start3A_424] : memref<80x128xi32, #tpu.memory_space<vmem>> -> memref<1x128xi32, #tpu.memory_space<vmem>>
        %dma_start3A_426 = tpu.memref_squeeze %dma_start3A_425 : memref<1x128xi32, #tpu.memory_space<vmem>> -> memref<128xi32, #tpu.memory_space<vmem>>
        %dma_start3A_427 = arith.constant 0 : i32
        %dma_start3A_428 = arith.constant 0 : i32
        %dma_start3A_429 = tpu.memref_slice %arg35[%dma_start3A_427, %dma_start3A_428] : memref<10000x8xf32, #tpu.memory_space<vmem_shared>> -> memref<10000x8xf32, #tpu.memory_space<vmem_shared>>
        tpu.enqueue_indirect_dma source(%dma_start3A_429 : memref<10000x8xf32, #tpu.memory_space<vmem_shared>>) target(%arg15 : memref<128x8xf32, #tpu.memory_space<vmem>>) offsets(%dma_start3A_426 : memref<128xi32, #tpu.memory_space<vmem>>) semaphore(%arg24 : memref<!tpu.dma_semaphore, #tpu.memory_space<semaphore_mem>>)
      } else {
      }
      %mul3A_257 = arith.constant 8 : i32
      %mul3A_258 = arith.muli %scan3A_161, %mul3A_257 : i32
      %add3A_259 = arith.constant 3 : i32
      %add3A_260 = arith.addi %mul3A_258, %add3A_259 : i32
      %dma_wait3A_261 = arith.constant 0 : i32
      %dma_wait3A_262 = tpu.memref_slice %arg7[%add3A_260, %dma_wait3A_261] : memref<80x128xi32, #tpu.memory_space<vmem>> -> memref<1x128xi32, #tpu.memory_space<vmem>>
      %dma_wait3A_263 = tpu.memref_squeeze %dma_wait3A_262 : memref<1x128xi32, #tpu.memory_space<vmem>> -> memref<128xi32, #tpu.memory_space<vmem>>
      %dma_wait3A_264 = arith.constant 0 : i32
      %dma_wait3A_265 = arith.constant 0 : i32
      %dma_wait3A_266 = tpu.memref_slice %arg35[%dma_wait3A_264, %dma_wait3A_265] : memref<10000x8xf32, #tpu.memory_space<vmem_shared>> -> memref<10000x8xf32, #tpu.memory_space<vmem_shared>>
      tpu.wait_indirect_dma semaphore(%arg21 : memref<!tpu.dma_semaphore, #tpu.memory_space<semaphore_mem>>) src(%dma_wait3A_266 : memref<10000x8xf32, #tpu.memory_space<vmem_shared>>) dst(%arg12 : memref<128x8xf32, #tpu.memory_space<vmem>>)
      %dma_start3A_267 = arith.constant 0 : i32
      %dma_start3A_268 = tpu.memref_slice %arg8[%add3A_260, %dma_start3A_267] : memref<80x128xi32, #tpu.memory_space<vmem>> -> memref<1x128xi32, #tpu.memory_space<vmem>>
      %dma_start3A_269 = tpu.memref_squeeze %dma_start3A_268 : memref<1x128xi32, #tpu.memory_space<vmem>> -> memref<128xi32, #tpu.memory_space<vmem>>
      %dma_start3A_270 = arith.constant 0 : i32
      %dma_start3A_271 = arith.constant 0 : i32
      %dma_start3A_272 = tpu.memref_slice %arg34[%dma_start3A_270, %dma_start3A_271] : memref<10240x8xf32, #tpu.memory_space<vmem_shared>> -> memref<10240x8xf32, #tpu.memory_space<vmem_shared>>
      tpu.enqueue_indirect_dma source(%arg12 : memref<128x8xf32, #tpu.memory_space<vmem>>) target(%dma_start3A_272 : memref<10240x8xf32, #tpu.memory_space<vmem_shared>>) offsets(%dma_start3A_269 : memref<128xi32, #tpu.memory_space<vmem>>) semaphore(%arg29 : memref<!tpu.dma_semaphore, #tpu.memory_space<semaphore_mem>>) {add = true}
      %sub3A_273 = arith.constant 4 : i32
      %sub3A_274 = arith.subi %add3A_260, %sub3A_273 : i32
      %ge3A_275 = arith.constant 0 : i32
      %ge3A_276 = arith.cmpi sge, %sub3A_274, %ge3A_275 : i32
      %convert_element_type3A_277 = arith.extui %ge3A_276 : i1 to i32
      %cond3A_278 = arith.constant 0 : i32
      %cond3A_279 = arith.cmpi ne, %convert_element_type3A_277, %cond3A_278 : i32
      scf.if %cond3A_279 {
        %dma_wait3A_422 = arith.constant 0 : i32
        %dma_wait3A_423 = arith.constant 0 : i32
        %dma_wait3A_424 = tpu.memref_slice %arg8[%dma_wait3A_422, %dma_wait3A_423] : memref<80x128xi32, #tpu.memory_space<vmem>> -> memref<1x128xi32, #tpu.memory_space<vmem>>
        %dma_wait3A_425 = tpu.memref_squeeze %dma_wait3A_424 : memref<1x128xi32, #tpu.memory_space<vmem>> -> memref<128xi32, #tpu.memory_space<vmem>>
        %dma_wait3A_426 = arith.constant 0 : i32
        %dma_wait3A_427 = arith.constant 0 : i32
        %dma_wait3A_428 = tpu.memref_slice %arg34[%dma_wait3A_426, %dma_wait3A_427] : memref<10240x8xf32, #tpu.memory_space<vmem_shared>> -> memref<10240x8xf32, #tpu.memory_space<vmem_shared>>
        tpu.wait_indirect_dma semaphore(%arg33 : memref<!tpu.dma_semaphore, #tpu.memory_space<semaphore_mem>>) src(%arg16 : memref<128x8xf32, #tpu.memory_space<vmem>>) dst(%dma_wait3A_428 : memref<10240x8xf32, #tpu.memory_space<vmem_shared>>)
      } else {
      }
      %ge3A_280 = arith.constant 0 : i32
      %ge3A_281 = arith.cmpi sge, %sub3A_274, %ge3A_280 : i32
      %add3A_282 = arith.constant 8 : i32
      %add3A_283 = arith.addi %sub3A_274, %add3A_282 : i32
      %lt3A_284 = arith.constant 80 : i32
      %lt3A_285 = arith.cmpi slt, %add3A_283, %lt3A_284 : i32
      %and3A_286 = arith.andi %ge3A_281, %lt3A_285 : i1
      %convert_element_type3A_287 = arith.extui %and3A_286 : i1 to i32
      %cond3A_288 = arith.constant 0 : i32
      %cond3A_289 = arith.cmpi ne, %convert_element_type3A_287, %cond3A_288 : i32
      scf.if %cond3A_289 {
        %add3A_422 = arith.constant 8 : i32
        %add3A_423 = arith.addi %sub3A_274, %add3A_422 : i32
        %dma_start3A_424 = arith.constant 0 : i32
        %dma_start3A_425 = tpu.memref_slice %arg7[%add3A_423, %dma_start3A_424] : memref<80x128xi32, #tpu.memory_space<vmem>> -> memref<1x128xi32, #tpu.memory_space<vmem>>
        %dma_start3A_426 = tpu.memref_squeeze %dma_start3A_425 : memref<1x128xi32, #tpu.memory_space<vmem>> -> memref<128xi32, #tpu.memory_space<vmem>>
        %dma_start3A_427 = arith.constant 0 : i32
        %dma_start3A_428 = arith.constant 0 : i32
        %dma_start3A_429 = tpu.memref_slice %arg35[%dma_start3A_427, %dma_start3A_428] : memref<10000x8xf32, #tpu.memory_space<vmem_shared>> -> memref<10000x8xf32, #tpu.memory_space<vmem_shared>>
        tpu.enqueue_indirect_dma source(%dma_start3A_429 : memref<10000x8xf32, #tpu.memory_space<vmem_shared>>) target(%arg16 : memref<128x8xf32, #tpu.memory_space<vmem>>) offsets(%dma_start3A_426 : memref<128xi32, #tpu.memory_space<vmem>>) semaphore(%arg25 : memref<!tpu.dma_semaphore, #tpu.memory_space<semaphore_mem>>)
      } else {
      }
      %mul3A_290 = arith.constant 8 : i32
      %mul3A_291 = arith.muli %scan3A_161, %mul3A_290 : i32
      %add3A_292 = arith.constant 4 : i32
      %add3A_293 = arith.addi %mul3A_291, %add3A_292 : i32
      %dma_wait3A_294 = arith.constant 0 : i32
      %dma_wait3A_295 = tpu.memref_slice %arg7[%add3A_293, %dma_wait3A_294] : memref<80x128xi32, #tpu.memory_space<vmem>> -> memref<1x128xi32, #tpu.memory_space<vmem>>
      %dma_wait3A_296 = tpu.memref_squeeze %dma_wait3A_295 : memref<1x128xi32, #tpu.memory_space<vmem>> -> memref<128xi32, #tpu.memory_space<vmem>>
      %dma_wait3A_297 = arith.constant 0 : i32
      %dma_wait3A_298 = arith.constant 0 : i32
      %dma_wait3A_299 = tpu.memref_slice %arg35[%dma_wait3A_297, %dma_wait3A_298] : memref<10000x8xf32, #tpu.memory_space<vmem_shared>> -> memref<10000x8xf32, #tpu.memory_space<vmem_shared>>
      tpu.wait_indirect_dma semaphore(%arg22 : memref<!tpu.dma_semaphore, #tpu.memory_space<semaphore_mem>>) src(%dma_wait3A_299 : memref<10000x8xf32, #tpu.memory_space<vmem_shared>>) dst(%arg13 : memref<128x8xf32, #tpu.memory_space<vmem>>)
      %dma_start3A_300 = arith.constant 0 : i32
      %dma_start3A_301 = tpu.memref_slice %arg8[%add3A_293, %dma_start3A_300] : memref<80x128xi32, #tpu.memory_space<vmem>> -> memref<1x128xi32, #tpu.memory_space<vmem>>
      %dma_start3A_302 = tpu.memref_squeeze %dma_start3A_301 : memref<1x128xi32, #tpu.memory_space<vmem>> -> memref<128xi32, #tpu.memory_space<vmem>>
      %dma_start3A_303 = arith.constant 0 : i32
      %dma_start3A_304 = arith.constant 0 : i32
      %dma_start3A_305 = tpu.memref_slice %arg34[%dma_start3A_303, %dma_start3A_304] : memref<10240x8xf32, #tpu.memory_space<vmem_shared>> -> memref<10240x8xf32, #tpu.memory_space<vmem_shared>>
      tpu.enqueue_indirect_dma source(%arg13 : memref<128x8xf32, #tpu.memory_space<vmem>>) target(%dma_start3A_305 : memref<10240x8xf32, #tpu.memory_space<vmem_shared>>) offsets(%dma_start3A_302 : memref<128xi32, #tpu.memory_space<vmem>>) semaphore(%arg30 : memref<!tpu.dma_semaphore, #tpu.memory_space<semaphore_mem>>) {add = true}
      %sub3A_306 = arith.constant 4 : i32
      %sub3A_307 = arith.subi %add3A_293, %sub3A_306 : i32
      %ge3A_308 = arith.constant 0 : i32
      %ge3A_309 = arith.cmpi sge, %sub3A_307, %ge3A_308 : i32
      %convert_element_type3A_310 = arith.extui %ge3A_309 : i1 to i32
      %cond3A_311 = arith.constant 0 : i32
      %cond3A_312 = arith.cmpi ne, %convert_element_type3A_310, %cond3A_311 : i32
      scf.if %cond3A_312 {
        %dma_wait3A_422 = arith.constant 0 : i32
        %dma_wait3A_423 = arith.constant 0 : i32
        %dma_wait3A_424 = tpu.memref_slice %arg8[%dma_wait3A_422, %dma_wait3A_423] : memref<80x128xi32, #tpu.memory_space<vmem>> -> memref<1x128xi32, #tpu.memory_space<vmem>>
        %dma_wait3A_425 = tpu.memref_squeeze %dma_wait3A_424 : memref<1x128xi32, #tpu.memory_space<vmem>> -> memref<128xi32, #tpu.memory_space<vmem>>
        %dma_wait3A_426 = arith.constant 0 : i32
        %dma_wait3A_427 = arith.constant 0 : i32
        %dma_wait3A_428 = tpu.memref_slice %arg34[%dma_wait3A_426, %dma_wait3A_427] : memref<10240x8xf32, #tpu.memory_space<vmem_shared>> -> memref<10240x8xf32, #tpu.memory_space<vmem_shared>>
        tpu.wait_indirect_dma semaphore(%arg26 : memref<!tpu.dma_semaphore, #tpu.memory_space<semaphore_mem>>) src(%arg9 : memref<128x8xf32, #tpu.memory_space<vmem>>) dst(%dma_wait3A_428 : memref<10240x8xf32, #tpu.memory_space<vmem_shared>>)
      } else {
      }
      %ge3A_313 = arith.constant 0 : i32
      %ge3A_314 = arith.cmpi sge, %sub3A_307, %ge3A_313 : i32
      %add3A_315 = arith.constant 8 : i32
      %add3A_316 = arith.addi %sub3A_307, %add3A_315 : i32
      %lt3A_317 = arith.constant 80 : i32
      %lt3A_318 = arith.cmpi slt, %add3A_316, %lt3A_317 : i32
      %and3A_319 = arith.andi %ge3A_314, %lt3A_318 : i1
      %convert_element_type3A_320 = arith.extui %and3A_319 : i1 to i32
      %cond3A_321 = arith.constant 0 : i32
      %cond3A_322 = arith.cmpi ne, %convert_element_type3A_320, %cond3A_321 : i32
      scf.if %cond3A_322 {
        %add3A_422 = arith.constant 8 : i32
        %add3A_423 = arith.addi %sub3A_307, %add3A_422 : i32
        %dma_start3A_424 = arith.constant 0 : i32
        %dma_start3A_425 = tpu.memref_slice %arg7[%add3A_423, %dma_start3A_424] : memref<80x128xi32, #tpu.memory_space<vmem>> -> memref<1x128xi32, #tpu.memory_space<vmem>>
        %dma_start3A_426 = tpu.memref_squeeze %dma_start3A_425 : memref<1x128xi32, #tpu.memory_space<vmem>> -> memref<128xi32, #tpu.memory_space<vmem>>
        %dma_start3A_427 = arith.constant 0 : i32
        %dma_start3A_428 = arith.constant 0 : i32
        %dma_start3A_429 = tpu.memref_slice %arg35[%dma_start3A_427, %dma_start3A_428] : memref<10000x8xf32, #tpu.memory_space<vmem_shared>> -> memref<10000x8xf32, #tpu.memory_space<vmem_shared>>
        tpu.enqueue_indirect_dma source(%dma_start3A_429 : memref<10000x8xf32, #tpu.memory_space<vmem_shared>>) target(%arg9 : memref<128x8xf32, #tpu.memory_space<vmem>>) offsets(%dma_start3A_426 : memref<128xi32, #tpu.memory_space<vmem>>) semaphore(%arg18 : memref<!tpu.dma_semaphore, #tpu.memory_space<semaphore_mem>>)
      } else {
      }
      %mul3A_323 = arith.constant 8 : i32
      %mul3A_324 = arith.muli %scan3A_161, %mul3A_323 : i32
      %add3A_325 = arith.constant 5 : i32
      %add3A_326 = arith.addi %mul3A_324, %add3A_325 : i32
      %dma_wait3A_327 = arith.constant 0 : i32
      %dma_wait3A_328 = tpu.memref_slice %arg7[%add3A_326, %dma_wait3A_327] : memref<80x128xi32, #tpu.memory_space<vmem>> -> memref<1x128xi32, #tpu.memory_space<vmem>>
      %dma_wait3A_329 = tpu.memref_squeeze %dma_wait3A_328 : memref<1x128xi32, #tpu.memory_space<vmem>> -> memref<128xi32, #tpu.memory_space<vmem>>
      %dma_wait3A_330 = arith.constant 0 : i32
      %dma_wait3A_331 = arith.constant 0 : i32
      %dma_wait3A_332 = tpu.memref_slice %arg35[%dma_wait3A_330, %dma_wait3A_331] : memref<10000x8xf32, #tpu.memory_space<vmem_shared>> -> memref<10000x8xf32, #tpu.memory_space<vmem_shared>>
      tpu.wait_indirect_dma semaphore(%arg23 : memref<!tpu.dma_semaphore, #tpu.memory_space<semaphore_mem>>) src(%dma_wait3A_332 : memref<10000x8xf32, #tpu.memory_space<vmem_shared>>) dst(%arg14 : memref<128x8xf32, #tpu.memory_space<vmem>>)
      %dma_start3A_333 = arith.constant 0 : i32
      %dma_start3A_334 = tpu.memref_slice %arg8[%add3A_326, %dma_start3A_333] : memref<80x128xi32, #tpu.memory_space<vmem>> -> memref<1x128xi32, #tpu.memory_space<vmem>>
      %dma_start3A_335 = tpu.memref_squeeze %dma_start3A_334 : memref<1x128xi32, #tpu.memory_space<vmem>> -> memref<128xi32, #tpu.memory_space<vmem>>
      %dma_start3A_336 = arith.constant 0 : i32
      %dma_start3A_337 = arith.constant 0 : i32
      %dma_start3A_338 = tpu.memref_slice %arg34[%dma_start3A_336, %dma_start3A_337] : memref<10240x8xf32, #tpu.memory_space<vmem_shared>> -> memref<10240x8xf32, #tpu.memory_space<vmem_shared>>
      tpu.enqueue_indirect_dma source(%arg14 : memref<128x8xf32, #tpu.memory_space<vmem>>) target(%dma_start3A_338 : memref<10240x8xf32, #tpu.memory_space<vmem_shared>>) offsets(%dma_start3A_335 : memref<128xi32, #tpu.memory_space<vmem>>) semaphore(%arg31 : memref<!tpu.dma_semaphore, #tpu.memory_space<semaphore_mem>>) {add = true}
      %sub3A_339 = arith.constant 4 : i32
      %sub3A_340 = arith.subi %add3A_326, %sub3A_339 : i32
      %ge3A_341 = arith.constant 0 : i32
      %ge3A_342 = arith.cmpi sge, %sub3A_340, %ge3A_341 : i32
      %convert_element_type3A_343 = arith.extui %ge3A_342 : i1 to i32
      %cond3A_344 = arith.constant 0 : i32
      %cond3A_345 = arith.cmpi ne, %convert_element_type3A_343, %cond3A_344 : i32
      scf.if %cond3A_345 {
        %dma_wait3A_422 = arith.constant 0 : i32
        %dma_wait3A_423 = arith.constant 0 : i32
        %dma_wait3A_424 = tpu.memref_slice %arg8[%dma_wait3A_422, %dma_wait3A_423] : memref<80x128xi32, #tpu.memory_space<vmem>> -> memref<1x128xi32, #tpu.memory_space<vmem>>
        %dma_wait3A_425 = tpu.memref_squeeze %dma_wait3A_424 : memref<1x128xi32, #tpu.memory_space<vmem>> -> memref<128xi32, #tpu.memory_space<vmem>>
        %dma_wait3A_426 = arith.constant 0 : i32
        %dma_wait3A_427 = arith.constant 0 : i32
        %dma_wait3A_428 = tpu.memref_slice %arg34[%dma_wait3A_426, %dma_wait3A_427] : memref<10240x8xf32, #tpu.memory_space<vmem_shared>> -> memref<10240x8xf32, #tpu.memory_space<vmem_shared>>
        tpu.wait_indirect_dma semaphore(%arg27 : memref<!tpu.dma_semaphore, #tpu.memory_space<semaphore_mem>>) src(%arg10 : memref<128x8xf32, #tpu.memory_space<vmem>>) dst(%dma_wait3A_428 : memref<10240x8xf32, #tpu.memory_space<vmem_shared>>)
      } else {
      }
      %ge3A_346 = arith.constant 0 : i32
      %ge3A_347 = arith.cmpi sge, %sub3A_340, %ge3A_346 : i32
      %add3A_348 = arith.constant 8 : i32
      %add3A_349 = arith.addi %sub3A_340, %add3A_348 : i32
      %lt3A_350 = arith.constant 80 : i32
      %lt3A_351 = arith.cmpi slt, %add3A_349, %lt3A_350 : i32
      %and3A_352 = arith.andi %ge3A_347, %lt3A_351 : i1
      %convert_element_type3A_353 = arith.extui %and3A_352 : i1 to i32
      %cond3A_354 = arith.constant 0 : i32
      %cond3A_355 = arith.cmpi ne, %convert_element_type3A_353, %cond3A_354 : i32
      scf.if %cond3A_355 {
        %add3A_422 = arith.constant 8 : i32
        %add3A_423 = arith.addi %sub3A_340, %add3A_422 : i32
        %dma_start3A_424 = arith.constant 0 : i32
        %dma_start3A_425 = tpu.memref_slice %arg7[%add3A_423, %dma_start3A_424] : memref<80x128xi32, #tpu.memory_space<vmem>> -> memref<1x128xi32, #tpu.memory_space<vmem>>
        %dma_start3A_426 = tpu.memref_squeeze %dma_start3A_425 : memref<1x128xi32, #tpu.memory_space<vmem>> -> memref<128xi32, #tpu.memory_space<vmem>>
        %dma_start3A_427 = arith.constant 0 : i32
        %dma_start3A_428 = arith.constant 0 : i32
        %dma_start3A_429 = tpu.memref_slice %arg35[%dma_start3A_427, %dma_start3A_428] : memref<10000x8xf32, #tpu.memory_space<vmem_shared>> -> memref<10000x8xf32, #tpu.memory_space<vmem_shared>>
        tpu.enqueue_indirect_dma source(%dma_start3A_429 : memref<10000x8xf32, #tpu.memory_space<vmem_shared>>) target(%arg10 : memref<128x8xf32, #tpu.memory_space<vmem>>) offsets(%dma_start3A_426 : memref<128xi32, #tpu.memory_space<vmem>>) semaphore(%arg19 : memref<!tpu.dma_semaphore, #tpu.memory_space<semaphore_mem>>)
      } else {
      }
      %mul3A_356 = arith.constant 8 : i32
      %mul3A_357 = arith.muli %scan3A_161, %mul3A_356 : i32
      %add3A_358 = arith.constant 6 : i32
      %add3A_359 = arith.addi %mul3A_357, %add3A_358 : i32
      %dma_wait3A_360 = arith.constant 0 : i32
      %dma_wait3A_361 = tpu.memref_slice %arg7[%add3A_359, %dma_wait3A_360] : memref<80x128xi32, #tpu.memory_space<vmem>> -> memref<1x128xi32, #tpu.memory_space<vmem>>
      %dma_wait3A_362 = tpu.memref_squeeze %dma_wait3A_361 : memref<1x128xi32, #tpu.memory_space<vmem>> -> memref<128xi32, #tpu.memory_space<vmem>>
      %dma_wait3A_363 = arith.constant 0 : i32
      %dma_wait3A_364 = arith.constant 0 : i32
      %dma_wait3A_365 = tpu.memref_slice %arg35[%dma_wait3A_363, %dma_wait3A_364] : memref<10000x8xf32, #tpu.memory_space<vmem_shared>> -> memref<10000x8xf32, #tpu.memory_space<vmem_shared>>
      tpu.wait_indirect_dma semaphore(%arg24 : memref<!tpu.dma_semaphore, #tpu.memory_space<semaphore_mem>>) src(%dma_wait3A_365 : memref<10000x8xf32, #tpu.memory_space<vmem_shared>>) dst(%arg15 : memref<128x8xf32, #tpu.memory_space<vmem>>)
      %dma_start3A_366 = arith.constant 0 : i32
      %dma_start3A_367 = tpu.memref_slice %arg8[%add3A_359, %dma_start3A_366] : memref<80x128xi32, #tpu.memory_space<vmem>> -> memref<1x128xi32, #tpu.memory_space<vmem>>
      %dma_start3A_368 = tpu.memref_squeeze %dma_start3A_367 : memref<1x128xi32, #tpu.memory_space<vmem>> -> memref<128xi32, #tpu.memory_space<vmem>>
      %dma_start3A_369 = arith.constant 0 : i32
      %dma_start3A_370 = arith.constant 0 : i32
      %dma_start3A_371 = tpu.memref_slice %arg34[%dma_start3A_369, %dma_start3A_370] : memref<10240x8xf32, #tpu.memory_space<vmem_shared>> -> memref<10240x8xf32, #tpu.memory_space<vmem_shared>>
      tpu.enqueue_indirect_dma source(%arg15 : memref<128x8xf32, #tpu.memory_space<vmem>>) target(%dma_start3A_371 : memref<10240x8xf32, #tpu.memory_space<vmem_shared>>) offsets(%dma_start3A_368 : memref<128xi32, #tpu.memory_space<vmem>>) semaphore(%arg32 : memref<!tpu.dma_semaphore, #tpu.memory_space<semaphore_mem>>) {add = true}
      %sub3A_372 = arith.constant 4 : i32
      %sub3A_373 = arith.subi %add3A_359, %sub3A_372 : i32
      %ge3A_374 = arith.constant 0 : i32
      %ge3A_375 = arith.cmpi sge, %sub3A_373, %ge3A_374 : i32
      %convert_element_type3A_376 = arith.extui %ge3A_375 : i1 to i32
      %cond3A_377 = arith.constant 0 : i32
      %cond3A_378 = arith.cmpi ne, %convert_element_type3A_376, %cond3A_377 : i32
      scf.if %cond3A_378 {
        %dma_wait3A_422 = arith.constant 0 : i32
        %dma_wait3A_423 = arith.constant 0 : i32
        %dma_wait3A_424 = tpu.memref_slice %arg8[%dma_wait3A_422, %dma_wait3A_423] : memref<80x128xi32, #tpu.memory_space<vmem>> -> memref<1x128xi32, #tpu.memory_space<vmem>>
        %dma_wait3A_425 = tpu.memref_squeeze %dma_wait3A_424 : memref<1x128xi32, #tpu.memory_space<vmem>> -> memref<128xi32, #tpu.memory_space<vmem>>
        %dma_wait3A_426 = arith.constant 0 : i32
        %dma_wait3A_427 = arith.constant 0 : i32
        %dma_wait3A_428 = tpu.memref_slice %arg34[%dma_wait3A_426, %dma_wait3A_427] : memref<10240x8xf32, #tpu.memory_space<vmem_shared>> -> memref<10240x8xf32, #tpu.memory_space<vmem_shared>>
        tpu.wait_indirect_dma semaphore(%arg28 : memref<!tpu.dma_semaphore, #tpu.memory_space<semaphore_mem>>) src(%arg11 : memref<128x8xf32, #tpu.memory_space<vmem>>) dst(%dma_wait3A_428 : memref<10240x8xf32, #tpu.memory_space<vmem_shared>>)
      } else {
      }
      %ge3A_379 = arith.constant 0 : i32
      %ge3A_380 = arith.cmpi sge, %sub3A_373, %ge3A_379 : i32
      %add3A_381 = arith.constant 8 : i32
      %add3A_382 = arith.addi %sub3A_373, %add3A_381 : i32
      %lt3A_383 = arith.constant 80 : i32
      %lt3A_384 = arith.cmpi slt, %add3A_382, %lt3A_383 : i32
      %and3A_385 = arith.andi %ge3A_380, %lt3A_384 : i1
      %convert_element_type3A_386 = arith.extui %and3A_385 : i1 to i32
      %cond3A_387 = arith.constant 0 : i32
      %cond3A_388 = arith.cmpi ne, %convert_element_type3A_386, %cond3A_387 : i32
      scf.if %cond3A_388 {
        %add3A_422 = arith.constant 8 : i32
        %add3A_423 = arith.addi %sub3A_373, %add3A_422 : i32
        %dma_start3A_424 = arith.constant 0 : i32
        %dma_start3A_425 = tpu.memref_slice %arg7[%add3A_423, %dma_start3A_424] : memref<80x128xi32, #tpu.memory_space<vmem>> -> memref<1x128xi32, #tpu.memory_space<vmem>>
        %dma_start3A_426 = tpu.memref_squeeze %dma_start3A_425 : memref<1x128xi32, #tpu.memory_space<vmem>> -> memref<128xi32, #tpu.memory_space<vmem>>
        %dma_start3A_427 = arith.constant 0 : i32
        %dma_start3A_428 = arith.constant 0 : i32
        %dma_start3A_429 = tpu.memref_slice %arg35[%dma_start3A_427, %dma_start3A_428] : memref<10000x8xf32, #tpu.memory_space<vmem_shared>> -> memref<10000x8xf32, #tpu.memory_space<vmem_shared>>
        tpu.enqueue_indirect_dma source(%dma_start3A_429 : memref<10000x8xf32, #tpu.memory_space<vmem_shared>>) target(%arg11 : memref<128x8xf32, #tpu.memory_space<vmem>>) offsets(%dma_start3A_426 : memref<128xi32, #tpu.memory_space<vmem>>) semaphore(%arg20 : memref<!tpu.dma_semaphore, #tpu.memory_space<semaphore_mem>>)
      } else {
      }
      %mul3A_389 = arith.constant 8 : i32
      %mul3A_390 = arith.muli %scan3A_161, %mul3A_389 : i32
      %add3A_391 = arith.constant 7 : i32
      %add3A_392 = arith.addi %mul3A_390, %add3A_391 : i32
      %dma_wait3A_393 = arith.constant 0 : i32
      %dma_wait3A_394 = tpu.memref_slice %arg7[%add3A_392, %dma_wait3A_393] : memref<80x128xi32, #tpu.memory_space<vmem>> -> memref<1x128xi32, #tpu.memory_space<vmem>>
      %dma_wait3A_395 = tpu.memref_squeeze %dma_wait3A_394 : memref<1x128xi32, #tpu.memory_space<vmem>> -> memref<128xi32, #tpu.memory_space<vmem>>
      %dma_wait3A_396 = arith.constant 0 : i32
      %dma_wait3A_397 = arith.constant 0 : i32
      %dma_wait3A_398 = tpu.memref_slice %arg35[%dma_wait3A_396, %dma_wait3A_397] : memref<10000x8xf32, #tpu.memory_space<vmem_shared>> -> memref<10000x8xf32, #tpu.memory_space<vmem_shared>>
      tpu.wait_indirect_dma semaphore(%arg25 : memref<!tpu.dma_semaphore, #tpu.memory_space<semaphore_mem>>) src(%dma_wait3A_398 : memref<10000x8xf32, #tpu.memory_space<vmem_shared>>) dst(%arg16 : memref<128x8xf32, #tpu.memory_space<vmem>>)
      %dma_start3A_399 = arith.constant 0 : i32
      %dma_start3A_400 = tpu.memref_slice %arg8[%add3A_392, %dma_start3A_399] : memref<80x128xi32, #tpu.memory_space<vmem>> -> memref<1x128xi32, #tpu.memory_space<vmem>>
      %dma_start3A_401 = tpu.memref_squeeze %dma_start3A_400 : memref<1x128xi32, #tpu.memory_space<vmem>> -> memref<128xi32, #tpu.memory_space<vmem>>
      %dma_start3A_402 = arith.constant 0 : i32
      %dma_start3A_403 = arith.constant 0 : i32
      %dma_start3A_404 = tpu.memref_slice %arg34[%dma_start3A_402, %dma_start3A_403] : memref<10240x8xf32, #tpu.memory_space<vmem_shared>> -> memref<10240x8xf32, #tpu.memory_space<vmem_shared>>
      tpu.enqueue_indirect_dma source(%arg16 : memref<128x8xf32, #tpu.memory_space<vmem>>) target(%dma_start3A_404 : memref<10240x8xf32, #tpu.memory_space<vmem_shared>>) offsets(%dma_start3A_401 : memref<128xi32, #tpu.memory_space<vmem>>) semaphore(%arg33 : memref<!tpu.dma_semaphore, #tpu.memory_space<semaphore_mem>>) {add = true}
      %sub3A_405 = arith.constant 4 : i32
      %sub3A_406 = arith.subi %add3A_392, %sub3A_405 : i32
      %ge3A_407 = arith.constant 0 : i32
      %ge3A_408 = arith.cmpi sge, %sub3A_406, %ge3A_407 : i32
      %convert_element_type3A_409 = arith.extui %ge3A_408 : i1 to i32
      %cond3A_410 = arith.constant 0 : i32
      %cond3A_411 = arith.cmpi ne, %convert_element_type3A_409, %cond3A_410 : i32
      scf.if %cond3A_411 {
        %dma_wait3A_422 = arith.constant 0 : i32
        %dma_wait3A_423 = arith.constant 0 : i32
        %dma_wait3A_424 = tpu.memref_slice %arg8[%dma_wait3A_422, %dma_wait3A_423] : memref<80x128xi32, #tpu.memory_space<vmem>> -> memref<1x128xi32, #tpu.memory_space<vmem>>
        %dma_wait3A_425 = tpu.memref_squeeze %dma_wait3A_424 : memref<1x128xi32, #tpu.memory_space<vmem>> -> memref<128xi32, #tpu.memory_space<vmem>>
        %dma_wait3A_426 = arith.constant 0 : i32
        %dma_wait3A_427 = arith.constant 0 : i32
        %dma_wait3A_428 = tpu.memref_slice %arg34[%dma_wait3A_426, %dma_wait3A_427] : memref<10240x8xf32, #tpu.memory_space<vmem_shared>> -> memref<10240x8xf32, #tpu.memory_space<vmem_shared>>
        tpu.wait_indirect_dma semaphore(%arg29 : memref<!tpu.dma_semaphore, #tpu.memory_space<semaphore_mem>>) src(%arg12 : memref<128x8xf32, #tpu.memory_space<vmem>>) dst(%dma_wait3A_428 : memref<10240x8xf32, #tpu.memory_space<vmem_shared>>)
      } else {
      }
      %ge3A_412 = arith.constant 0 : i32
      %ge3A_413 = arith.cmpi sge, %sub3A_406, %ge3A_412 : i32
      %add3A_414 = arith.constant 8 : i32
      %add3A_415 = arith.addi %sub3A_406, %add3A_414 : i32
      %lt3A_416 = arith.constant 80 : i32
      %lt3A_417 = arith.cmpi slt, %add3A_415, %lt3A_416 : i32
      %and3A_418 = arith.andi %ge3A_413, %lt3A_417 : i1
      %convert_element_type3A_419 = arith.extui %and3A_418 : i1 to i32
      %cond3A_420 = arith.constant 0 : i32
      %cond3A_421 = arith.cmpi ne, %convert_element_type3A_419, %cond3A_420 : i32
      scf.if %cond3A_421 {
        %add3A_422 = arith.constant 8 : i32
        %add3A_423 = arith.addi %sub3A_406, %add3A_422 : i32
        %dma_start3A_424 = arith.constant 0 : i32
        %dma_start3A_425 = tpu.memref_slice %arg7[%add3A_423, %dma_start3A_424] : memref<80x128xi32, #tpu.memory_space<vmem>> -> memref<1x128xi32, #tpu.memory_space<vmem>>
        %dma_start3A_426 = tpu.memref_squeeze %dma_start3A_425 : memref<1x128xi32, #tpu.memory_space<vmem>> -> memref<128xi32, #tpu.memory_space<vmem>>
        %dma_start3A_427 = arith.constant 0 : i32
        %dma_start3A_428 = arith.constant 0 : i32
        %dma_start3A_429 = tpu.memref_slice %arg35[%dma_start3A_427, %dma_start3A_428] : memref<10000x8xf32, #tpu.memory_space<vmem_shared>> -> memref<10000x8xf32, #tpu.memory_space<vmem_shared>>
        tpu.enqueue_indirect_dma source(%dma_start3A_429 : memref<10000x8xf32, #tpu.memory_space<vmem_shared>>) target(%arg12 : memref<128x8xf32, #tpu.memory_space<vmem>>) offsets(%dma_start3A_426 : memref<128xi32, #tpu.memory_space<vmem>>) semaphore(%arg21 : memref<!tpu.dma_semaphore, #tpu.memory_space<semaphore_mem>>)
      } else {
      }
    }
    %scan3A_128 = arith.constant 10 : i32
    %dma_wait3A = arith.constant 0 : i32
    %dma_wait3A_129 = arith.constant 0 : i32
    %dma_wait3A_130 = tpu.memref_slice %arg8[%dma_wait3A, %dma_wait3A_129] : memref<80x128xi32, #tpu.memory_space<vmem>> -> memref<1x128xi32, #tpu.memory_space<vmem>>
    %dma_wait3A_131 = tpu.memref_squeeze %dma_wait3A_130 : memref<1x128xi32, #tpu.memory_space<vmem>> -> memref<128xi32, #tpu.memory_space<vmem>>
    %dma_wait3A_132 = arith.constant 0 : i32
    %dma_wait3A_133 = arith.constant 0 : i32
    %dma_wait3A_134 = tpu.memref_slice %arg34[%dma_wait3A_132, %dma_wait3A_133] : memref<10240x8xf32, #tpu.memory_space<vmem_shared>> -> memref<10240x8xf32, #tpu.memory_space<vmem_shared>>
    tpu.wait_indirect_dma semaphore(%arg30 : memref<!tpu.dma_semaphore, #tpu.memory_space<semaphore_mem>>) src(%arg13 : memref<128x8xf32, #tpu.memory_space<vmem>>) dst(%dma_wait3A_134 : memref<10240x8xf32, #tpu.memory_space<vmem_shared>>)
    %dma_wait3A_135 = arith.constant 0 : i32
    %dma_wait3A_136 = arith.constant 0 : i32
    %dma_wait3A_137 = tpu.memref_slice %arg8[%dma_wait3A_135, %dma_wait3A_136] : memref<80x128xi32, #tpu.memory_space<vmem>> -> memref<1x128xi32, #tpu.memory_space<vmem>>
    %dma_wait3A_138 = tpu.memref_squeeze %dma_wait3A_137 : memref<1x128xi32, #tpu.memory_space<vmem>> -> memref<128xi32, #tpu.memory_space<vmem>>
    %dma_wait3A_139 = arith.constant 0 : i32
    %dma_wait3A_140 = arith.constant 0 : i32
    %dma_wait3A_141 = tpu.memref_slice %arg34[%dma_wait3A_139, %dma_wait3A_140] : memref<10240x8xf32, #tpu.memory_space<vmem_shared>> -> memref<10240x8xf32, #tpu.memory_space<vmem_shared>>
    tpu.wait_indirect_dma semaphore(%arg31 : memref<!tpu.dma_semaphore, #tpu.memory_space<semaphore_mem>>) src(%arg14 : memref<128x8xf32, #tpu.memory_space<vmem>>) dst(%dma_wait3A_141 : memref<10240x8xf32, #tpu.memory_space<vmem_shared>>)
    %dma_wait3A_142 = arith.constant 0 : i32
    %dma_wait3A_143 = arith.constant 0 : i32
    %dma_wait3A_144 = tpu.memref_slice %arg8[%dma_wait3A_142, %dma_wait3A_143] : memref<80x128xi32, #tpu.memory_space<vmem>> -> memref<1x128xi32, #tpu.memory_space<vmem>>
    %dma_wait3A_145 = tpu.memref_squeeze %dma_wait3A_144 : memref<1x128xi32, #tpu.memory_space<vmem>> -> memref<128xi32, #tpu.memory_space<vmem>>
    %dma_wait3A_146 = arith.constant 0 : i32
    %dma_wait3A_147 = arith.constant 0 : i32
    %dma_wait3A_148 = tpu.memref_slice %arg34[%dma_wait3A_146, %dma_wait3A_147] : memref<10240x8xf32, #tpu.memory_space<vmem_shared>> -> memref<10240x8xf32, #tpu.memory_space<vmem_shared>>
    tpu.wait_indirect_dma semaphore(%arg32 : memref<!tpu.dma_semaphore, #tpu.memory_space<semaphore_mem>>) src(%arg15 : memref<128x8xf32, #tpu.memory_space<vmem>>) dst(%dma_wait3A_148 : memref<10240x8xf32, #tpu.memory_space<vmem_shared>>)
    %dma_wait3A_149 = arith.constant 0 : i32
    %dma_wait3A_150 = arith.constant 0 : i32
    %dma_wait3A_151 = tpu.memref_slice %arg8[%dma_wait3A_149, %dma_wait3A_150] : memref<80x128xi32, #tpu.memory_space<vmem>> -> memref<1x128xi32, #tpu.memory_space<vmem>>
    %dma_wait3A_152 = tpu.memref_squeeze %dma_wait3A_151 : memref<1x128xi32, #tpu.memory_space<vmem>> -> memref<128xi32, #tpu.memory_space<vmem>>
    %dma_wait3A_153 = arith.constant 0 : i32
    %dma_wait3A_154 = arith.constant 0 : i32
    %dma_wait3A_155 = tpu.memref_slice %arg34[%dma_wait3A_153, %dma_wait3A_154] : memref<10240x8xf32, #tpu.memory_space<vmem_shared>> -> memref<10240x8xf32, #tpu.memory_space<vmem_shared>>
    tpu.wait_indirect_dma semaphore(%arg33 : memref<!tpu.dma_semaphore, #tpu.memory_space<semaphore_mem>>) src(%arg16 : memref<128x8xf32, #tpu.memory_space<vmem>>) dst(%dma_wait3A_155 : memref<10240x8xf32, #tpu.memory_space<vmem_shared>>)
    %barrier3A_156 = arith.constant 0 : index
    tpu.barrier barrier_id(%barrier3A_156)
    %mul3A_157 = arith.constant 640 : i32
    %mul3A_158 = arith.muli %arg1, %mul3A_157 : i32
    %mul3A_159 = arith.constant 640 : i32
    %mul3A_160 = arith.muli %arg1, %mul3A_159 : i32
    %run_scoped3A = arith.constant 0 : i32
    "tpu.region"() ({
      %run_scoped3A_161 = tpu.sem_alloc : memref<!tpu.dma_semaphore, #tpu.memory_space<semaphore_mem>>
      %dma_start3A_162 = arith.constant 0 : i32
      %dma_start3A_163 = tpu.memref_slice %arg6[%arg0, %run_scoped3A, %mul3A_160, %dma_start3A_162] : memref<2x1x10240x8xf32, #tpu.memory_space<hbm>> -> memref<1x1x640x8xf32, #tpu.memory_space<hbm>>
      %dma_start3A_164 = tpu.memref_squeeze %dma_start3A_163 : memref<1x1x640x8xf32, #tpu.memory_space<hbm>> -> memref<640x8xf32, #tpu.memory_space<hbm>>
      %dma_start3A_165 = arith.constant 0 : i32
      %dma_start3A_166 = tpu.memref_slice %arg34[%mul3A_158, %dma_start3A_165] : memref<10240x8xf32, #tpu.memory_space<vmem_shared>> -> memref<640x8xf32, #tpu.memory_space<vmem_shared>>
      tpu.enqueue_dma source(%dma_start3A_166 : memref<640x8xf32, #tpu.memory_space<vmem_shared>>) target(%dma_start3A_164 : memref<640x8xf32, #tpu.memory_space<hbm>>) target_semaphore(%run_scoped3A_161 : memref<!tpu.dma_semaphore, #tpu.memory_space<semaphore_mem>>)
      %dma_wait3A_167 = arith.constant 0 : i32
      %dma_wait3A_168 = tpu.memref_slice %arg6[%arg0, %run_scoped3A, %mul3A_160, %dma_wait3A_167] : memref<2x1x10240x8xf32, #tpu.memory_space<hbm>> -> memref<1x1x640x8xf32, #tpu.memory_space<hbm>>
      %dma_wait3A_169 = tpu.memref_squeeze %dma_wait3A_168 : memref<1x1x640x8xf32, #tpu.memory_space<hbm>> -> memref<640x8xf32, #tpu.memory_space<hbm>>
      %dma_wait3A_170 = arith.constant 0 : i32
      %dma_wait3A_171 = tpu.memref_slice %arg34[%mul3A_158, %dma_wait3A_170] : memref<10240x8xf32, #tpu.memory_space<vmem_shared>> -> memref<640x8xf32, #tpu.memory_space<vmem_shared>>
      tpu.wait_dma2 semaphore(%run_scoped3A_161 : memref<!tpu.dma_semaphore, #tpu.memory_space<semaphore_mem>>) src(%dma_wait3A_171 : memref<640x8xf32, #tpu.memory_space<vmem_shared>>) dst(%dma_wait3A_169 : memref<640x8xf32, #tpu.memory_space<hbm>>)
      tpu.yield
    }) : () -> ()
    return
  }
}

module attributes {stable_mosaic.version = 14 : i64} {
  func.func @body(%arg0: i32, %arg1: memref<5000x128xf32, #tpu.memory_space<vmem>>, %arg2: memref<128x64xf32, #tpu.memory_space<vmem>>, %arg3: memref<5000x64xf32, #tpu.memory_space<vmem>>) attributes {dimension_semantics = [#tpu.dimension_semantics<arbitrary>], iteration_bounds = array<i64: 2>, scalar_prefetch = 0 : i64, scratch_operands = 0 : i64, tpu.core_type = #tpu.core_type<tc>, window_params = [{transform_indices = @transform_0, window_bounds = array<i64: 5000, 128>}, {pipeline_mode = #tpu.pipeline_mode<synchronous>, transform_indices = @transform_1, window_bounds = array<i64: 128, 64>}, {transform_indices = @transform_2, window_bounds = array<i64: 5000, 64>}]} {
    %get3A = arith.constant 0 : index
    %get3A_0 = arith.constant 0 : index
    %get3A_1 = vector.load %arg1[%get3A, %get3A_0] : memref<5000x128xf32, #tpu.memory_space<vmem>>, vector<5000x128xf32>
    %get3A_2 = arith.constant 0 : index
    %get3A_3 = arith.constant 0 : index
    %get3A_4 = vector.load %arg2[%get3A_2, %get3A_3] : memref<128x64xf32, #tpu.memory_space<vmem>>, vector<128x64xf32>
    %dot_general3A = arith.constant dense<0.000000e+00> : vector<5000x64xf32>
    %dot_general3A_5 = tpu.matmul %get3A_1, %get3A_4, %dot_general3A {dimension_numbers = #tpu.dot_dimension_numbers<[1], [0], [0], [1], [0, 0, 1, 1], [], []>, transpose_lhs_hint = false} : vector<5000x128xf32>, vector<128x64xf32>, vector<5000x64xf32> -> vector<5000x64xf32>
    %swap3A = arith.constant 0 : index
    %swap3A_6 = arith.constant 0 : index
    %swap3A_7 = vector.load %arg3[%swap3A, %swap3A_6] : memref<5000x64xf32, #tpu.memory_space<vmem>>, vector<5000x64xf32>
    tpu.vector_store %arg3[%swap3A, %swap3A_6], %dot_general3A_5 {strides = array<i32>} : memref<5000x64xf32, #tpu.memory_space<vmem>>, vector<5000x64xf32>,
    return
  }
  func.func @transform_0(%arg0: i32) -> (i32, i32) {
    %c0_i32 = arith.constant 0 : i32
    %c0_i32_0 = arith.constant 0 : i32
    return %arg0, %c0_i32 : i32, i32
  }
  func.func @transform_1(%arg0: i32) -> (i32, i32) {
    %c0_i32 = arith.constant 0 : i32
    %c0_i32_0 = arith.constant 0 : i32
    %c0_i32_1 = arith.constant 0 : i32
    return %c0_i32, %c0_i32_0 : i32, i32
  }
  func.func @transform_2(%arg0: i32) -> (i32, i32) {
    %c0_i32 = arith.constant 0 : i32
    %c0_i32_0 = arith.constant 0 : i32
    return %arg0, %c0_i32 : i32, i32
  }
}

module attributes {stable_mosaic.version = 14 : i64} {
  func.func @body(%arg0: i32, %arg1: memref<2x5000x8xf32, #tpu.memory_space<vmem>>, %arg2: memref<5000x64xf32, #tpu.memory_space<vmem>>, %arg3: memref<5000x1xf32, #tpu.memory_space<vmem>>, %arg4: memref<5000x32xf32, #tpu.memory_space<vmem>>, %arg5: memref<5000x32xf32, #tpu.memory_space<vmem>>) attributes {dimension_semantics = [#tpu.dimension_semantics<arbitrary>], iteration_bounds = array<i64: 2>, scalar_prefetch = 0 : i64, scratch_operands = 0 : i64, tpu.core_type = #tpu.core_type<tc>, window_params = [{transform_indices = @transform_0, window_bounds = array<i64: 2, 5000, 8>}, {transform_indices = @transform_1, window_bounds = array<i64: 5000, 64>}, {transform_indices = @transform_2, window_bounds = array<i64: 5000, 1>}, {transform_indices = @transform_3, window_bounds = array<i64: 5000, 32>}, {transform_indices = @transform_4, window_bounds = array<i64: 5000, 32>}]} {
    %get3A = arith.constant 0 : index
    %get3A_0 = arith.constant 0 : index
    %get3A_1 = arith.constant 0 : index
    %get3A_2 = vector.load %arg1[%get3A, %get3A_0, %get3A_1] : memref<2x5000x8xf32, #tpu.memory_space<vmem>>, vector<1x5000x1xf32>
    %get3A_3 = vector.shape_cast %get3A_2 : vector<1x5000x1xf32> to vector<5000x1xf32>
    %get3A_4 = arith.constant 1 : index
    %get3A_5 = arith.constant 0 : index
    %get3A_6 = arith.constant 0 : index
    %get3A_7 = vector.load %arg1[%get3A_4, %get3A_5, %get3A_6] : memref<2x5000x8xf32, #tpu.memory_space<vmem>>, vector<1x5000x1xf32>
    %get3A_8 = vector.shape_cast %get3A_7 : vector<1x5000x1xf32> to vector<5000x1xf32>
    %add3A = arith.addf %get3A_3, %get3A_8 : vector<5000x1xf32>
    %add3A_9 = arith.constant 1.000000e+00 : f32
    %add3A_10 = vector.broadcast %add3A_9 : f32 to vector<5000x1xf32>
    %add3A_11 = arith.addf %add3A, %add3A_10 : vector<5000x1xf32>
    %rsqrt3A = math.rsqrt %add3A_11 : vector<5000x1xf32>
    %swap3A = arith.constant 0 : index
    %swap3A_12 = arith.constant 0 : index
    %swap3A_13 = vector.load %arg3[%swap3A, %swap3A_12] : memref<5000x1xf32, #tpu.memory_space<vmem>>, vector<5000x1xf32>
    tpu.vector_store %arg3[%swap3A, %swap3A_12], %rsqrt3A {strides = array<i32>} : memref<5000x1xf32, #tpu.memory_space<vmem>>, vector<5000x1xf32>,
    %get3A_14 = arith.constant 0 : index
    %get3A_15 = arith.constant 0 : index
    %get3A_16 = vector.load %arg2[%get3A_14, %get3A_15] : memref<5000x64xf32, #tpu.memory_space<vmem>>, vector<5000x64xf32>
    %mul3A = vector.broadcast %rsqrt3A : vector<5000x1xf32> to vector<5000x64xf32>
    %mul3A_17 = arith.mulf %get3A_16, %mul3A : vector<5000x64xf32>
    %slice3A = vector.extract_strided_slice %mul3A_17 {offsets = [0, 0], sizes = [5000, 32], strides = [1, 1]} : vector<5000x64xf32> to vector<5000x32xf32>
    %swap3A_18 = arith.constant 0 : index
    %swap3A_19 = arith.constant 0 : index
    %swap3A_20 = vector.load %arg4[%swap3A_18, %swap3A_19] : memref<5000x32xf32, #tpu.memory_space<vmem>>, vector<5000x32xf32>
    tpu.vector_store %arg4[%swap3A_18, %swap3A_19], %slice3A {strides = array<i32>} : memref<5000x32xf32, #tpu.memory_space<vmem>>, vector<5000x32xf32>,
    %slice3A_21 = vector.extract_strided_slice %mul3A_17 {offsets = [0, 32], sizes = [5000, 32], strides = [1, 1]} : vector<5000x64xf32> to vector<5000x32xf32>
    %swap3A_22 = arith.constant 0 : index
    %swap3A_23 = arith.constant 0 : index
    %swap3A_24 = vector.load %arg5[%swap3A_22, %swap3A_23] : memref<5000x32xf32, #tpu.memory_space<vmem>>, vector<5000x32xf32>
    tpu.vector_store %arg5[%swap3A_22, %swap3A_23], %slice3A_21 {strides = array<i32>} : memref<5000x32xf32, #tpu.memory_space<vmem>>, vector<5000x32xf32>,
    return
  }
  func.func @transform_0(%arg0: i32) -> (i32, i32, i32) {
    %c0_i32 = arith.constant 0 : i32
    %c0_i32_0 = arith.constant 0 : i32
    %c0_i32_1 = arith.constant 0 : i32
    return %c0_i32, %arg0, %c0_i32_0 : i32, i32, i32
  }
  func.func @transform_1(%arg0: i32) -> (i32, i32) {
    %c0_i32 = arith.constant 0 : i32
    %c0_i32_0 = arith.constant 0 : i32
    return %arg0, %c0_i32 : i32, i32
  }
  func.func @transform_2(%arg0: i32) -> (i32, i32) {
    %c0_i32 = arith.constant 0 : i32
    %c0_i32_0 = arith.constant 0 : i32
    return %arg0, %c0_i32 : i32, i32
  }
  func.func @transform_3(%arg0: i32) -> (i32, i32) {
    %c0_i32 = arith.constant 0 : i32
    %c0_i32_0 = arith.constant 0 : i32
    return %arg0, %c0_i32 : i32, i32
  }
  func.func @transform_4(%arg0: i32) -> (i32, i32) {
    %c0_i32 = arith.constant 0 : i32
    %c0_i32_0 = arith.constant 0 : i32
    return %arg0, %c0_i32 : i32, i32
  }
}

module attributes {stable_mosaic.version = 14 : i64} {
  func.func @body(%arg0: i32, %arg1: memref<2x2x5000x32xf32, #tpu.memory_space<vmem>>, %arg2: memref<5000x32xf32, #tpu.memory_space<vmem>>, %arg3: memref<5000x32xf32, #tpu.memory_space<vmem>>, %arg4: memref<5000x1xf32, #tpu.memory_space<vmem>>, %arg5: memref<1x64xf32, #tpu.memory_space<vmem>>, %arg6: memref<64x8xf32, #tpu.memory_space<vmem>>, %arg7: memref<5000x8xf32, #tpu.memory_space<vmem>>) attributes {dimension_semantics = [#tpu.dimension_semantics<arbitrary>], iteration_bounds = array<i64: 2>, scalar_prefetch = 0 : i64, scratch_operands = 0 : i64, tpu.core_type = #tpu.core_type<tc>, window_params = [{transform_indices = @transform_0, window_bounds = array<i64: 2, 2, 5000, 32>}, {transform_indices = @transform_1, window_bounds = array<i64: 5000, 32>}, {transform_indices = @transform_2, window_bounds = array<i64: 5000, 32>}, {transform_indices = @transform_3, window_bounds = array<i64: 5000, 1>}, {pipeline_mode = #tpu.pipeline_mode<synchronous>, transform_indices = @transform_4, window_bounds = array<i64: 1, 64>}, {pipeline_mode = #tpu.pipeline_mode<synchronous>, transform_indices = @transform_5, window_bounds = array<i64: 64, 8>}, {transform_indices = @transform_6, window_bounds = array<i64: 5000, 8>}]} {
    %get3A = arith.constant 0 : index
    %get3A_0 = arith.constant 0 : index
    %get3A_1 = arith.constant 0 : index
    %get3A_2 = arith.constant 0 : index
    %get3A_3 = vector.load %arg1[%get3A, %get3A_0, %get3A_1, %get3A_2] : memref<2x2x5000x32xf32, #tpu.memory_space<vmem>>, vector<1x1x5000x32xf32>
    %get3A_4 = vector.shape_cast %get3A_3 : vector<1x1x5000x32xf32> to vector<5000x32xf32>
    %get3A_5 = arith.constant 1 : index
    %get3A_6 = arith.constant 0 : index
    %get3A_7 = arith.constant 0 : index
    %get3A_8 = arith.constant 0 : index
    %get3A_9 = vector.load %arg1[%get3A_5, %get3A_6, %get3A_7, %get3A_8] : memref<2x2x5000x32xf32, #tpu.memory_space<vmem>>, vector<1x1x5000x32xf32>
    %get3A_10 = vector.shape_cast %get3A_9 : vector<1x1x5000x32xf32> to vector<5000x32xf32>
    %add3A = arith.addf %get3A_4, %get3A_10 : vector<5000x32xf32>
    %get3A_11 = arith.constant 0 : index
    %get3A_12 = arith.constant 0 : index
    %get3A_13 = vector.load %arg2[%get3A_11, %get3A_12] : memref<5000x32xf32, #tpu.memory_space<vmem>>, vector<5000x32xf32>
    %add3A_14 = arith.addf %add3A, %get3A_13 : vector<5000x32xf32>
    %get3A_15 = arith.constant 0 : index
    %get3A_16 = arith.constant 1 : index
    %get3A_17 = arith.constant 0 : index
    %get3A_18 = arith.constant 0 : index
    %get3A_19 = vector.load %arg1[%get3A_15, %get3A_16, %get3A_17, %get3A_18] : memref<2x2x5000x32xf32, #tpu.memory_space<vmem>>, vector<1x1x5000x32xf32>
    %get3A_20 = vector.shape_cast %get3A_19 : vector<1x1x5000x32xf32> to vector<5000x32xf32>
    %get3A_21 = arith.constant 1 : index
    %get3A_22 = arith.constant 1 : index
    %get3A_23 = arith.constant 0 : index
    %get3A_24 = arith.constant 0 : index
    %get3A_25 = vector.load %arg1[%get3A_21, %get3A_22, %get3A_23, %get3A_24] : memref<2x2x5000x32xf32, #tpu.memory_space<vmem>>, vector<1x1x5000x32xf32>
    %get3A_26 = vector.shape_cast %get3A_25 : vector<1x1x5000x32xf32> to vector<5000x32xf32>
    %add3A_27 = arith.addf %get3A_20, %get3A_26 : vector<5000x32xf32>
    %get3A_28 = arith.constant 0 : index
    %get3A_29 = arith.constant 0 : index
    %get3A_30 = vector.load %arg3[%get3A_28, %get3A_29] : memref<5000x32xf32, #tpu.memory_space<vmem>>, vector<5000x32xf32>
    %add3A_31 = arith.addf %add3A_27, %get3A_30 : vector<5000x32xf32>
    %concatenate3A = tpu.concatenate %add3A_14, %add3A_31 in 1 : vector<5000x32xf32>, vector<5000x32xf32> -> vector<5000x64xf32>
    %get3A_32 = arith.constant 0 : index
    %get3A_33 = arith.constant 0 : index
    %get3A_34 = vector.load %arg4[%get3A_32, %get3A_33] : memref<5000x1xf32, #tpu.memory_space<vmem>>, vector<5000x1xf32>
    %mul3A = vector.broadcast %get3A_34 : vector<5000x1xf32> to vector<5000x64xf32>
    %mul3A_35 = arith.mulf %mul3A, %concatenate3A : vector<5000x64xf32>
    %get3A_36 = arith.constant 0 : index
    %get3A_37 = arith.constant 0 : index
    %get3A_38 = vector.load %arg5[%get3A_36, %get3A_37] : memref<1x64xf32, #tpu.memory_space<vmem>>, vector<1x64xf32>
    %add3A_39 = vector.broadcast %get3A_38 : vector<1x64xf32> to vector<5000x64xf32>
    %add3A_40 = arith.addf %mul3A_35, %add3A_39 : vector<5000x64xf32>
    %gt3A = arith.constant 0.000000e+00 : f32
    %gt3A_41 = vector.broadcast %gt3A : f32 to vector<5000x64xf32>
    %gt3A_42 = arith.cmpf ogt, %add3A_40, %gt3A_41 : vector<5000x64xf32>
    %min3A = arith.constant 0.000000e+00 : f32
    %min3A_43 = vector.broadcast %min3A : f32 to vector<5000x64xf32>
    %min3A_44 = arith.minimumf %add3A_40, %min3A_43 : vector<5000x64xf32>
    %exp3A = math.exp %min3A_44 : vector<5000x64xf32>
    %sub3A = arith.constant 1.000000e+00 : f32
    %sub3A_45 = vector.broadcast %sub3A : f32 to vector<5000x64xf32>
    %sub3A_46 = arith.subf %exp3A, %sub3A_45 : vector<5000x64xf32>
    %select_n3A = arith.select %gt3A_42, %add3A_40, %sub3A_46 : vector<5000x64xi1>, vector<5000x64xf32>
    %get3A_47 = arith.constant 0 : index
    %get3A_48 = arith.constant 0 : index
    %get3A_49 = vector.load %arg6[%get3A_47, %get3A_48] : memref<64x8xf32, #tpu.memory_space<vmem>>, vector<64x8xf32>
    %dot_general3A = arith.constant dense<0.000000e+00> : vector<5000x8xf32>
    %dot_general3A_50 = tpu.matmul %select_n3A, %get3A_49, %dot_general3A {dimension_numbers = #tpu.dot_dimension_numbers<[1], [0], [0], [1], [0, 0, 1, 1], [], []>, transpose_lhs_hint = false} : vector<5000x64xf32>, vector<64x8xf32>, vector<5000x8xf32> -> vector<5000x8xf32>
    %get3A_51 = arith.constant 0 : index
    %get3A_52 = arith.constant 0 : index
    %get3A_53 = vector.load %arg4[%get3A_51, %get3A_52] : memref<5000x1xf32, #tpu.memory_space<vmem>>, vector<5000x1xf32>
    %mul3A_54 = vector.broadcast %get3A_53 : vector<5000x1xf32> to vector<5000x8xf32>
    %mul3A_55 = arith.mulf %dot_general3A_50, %mul3A_54 : vector<5000x8xf32>
    %swap3A = arith.constant 0 : index
    %swap3A_56 = arith.constant 0 : index
    %swap3A_57 = vector.load %arg7[%swap3A, %swap3A_56] : memref<5000x8xf32, #tpu.memory_space<vmem>>, vector<5000x8xf32>
    tpu.vector_store %arg7[%swap3A, %swap3A_56], %mul3A_55 {strides = array<i32>} : memref<5000x8xf32, #tpu.memory_space<vmem>>, vector<5000x8xf32>,
    return
  }
  func.func @transform_0(%arg0: i32) -> (i32, i32, i32, i32) {
    %c0_i32 = arith.constant 0 : i32
    %c0_i32_0 = arith.constant 0 : i32
    %c0_i32_1 = arith.constant 0 : i32
    %c0_i32_2 = arith.constant 0 : i32
    return %c0_i32, %c0_i32_0, %arg0, %c0_i32_1 : i32, i32, i32, i32
  }
  func.func @transform_1(%arg0: i32) -> (i32, i32) {
    %c0_i32 = arith.constant 0 : i32
    %c0_i32_0 = arith.constant 0 : i32
    return %arg0, %c0_i32 : i32, i32
  }
  func.func @transform_2(%arg0: i32) -> (i32, i32) {
    %c0_i32 = arith.constant 0 : i32
    %c0_i32_0 = arith.constant 0 : i32
    return %arg0, %c0_i32 : i32, i32
  }
  func.func @transform_3(%arg0: i32) -> (i32, i32) {
    %c0_i32 = arith.constant 0 : i32
    %c0_i32_0 = arith.constant 0 : i32
    return %arg0, %c0_i32 : i32, i32
  }
  func.func @transform_4(%arg0: i32) -> (i32, i32) {
    %c0_i32 = arith.constant 0 : i32
    %c0_i32_0 = arith.constant 0 : i32
    %c0_i32_1 = arith.constant 0 : i32
    return %c0_i32, %c0_i32_0 : i32, i32
  }
  func.func @transform_5(%arg0: i32) -> (i32, i32) {
    %c0_i32 = arith.constant 0 : i32
    %c0_i32_0 = arith.constant 0 : i32
    %c0_i32_1 = arith.constant 0 : i32
    return %c0_i32, %c0_i32_0 : i32, i32
  }
  func.func @transform_6(%arg0: i32) -> (i32, i32) {
    %c0_i32 = arith.constant 0 : i32
    %c0_i32_0 = arith.constant 0 : i32
    return %arg0, %c0_i32 : i32, i32
  }
}

module attributes {stable_mosaic.version = 14 : i64} {
  func.func @body(%arg0: i32, %arg1: memref<2x1x5000x8xf32, #tpu.memory_space<vmem>>, %arg2: memref<5000x8xf32, #tpu.memory_space<vmem>>, %arg3: memref<5000x1xf32, #tpu.memory_space<vmem>>, %arg4: memref<1x8xf32, #tpu.memory_space<vmem>>, %arg5: memref<5000x8xf32, #tpu.memory_space<vmem>>) attributes {dimension_semantics = [#tpu.dimension_semantics<arbitrary>], iteration_bounds = array<i64: 2>, scalar_prefetch = 0 : i64, scratch_operands = 0 : i64, tpu.core_type = #tpu.core_type<tc>, window_params = [{transform_indices = @transform_0, window_bounds = array<i64: 2, 1, 5000, 8>}, {transform_indices = @transform_1, window_bounds = array<i64: 5000, 8>}, {transform_indices = @transform_2, window_bounds = array<i64: 5000, 1>}, {pipeline_mode = #tpu.pipeline_mode<synchronous>, transform_indices = @transform_3, window_bounds = array<i64: 1, 8>}, {transform_indices = @transform_4, window_bounds = array<i64: 5000, 8>}]} {
    %get3A = arith.constant 0 : index
    %get3A_0 = arith.constant 0 : index
    %get3A_1 = arith.constant 0 : index
    %get3A_2 = arith.constant 0 : index
    %get3A_3 = vector.load %arg1[%get3A, %get3A_0, %get3A_1, %get3A_2] : memref<2x1x5000x8xf32, #tpu.memory_space<vmem>>, vector<1x1x5000x8xf32>
    %get3A_4 = vector.shape_cast %get3A_3 : vector<1x1x5000x8xf32> to vector<5000x8xf32>
    %get3A_5 = arith.constant 1 : index
    %get3A_6 = arith.constant 0 : index
    %get3A_7 = arith.constant 0 : index
    %get3A_8 = arith.constant 0 : index
    %get3A_9 = vector.load %arg1[%get3A_5, %get3A_6, %get3A_7, %get3A_8] : memref<2x1x5000x8xf32, #tpu.memory_space<vmem>>, vector<1x1x5000x8xf32>
    %get3A_10 = vector.shape_cast %get3A_9 : vector<1x1x5000x8xf32> to vector<5000x8xf32>
    %add3A = arith.addf %get3A_4, %get3A_10 : vector<5000x8xf32>
    %get3A_11 = arith.constant 0 : index
    %get3A_12 = arith.constant 0 : index
    %get3A_13 = vector.load %arg2[%get3A_11, %get3A_12] : memref<5000x8xf32, #tpu.memory_space<vmem>>, vector<5000x8xf32>
    %add3A_14 = arith.addf %add3A, %get3A_13 : vector<5000x8xf32>
    %get3A_15 = arith.constant 0 : index
    %get3A_16 = arith.constant 0 : index
    %get3A_17 = vector.load %arg3[%get3A_15, %get3A_16] : memref<5000x1xf32, #tpu.memory_space<vmem>>, vector<5000x1xf32>
    %mul3A = vector.broadcast %get3A_17 : vector<5000x1xf32> to vector<5000x8xf32>
    %mul3A_18 = arith.mulf %mul3A, %add3A_14 : vector<5000x8xf32>
    %get3A_19 = arith.constant 0 : index
    %get3A_20 = arith.constant 0 : index
    %get3A_21 = vector.load %arg4[%get3A_19, %get3A_20] : memref<1x8xf32, #tpu.memory_space<vmem>>, vector<1x8xf32>
    %add3A_22 = vector.broadcast %get3A_21 : vector<1x8xf32> to vector<5000x8xf32>
    %add3A_23 = arith.addf %mul3A_18, %add3A_22 : vector<5000x8xf32>
    %gt3A = arith.constant 0.000000e+00 : f32
    %gt3A_24 = vector.broadcast %gt3A : f32 to vector<5000x8xf32>
    %gt3A_25 = arith.cmpf ogt, %add3A_23, %gt3A_24 : vector<5000x8xf32>
    %min3A = arith.constant 0.000000e+00 : f32
    %min3A_26 = vector.broadcast %min3A : f32 to vector<5000x8xf32>
    %min3A_27 = arith.minimumf %add3A_23, %min3A_26 : vector<5000x8xf32>
    %exp3A = math.exp %min3A_27 : vector<5000x8xf32>
    %sub3A = arith.constant 1.000000e+00 : f32
    %sub3A_28 = vector.broadcast %sub3A : f32 to vector<5000x8xf32>
    %sub3A_29 = arith.subf %exp3A, %sub3A_28 : vector<5000x8xf32>
    %select_n3A = arith.select %gt3A_25, %add3A_23, %sub3A_29 : vector<5000x8xi1>, vector<5000x8xf32>
    %swap3A = arith.constant 0 : index
    %swap3A_30 = arith.constant 0 : index
    %swap3A_31 = vector.load %arg5[%swap3A, %swap3A_30] : memref<5000x8xf32, #tpu.memory_space<vmem>>, vector<5000x8xf32>
    tpu.vector_store %arg5[%swap3A, %swap3A_30], %select_n3A {strides = array<i32>} : memref<5000x8xf32, #tpu.memory_space<vmem>>, vector<5000x8xf32>,
    return
  }
  func.func @transform_0(%arg0: i32) -> (i32, i32, i32, i32) {
    %c0_i32 = arith.constant 0 : i32
    %c0_i32_0 = arith.constant 0 : i32
    %c0_i32_1 = arith.constant 0 : i32
    %c0_i32_2 = arith.constant 0 : i32
    return %c0_i32, %c0_i32_0, %arg0, %c0_i32_1 : i32, i32, i32, i32
  }
  func.func @transform_1(%arg0: i32) -> (i32, i32) {
    %c0_i32 = arith.constant 0 : i32
    %c0_i32_0 = arith.constant 0 : i32
    return %arg0, %c0_i32 : i32, i32
  }
  func.func @transform_2(%arg0: i32) -> (i32, i32) {
    %c0_i32 = arith.constant 0 : i32
    %c0_i32_0 = arith.constant 0 : i32
    return %arg0, %c0_i32 : i32, i32
  }
  func.func @transform_3(%arg0: i32) -> (i32, i32) {
    %c0_i32 = arith.constant 0 : i32
    %c0_i32_0 = arith.constant 0 : i32
    %c0_i32_1 = arith.constant 0 : i32
    return %c0_i32, %c0_i32_0 : i32, i32
  }
  func.func @transform_4(%arg0: i32) -> (i32, i32) {
    %c0_i32 = arith.constant 0 : i32
    %c0_i32_0 = arith.constant 0 : i32
    return %arg0, %c0_i32 : i32, i32
  }
}

</mosaic_0001>

<sc_bundles>
// kernel: kernel.12.cloned.1.call-start
scs
__scs_entry_jumppad:
0x0: {  	(pc) =	sbr.rel $0x88, $3  }
0x1: {  	(tag) =	ssettag $0x0;
	lr =	simm.s32 $0x1  }
0x2: {  	[smem:$0x3F9B] =	sst lr;
	_ =	strace $0xD0000000  }
0x3: {  	_ = 	snop  }
0x4: {  	_ = 	snop  }
0x5: {  	_ = 	snop  }
0x6: {  	_ = 	snop  }
0x7: {  	_ = 	snop  }
__scs_overlays_trampoline_lowered:
0x8: {  	[smem:$0x3FAA] =	sst s0  }
0x9: {  	[smem:$0x3FAB] =	sst s1  }
0xa: {  	[smem:$0x3FAC] =	sst s2  }
0xb: {  	[smem:$0x3FAD] =	sst s3  }
0xc: {  	[smem:$0x3FAE] =	sst s4  }
0xd: {  	[smem:$0x3FAF] =	sst s5  }
0xe: {  	[smem:$0x3FB0] =	sst s6  }
0xf: {  	[smem:$0x3FB1] =	sst s7  }
0x10: {  	[smem:$0x3FB2] =	sst s8  }
0x11: {  	[smem:$0x3FB3] =	sst s9;
	s0 =	simm.s32 @!p0 $0x0  }
0x12: {  	s1 =	sld [smem:$0x3F99];
	s0 =	simm.s32 @p0 $0x1  }
0x13: {  	[smem:$0x3FB4] =	sst s0;
	s0 =	simm.s32 @!p1 $0x0  }
0x14: {  	s2 =	sld [smem:$0x3F98];
	s0 =	simm.s32 @p1 $0x1  }
0x15: {  	[smem:$0x3FB5] =	sst s0;
	s0 =	simm.s32 @!p2 $0x0  }
0x16: {  	s3 =	sld [smem:$0x3FDB];
	s0 =	simm.s32 @p2 $0x1  }
0x17: {  	s4 =	simm.s32 $0x1BF5;
	[smem:$0x3FB7] =	sst s0  }
0x18: {  	s0 =	sld [smem:$0x3F9A];
	_ =	swait.ge [sflag:s4], $0x0  }
0x19: {  	s7 =	sld [smem:$0x3F9B]  }
0x1a: {  	s8 =	sadd.s32 $0xFFFFE003, lr  }
0x1b: {  	s9 =	sadd.s32 $0xFFFFFEF7, lr;
	s5 =	simm.s32 $0xFFFFFFFF;
	p2 =	slt.u32 s8, $0xFFFFF086  }
0x1c: {  	p1 =	slt.u32 s9, $0xF7A;
	s5 =	simm.s32 @!p2 $0x0  }
0x1d: {  	s5 =	simm.s32 @p1 $0x1;
	p0 =	seq.s32 s7, s2  }
0x1e: {  	s7 =	smul.u32 @!p0 $0xF7A, s2;
	p2 =	seq.s32 @!p0 s5, $0x0  }
0x1f: {  	s9 =	smul.u32 $0xF7A, s1;
	s8 =	simm.s32 @!p0 $0x1BF5;
	p2 =	por !p2, p0  }
0x20: {  	[sflag:s8] =	ssyncset.s32 @!p0 $0xFFFFF086;
	s6 =	sadd.s32 @!p0 s3, s7;
	s7 =	simm.s32 @!p0 $0x108  }
0x21: {  	s3 =	sadd.s32 s3, s9;
	s6 =	sadd.s32 @!p0 $0x88, s6;
	s7 =	simm.s32 @p2 $0x1082  }
0x22: {  	[simem:s7], [sflag:s8] =	dma.local @!p0 [hbm:s6], $0xF7A  }
0x23: {  	s9 =	sor.u32 $0xD0000000, s2;
	s6 =	simm.s32 $0x108;
	_ =	swait.ge @!p0 [sflag:s8], $0x0  }
0x24: {  	s3 =	sadd.s32 $0x88, s3;
	s6 =	simm.s32 @!p1 $0x1082;
	[sflag:s4] =	ssyncset.s32 $0xFFFFF086  }
0x25: {  	[simem:s6], [sflag:s4] =	dma.local [hbm:s3], $0xF7A  }
0x26: {  	[smem:$0x3F9B] =	sst s1;
	(tag) =	ssettag s2;
	_ =	strace s9  }
0x27: {  	s1 =	sld [smem:$0x3FAB]  }
0x28: {  	s2 =	sld [smem:$0x3FAC]  }
0x29: {  	s4 =	sld [smem:$0x3FAE]  }
0x2a: {  	p0 =	seq.s32 s5, $0x0;
	s5 =	sld [smem:$0x3FAF]  }
0x2b: {  	s6 =	sld [smem:$0x3FB0]  }
0x2c: {  	s7 =	sld [smem:$0x3FB1]  }
0x2d: {  	s3 =	simm.s32 $0x108;
	s8 =	sld [smem:$0x3FB2]  }
0x2e: {  	s3 =	simm.s32 @!p0 $0x1082;
	s9 =	sld [smem:$0x3FB3]  }
0x2f: {  	lr =	sadd.s32 s0, s3;
	s0 =	sld [smem:$0x3FAA]  }
0x30: {  	s3 =	sld [smem:$0x3FAD]  }
0x31: {  	[smem:$0x3FB6] =	sst s10  }
0x32: {  	s10 =	sld [smem:$0x3FB4];
	_ =	sdelay $0x3  }
0x33: {  	p0 =	seq.s32 s10, $0x1;
	s10 =	sld [smem:$0x3FB6];
	_ =	sdelay $0x3  }
0x34: {  	[smem:$0x3FB6] =	sst s10  }
0x35: {  	s10 =	sld [smem:$0x3FB5];
	_ =	sdelay $0x3  }
0x36: {  	p1 =	seq.s32 s10, $0x1;
	s10 =	sld [smem:$0x3FB6];
	_ =	sdelay $0x3  }
0x37: {  	[smem:$0x3FB6] =	sst s10  }
0x38: {  	s10 =	sld [smem:$0x3FB7]  }
0x39: {  	_ = 	snop;
	(pc) =	sbr.ind lr, $3  }
0x3a: {  	_ = 	snop  }
0x3b: {  	_ = 	snop  }
0x3c: {  	p2 =	seq.s32 s10, $0x1;
	s10 =	sld [smem:$0x3FB6]  }
0x3d: {  	_ =	shalt  }
0x3e: {  	_ =	shalt  }
0x3f: {  	_ =	shalt  }
0x40: {  	_ =	shalt  }
0x41: {  	_ =	shalt  }
0x42: {  	_ =	shalt  }
0x43: {  	_ =	shalt  }
0x44: {  	_ =	shalt  }
0x45: {  	_ =	shalt  }
0x46: {  	_ =	shalt  }
0x47: {  	_ =	shalt  }
0x48: {  	_ =	shalt  }
0x49: {  	_ =	shalt  }
0x4a: {  	_ =	shalt  }
0x4b: {  	_ =	shalt  }
0x4c: {  	_ =	shalt  }
0x4d: {  	_ =	shalt  }
0x4e: {  	_ =	shalt  }
0x4f: {  	_ =	shalt  }
0x50: {  	_ =	shalt  }
0x51: {  	_ =	shalt  }
0x52: {  	_ =	shalt  }
0x53: {  	_ =	shalt  }
0x54: {  	_ =	shalt  }
0x55: {  	_ =	shalt  }
0x56: {  	_ =	shalt  }
0x57: {  	_ =	shalt  }
0x58: {  	_ =	shalt  }
0x59: {  	_ =	shalt  }
0x5a: {  	_ =	shalt  }
0x5b: {  	_ =	shalt  }
0x5c: {  	_ =	shalt  }
0x5d: {  	_ =	shalt  }
0x5e: {  	_ =	shalt  }
0x5f: {  	_ =	shalt  }
0x60: {  	_ =	shalt  }
0x61: {  	_ =	shalt  }
0x62: {  	_ =	shalt  }
0x63: {  	_ =	shalt  }
0x64: {  	_ =	shalt  }
0x65: {  	_ =	shalt  }
0x66: {  	_ =	shalt  }
0x67: {  	_ =	shalt  }
0x68: {  	_ =	shalt  }
0x69: {  	_ =	shalt  }
0x6a: {  	_ =	shalt  }
0x6b: {  	_ =	shalt  }
0x6c: {  	_ =	shalt  }
0x6d: {  	_ =	shalt  }
0x6e: {  	_ =	shalt  }
0x6f: {  	_ =	shalt  }
0x70: {  	_ =	shalt  }
0x71: {  	_ =	shalt  }
0x72: {  	_ =	shalt  }
0x73: {  	_ =	shalt  }
0x74: {  	_ =	shalt  }
0x75: {  	_ =	shalt  }
0x76: {  	_ =	shalt  }
0x77: {  	_ =	shalt  }
0x78: {  	_ =	shalt  }
0x79: {  	_ =	shalt  }
0x7a: {  	_ =	shalt  }
0x7b: {  	_ =	shalt  }
0x7c: {  	_ =	shalt  }
0x7d: {  	_ =	shalt  }
0x7e: {  	_ =	shalt  }
0x7f: {  	_ =	shalt  }
0x80: {  	_ =	shalt  }
0x81: {  	_ =	shalt  }
0x82: {  	_ =	shalt  }
0x83: {  	_ =	shalt  }
0x84: {  	_ =	shalt  }
0x85: {  	_ =	shalt  }
0x86: {  	_ =	shalt  }
0x87: {  	_ =	shalt  }
.Lfunc_end0:
.L_simem_size_0:
called_computation.1_lowered:
.L_overlay_start_0:
0x88: {  	s2 =	sld [smem:$0x3FD9]  }
0x89: {  	s3 =	sld [smem:$0x3FFE];
	_ =	sdelay $0x1  }
0x8a: {  	s1 =	srdreg.scid  }
0x8b: {  	s0 =	sand.u32 $0x1, s1  }
0x8c: {  	s17 =	sshll.u32 s0, $0xA;
	s2 =	sadd.s32 s3, s2  }
0x8d: {  	s2 =	sadd.s32 s2, s17  }
0x8e: {  	[smem:$0x3FC2] =	sst s2  }
0x8f: {  	_ = 	snop  }
0x90: {  	s2 =	sld [smem:$0x3FD0];
	(tm) =	ssettm $0x1  }
0x91: {  	s18 =	sld [smem:$0x3FFB];
	_ =	sdelay $0x3  }
0x92: {  	_ =	strace s18  }
0x93: {  	s3 =	sld [smem:$0x3FFC];
	_ =	sdelay $0x3  }
0x94: {  	_ =	strace s3  }
0x95: {  	s3 =	sld [smem:$0x3FFD];
	_ =	sdelay $0x3  }
0x96: {  	_ =	strace s3  }
0x97: {  	_ =	strace $0x8FFFFFFF  }
0x98: {  	s19 =	sld [smem:$0x3FDB];
	_ =	sdelay $0x1  }
0x99: {  	s4 =	simm.s32 $_scs_section_size  }
0x9a: {  	s5 =	simm.s32 $_size__tile_overlayer_lowered;
	s6 =	simm.s32 $_tile_overlayer_lowered  }
0x9b: {  	s22 =	simm.s32 $0x1BFF;
	s21 =	sshll.u32 s6, $0x1;
	s3 =	sadd.s32 s4, s19  }
0x9c: {  	s7 =	simm.s32 $0x0;
	s20 =	sshll.u32 s5, $0x1;
	s5 =	sadd.s32 s21, s3  }
0x9d: {  	[timem:s7], [sflag:s22] =	dma.local [hbm:s5], s20  }
0x9e: {  	_ =	swait.ge [sflag:s22], s20  }
0x9f: {  	s4 =	ssub.s32 $0x0, s20;
	[sflag:s22] =	ssyncset.done $0x0  }
0xa0: {  	[sflag:s22] =	ssyncadd.s32 s4;
	_ =	sdelay $0x1  }
0xa1: {  	s23 =	simm.s32 $0x1B8B  }
0xa2: {  	_ =	swait.ge [sflag:s23], $0x1  }
0xa3: {  	[sflag:s23] =	ssyncset.done $0x0  }
0xa4: {  	s25 =	simm.s32 $0x1B8E;
	s24 =	sld [smem:$0x3FFE];
	[sflag:s23] =	ssyncadd.s32 $0xFFFFFFFF  }
0xa5: {  	s26 =	simm.s32 $execute0_lowered;
	[smem:$0x3FD2] =	sst s25  }
0xa6: {  	s5 =	sshll.u32 s26, $0x1;
	_ =	strace $0x80000049;
	[dreg:$0x1] =	wrdreg $0xFFFFFFFF  }
0xa7: {  	s28 =	simm.s32 $_size_execute0_lowered;
	s3 =	sadd.s32 s3, s5;
	[dreg:$0x0] =	wrdreg $0x0  }
0xa8: {  	s5 =	sshll.u32 s28, $0x1;
	[dreg:$0x2] =	wrdreg s3  }
0xa9: {  	[dreg:$0x3] =	wrdreg s5  }
0xaa: {  	[dreg:$0x4] =	wrdreg $0xC0  }
0xab: {  	_ =	task [dreg:s7], $0x5FFFF  }
0xac: {  	[dreg:$0x1] =	wrdreg $0xFFFFFFFF  }
0xad: {  	[dreg:$0x0] =	wrdreg $0x60  }
0xae: {  	[dreg:$0x2] =	wrdreg s24  }
0xaf: {  	[dreg:$0x3] =	wrdreg s2  }
0xb0: {  	[dreg:$0x4] =	wrdreg $0x130000  }
0xb1: {  	[dreg:$0x5] =	wrdreg $0x17E200  }
0xb2: {  	[dreg:$0x6] =	wrdreg $0xE0000  }
0xb3: {  	[dreg:$0x7] =	wrdreg $0x9  }
0xb4: {  	_ =	task.clear_ibuf [dreg:s7], $0x8FFFF;
	_ =	strace $0x90000049  }
0xb5: {  	s29 =	simm.s32 $0x9;
	_ =	strace $0x8000004B  }
0xb6: {  	_ =	swait.ge [sflag:s29], $0x1  }
0xb7: {  	[sflag:s29] =	ssyncadd.s32 $0xFFFFFFFF  }
0xb8: {  	_ =	strace $0x9000004B  }
0xb9: {  	_ =	sfence  }
0xba: {  	s30 =	sld [smem:$0x0];
	_ =	sdelay $0x2  }
0xbb: {  	s31 =	sshll.u32 s1, $0xD;
	s1 =	sshrl.u32 s1, $0x2  }
0xbc: {  	s3 =	sand.u32 $0x4000, s31;
	s1 =	sadd.s32 s1, s30  }
0xbd: {  	s0 =	sor.u32 s3, s0;
	s1 =	sshll.u32 s1, $0x11  }
0xbe: {  	s0 =	sor.u32 s1, s0  }
0xbf: {  	s0 =	sadd.s32 $0x8F2B, s0  }
0xc0: {  	[sflag:s0] =	ssyncadd.remote.s32 $0x1  }
0xc1: {  	_ =	sfence.sel $0xFFFF  }
0xc2: {  	[dreg:$0x0] =	wrdreg $0xFFFFFFFF;
	(pc) =	sbr.abs _section_cstart, $3  }
0xc3: {  	[dreg:$0x1] =	wrdreg $0xFFFFFFFF  }
0xc4: {  	_ =	task.clear_ibuf [dreg:s7], $0x2FFFF;
	_ =	strace $0x9FFFFFFF  }
0xc5: {  	(tm) =	ssettm $0x7FFFFFFF  }
tec
execute0_lowered:
.L_overlay_start_1:
0x0: {  	(tag) =	ssettag $0x1  }
0x1: {  	s6 =	stileid.u32  }
0x2: {  	p3 =	sgt.s32 s6, $0x1  }
0x3: {  	p1 =	seq.s32 @p3 s6, $0x2  }
0x4: {  	p0 =	por !p1, !p3;
	p1 =	por p1, !p3  }
0x5: {  	p4 =	seq.s32 @!p3 s6, $0x0;
	s0 =	simm.s32 @!p1 $0x0  }
0x6: {  	p5 =	sgt.s32 s6, $0x5;
	s0 =	simm.s32 @p1 $0x1;
	p1 =	por !p4, p3  }
0x7: {  	p6 =	seq.s32 @p5 s6, $0x6;
	[smem:$0x7D7] =	sst s0;
	s0 =	simm.s32 @!p1 $0x0  }
0x8: {  	s0 =	simm.s32 @p1 $0x1;
	p1 =	por !p6, !p5  }
0x9: {  	[smem:$0x7E2] =	sst s0;
	s0 =	simm.s32 @!p1 $0x0  }
0xa: {  	p2 =	por p6, !p5;
	s0 =	simm.s32 @p1 $0x1  }
0xb: {  	p1 =	seq.s32 @!p5 s6, $0x4;
	[smem:$0x7E6] =	sst s0;
	s0 =	simm.s32 @!p2 $0x0  }
0xc: {  	s0 =	simm.s32 @p2 $0x1;
	p2 =	por !p1, p5  }
0xd: {  	[smem:$0x7E8] =	sst s0;
	s0 =	simm.s32 @!p2 $0x0  }
0xe: {  	p3 =	por p4, p3;
	p1 =	por p1, p5;
	s0 =	simm.s32 @p2 $0x1  }
0xf: {  	p4 =	sgt.s32 s6, $0xB;
	[smem:$0x7EA] =	sst s0;
	s0 =	simm.s32 @!p1 $0x0  }
0x10: {  	s0 =	simm.s32 @p1 $0x1;
	p1 =	sgt.s32 @p4 s6, $0xD  }
0x11: {  	p5 =	por !p1, !p4  }
0x12: {  	p6 =	por p1, !p4;
	p2 =	seq.s32 @!p5 s6, $0xE  }
0x13: {  	p5 =	seq.s32 @!p6 s6, $0xC;
	p6 =	por @p4 !p2, !p1  }
0x14: {  	s2 =	simm.s32 @!p6 $0x0  }
0x15: {  	p2 =	por @p4 p2, !p1;
	s2 =	simm.s32 @p6 $0x1  }
0x16: {  	[smem:$0x7D2] =	sst s2;
	s2 =	simm.s32 @!p2 $0x0  }
0x17: {  	s2 =	simm.s32 @p2 $0x1;
	p2 =	por @p4 !p5, p1  }
0x18: {  	[smem:$0x7D3] =	sst s2;
	s2 =	simm.s32 @!p2 $0x0  }
0x19: {  	s3 =	rddreg [dreg:$0x3];
	p1 =	por @p4 p5, p1;
	s2 =	simm.s32 @p2 $0x1  }
0x1a: {  	[smem:$0x7D4] =	sst s2;
	s2 =	simm.s32 @!p1 $0x0  }
0x1b: {  	s13 =	simm.s32 $0x0;
	s2 =	simm.s32 @p1 $0x1;
	p1 =	sgt.s32 @!p4 s6, $0x9  }
0x1c: {  	[smem:$0x7FF] =	sst s13;
	p2 =	por !p1, p4  }
0x1d: {  	s23 =	sld [smem:$0x7D7];
	p2 =	seq.s32 @!p2 s6, $0xA  }
0x1e: {  	p5 =	por p1, p4;
	p6 =	por @!p4 !p2, !p1;
	p2 =	por @!p4 p2, !p1  }
0x1f: {  	s9 =	sld [smem:$0x7D2];
	p5 =	seq.s32 @!p5 s6, $0x8;
	s5 =	simm.s32 @!p2 $0x0  }
0x20: {  	s19 =	sld [smem:$0x7D3];
	s5 =	simm.s32 @p2 $0x1;
	p2 =	por @!p4 !p5, p1  }
0x21: {  	[smem:$0x7D6] =	sst s5;
	s5 =	simm.s32 @!p2 $0x0  }
0x22: {  	s20 =	sld [smem:$0x7D4];
	s5 =	simm.s32 @p2 $0x1;
	p2 =	seq.s32 s9, $0x1  }
0x23: {  	[smem:$0x7D5] =	sst s2;
	p1 =	por @!p4 p5, p1;
	p5 =	por p2, !p4  }
0x24: {  	s21 =	sld [smem:$0x7D5];
	p2 =	seq.s32 s19, $0x1;
	s9 =	simm.s32 @!p5 $0x0  }
0x25: {  	s22 =	sld [smem:$0x7D6];
	s9 =	simm.s32 @p5 $0x1;
	p5 =	por p2, !p4  }
0x26: {  	p2 =	seq.s32 s20, $0x1;
	[smem:$0x7EE] =	sst s9;
	s9 =	simm.s32 @!p5 $0x0  }
0x27: {  	[smem:$0x7D8] =	sst s5;
	s9 =	simm.s32 @p5 $0x1;
	p5 =	por p2, !p4  }
0x28: {  	p2 =	seq.s32 s21, $0x1;
	[smem:$0x7F0] =	sst s9;
	s9 =	simm.s32 @!p5 $0x0  }
0x29: {  	s24 =	sld [smem:$0x7D8];
	s9 =	simm.s32 @p5 $0x1;
	p5 =	por p2, !p4  }
0x2a: {  	[smem:$0x7F2] =	sst s9;
	s9 =	simm.s32 @!p5 $0x0  }
0x2b: {  	[smem:$0x7EC] =	sst s0;
	s9 =	simm.s32 @p5 $0x1;
	p5 =	seq.s32 s22, $0x1  }
0x2c: {  	s0 =	rddreg [dreg:$0x0];
	p2 =	por p5, p4  }
0x2d: {  	[smem:$0x7F4] =	sst s9;
	p5 =	seq.s32 s24, $0x1;
	s9 =	simm.s32 @!p2 $0x0  }
0x2e: {  	s2 =	rddreg [dreg:$0x2];
	p5 =	por p5, p4;
	s9 =	simm.s32 @p2 $0x1  }
0x2f: {  	[smem:$0x7F6] =	sst s9;
	s9 =	simm.s32 @!p5 $0x0  }
0x30: {  	s5 =	rddreg [dreg:$0x4];
	s9 =	simm.s32 @p5 $0x1  }
0x31: {  	s25 =	sadd.s32 $0x73E00, s0;
	[smem:$0x7F8] =	sst s9  }
0x32: {  	s26 =	sadd.s32 $0x6A000, s0;
	_ =	strace $0x8000004A;
	[dreg:$0x7] =	wrdreg s25  }
0x33: {  	s31 =	sadd.s32 $0x76CE0, s0;
	[dreg:$0x8] =	wrdreg s26  }
0x34: {  	s10 =	sadd.s32 $0x72CA0, s0;
	[dreg:$0x9] =	wrdreg s31  }
0x35: {  	s11 =	sadd.s32 $0x75D40, s0;
	[dreg:$0xa] =	wrdreg s10  }
0x36: {  	s12 =	sadd.s32 $0x74DA0, s0;
	[dreg:$0xb] =	wrdreg s11  }
0x37: {  	s14 =	sadd.s32 $0x6EE20, s0;
	[dreg:$0xc] =	wrdreg s12  }
0x38: {  	s15 =	sadd.s32 $0x6DE80, s0;
	[dreg:$0xd] =	wrdreg s14  }
0x39: {  	s16 =	sadd.s32 $0x6CEE0, s0;
	[dreg:$0xe] =	wrdreg s15  }
0x3a: {  	s1 =	srdreg.scid;
	s17 =	sadd.s32 $0x6BF40, s0;
	[dreg:$0xf] =	wrdreg s16  }
0x3b: {  	s1 =	sand.u32 $0x1, s1;
	s18 =	sadd.s32 $0x6AFA0, s0;
	[dreg:$0x10] =	wrdreg s17  }
0x3c: {  	s7 =	smul.u32 $0x5000, s6;
	s19 =	sadd.s32 $0x7CAA0, s0;
	[dreg:$0x11] =	wrdreg s18  }
0x3d: {  	s4 =	sshll.u32 s1, $0x4;
	s20 =	sadd.s32 $0x7BB00, s0;
	[dreg:$0x12] =	wrdreg s19  }
0x3e: {  	s8 =	smul.u32 $0xA0000, s1;
	s21 =	sadd.s32 $0x7AB60, s0;
	[dreg:$0x13] =	wrdreg s20  }
0x3f: {  	s4 =	sor.u32 s6, s4;
	s22 =	sadd.s32 $0x79BC0, s0;
	[dreg:$0x14] =	wrdreg s21  }
0x40: {  	s4 =	smul.u32 $0x500, s4;
	s24 =	sadd.s32 $0x77C80, s0;
	[dreg:$0x15] =	wrdreg s22  }
0x41: {  	s8 =	sadd.s32 s7, s8;
	s10 =	sadd.s32 $0x78C20, s0;
	[dreg:$0x17] =	wrdreg s24  }
0x42: {  	s8 =	sshrl.u32 s8, $0x3;
	s25 =	sadd.s32 $0x6FDC0, s0;
	[dreg:$0x16] =	wrdreg s10  }
0x43: {  	s4 =	sadd.s32 s4, s0;
	s26 =	sadd.s32 $0x70D60, s0;
	[dreg:$0x18] =	wrdreg s25  }
0x44: {  	s8 =	sadd.s32 s8, s0;
	s0 =	sadd.s32 $0x71D00, s0;
	[dreg:$0x19] =	wrdreg s26  }
0x45: {  	s31 =	sadd.s32 $0x11C00, s4;
	[dreg:$0x1a] =	wrdreg s0  }
0x46: {  	s1 =	ssub.s32 $0x2, s1;
	s4 =	sadd.s32 $0x2A00, s4;
	[dreg:$0x1b] =	wrdreg s31  }
0x47: {  	s30 =	sshrl.u32 s1, $0x1;
	s15 =	sadd.s32 $0x7DC00, s8;
	[dreg:$0x1c] =	wrdreg s4  }
0x48: {  	s1 =	ssub.s32 s1, s30;
	s16 =	sadd.s32 $0x87C00, s8;
	[smem:$0x7DB] =	sst s15  }
0x49: {  	s17 =	smax.u32 s1, $0x1;
	[smem:$0x7DC] =	sst s16  }
0x4a: {  	[smem:$0x7DD] =	sst s17  }
0x4b: {  	s18 =	sld [smem:$0x7E2]  }
0x4c: {  	s19 =	sld [smem:$0x7E6]  }
0x4d: {  	s20 =	sld [smem:$0x7E8]  }
0x4e: {  	p2 =	seq.s32 s23, $0x1;
	s23 =	smul.u32 $0x14000, s6;
	s21 =	sld [smem:$0x7EA]  }
0x4f: {  	s22 =	sld [smem:$0x7EC]  }
0x50: {  	s30 =	sshrl.u32 s23, $0x2;
	s23 =	sld [smem:$0x7EE]  }
0x51: {  	s28 =	simm.s32 $0x1;
	s29 =	simm.s32 $0x2;
	s24 =	sld [smem:$0x7F0]  }
0x52: {  	p6 =	por p6, p4;
	p1 =	por p1, p4;
	s25 =	sld [smem:$0x7F2]  }
0x53: {  	s1 =	sadd.s32 $0x3E800, s3;
	s8 =	simm.s32 $0xB;
	s26 =	sld [smem:$0x7F4]  }
0x54: {  	s0 =	sadd.s32 s30, s5;
	s10 =	sadd.s32 s7, s5;
	s30 =	sld [smem:$0x7F6]  }
0x55: {  	s1 =	sshrl.u32 @!p0 s1, $0x3;
	s31 =	sld [smem:$0x7F8];
	s11 =	sadd.s32 $0x1000, s0  }
0x56: {  	s12 =	sadd.s32 $0x2000, s0;
	s14 =	sadd.s32 $0x3000, s0;
	s0 =	sadd.s32 $0x4000, s0  }
0x57: {  	s15 =	simm.s32 $0x5000;
	[smem:$0x7DA] =	sst s0;
	s0 =	sadd.s32 $0xFA00, s2  }
0x58: {  	s16 =	simm.s32 $0x6000;
	[dreg:$0x1d] =	wrdreg s10;
	s0 =	sshrl.u32 @!p0 s0, $0x3  }
0x59: {  	s17 =	simm.s32 $0x9;
	[smem:$0x7DE] =	sst s0;
	s0 =	sadd.s32 $0x17700, s2  }
0x5a: {  	[smem:$0x7DF] =	sst s1;
	s1 =	sadd.s32 $0x2EE00, s3;
	s0 =	sshrl.u32 @!p2 s0, $0x3  }
0x5b: {  	s10 =	simm.s32 $0x3;
	[smem:$0x7E0] =	sst s0;
	s0 =	sadd.s32 $0x46500, s3  }
0x5c: {  	[dreg:$0x1e] =	wrdreg s11;
	p4 =	seq.s32 s18, $0x1;
	s0 =	sshrl.u32 @!p2 s0, $0x3  }
0x5d: {  	s1 =	sshrl.u32 @!p4 s1, $0x3;
	[smem:$0x7E1] =	sst s0;
	s0 =	sadd.s32 $0x7D00, s2  }
0x5e: {  	p4 =	seq.s32 s19, $0x1;
	[smem:$0x7E3] =	sst s1;
	s0 =	sshrl.u32 @!p3 s0, $0x3  }
0x5f: {  	s1 =	sadd.s32 $0x2EE00, s2;
	[smem:$0x7E4] =	sst s0;
	s0 =	sadd.s32 $0x36B00, s3  }
0x60: {  	[dreg:$0x1f] =	wrdreg s12;
	s1 =	sshrl.u32 @!p4 s1, $0x3;
	s0 =	sshrl.u32 @!p3 s0, $0x3  }
0x61: {  	p4 =	seq.s32 s20, $0x1;
	[smem:$0x7E5] =	sst s0;
	s0 =	sadd.s32 $0x36B00, s2  }
0x62: {  	[smem:$0x7D9] =	sst s14;
	s14 =	simm.s32 $0x80;
	s0 =	sshrl.u32 @!p4 s0, $0x3  }
0x63: {  	p4 =	seq.s32 s21, $0x1;
	[smem:$0x7E9] =	sst s0;
	s0 =	sadd.s32 $0x1F400, s2  }
0x64: {  	s11 =	simm.s32 $0x4;
	[smem:$0x7E7] =	sst s1;
	s0 =	sshrl.u32 @!p4 s0, $0x3  }
0x65: {  	s1 =	sadd.s32 $0x27100, s2;
	p4 =	seq.s32 s22, $0x1;
	[smem:$0x7EB] =	sst s0  }
0x66: {  	s0 =	sadd.s32 $0x1F400, s3;
	s1 =	sshrl.u32 @!p4 s1, $0x3;
	p4 =	seq.s32 s23, $0x1  }
0x67: {  	s12 =	simm.s32 $0x5;
	s18 =	simm.s32 $0x7000;
	s0 =	sshrl.u32 @!p4 s0, $0x3  }
0x68: {  	p4 =	seq.s32 s24, $0x1;
	[smem:$0x7EF] =	sst s0;
	s0 =	sadd.s32 $0x27100, s3  }
0x69: {  	s19 =	simm.s32 $0x7;
	[smem:$0x7ED] =	sst s1;
	s0 =	sshrl.u32 @!p4 s0, $0x3  }
0x6a: {  	s1 =	sadd.s32 $0xFA00, s3;
	p4 =	seq.s32 s25, $0x1;
	[smem:$0x7F1] =	sst s0  }
0x6b: {  	s0 =	sadd.s32 $0x17700, s3;
	s1 =	sshrl.u32 @!p4 s1, $0x3;
	p4 =	seq.s32 s26, $0x1  }
0x6c: {  	s20 =	simm.s32 $0xC;
	[smem:$0x7F3] =	sst s1;
	s0 =	sshrl.u32 @!p4 s0, $0x3  }
0x6d: {  	p4 =	seq.s32 s30, $0x1;
	[smem:$0x7F5] =	sst s0;
	s0 =	sadd.s32 $0x7D00, s3  }
0x6e: {  	s1 =	sadd.s32 $0x3E800, s2;
	s0 =	sshrl.u32 @!p4 s0, $0x3;
	p4 =	seq.s32 s31, $0x1  }
0x6f: {  	s22 =	simm.s32 $0xB000;
	[smem:$0x7F7] =	sst s0;
	s1 =	sshrl.u32 @!p4 s1, $0x3  }
0x70: {  	s0 =	sadd.s32 $0x46500, s2;
	[smem:$0x7F9] =	sst s1;
	s1 =	simm.s32 @!p1 $0x0  }
0x71: {  	s0 =	sshrl.u32 @!p1 s0, $0x3;
	s1 =	simm.s32 @p1 $0x1;
	p1 =	sgt.s32 s6, $0x7  }
.Ltmp0:
0x72: {  	[smem:$0x7FB] =	sst s0;
	s0 =	simm.s32 @!p1 $0x0;
	(pc) =	sbr.rel .LBB2_1-.Ltmp0, $4  }
0x73: {  	s24 =	simm.s32 $0x8000;
	s0 =	simm.s32 @p1 $0x1;
	p1 =	sgt.s32 s6, $0x3  }
0x74: {  	s25 =	simm.s32 $0x9000;
	[smem:$0x7FC] =	sst s0;
	s0 =	simm.s32 @!p1 $0x0  }
0x75: {  	s26 =	simm.s32 $0x8;
	[smem:$0x7FA] =	sst s1;
	s0 =	simm.s32 @p1 $0x1  }
0x76: {  	s1 =	simm.s32 $0x11;
	[smem:$0x7FD] =	sst s0;
	s0 =	simm.s32 $0xC000  }
.LBB2_12:
0x77: {  	_ =	swait.ge [sflag:s26], $0x1000  }
0x78: {  	[sflag:s26] =	ssyncset.done $0x0  }
0x79: {  	[sflag:s26] =	ssyncadd.s32 $0xFFFFF000  }
0x7a: {  	[spmem:s5] =	stream.indirect.scatter.add.f32 [tilespmem:s0], [sflag:$0x10], $0x20, s23, s14, $0xb8;
	[tilespmem:$0x1CC40] =	vst v63  }
0x7b: {  	_ =	swait.ge [sflag:s20], $0x1000  }
0x7c: {  	[sflag:s20] =	ssyncset.done $0x0  }
0x7d: {  	s4 =	simm.s32 $0xD;
	[sflag:s20] =	ssyncadd.s32 $0xFFFFF000  }
0x7e: {  	_ =	swait.ge [sflag:s4], $0x1000  }
0x7f: {  	[sflag:s4] =	ssyncset.done $0x0  }
0x80: {  	s13 =	simm.s32 $0xE;
	[sflag:s4] =	ssyncadd.s32 $0xFFFFF000  }
0x81: {  	_ =	swait.ge [sflag:s13], $0x1000  }
0x82: {  	[sflag:s13] =	ssyncset.done $0x0  }
0x83: {  	s21 =	simm.s32 $0xF;
	[sflag:s13] =	ssyncadd.s32 $0xFFFFF000  }
0x84: {  	_ =	swait.ge [sflag:s21], $0x1000  }
0x85: {  	[sflag:s21] =	ssyncset.done $0x0  }
0x86: {  	s23 =	simm.s32 $0x10;
	[sflag:s21] =	ssyncadd.s32 $0xFFFFF000  }
0x87: {  	_ =	swait.ge [sflag:s23], $0x1000  }
0x88: {  	[sflag:s23] =	ssyncset.done $0x0  }
0x89: {  	[sflag:s23] =	ssyncadd.s32 $0xFFFFF000  }
0x8a: {  	[bflag:$0x0] =	sbarrier.arrive $0xFFFF  }
0x8b: {  	s30 =	sld [smem:$0x7DC];
	_ =	sdelay $0x2  }
0x8c: {  	[hbm:s30], [sflag:s7] =	dma.local [spmem:s9], $0xA00  }
0x8d: {  	_ =	swait.ge [sflag:s1], $0xA00  }
0x8e: {  	s31 =	sld [smem:$0x7DD]  }
0x8f: {  	s13 =	rddreg [dreg:$0x6]  }
0x90: {  	s13 =	sadd.s32 $0x1, s13  }
0x91: {  	p1 =	sne.s32 s13, s31  }
.Ltmp1:
0x92: {  	_ = 	snop;
	(pc) =	sbr.rel @!p1 .LBB2_13-.Ltmp1, $3  }
0x93: {  	_ =	sdelay $0x1  }
0x94: {  	[sflag:s1] =	ssyncset.done $0x0  }
0x95: {  	[sflag:s1] =	ssyncadd.s32 $0xFFFFF600  }
.LBB2_1:
0x96: {  	s4 =	sld [smem:$0x7FC];
	_ =	sdelay $0x2  }
0x97: {  	p1 =	seq.s32 s4, $0x1  }
.Ltmp2:
0x98: {  	_ = 	snop;
	(pc) =	sbr.rel @p1 .LBB2_5-.Ltmp2, $1  }
0x99: {  	_ =	sdelay $0x3  }
0x9a: {  	s4 =	sld [smem:$0x7FD];
	_ =	sdelay $0x2  }
0x9b: {  	p1 =	seq.s32 s4, $0x1  }
.Ltmp3:
0x9c: {  	_ = 	snop;
	(pc) =	sbr.rel @p1 .LBB2_4-.Ltmp3, $1  }
0x9d: {  	_ =	sdelay $0x3  }
0x9e: {  	s6 =	sld [smem:$0x7DE];
	_ =	sdelay $0x1  }
0x9f: {  	s7 =	simm.s32 @!p0 $0x1C91;
	s4 =	rddreg [dreg:$0xb]  }
0xa0: {  	[spmem:s6], [sflag:s7] =	dma.local @!p0 [hbm:s4], $0xFA0  }
0xa1: {  	s7 =	simm.s32 @!p0 $0x11  }
0xa2: {  	s4 =	stileid.u32;
	_ =	swait.ge @!p0 [sflag:s7], $0xFA0  }
0xa3: {  	s9 =	sshll.u32 @!p0 s4, $0x6;
	[sflag:s7] =	ssyncset.done @!p0 $0x0  }
0xa4: {  	[sflag:s7] =	ssyncadd.s32 @!p0 $0xFFFFF060;
	s7 =	sor.u32 @!p0 $0x1C11, s9;
	s9 =	sld [smem:$0x7DF]  }
0xa5: {  	_ = 	snop  }
0xa6: {  	s6 =	rddreg [dreg:$0x1a]  }
0xa7: {  	[spmem:s9], [sflag:s7] =	dma.local @!p0 [hbm:s6], $0xFA0  }
0xa8: {  	s9 =	sld [smem:$0x7E0];
	_ =	sdelay $0x1  }
0xa9: {  	s7 =	simm.s32 @!p2 $0x1CD1;
	s6 =	rddreg [dreg:$0x9]  }
0xaa: {  	[spmem:s9], [sflag:s7] =	dma.local @!p2 [hbm:s6], $0xFA0  }
0xab: {  	s9 =	simm.s32 @!p2 $0x11  }
0xac: {  	_ =	swait.ge @!p2 [sflag:s9], $0xFA0  }
0xad: {  	[sflag:s9] =	ssyncset.done @!p2 $0x0  }
0xae: {  	[sflag:s9] =	ssyncadd.s32 @!p2 $0xFFFFF060;
	s9 =	sld [smem:$0x7E1];
	_ =	sdelay $0x1  }
0xaf: {  	s6 =	rddreg [dreg:$0xa]  }
0xb0: {  	[spmem:s9], [sflag:s7] =	dma.local @!p2 [hbm:s6], $0xFA0  }
0xb1: {  	s6 =	sld [smem:$0x7E2];
	_ =	sdelay $0x2  }
0xb2: {  	p1 =	seq.s32 s6, $0x1  }
0xb3: {  	s6 =	rddreg [dreg:$0x7];
	s7 =	sshrl.u32 @!p1 s2, $0x3;
	s9 =	simm.s32 @!p1 $0x1C11  }
0xb4: {  	[spmem:s7], [sflag:s9] =	dma.local @!p1 [hbm:s6], $0xFA0  }
0xb5: {  	s7 =	simm.s32 @!p1 $0x11  }
0xb6: {  	_ =	swait.ge @!p1 [sflag:s7], $0xFA0  }
0xb7: {  	[sflag:s7] =	ssyncset.done @!p1 $0x0  }
0xb8: {  	[sflag:s7] =	ssyncadd.s32 @!p1 $0xFFFFF060;
	s7 =	sld [smem:$0x7E3];
	_ =	sdelay $0x1  }
0xb9: {  	s6 =	rddreg [dreg:$0x18]  }
0xba: {  	[spmem:s7], [sflag:s9] =	dma.local @!p1 [hbm:s6], $0xFA0  }
0xbb: {  	s9 =	sld [smem:$0x7E4];
	_ =	sdelay $0x1  }
0xbc: {  	s7 =	simm.s32 @!p3 $0x1C51;
	s6 =	rddreg [dreg:$0xc]  }
0xbd: {  	[spmem:s9], [sflag:s7] =	dma.local @!p3 [hbm:s6], $0xFA0  }
0xbe: {  	s7 =	simm.s32 @!p3 $0x11  }
.Ltmp4:
0xbf: {  	_ =	swait.ge @!p3 [sflag:s7], $0xFA0;
	(pc) =	sbr.rel .LBB2_6-.Ltmp4, $4  }
0xc0: {  	s6 =	sld [smem:$0x7E5]  }
0xc1: {  	s9 =	sshll.u32 @!p3 s4, $0x6;
	[sflag:s7] =	ssyncset.done @!p3 $0x0  }
0xc2: {  	s4 =	rddreg [dreg:$0x19];
	[sflag:s7] =	ssyncadd.s32 @!p3 $0xFFFFF060;
	s7 =	sor.u32 @!p3 $0x1C11, s9  }
0xc3: {  	[spmem:s6], [sflag:s7] =	dma.local @!p3 [hbm:s4], $0xFA0  }
.LBB2_5:
0xc4: {  	s4 =	sld [smem:$0x7EE];
	_ =	sdelay $0x1  }
0xc5: {  	s6 =	sld [smem:$0x7EF]  }
0xc6: {  	p1 =	seq.s32 s4, $0x1  }
0xc7: {  	s4 =	rddreg [dreg:$0xe];
	s7 =	simm.s32 @!p1 $0x1F91  }
0xc8: {  	[spmem:s6], [sflag:s7] =	dma.local @!p1 [hbm:s4], $0xFA0  }
0xc9: {  	s4 =	sld [smem:$0x7F0];
	_ =	sdelay $0x1  }
0xca: {  	s6 =	sld [smem:$0x7F1]  }
0xcb: {  	p1 =	seq.s32 s4, $0x1  }
0xcc: {  	s4 =	rddreg [dreg:$0xd];
	s7 =	simm.s32 @!p1 $0x1FD1  }
0xcd: {  	[spmem:s6], [sflag:s7] =	dma.local @!p1 [hbm:s4], $0xFA0  }
0xce: {  	s4 =	sld [smem:$0x7F2];
	_ =	sdelay $0x1  }
0xcf: {  	s6 =	sld [smem:$0x7F3]  }
0xd0: {  	p1 =	seq.s32 s4, $0x1  }
0xd1: {  	s4 =	rddreg [dreg:$0x10];
	s7 =	simm.s32 @!p1 $0x1F11  }
0xd2: {  	[spmem:s6], [sflag:s7] =	dma.local @!p1 [hbm:s4], $0xFA0  }
0xd3: {  	s4 =	sld [smem:$0x7F4];
	_ =	sdelay $0x1  }
0xd4: {  	s6 =	sld [smem:$0x7F5]  }
0xd5: {  	p1 =	seq.s32 s4, $0x1  }
0xd6: {  	s4 =	rddreg [dreg:$0xf];
	s7 =	simm.s32 @!p1 $0x1F51  }
0xd7: {  	[spmem:s6], [sflag:s7] =	dma.local @!p1 [hbm:s4], $0xFA0  }
0xd8: {  	s9 =	simm.s32 @!p6 $0x1E91;
	s7 =	sshrl.u32 @!p6 s3, $0x3;
	s4 =	rddreg [dreg:$0x8]  }
0xd9: {  	[spmem:s7], [sflag:s9] =	dma.local @!p6 [hbm:s4], $0xFA0  }
0xda: {  	s4 =	sld [smem:$0x7F6];
	_ =	sdelay $0x1  }
0xdb: {  	s6 =	sld [smem:$0x7F7]  }
0xdc: {  	p1 =	seq.s32 s4, $0x1  }
0xdd: {  	s4 =	rddreg [dreg:$0x11];
	s7 =	simm.s32 @!p1 $0x1ED1  }
0xde: {  	[spmem:s6], [sflag:s7] =	dma.local @!p1 [hbm:s4], $0xFA0  }
0xdf: {  	s4 =	sld [smem:$0x7F8];
	_ =	sdelay $0x1  }
0xe0: {  	s6 =	sld [smem:$0x7F9]  }
0xe1: {  	p1 =	seq.s32 s4, $0x1  }
0xe2: {  	s4 =	rddreg [dreg:$0x13];
	s7 =	simm.s32 @!p1 $0x1E11  }
0xe3: {  	[spmem:s6], [sflag:s7] =	dma.local @!p1 [hbm:s4], $0xFA0  }
0xe4: {  	s4 =	sld [smem:$0x7FA]  }
.Ltmp5:
0xe5: {  	_ = 	snop;
	(pc) =	sbr.rel .LBB2_6-.Ltmp5, $4  }
0xe6: {  	s6 =	sld [smem:$0x7FB]  }
0xe7: {  	p1 =	seq.s32 s4, $0x1  }
0xe8: {  	s4 =	rddreg [dreg:$0x12];
	s7 =	simm.s32 @!p1 $0x1E51  }
0xe9: {  	[spmem:s6], [sflag:s7] =	dma.local @!p1 [hbm:s4], $0xFA0  }
.LBB2_4:
0xea: {  	s4 =	sld [smem:$0x7E6];
	_ =	sdelay $0x1  }
0xeb: {  	s6 =	sld [smem:$0x7E7]  }
0xec: {  	p1 =	seq.s32 s4, $0x1  }
0xed: {  	s4 =	rddreg [dreg:$0x15];
	s7 =	simm.s32 @!p1 $0x1D91  }
0xee: {  	[spmem:s6], [sflag:s7] =	dma.local @!p1 [hbm:s4], $0xFA0  }
0xef: {  	s4 =	sld [smem:$0x7E8];
	_ =	sdelay $0x1  }
0xf0: {  	s6 =	sld [smem:$0x7E9]  }
0xf1: {  	p1 =	seq.s32 s4, $0x1  }
0xf2: {  	s4 =	rddreg [dreg:$0x14];
	s7 =	simm.s32 @!p1 $0x1DD1  }
0xf3: {  	[spmem:s6], [sflag:s7] =	dma.local @!p1 [hbm:s4], $0xFA0  }
0xf4: {  	s4 =	sld [smem:$0x7EA];
	_ =	sdelay $0x1  }
0xf5: {  	s6 =	sld [smem:$0x7EB]  }
0xf6: {  	p1 =	seq.s32 s4, $0x1  }
0xf7: {  	s4 =	rddreg [dreg:$0x17];
	s7 =	simm.s32 @!p1 $0x1D11  }
0xf8: {  	[spmem:s6], [sflag:s7] =	dma.local @!p1 [hbm:s4], $0xFA0  }
0xf9: {  	s4 =	sld [smem:$0x7EC];
	_ =	sdelay $0x1  }
0xfa: {  	s6 =	sld [smem:$0x7ED]  }
0xfb: {  	p1 =	seq.s32 s4, $0x1  }
0xfc: {  	s4 =	rddreg [dreg:$0x16];
	s7 =	simm.s32 @!p1 $0x1D51  }
0xfd: {  	[spmem:s6], [sflag:s7] =	dma.local @!p1 [hbm:s4], $0xFA0  }
.LBB2_6:
0xfe: {  	_ =	swait.ge [sflag:s1], $0xFA0  }
0xff: {  	[sflag:s1] =	ssyncset.done $0x0  }
0x100: {  	s7 =	simm.s32 $0x0;
	s4 =	rddreg [dreg:$0x1b];
	[sflag:s1] =	ssyncadd.s32 $0xFFFFF060  }
0x101: {  	[tilespmem:s7], [sflag:$0x11] =	stream.linear.gather [hbm4b:s4+s7], $0x2800, $0x38;
	[tilespmem:$0x1CC40] =	vst v63  }
0x102: {  	_ =	swait.ge [sflag:s1], $0x2800  }
0x103: {  	[sflag:s1] =	ssyncset.done $0x0  }
0x104: {  	s6 =	simm.s32 $0x2800;
	s23 =	rddreg [dreg:$0x1c];
	[sflag:s1] =	ssyncadd.s32 $0xFFFFD800  }
0x105: {  	[tilespmem:s6], [sflag:$0x11] =	stream.linear.gather [hbm4b:s23+s7], $0x2800, $0x38;
	[tilespmem:$0x1CC40] =	vst v63  }
0x106: {  	_ =	swait.ge [sflag:s1], $0x2800  }
0x107: {  	[sflag:s1] =	ssyncset.done $0x0  }
0x108: {  	[sflag:s1] =	ssyncadd.s32 $0xFFFFD800  }
0x109: {  	s6 =	simm.s32 $0xD000;
	s30 =	rddreg [dreg:$0x1]  }
0x10a: {  	[tilespmem:s6], [sflag:$0x11] =	stream.linear.gather [hbm4b:s30+s7], $0x1000, $0x38;
	[tilespmem:$0x1CC40] =	vst v63  }
0x10b: {  	_ =	swait.ge [sflag:s1], $0x1000  }
0x10c: {  	[sflag:s1] =	ssyncset.done $0x0  }
0x10d: {  	[sflag:s1] =	ssyncadd.s32 $0xFFFFF000  }
0x10e: {  	[bflag:$0x0] =	sbarrier.arrive $0xFFFF  }
0x10f: {  	s31 =	rddreg [dreg:$0x1d]  }
0x110: {  	[spmem:s31] =	stream.linear.scatter [tilespmem:s6], [sflag:$0x11], $0x1000, $0x38;
	[tilespmem:$0x1CC40] =	vst v63  }
0x111: {  	_ =	swait.ge [sflag:s1], $0x1000  }
0x112: {  	[sflag:s1] =	ssyncset.done $0x0  }
0x113: {  	s9 =	rddreg [dreg:$0x1e];
	[sflag:s1] =	ssyncadd.s32 $0xFFFFF000  }
0x114: {  	[spmem:s9] =	stream.linear.scatter [tilespmem:s6], [sflag:$0x11], $0x1000, $0x38;
	[tilespmem:$0x1CC40] =	vst v63  }
0x115: {  	_ =	swait.ge [sflag:s1], $0x1000  }
0x116: {  	[sflag:s1] =	ssyncset.done $0x0  }
0x117: {  	s21 =	rddreg [dreg:$0x1f];
	[sflag:s1] =	ssyncadd.s32 $0xFFFFF000  }
0x118: {  	[spmem:s21] =	stream.linear.scatter [tilespmem:s6], [sflag:$0x11], $0x1000, $0x38;
	[tilespmem:$0x1CC40] =	vst v63  }
0x119: {  	_ =	swait.ge [sflag:s1], $0x1000  }
0x11a: {  	s23 =	sld [smem:$0x7D9]  }
0x11b: {  	[sflag:s1] =	ssyncset.done $0x0  }
0x11c: {  	[sflag:s1] =	ssyncadd.s32 $0xFFFFF000  }
0x11d: {  	[spmem:s23] =	stream.linear.scatter [tilespmem:s6], [sflag:$0x11], $0x1000, $0x38;
	[tilespmem:$0x1CC40] =	vst v63  }
0x11e: {  	_ =	swait.ge [sflag:s1], $0x1000  }
0x11f: {  	s30 =	sld [smem:$0x7DA]  }
0x120: {  	[sflag:s1] =	ssyncset.done $0x0  }
0x121: {  	[sflag:s1] =	ssyncadd.s32 $0xFFFFF000  }
0x122: {  	[spmem:s30] =	stream.linear.scatter [tilespmem:s6], [sflag:$0x11], $0x1000, $0x38;
	[tilespmem:$0x1CC40] =	vst v63  }
0x123: {  	_ =	swait.ge [sflag:s1], $0x1000  }
0x124: {  	[sflag:s1] =	ssyncset.done $0x0  }
0x125: {  	[sflag:s1] =	ssyncadd.s32 $0xFFFFF000  }
0x126: {  	[bflag:$0x0] =	sbarrier.arrive $0xFFFF  }
0x127: {  	[tilespmem:s15], [sflag:$0x1] =	stream.indirect.gather [spmem:s2], $0x20, s7, s14, $0xb8;
	[tilespmem:$0x1CC40] =	vst v63  }
0x128: {  	_ = 	snop  }
0x129: {  	[tilespmem:s16], [sflag:$0x2] =	stream.indirect.gather [spmem:s2], $0x20, s14, s14, $0xb8;
	[tilespmem:$0x1CC40] =	vst v63  }
0x12a: {  	s31 =	simm.s32 $0x100  }
0x12b: {  	[tilespmem:s18], [sflag:$0x3] =	stream.indirect.gather [spmem:s2], $0x20, s31, s14, $0xb8;
	[tilespmem:$0x1CC40] =	vst v63  }
0x12c: {  	s6 =	simm.s32 $0x180  }
0x12d: {  	[tilespmem:s24], [sflag:$0x4] =	stream.indirect.gather [spmem:s2], $0x20, s6, s14, $0xb8;
	[tilespmem:$0x1CC40] =	vst v63  }
0x12e: {  	s9 =	simm.s32 $0x200  }
0x12f: {  	[tilespmem:s25], [sflag:$0x5] =	stream.indirect.gather [spmem:s2], $0x20, s9, s14, $0xb8;
	[tilespmem:$0x1CC40] =	vst v63  }
0x130: {  	s21 =	simm.s32 $0x280;
	s23 =	simm.s32 $0xA000  }
0x131: {  	[tilespmem:s23], [sflag:$0x6] =	stream.indirect.gather [spmem:s2], $0x20, s21, s14, $0xb8;
	[tilespmem:$0x1CC40] =	vst v63  }
0x132: {  	s30 =	simm.s32 $0x300  }
0x133: {  	[tilespmem:s22], [sflag:$0x7] =	stream.indirect.gather [spmem:s2], $0x20, s30, s14, $0xb8;
	[tilespmem:$0x1CC40] =	vst v63  }
0x134: {  	s31 =	simm.s32 $0x380  }
0x135: {  	[tilespmem:s0], [sflag:$0x8] =	stream.indirect.gather [spmem:s2], $0x20, s31, s14, $0xb8;
	[tilespmem:$0x1CC40] =	vst v63  }
.LBB2_7:
0x136: {  	_ =	swait.ge [sflag:s28], $0x1000  }
0x137: {  	s9 =	sshra.s32 s7, $0x2;
	[sflag:s28] =	ssyncset.done $0x0  }
0x138: {  	p4 =	seq.s32 s7, $0x0;
	s21 =	sadd.s32 $0x2800, s9;
	[sflag:s28] =	ssyncadd.s32 $0xFFFFF000  }
0x139: {  	[spmem:s5] =	stream.indirect.scatter.add.f32 [tilespmem:s15], [sflag:$0x9], $0x20, s21, s14, $0xb8;
	[tilespmem:$0x1CC40] =	vst v63  }
0x13a: {  	s21 =	simm.s32 @!p4 $0xD  }
0x13b: {  	_ =	swait.ge @!p4 [sflag:s21], $0x1000  }
0x13c: {  	[sflag:s21] =	ssyncset.done @!p4 $0x0  }
0x13d: {  	[sflag:s21] =	ssyncadd.s32 @!p4 $0xFFFFF000;
	s21 =	sshra.s32 @!p4 s7, $0x2  }
0x13e: {  	s30 =	simm.s32 @!p4 $0x80;
	s31 =	simm.s32 @!p4 $0x9000;
	s23 =	sadd.s32 @!p4 $0x200, s21  }
0x13f: {  	[tilespmem:s31], [sflag:$0x5] =	stream.indirect.gather @!p4 [spmem:s2], $0x20, s23, s30, $0xb8;
	[tilespmem:$0x1CC40] =	vst v63  }
0x140: {  	_ =	swait.ge [sflag:s29], $0x1000  }
0x141: {  	[sflag:s29] =	ssyncset.done $0x0  }
0x142: {  	s31 =	sadd.s32 $0x2880, s9;
	s23 =	simm.s32 @!p4 $0xE;
	[sflag:s29] =	ssyncadd.s32 $0xFFFFF000  }
0x143: {  	[spmem:s5] =	stream.indirect.scatter.add.f32 [tilespmem:s16], [sflag:$0xA], $0x20, s31, s14, $0xb8;
	[tilespmem:$0x1CC40] =	vst v63  }
0x144: {  	_ =	swait.ge @!p4 [sflag:s23], $0x1000  }
0x145: {  	[sflag:s23] =	ssyncset.done @!p4 $0x0  }
0x146: {  	s31 =	simm.s32 @!p4 $0xA000;
	[sflag:s23] =	ssyncadd.s32 @!p4 $0xFFFFF000;
	s23 =	sadd.s32 @!p4 $0x280, s21  }
0x147: {  	[tilespmem:s31], [sflag:$0x6] =	stream.indirect.gather @!p4 [spmem:s2], $0x20, s23, s30, $0xb8;
	[tilespmem:$0x1CC40] =	vst v63  }
0x148: {  	_ =	swait.ge [sflag:s10], $0x1000  }
0x149: {  	[sflag:s10] =	ssyncset.done $0x0  }
0x14a: {  	s4 =	sadd.s32 $0x2900, s9;
	s23 =	simm.s32 @!p4 $0xF;
	[sflag:s10] =	ssyncadd.s32 $0xFFFFF000  }
0x14b: {  	[spmem:s5] =	stream.indirect.scatter.add.f32 [tilespmem:s18], [sflag:$0xB], $0x20, s4, s14, $0xb8;
	[tilespmem:$0x1CC40] =	vst v63  }
0x14c: {  	_ =	swait.ge @!p4 [sflag:s23], $0x1000  }
0x14d: {  	[sflag:s23] =	ssyncset.done @!p4 $0x0  }
0x14e: {  	s31 =	simm.s32 @!p4 $0xB000;
	[sflag:s23] =	ssyncadd.s32 @!p4 $0xFFFFF000;
	s23 =	sadd.s32 @!p4 $0x300, s21  }
0x14f: {  	[tilespmem:s31], [sflag:$0x7] =	stream.indirect.gather @!p4 [spmem:s2], $0x20, s23, s30, $0xb8;
	[tilespmem:$0x1CC40] =	vst v63  }
0x150: {  	_ =	swait.ge [sflag:s11], $0x1000  }
0x151: {  	[sflag:s11] =	ssyncset.done $0x0  }
0x152: {  	s6 =	sadd.s32 $0x2980, s9;
	s23 =	simm.s32 @!p4 $0x10;
	[sflag:s11] =	ssyncadd.s32 $0xFFFFF000  }
0x153: {  	[spmem:s5] =	stream.indirect.scatter.add.f32 [tilespmem:s24], [sflag:$0xC], $0x20, s6, s14, $0xb8;
	[tilespmem:$0x1CC40] =	vst v63  }
0x154: {  	_ =	swait.ge @!p4 [sflag:s23], $0x1000  }
0x155: {  	s21 =	sadd.s32 @!p4 $0x380, s21;
	[sflag:s23] =	ssyncset.done @!p4 $0x0  }
0x156: {  	s31 =	sadd.s32 @!p4 $0x800, s7;
	[sflag:s23] =	ssyncadd.s32 @!p4 $0xFFFFF000;
	s23 =	simm.s32 @!p4 $0xC000  }
0x157: {  	[tilespmem:s23], [sflag:$0x8] =	stream.indirect.gather @!p4 [spmem:s2], $0x20, s21, s30, $0xb8;
	[tilespmem:$0x1CC40] =	vst v63  }
0x158: {  	s31 =	simm.s32 @p4 $0x800;
	_ =	swait.ge [sflag:s12], $0x1000  }
0x159: {  	s23 =	sshra.s32 s31, $0x2;
	[sflag:s12] =	ssyncset.done $0x0  }
0x15a: {  	s21 =	sadd.s32 $0x2800, s23;
	[sflag:s12] =	ssyncadd.s32 $0xFFFFF000  }
0x15b: {  	[spmem:s5] =	stream.indirect.scatter.add.f32 [tilespmem:s25], [sflag:$0xD], $0x20, s21, s14, $0xb8;
	[tilespmem:$0x1CC40] =	vst v63  }
0x15c: {  	_ =	swait.ge [sflag:s17], $0x1000  }
0x15d: {  	p5 =	seq.s32 s7, $0x9000;
	[sflag:s17] =	ssyncset.done $0x0  }
0x15e: {  	s21 =	simm.s32 @p5 $0x6;
	[sflag:s17] =	ssyncadd.s32 $0xFFFFF000  }
0x15f: {  	s23 =	sadd.s32 @!p4 $0xA00, s7;
	_ =	swait.ge @p5 [sflag:s21], $0x1000  }
0x160: {  	s23 =	simm.s32 @p4 $0xA00;
	[sflag:s21] =	ssyncset.done @p5 $0x0  }
0x161: {  	[sflag:s21] =	ssyncadd.s32 @p5 $0xFFFFF000;
	s21 =	sshra.s32 @p5 s23, $0x2  }
0x162: {  	s30 =	simm.s32 @p5 $0x80;
	s31 =	simm.s32 @p5 $0xA000;
	s21 =	sadd.s32 @p5 $0x2800, s21  }
0x163: {  	[spmem:s5] =	stream.indirect.scatter.add.f32 @p5 [tilespmem:s31], [sflag:$0xE], $0x20, s21, s30, $0xb8;
	[tilespmem:$0x1CC40] =	vst v63  }
0x164: {  	s21 =	simm.s32 @p5 $0xA  }
0x165: {  	_ =	swait.ge @p5 [sflag:s21], $0x1000  }
0x166: {  	[sflag:s21] =	ssyncset.done @p5 $0x0  }
0x167: {  	[sflag:s21] =	ssyncadd.s32 @p5 $0xFFFFF000;
	s21 =	sshra.s32 @!p5 s7, $0x2  }
0x168: {  	s4 =	simm.s32 @!p5 $0x5000;
	s31 =	simm.s32 @!p5 $0x80;
	s30 =	sadd.s32 @!p5 $0x400, s21  }
0x169: {  	[tilespmem:s4], [sflag:$0x1] =	stream.indirect.gather @!p5 [spmem:s2], $0x20, s30, s31, $0xb8;
	[tilespmem:$0x1CC40] =	vst v63  }
0x16a: {  	s4 =	simm.s32 @!p5 $0x6  }
0x16b: {  	_ =	swait.ge @!p5 [sflag:s4], $0x1000  }
0x16c: {  	s23 =	sshra.s32 @!p5 s23, $0x2;
	[sflag:s4] =	ssyncset.done @!p5 $0x0  }
0x16d: {  	[sflag:s4] =	ssyncadd.s32 @!p5 $0xFFFFF000;
	s4 =	sadd.s32 @!p5 $0x2800, s23;
	s23 =	simm.s32 @!p5 $0xA000  }
0x16e: {  	[spmem:s5] =	stream.indirect.scatter.add.f32 @!p5 [tilespmem:s23], [sflag:$0xE], $0x20, s4, s31, $0xb8;
	[tilespmem:$0x1CC40] =	vst v63  }
0x16f: {  	s4 =	simm.s32 @!p5 $0xA  }
0x170: {  	_ =	swait.ge @!p5 [sflag:s4], $0x1000  }
0x171: {  	s23 =	sadd.s32 @!p4 $0xC00, s7;
	[sflag:s4] =	ssyncset.done @!p5 $0x0  }
0x172: {  	[sflag:s4] =	ssyncadd.s32 @!p5 $0xFFFFF000;
	s4 =	sadd.s32 @!p5 $0x480, s21;
	s21 =	simm.s32 @!p5 $0x6000  }
0x173: {  	[tilespmem:s21], [sflag:$0x2] =	stream.indirect.gather @!p5 [spmem:s2], $0x20, s4, s31, $0xb8;
	[tilespmem:$0x1CC40] =	vst v63  }
0x174: {  	s23 =	simm.s32 @p4 $0xC00;
	_ =	swait.ge [sflag:s19], $0x1000  }
0x175: {  	s30 =	sshra.s32 s23, $0x2;
	s21 =	sadd.s32 @!p4 $0xE00, s7;
	[sflag:s19] =	ssyncset.done $0x0  }
.Ltmp6:
0x176: {  	s4 =	sadd.s32 $0x2800, s30;
	[sflag:s19] =	ssyncadd.s32 $0xFFFFF000;
	(pc) =	sbr.rel @p5 .LBB2_9-.Ltmp6, $4  }
0x177: {  	[spmem:s5] =	stream.indirect.scatter.add.f32 [tilespmem:s22], [sflag:$0xF], $0x20, s4, s14, $0xb8;
	[tilespmem:$0x1CC40] =	vst v63  }
0x178: {  	s21 =	simm.s32 @p4 $0xE00;
	_ =	swait.ge [sflag:s8], $0x1000  }
0x179: {  	s31 =	sshra.s32 s21, $0x2;
	[sflag:s8] =	ssyncset.done $0x0  }
0x17a: {  	s21 =	sadd.s32 $0x2800, s31;
	[sflag:s8] =	ssyncadd.s32 $0xFFFFF000  }
0x17b: {  	s4 =	sadd.s32 $0x500, s9  }
0x17c: {  	[tilespmem:s18], [sflag:$0x3] =	stream.indirect.gather [spmem:s2], $0x20, s4, s14, $0xb8;
	[tilespmem:$0x1CC40] =	vst v63  }
0x17d: {  	_ =	swait.ge [sflag:s26], $0x1000  }
0x17e: {  	[sflag:s26] =	ssyncset.done $0x0  }
0x17f: {  	[sflag:s26] =	ssyncadd.s32 $0xFFFFF000  }
0x180: {  	[spmem:s5] =	stream.indirect.scatter.add.f32 [tilespmem:s0], [sflag:$0x10], $0x20, s21, s14, $0xb8;
	[tilespmem:$0x1CC40] =	vst v63  }
.Ltmp7:
0x181: {  	_ = 	snop;
	(pc) =	sbr.rel .LBB2_7-.Ltmp7, $4  }
0x182: {  	_ =	swait.ge [sflag:s20], $0x1000  }
0x183: {  	[sflag:s20] =	ssyncset.done $0x0  }
0x184: {  	s31 =	sadd.s32 $0x580, s9;
	s7 =	sadd.s32 $0x1000, s7;
	[sflag:s20] =	ssyncadd.s32 $0xFFFFF000  }
0x185: {  	[tilespmem:s24], [sflag:$0x4] =	stream.indirect.gather [spmem:s2], $0x20, s31, s14, $0xb8;
	[tilespmem:$0x1CC40] =	vst v63  }
.LBB2_9:
0x186: {  	[dreg:$0x6] =	wrdreg s13  }
0x187: {  	_ =	swait.ge [sflag:s26], $0x1000  }
0x188: {  	[sflag:s26] =	ssyncset.done $0x0  }
0x189: {  	[sflag:s26] =	ssyncadd.s32 $0xFFFFF000  }
0x18a: {  	[spmem:s5] =	stream.indirect.scatter.add.f32 [tilespmem:s0], [sflag:$0x10], $0x20, s21, s14, $0xb8;
	[tilespmem:$0x1CC40] =	vst v63  }
0x18b: {  	_ =	swait.ge [sflag:s20], $0x1000  }
0x18c: {  	[sflag:s20] =	ssyncset.done $0x0  }
0x18d: {  	s4 =	simm.s32 $0xD;
	[sflag:s20] =	ssyncadd.s32 $0xFFFFF000  }
0x18e: {  	_ =	swait.ge [sflag:s4], $0x1000  }
0x18f: {  	[sflag:s4] =	ssyncset.done $0x0  }
0x190: {  	s6 =	simm.s32 $0xE;
	[sflag:s4] =	ssyncadd.s32 $0xFFFFF000  }
0x191: {  	_ =	swait.ge [sflag:s6], $0x1000  }
0x192: {  	[sflag:s6] =	ssyncset.done $0x0  }
0x193: {  	s7 =	simm.s32 $0xF;
	[sflag:s6] =	ssyncadd.s32 $0xFFFFF000  }
0x194: {  	_ =	swait.ge [sflag:s7], $0x1000  }
0x195: {  	[sflag:s7] =	ssyncset.done $0x0  }
0x196: {  	s9 =	simm.s32 $0x10;
	[sflag:s7] =	ssyncadd.s32 $0xFFFFF000  }
0x197: {  	_ =	swait.ge [sflag:s9], $0x1000  }
0x198: {  	[sflag:s9] =	ssyncset.done $0x0  }
0x199: {  	[sflag:s9] =	ssyncadd.s32 $0xFFFFF000  }
0x19a: {  	[bflag:$0x0] =	sbarrier.arrive $0xFFFF  }
0x19b: {  	s13 =	stileid.u32;
	s6 =	sld [smem:$0x7DB]  }
0x19c: {  	s4 =	sshll.u32 s13, $0x6;
	s21 =	rddreg [dreg:$0x1d]  }
0x19d: {  	s7 =	sor.u32 $0x1C11, s4;
	s9 =	sshrl.u32 s21, $0x3  }
0x19e: {  	[hbm:s6], [sflag:s7] =	dma.local [spmem:s9], $0xA00  }
0x19f: {  	_ =	swait.ge [sflag:s1], $0xA00  }
0x1a0: {  	[sflag:s1] =	ssyncset.done $0x0  }
0x1a1: {  	[sflag:s1] =	ssyncadd.s32 $0xFFFFF600  }
0x1a2: {  	s6 =	simm.s32 $0xD000;
	[bflag:$0x0] =	sbarrier.arrive $0xFFFF  }
0x1a3: {  	[spmem:s21] =	stream.linear.scatter [tilespmem:s6], [sflag:$0x11], $0x1000, $0x38;
	[tilespmem:$0x1CC40] =	vst v63  }
0x1a4: {  	_ =	swait.ge [sflag:s1], $0x1000  }
0x1a5: {  	[sflag:s1] =	ssyncset.done $0x0  }
0x1a6: {  	s23 =	rddreg [dreg:$0x1e];
	[sflag:s1] =	ssyncadd.s32 $0xFFFFF000  }
0x1a7: {  	[spmem:s23] =	stream.linear.scatter [tilespmem:s6], [sflag:$0x11], $0x1000, $0x38;
	[tilespmem:$0x1CC40] =	vst v63  }
0x1a8: {  	_ =	swait.ge [sflag:s1], $0x1000  }
0x1a9: {  	[sflag:s1] =	ssyncset.done $0x0  }
0x1aa: {  	s31 =	rddreg [dreg:$0x1f];
	[sflag:s1] =	ssyncadd.s32 $0xFFFFF000  }
0x1ab: {  	[spmem:s31] =	stream.linear.scatter [tilespmem:s6], [sflag:$0x11], $0x1000, $0x38;
	[tilespmem:$0x1CC40] =	vst v63  }
0x1ac: {  	_ =	swait.ge [sflag:s1], $0x1000  }
0x1ad: {  	s13 =	sld [smem:$0x7D9]  }
0x1ae: {  	[sflag:s1] =	ssyncset.done $0x0  }
0x1af: {  	[sflag:s1] =	ssyncadd.s32 $0xFFFFF000  }
0x1b0: {  	[spmem:s13] =	stream.linear.scatter [tilespmem:s6], [sflag:$0x11], $0x1000, $0x38;
	[tilespmem:$0x1CC40] =	vst v63  }
0x1b1: {  	_ =	swait.ge [sflag:s1], $0x1000  }
0x1b2: {  	s21 =	sld [smem:$0x7DA]  }
0x1b3: {  	[sflag:s1] =	ssyncset.done $0x0  }
0x1b4: {  	[sflag:s1] =	ssyncadd.s32 $0xFFFFF000  }
0x1b5: {  	[spmem:s21] =	stream.linear.scatter [tilespmem:s6], [sflag:$0x11], $0x1000, $0x38;
	[tilespmem:$0x1CC40] =	vst v63  }
0x1b6: {  	_ =	swait.ge [sflag:s1], $0x1000  }
0x1b7: {  	[sflag:s1] =	ssyncset.done $0x0  }
0x1b8: {  	[sflag:s1] =	ssyncadd.s32 $0xFFFFF000  }
0x1b9: {  	s30 =	simm.s32 $0x0;
	[bflag:$0x0] =	sbarrier.arrive $0xFFFF  }
0x1ba: {  	[tilespmem:s15], [sflag:$0x1] =	stream.indirect.gather [spmem:s3], $0x20, s30, s14, $0xb8;
	[tilespmem:$0x1CC40] =	vst v63  }
0x1bb: {  	_ = 	snop  }
0x1bc: {  	[tilespmem:s16], [sflag:$0x2] =	stream.indirect.gather [spmem:s3], $0x20, s14, s14, $0xb8;
	[tilespmem:$0x1CC40] =	vst v63  }
0x1bd: {  	s23 =	simm.s32 $0x100  }
0x1be: {  	[tilespmem:s18], [sflag:$0x3] =	stream.indirect.gather [spmem:s3], $0x20, s23, s14, $0xb8;
	[tilespmem:$0x1CC40] =	vst v63  }
0x1bf: {  	s31 =	simm.s32 $0x180  }
0x1c0: {  	[tilespmem:s24], [sflag:$0x4] =	stream.indirect.gather [spmem:s3], $0x20, s31, s14, $0xb8;
	[tilespmem:$0x1CC40] =	vst v63  }
0x1c1: {  	s6 =	simm.s32 $0x200  }
0x1c2: {  	[tilespmem:s25], [sflag:$0x5] =	stream.indirect.gather [spmem:s3], $0x20, s6, s14, $0xb8;
	[tilespmem:$0x1CC40] =	vst v63  }
0x1c3: {  	s13 =	simm.s32 $0x280;
	s21 =	simm.s32 $0xA000  }
0x1c4: {  	[tilespmem:s21], [sflag:$0x6] =	stream.indirect.gather [spmem:s3], $0x20, s13, s14, $0xb8;
	[tilespmem:$0x1CC40] =	vst v63  }
0x1c5: {  	s23 =	simm.s32 $0x300  }
0x1c6: {  	[tilespmem:s22], [sflag:$0x7] =	stream.indirect.gather [spmem:s3], $0x20, s23, s14, $0xb8;
	[tilespmem:$0x1CC40] =	vst v63  }
0x1c7: {  	s31 =	simm.s32 $0x380  }
0x1c8: {  	[tilespmem:s0], [sflag:$0x8] =	stream.indirect.gather [spmem:s3], $0x20, s31, s14, $0xb8;
	[tilespmem:$0x1CC40] =	vst v63  }
.LBB2_10:
0x1c9: {  	_ =	swait.ge [sflag:s28], $0x1000  }
0x1ca: {  	s21 =	sshra.s32 s30, $0x2;
	[sflag:s28] =	ssyncset.done $0x0  }
0x1cb: {  	p4 =	seq.s32 s30, $0x0;
	s4 =	sadd.s32 $0x2800, s21;
	[sflag:s28] =	ssyncadd.s32 $0xFFFFF000  }
0x1cc: {  	[spmem:s5] =	stream.indirect.scatter.add.f32 [tilespmem:s15], [sflag:$0x9], $0x20, s4, s14, $0xb8;
	[tilespmem:$0x1CC40] =	vst v63  }
0x1cd: {  	s4 =	simm.s32 @!p4 $0xD  }
0x1ce: {  	_ =	swait.ge @!p4 [sflag:s4], $0x1000  }
0x1cf: {  	[sflag:s4] =	ssyncset.done @!p4 $0x0  }
0x1d0: {  	[sflag:s4] =	ssyncadd.s32 @!p4 $0xFFFFF000;
	s4 =	sshra.s32 @!p4 s30, $0x2  }
0x1d1: {  	s31 =	simm.s32 @!p4 $0x80;
	s13 =	simm.s32 @!p4 $0x9000;
	s23 =	sadd.s32 @!p4 $0x200, s4  }
0x1d2: {  	[tilespmem:s13], [sflag:$0x5] =	stream.indirect.gather @!p4 [spmem:s3], $0x20, s23, s31, $0xb8;
	[tilespmem:$0x1CC40] =	vst v63  }
0x1d3: {  	_ =	swait.ge [sflag:s29], $0x1000  }
0x1d4: {  	[sflag:s29] =	ssyncset.done $0x0  }
0x1d5: {  	s6 =	sadd.s32 $0x2880, s21;
	s13 =	simm.s32 @!p4 $0xE;
	[sflag:s29] =	ssyncadd.s32 $0xFFFFF000  }
0x1d6: {  	[spmem:s5] =	stream.indirect.scatter.add.f32 [tilespmem:s16], [sflag:$0xA], $0x20, s6, s14, $0xb8;
	[tilespmem:$0x1CC40] =	vst v63  }
0x1d7: {  	_ =	swait.ge @!p4 [sflag:s13], $0x1000  }
0x1d8: {  	[sflag:s13] =	ssyncset.done @!p4 $0x0  }
0x1d9: {  	s23 =	simm.s32 @!p4 $0xA000;
	[sflag:s13] =	ssyncadd.s32 @!p4 $0xFFFFF000;
	s13 =	sadd.s32 @!p4 $0x280, s4  }
0x1da: {  	[tilespmem:s23], [sflag:$0x6] =	stream.indirect.gather @!p4 [spmem:s3], $0x20, s13, s31, $0xb8;
	[tilespmem:$0x1CC40] =	vst v63  }
0x1db: {  	_ =	swait.ge [sflag:s10], $0x1000  }
0x1dc: {  	[sflag:s10] =	ssyncset.done $0x0  }
0x1dd: {  	s23 =	sadd.s32 $0x2900, s21;
	s13 =	simm.s32 @!p4 $0xF;
	[sflag:s10] =	ssyncadd.s32 $0xFFFFF000  }
0x1de: {  	[spmem:s5] =	stream.indirect.scatter.add.f32 [tilespmem:s18], [sflag:$0xB], $0x20, s23, s14, $0xb8;
	[tilespmem:$0x1CC40] =	vst v63  }
0x1df: {  	_ =	swait.ge @!p4 [sflag:s13], $0x1000  }
0x1e0: {  	[sflag:s13] =	ssyncset.done @!p4 $0x0  }
0x1e1: {  	s23 =	simm.s32 @!p4 $0xB000;
	[sflag:s13] =	ssyncadd.s32 @!p4 $0xFFFFF000;
	s13 =	sadd.s32 @!p4 $0x300, s4  }
0x1e2: {  	[tilespmem:s23], [sflag:$0x7] =	stream.indirect.gather @!p4 [spmem:s3], $0x20, s13, s31, $0xb8;
	[tilespmem:$0x1CC40] =	vst v63  }
0x1e3: {  	_ =	swait.ge [sflag:s11], $0x1000  }
0x1e4: {  	[sflag:s11] =	ssyncset.done $0x0  }
0x1e5: {  	s6 =	sadd.s32 $0x2980, s21;
	s13 =	simm.s32 @!p4 $0x10;
	[sflag:s11] =	ssyncadd.s32 $0xFFFFF000  }
0x1e6: {  	[spmem:s5] =	stream.indirect.scatter.add.f32 [tilespmem:s24], [sflag:$0xC], $0x20, s6, s14, $0xb8;
	[tilespmem:$0x1CC40] =	vst v63  }
0x1e7: {  	_ =	swait.ge @!p4 [sflag:s13], $0x1000  }
0x1e8: {  	s4 =	sadd.s32 @!p4 $0x380, s4;
	[sflag:s13] =	ssyncset.done @!p4 $0x0  }
0x1e9: {  	s23 =	sadd.s32 @!p4 $0x800, s30;
	[sflag:s13] =	ssyncadd.s32 @!p4 $0xFFFFF000;
	s13 =	simm.s32 @!p4 $0xC000  }
0x1ea: {  	[tilespmem:s13], [sflag:$0x8] =	stream.indirect.gather @!p4 [spmem:s3], $0x20, s4, s31, $0xb8;
	[tilespmem:$0x1CC40] =	vst v63  }
0x1eb: {  	s23 =	simm.s32 @p4 $0x800;
	_ =	swait.ge [sflag:s12], $0x1000  }
0x1ec: {  	s13 =	sshra.s32 s23, $0x2;
	[sflag:s12] =	ssyncset.done $0x0  }
0x1ed: {  	s4 =	sadd.s32 $0x2800, s13;
	[sflag:s12] =	ssyncadd.s32 $0xFFFFF000  }
0x1ee: {  	[spmem:s5] =	stream.indirect.scatter.add.f32 [tilespmem:s25], [sflag:$0xD], $0x20, s4, s14, $0xb8;
	[tilespmem:$0x1CC40] =	vst v63  }
0x1ef: {  	_ =	swait.ge [sflag:s17], $0x1000  }
0x1f0: {  	p5 =	seq.s32 s30, $0x9000;
	[sflag:s17] =	ssyncset.done $0x0  }
0x1f1: {  	s4 =	simm.s32 @p5 $0x6;
	[sflag:s17] =	ssyncadd.s32 $0xFFFFF000  }
0x1f2: {  	s13 =	sadd.s32 @!p4 $0xA00, s30;
	_ =	swait.ge @p5 [sflag:s4], $0x1000  }
0x1f3: {  	s13 =	simm.s32 @p4 $0xA00;
	[sflag:s4] =	ssyncset.done @p5 $0x0  }
0x1f4: {  	[sflag:s4] =	ssyncadd.s32 @p5 $0xFFFFF000;
	s4 =	sshra.s32 @p5 s13, $0x2  }
0x1f5: {  	s23 =	simm.s32 @p5 $0x80;
	s31 =	simm.s32 @p5 $0xA000;
	s4 =	sadd.s32 @p5 $0x2800, s4  }
0x1f6: {  	[spmem:s5] =	stream.indirect.scatter.add.f32 @p5 [tilespmem:s31], [sflag:$0xE], $0x20, s4, s23, $0xb8;
	[tilespmem:$0x1CC40] =	vst v63  }
0x1f7: {  	s4 =	simm.s32 @p5 $0xA  }
0x1f8: {  	_ =	swait.ge @p5 [sflag:s4], $0x1000  }
0x1f9: {  	[sflag:s4] =	ssyncset.done @p5 $0x0  }
0x1fa: {  	[sflag:s4] =	ssyncadd.s32 @p5 $0xFFFFF000;
	s4 =	sshra.s32 @!p5 s30, $0x2  }
0x1fb: {  	s6 =	simm.s32 @!p5 $0x5000;
	s31 =	simm.s32 @!p5 $0x80;
	s23 =	sadd.s32 @!p5 $0x400, s4  }
0x1fc: {  	[tilespmem:s6], [sflag:$0x1] =	stream.indirect.gather @!p5 [spmem:s3], $0x20, s23, s31, $0xb8;
	[tilespmem:$0x1CC40] =	vst v63  }
0x1fd: {  	s6 =	simm.s32 @!p5 $0x6  }
0x1fe: {  	_ =	swait.ge @!p5 [sflag:s6], $0x1000  }
0x1ff: {  	s13 =	sshra.s32 @!p5 s13, $0x2;
	[sflag:s6] =	ssyncset.done @!p5 $0x0  }
0x200: {  	[sflag:s6] =	ssyncadd.s32 @!p5 $0xFFFFF000;
	s6 =	sadd.s32 @!p5 $0x2800, s13;
	s13 =	simm.s32 @!p5 $0xA000  }
0x201: {  	[spmem:s5] =	stream.indirect.scatter.add.f32 @!p5 [tilespmem:s13], [sflag:$0xE], $0x20, s6, s31, $0xb8;
	[tilespmem:$0x1CC40] =	vst v63  }
0x202: {  	s6 =	simm.s32 @!p5 $0xA  }
0x203: {  	_ =	swait.ge @!p5 [sflag:s6], $0x1000  }
0x204: {  	s4 =	sadd.s32 @!p5 $0x480, s4;
	[sflag:s6] =	ssyncset.done @!p5 $0x0  }
0x205: {  	s13 =	sadd.s32 @!p4 $0xC00, s30;
	[sflag:s6] =	ssyncadd.s32 @!p5 $0xFFFFF000;
	s6 =	simm.s32 @!p5 $0x6000  }
0x206: {  	[tilespmem:s6], [sflag:$0x2] =	stream.indirect.gather @!p5 [spmem:s3], $0x20, s4, s31, $0xb8;
	[tilespmem:$0x1CC40] =	vst v63  }
0x207: {  	s13 =	simm.s32 @p4 $0xC00;
	_ =	swait.ge [sflag:s19], $0x1000  }
0x208: {  	s23 =	sshra.s32 s13, $0x2;
	s6 =	sadd.s32 @!p4 $0xE00, s30;
	[sflag:s19] =	ssyncset.done $0x0  }
.Ltmp8:
0x209: {  	s4 =	sadd.s32 $0x2800, s23;
	[sflag:s19] =	ssyncadd.s32 $0xFFFFF000;
	(pc) =	sbr.rel @p5 .LBB2_12-.Ltmp8, $4  }
0x20a: {  	[spmem:s5] =	stream.indirect.scatter.add.f32 [tilespmem:s22], [sflag:$0xF], $0x20, s4, s14, $0xb8;
	[tilespmem:$0x1CC40] =	vst v63  }
0x20b: {  	s6 =	simm.s32 @p4 $0xE00;
	_ =	swait.ge [sflag:s8], $0x1000  }
0x20c: {  	s31 =	sshra.s32 s6, $0x2;
	[sflag:s8] =	ssyncset.done $0x0  }
0x20d: {  	s23 =	sadd.s32 $0x2800, s31;
	[sflag:s8] =	ssyncadd.s32 $0xFFFFF000  }
0x20e: {  	s4 =	sadd.s32 $0x500, s21  }
0x20f: {  	[tilespmem:s18], [sflag:$0x3] =	stream.indirect.gather [spmem:s3], $0x20, s4, s14, $0xb8;
	[tilespmem:$0x1CC40] =	vst v63  }
0x210: {  	_ =	swait.ge [sflag:s26], $0x1000  }
0x211: {  	[sflag:s26] =	ssyncset.done $0x0  }
0x212: {  	[sflag:s26] =	ssyncadd.s32 $0xFFFFF000  }
0x213: {  	[spmem:s5] =	stream.indirect.scatter.add.f32 [tilespmem:s0], [sflag:$0x10], $0x20, s23, s14, $0xb8;
	[tilespmem:$0x1CC40] =	vst v63  }
.Ltmp9:
0x214: {  	_ = 	snop;
	(pc) =	sbr.rel .LBB2_10-.Ltmp9, $4  }
0x215: {  	_ =	swait.ge [sflag:s20], $0x1000  }
0x216: {  	[sflag:s20] =	ssyncset.done $0x0  }
0x217: {  	s31 =	sadd.s32 $0x580, s21;
	s30 =	sadd.s32 $0x1000, s30;
	[sflag:s20] =	ssyncadd.s32 $0xFFFFF000  }
0x218: {  	[tilespmem:s24], [sflag:$0x4] =	stream.indirect.gather [spmem:s3], $0x20, s31, s14, $0xb8;
	[tilespmem:$0x1CC40] =	vst v63  }
.LBB2_13:
0x219: {  	_ =	sfence.sel $0x180000  }
0x21a: {  	[bflag:$0x0] =	sbarrier.arrive $0xFFFF  }
0x21b: {  	_ =	strace $0x9000004A  }
0x21c: {  	s0 =	stileid.u32;
	[bflag:$0x2] =	sbarrier.arrive $0xFFFF  }
0x21d: {  	p0 =	sne.s32 s0, $0x0;
	s0 =	rddreg [dreg:$0x5]  }
0x21e: {  	s0 =	sadd.s32 @!p0 $0x100000, s0  }
0x21f: {  	[sflag:s0] =	ssyncadd.tile.s32 @!p0 $0x1;
	_ =	shalt  }
.Lfunc_end2:
_tile_overlayer_lowered:
.L_overlay_start_2:
0x220: {  	(tag) =	ssettag $0x2  }
0x221: {  	s0 =	rddreg [dreg:$0x0];
	s2 =	stileid.u32  }
0x222: {  	s1 =	rddreg [dreg:$0x1];
	p0 =	sne.s32 s2, $0x0  }
0x223: {  	s3 =	rddreg [dreg:$0x2];
	[bflag:$0x3] =	sbarrier.arrive $0xFFFF;
	s2 =	simm.s32 @!p0 $0x1C11  }
0x224: {  	[timem:s3], [sflag:s2] =	dma.local @!p0 [hbm:s0], s1  }
0x225: {  	s0 =	simm.s32 @!p0 $0x11  }
0x226: {  	_ =	swait.ge @!p0 [sflag:s0], s1  }
0x227: {  	s1 =	ssub.s32 @!p0 $0x0, s1;
	[sflag:s0] =	ssyncset.done @!p0 $0x0  }
0x228: {  	[sflag:s0] =	ssyncadd.s32 @!p0 s1  }
0x229: {  	[bflag:$0x3] =	sbarrier.arrive $0xFFFF  }
0x22a: {  	_ =	shalt  }

// kernel: kernel.15.cloned.1.call-start
scs
__scs_entry_jumppad:
0x0: {  	(pc) =	sbr.rel $0x88, $3  }
0x1: {  	(tag) =	ssettag $0x0;
	lr =	simm.s32 $0x1  }
0x2: {  	[smem:$0x3F9B] =	sst lr;
	_ =	strace $0xD0000000  }
0x3: {  	_ = 	snop  }
0x4: {  	_ = 	snop  }
0x5: {  	_ = 	snop  }
0x6: {  	_ = 	snop  }
0x7: {  	_ = 	snop  }
__scs_overlays_trampoline_lowered:
0x8: {  	[smem:$0x3FAA] =	sst s0  }
0x9: {  	[smem:$0x3FAB] =	sst s1  }
0xa: {  	[smem:$0x3FAC] =	sst s2  }
0xb: {  	[smem:$0x3FAD] =	sst s3  }
0xc: {  	[smem:$0x3FAE] =	sst s4  }
0xd: {  	[smem:$0x3FAF] =	sst s5  }
0xe: {  	[smem:$0x3FB0] =	sst s6  }
0xf: {  	[smem:$0x3FB1] =	sst s7  }
0x10: {  	[smem:$0x3FB2] =	sst s8  }
0x11: {  	[smem:$0x3FB3] =	sst s9;
	s0 =	simm.s32 @!p0 $0x0  }
0x12: {  	s1 =	sld [smem:$0x3F99];
	s0 =	simm.s32 @p0 $0x1  }
0x13: {  	[smem:$0x3FB4] =	sst s0;
	s0 =	simm.s32 @!p1 $0x0  }
0x14: {  	s2 =	sld [smem:$0x3F98];
	s0 =	simm.s32 @p1 $0x1  }
0x15: {  	[smem:$0x3FB5] =	sst s0;
	s0 =	simm.s32 @!p2 $0x0  }
0x16: {  	s3 =	sld [smem:$0x3FDB];
	s0 =	simm.s32 @p2 $0x1  }
0x17: {  	s4 =	simm.s32 $0x1BF5;
	[smem:$0x3FB7] =	sst s0  }
0x18: {  	s0 =	sld [smem:$0x3F9A];
	_ =	swait.ge [sflag:s4], $0x0  }
0x19: {  	s7 =	sld [smem:$0x3F9B]  }
0x1a: {  	s8 =	sadd.s32 $0xFFFFE003, lr  }
0x1b: {  	s9 =	sadd.s32 $0xFFFFFEF7, lr;
	s5 =	simm.s32 $0xFFFFFFFF;
	p2 =	slt.u32 s8, $0xFFFFF086  }
0x1c: {  	p1 =	slt.u32 s9, $0xF7A;
	s5 =	simm.s32 @!p2 $0x0  }
0x1d: {  	s5 =	simm.s32 @p1 $0x1;
	p0 =	seq.s32 s7, s2  }
0x1e: {  	s7 =	smul.u32 @!p0 $0xF7A, s2;
	p2 =	seq.s32 @!p0 s5, $0x0  }
0x1f: {  	s9 =	smul.u32 $0xF7A, s1;
	s8 =	simm.s32 @!p0 $0x1BF5;
	p2 =	por !p2, p0  }
0x20: {  	[sflag:s8] =	ssyncset.s32 @!p0 $0xFFFFF086;
	s6 =	sadd.s32 @!p0 s3, s7;
	s7 =	simm.s32 @!p0 $0x108  }
0x21: {  	s3 =	sadd.s32 s3, s9;
	s6 =	sadd.s32 @!p0 $0x88, s6;
	s7 =	simm.s32 @p2 $0x1082  }
0x22: {  	[simem:s7], [sflag:s8] =	dma.local @!p0 [hbm:s6], $0xF7A  }
0x23: {  	s9 =	sor.u32 $0xD0000000, s2;
	s6 =	simm.s32 $0x108;
	_ =	swait.ge @!p0 [sflag:s8], $0x0  }
0x24: {  	s3 =	sadd.s32 $0x88, s3;
	s6 =	simm.s32 @!p1 $0x1082;
	[sflag:s4] =	ssyncset.s32 $0xFFFFF086  }
0x25: {  	[simem:s6], [sflag:s4] =	dma.local [hbm:s3], $0xF7A  }
0x26: {  	[smem:$0x3F9B] =	sst s1;
	(tag) =	ssettag s2;
	_ =	strace s9  }
0x27: {  	s1 =	sld [smem:$0x3FAB]  }
0x28: {  	s2 =	sld [smem:$0x3FAC]  }
0x29: {  	s4 =	sld [smem:$0x3FAE]  }
0x2a: {  	p0 =	seq.s32 s5, $0x0;
	s5 =	sld [smem:$0x3FAF]  }
0x2b: {  	s6 =	sld [smem:$0x3FB0]  }
0x2c: {  	s7 =	sld [smem:$0x3FB1]  }
0x2d: {  	s3 =	simm.s32 $0x108;
	s8 =	sld [smem:$0x3FB2]  }
0x2e: {  	s3 =	simm.s32 @!p0 $0x1082;
	s9 =	sld [smem:$0x3FB3]  }
0x2f: {  	lr =	sadd.s32 s0, s3;
	s0 =	sld [smem:$0x3FAA]  }
0x30: {  	s3 =	sld [smem:$0x3FAD]  }
0x31: {  	[smem:$0x3FB6] =	sst s10  }
0x32: {  	s10 =	sld [smem:$0x3FB4];
	_ =	sdelay $0x3  }
0x33: {  	p0 =	seq.s32 s10, $0x1;
	s10 =	sld [smem:$0x3FB6];
	_ =	sdelay $0x3  }
0x34: {  	[smem:$0x3FB6] =	sst s10  }
0x35: {  	s10 =	sld [smem:$0x3FB5];
	_ =	sdelay $0x3  }
0x36: {  	p1 =	seq.s32 s10, $0x1;
	s10 =	sld [smem:$0x3FB6];
	_ =	sdelay $0x3  }
0x37: {  	[smem:$0x3FB6] =	sst s10  }
0x38: {  	s10 =	sld [smem:$0x3FB7]  }
0x39: {  	_ = 	snop;
	(pc) =	sbr.ind lr, $3  }
0x3a: {  	_ = 	snop  }
0x3b: {  	_ = 	snop  }
0x3c: {  	p2 =	seq.s32 s10, $0x1;
	s10 =	sld [smem:$0x3FB6]  }
0x3d: {  	_ =	shalt  }
0x3e: {  	_ =	shalt  }
0x3f: {  	_ =	shalt  }
0x40: {  	_ =	shalt  }
0x41: {  	_ =	shalt  }
0x42: {  	_ =	shalt  }
0x43: {  	_ =	shalt  }
0x44: {  	_ =	shalt  }
0x45: {  	_ =	shalt  }
0x46: {  	_ =	shalt  }
0x47: {  	_ =	shalt  }
0x48: {  	_ =	shalt  }
0x49: {  	_ =	shalt  }
0x4a: {  	_ =	shalt  }
0x4b: {  	_ =	shalt  }
0x4c: {  	_ =	shalt  }
0x4d: {  	_ =	shalt  }
0x4e: {  	_ =	shalt  }
0x4f: {  	_ =	shalt  }
0x50: {  	_ =	shalt  }
0x51: {  	_ =	shalt  }
0x52: {  	_ =	shalt  }
0x53: {  	_ =	shalt  }
0x54: {  	_ =	shalt  }
0x55: {  	_ =	shalt  }
0x56: {  	_ =	shalt  }
0x57: {  	_ =	shalt  }
0x58: {  	_ =	shalt  }
0x59: {  	_ =	shalt  }
0x5a: {  	_ =	shalt  }
0x5b: {  	_ =	shalt  }
0x5c: {  	_ =	shalt  }
0x5d: {  	_ =	shalt  }
0x5e: {  	_ =	shalt  }
0x5f: {  	_ =	shalt  }
0x60: {  	_ =	shalt  }
0x61: {  	_ =	shalt  }
0x62: {  	_ =	shalt  }
0x63: {  	_ =	shalt  }
0x64: {  	_ =	shalt  }
0x65: {  	_ =	shalt  }
0x66: {  	_ =	shalt  }
0x67: {  	_ =	shalt  }
0x68: {  	_ =	shalt  }
0x69: {  	_ =	shalt  }
0x6a: {  	_ =	shalt  }
0x6b: {  	_ =	shalt  }
0x6c: {  	_ =	shalt  }
0x6d: {  	_ =	shalt  }
0x6e: {  	_ =	shalt  }
0x6f: {  	_ =	shalt  }
0x70: {  	_ =	shalt  }
0x71: {  	_ =	shalt  }
0x72: {  	_ =	shalt  }
0x73: {  	_ =	shalt  }
0x74: {  	_ =	shalt  }
0x75: {  	_ =	shalt  }
0x76: {  	_ =	shalt  }
0x77: {  	_ =	shalt  }
0x78: {  	_ =	shalt  }
0x79: {  	_ =	shalt  }
0x7a: {  	_ =	shalt  }
0x7b: {  	_ =	shalt  }
0x7c: {  	_ =	shalt  }
0x7d: {  	_ =	shalt  }
0x7e: {  	_ =	shalt  }
0x7f: {  	_ =	shalt  }
0x80: {  	_ =	shalt  }
0x81: {  	_ =	shalt  }
0x82: {  	_ =	shalt  }
0x83: {  	_ =	shalt  }
0x84: {  	_ =	shalt  }
0x85: {  	_ =	shalt  }
0x86: {  	_ =	shalt  }
0x87: {  	_ =	shalt  }
.Lfunc_end0:
.L_simem_size_0:
called_computation.2_lowered:
.L_overlay_start_0:
0x88: {  	s2 =	sld [smem:$0x3FD9]  }
0x89: {  	s3 =	sld [smem:$0x3FFE];
	_ =	sdelay $0x1  }
0x8a: {  	s1 =	srdreg.scid  }
0x8b: {  	s0 =	sand.u32 $0x1, s1  }
0x8c: {  	s16 =	sshll.u32 s0, $0xA;
	s2 =	sadd.s32 s3, s2  }
0x8d: {  	s2 =	sadd.s32 s2, s16  }
0x8e: {  	[smem:$0x3FC2] =	sst s2  }
0x8f: {  	_ = 	snop  }
0x90: {  	(tm) =	ssettm $0x1  }
0x91: {  	s17 =	sld [smem:$0x3FFB];
	_ =	sdelay $0x3  }
0x92: {  	_ =	strace s17  }
0x93: {  	s2 =	sld [smem:$0x3FFC];
	_ =	sdelay $0x3  }
0x94: {  	_ =	strace s2  }
0x95: {  	s2 =	sld [smem:$0x3FFD];
	_ =	sdelay $0x3  }
0x96: {  	_ =	strace s2  }
0x97: {  	_ =	strace $0x8FFFFFFF  }
0x98: {  	s18 =	sld [smem:$0x3FDB];
	_ =	sdelay $0x1  }
0x99: {  	s19 =	simm.s32 $_scs_section_size  }
0x9a: {  	s4 =	simm.s32 $_size__tile_overlayer_lowered;
	s5 =	simm.s32 $_tile_overlayer_lowered  }
0x9b: {  	s22 =	simm.s32 $0x1BFF;
	s21 =	sshll.u32 s5, $0x1;
	s2 =	sadd.s32 s19, s18  }
0x9c: {  	s6 =	simm.s32 $0x0;
	s20 =	sshll.u32 s4, $0x1;
	s4 =	sadd.s32 s21, s2  }
0x9d: {  	[timem:s6], [sflag:s22] =	dma.local [hbm:s4], s20  }
0x9e: {  	_ =	swait.ge [sflag:s22], s20  }
0x9f: {  	s3 =	ssub.s32 $0x0, s20;
	[sflag:s22] =	ssyncset.done $0x0  }
0xa0: {  	[sflag:s22] =	ssyncadd.s32 s3;
	_ =	sdelay $0x1  }
0xa1: {  	s23 =	simm.s32 $0x1B8B  }
0xa2: {  	_ =	swait.ge [sflag:s23], $0x1  }
0xa3: {  	[sflag:s23] =	ssyncset.done $0x0  }
0xa4: {  	s25 =	simm.s32 $0x1B8E;
	s24 =	sld [smem:$0x3FFE];
	[sflag:s23] =	ssyncadd.s32 $0xFFFFFFFF  }
0xa5: {  	s26 =	simm.s32 $execute0_lowered;
	[smem:$0x3FD2] =	sst s25  }
0xa6: {  	s4 =	sshll.u32 s26, $0x1;
	_ =	strace $0x8000004C;
	[dreg:$0x1] =	wrdreg $0xFFFFFFFF  }
0xa7: {  	s28 =	simm.s32 $_size_execute0_lowered;
	s2 =	sadd.s32 s2, s4;
	[dreg:$0x0] =	wrdreg $0x0  }
0xa8: {  	s4 =	sshll.u32 s28, $0x1;
	[dreg:$0x2] =	wrdreg s2  }
0xa9: {  	[dreg:$0x3] =	wrdreg s4  }
0xaa: {  	[dreg:$0x4] =	wrdreg $0xC0  }
0xab: {  	_ =	task [dreg:s6], $0x5FFFF  }
0xac: {  	[dreg:$0x1] =	wrdreg $0xFFFFFFFF  }
0xad: {  	[dreg:$0x0] =	wrdreg $0x60  }
0xae: {  	[dreg:$0x2] =	wrdreg s24  }
0xaf: {  	[dreg:$0x3] =	wrdreg $0x88000  }
0xb0: {  	[dreg:$0x4] =	wrdreg $0x74000  }
0xb1: {  	[dreg:$0x5] =	wrdreg $0x9  }
0xb2: {  	_ =	task.clear_ibuf [dreg:s6], $0x6FFFF;
	_ =	strace $0x9000004C  }
0xb3: {  	s29 =	simm.s32 $0x9;
	_ =	strace $0x8000004E  }
0xb4: {  	_ =	swait.ge [sflag:s29], $0x1  }
0xb5: {  	[sflag:s29] =	ssyncadd.s32 $0xFFFFFFFF  }
0xb6: {  	_ =	strace $0x9000004E  }
0xb7: {  	_ =	sfence  }
0xb8: {  	s30 =	sld [smem:$0x0];
	_ =	sdelay $0x2  }
0xb9: {  	s31 =	sshll.u32 s1, $0xD;
	s1 =	sshrl.u32 s1, $0x2  }
0xba: {  	s3 =	sand.u32 $0x4000, s31;
	s1 =	sadd.s32 s1, s30  }
0xbb: {  	s0 =	sor.u32 s3, s0;
	s1 =	sshll.u32 s1, $0x11  }
0xbc: {  	s0 =	sor.u32 s1, s0  }
0xbd: {  	s0 =	sadd.s32 $0x8F2B, s0  }
0xbe: {  	[sflag:s0] =	ssyncadd.remote.s32 $0x1  }
0xbf: {  	_ =	sfence.sel $0xFFFF  }
0xc0: {  	[dreg:$0x0] =	wrdreg $0xFFFFFFFF;
	(pc) =	sbr.abs _section_cstart, $3  }
0xc1: {  	[dreg:$0x1] =	wrdreg $0xFFFFFFFF  }
0xc2: {  	_ =	task.clear_ibuf [dreg:s6], $0x2FFFF;
	_ =	strace $0x9FFFFFFF  }
0xc3: {  	(tm) =	ssettm $0x7FFFFFFF  }
tec
execute0_lowered:
.L_overlay_start_1:
0x0: {  	(tag) =	ssettag $0x1  }
0x1: {  	s0 =	srdreg.scid;
	s1 =	rddreg [dreg:$0x0]  }
0x2: {  	s10 =	stileid.u32;
	s2 =	rddreg [dreg:$0x1]  }
0x3: {  	s29 =	simm.s32 $0x6000;
	s28 =	simm.s32 $0x3;
	s30 =	simm.s32 $0x4  }
0x4: {  	s31 =	simm.s32 $0x5;
	s0 =	sand.u32 $0x1, s0;
	s6 =	smul.u32 $0x1400, s10  }
0x5: {  	s8 =	sadd.s32 $0xCC00, s1;
	s16 =	sadd.s32 $0xCA00, s1;
	s18 =	sadd.s32 $0xEF28, s1  }
0x6: {  	s19 =	sadd.s32 $0xEB40, s1;
	s20 =	sadd.s32 $0xE758, s1;
	s21 =	sadd.s32 $0xE370, s1  }
0x7: {  	s22 =	sadd.s32 $0xDF88, s1;
	s23 =	sadd.s32 $0xDBA0, s1;
	s3 =	sshll.u32 s0, $0x4  }
0x8: {  	s24 =	smul.u32 $0x5000, s10;
	s9 =	sadd.s32 $0xD7B8, s1;
	s4 =	sor.u32 s10, s3  }
0x9: {  	s3 =	rddreg [dreg:$0x2];
	s5 =	smul.u32 $0x500, s4;
	s4 =	simm.s32 $0x0  }
0xa: {  	s25 =	sadd.s32 $0xD3D0, s1;
	s26 =	sadd.s32 $0x1F40, s2;
	[smem:$0x7FF] =	sst s4  }
0xb: {  	p0 =	sgt.s32 s10, $0x4;
	_ =	strace $0x8000004D;
	[dreg:$0x4] =	wrdreg s8  }
0xc: {  	p1 =	sgt.s32 s10, $0x1;
	p2 =	seq.s32 s10, $0x0;
	[dreg:$0x5] =	wrdreg s16  }
0xd: {  	p4 =	seq.s32 s10, $0x2;
	p3 =	sgt.s32 s10, $0x6;
	[dreg:$0x6] =	wrdreg s18  }
0xe: {  	s7 =	smul.u32 $0x14000, s0;
	s0 =	ssub.s32 $0x2, s0;
	[dreg:$0x7] =	wrdreg s19  }
0xf: {  	p5 =	seq.s32 s10, $0x8;
	s17 =	sshrl.u32 s0, $0x1;
	[dreg:$0x8] =	wrdreg s20  }
0x10: {  	s12 =	sshrl.u32 s24, $0x2;
	s24 =	sadd.s32 $0x11940, s2;
	[dreg:$0x9] =	wrdreg s21  }
0x11: {  	s7 =	sadd.s32 s6, s7;
	s0 =	ssub.s32 s0, s17;
	[dreg:$0xa] =	wrdreg s22  }
0x12: {  	s17 =	sshrl.u32 s26, $0x3;
	s26 =	sadd.s32 $0xDAC0, s2;
	[dreg:$0xb] =	wrdreg s23  }
0x13: {  	s7 =	sshrl.u32 s7, $0x3;
	s0 =	smax.u32 s0, $0x1;
	[dreg:$0xc] =	wrdreg s9  }
0x14: {  	s5 =	sadd.s32 s5, s1;
	s7 =	sadd.s32 s7, s1;
	[dreg:$0xd] =	wrdreg s25  }
0x15: {  	s1 =	sadd.s32 $0xCFE8, s1;
	s18 =	sadd.s32 s6, s3;
	[dreg:$0x16] =	wrdreg s0  }
0x16: {  	s0 =	simm.s32 @!p2 $0x0;
	[dreg:$0x17] =	wrdreg s17;
	s19 =	sadd.s32 $0x3E80, s2  }
0x17: {  	s20 =	sadd.s32 $0x5DC0, s2;
	s21 =	sadd.s32 $0xBB80, s2;
	s22 =	sadd.s32 $0x9C40, s2  }
0x18: {  	s23 =	sadd.s32 $0x7D00, s2;
	s25 =	sadd.s32 $0xFA00, s2;
	s8 =	simm.s32 $0x11  }
0x19: {  	s9 =	simm.s32 $0x6C00;
	[dreg:$0xe] =	wrdreg s1;
	s11 =	sadd.s32 $0x11C00, s5  }
0x1a: {  	s6 =	simm.s32 $0x8;
	s5 =	sadd.s32 $0x2A00, s5;
	[dreg:$0xf] =	wrdreg s11  }
0x1b: {  	s1 =	sadd.s32 s12, s3;
	s16 =	sadd.s32 $0x1BC00, s7;
	[dreg:$0x10] =	wrdreg s5  }
0x1c: {  	s0 =	simm.s32 @p2 $0x1;
	p2 =	seq.s32 s10, $0x1;
	[dreg:$0x15] =	wrdreg s16  }
0x1d: {  	s12 =	simm.s32 $0x5000;
	s13 =	sadd.s32 $0x400, s1;
	[smem:$0x7F6] =	sst s0  }
0x1e: {  	s7 =	simm.s32 $0x7;
	s14 =	sadd.s32 $0x800, s1;
	[dreg:$0x11] =	wrdreg s13  }
0x1f: {  	s15 =	sadd.s32 $0xC00, s1;
	s1 =	sadd.s32 $0x1000, s1;
	[dreg:$0x12] =	wrdreg s14  }
0x20: {  	s0 =	simm.s32 @!p2 $0x0;
	s5 =	sshrl.u32 s23, $0x3;
	[dreg:$0x13] =	wrdreg s15  }
0x21: {  	s11 =	simm.s32 $0x80;
	s16 =	simm.s32 $0xC;
	[dreg:$0x14] =	wrdreg s1  }
0x22: {  	s0 =	simm.s32 @p2 $0x1;
	p2 =	seq.s32 s10, $0x3;
	[dreg:$0x1a] =	wrdreg s5  }
0x23: {  	s5 =	sshrl.u32 s26, $0x3;
	[smem:$0x7F7] =	sst s0;
	s0 =	sshrl.u32 s19, $0x3  }
0x24: {  	s13 =	simm.s32 $0x5400;
	s1 =	simm.s32 @!p2 $0x0;
	[dreg:$0x18] =	wrdreg s0  }
0x25: {  	s1 =	simm.s32 @p2 $0x1;
	s0 =	sshrl.u32 s20, $0x3;
	p2 =	seq.s32 s10, $0x4  }
0x26: {  	s15 =	simm.s32 $0x5800;
	[dreg:$0x19] =	wrdreg s0;
	s0 =	simm.s32 @!p2 $0x0  }
0x27: {  	s26 =	simm.s32 $0x5C00;
	[dreg:$0x1d] =	wrdreg s5;
	s0 =	simm.s32 @p2 $0x1  }
0x28: {  	s14 =	simm.s32 $0x1;
	[smem:$0x7F9] =	sst s0;
	s0 =	sshrl.u32 s21, $0x3  }
0x29: {  	p2 =	seq.s32 s10, $0x5;
	[dreg:$0x1c] =	wrdreg s0;
	s0 =	sshrl.u32 s24, $0x3  }
0x2a: {  	s5 =	simm.s32 $0x6800;
	[dreg:$0x1f] =	wrdreg s0;
	s0 =	simm.s32 @!p2 $0x0  }
0x2b: {  	[smem:$0x7F8] =	sst s1;
	s0 =	simm.s32 @p2 $0x1;
	p2 =	seq.s32 s10, $0x6  }
0x2c: {  	s1 =	sshrl.u32 s22, $0x3;
	[smem:$0x7FA] =	sst s0;
	s0 =	simm.s32 @!p2 $0x0  }
0x2d: {  	[dreg:$0x1b] =	wrdreg s1;
	s1 =	sshrl.u32 s25, $0x3;
	s0 =	simm.s32 @p2 $0x1  }
.Ltmp0:
0x2e: {  	[smem:$0x7FB] =	sst s0;
	s0 =	simm.s32 @!p5 $0x0;
	(pc) =	sbr.rel .LBB2_1-.Ltmp0, $4  }
0x2f: {  	[dreg:$0x1e] =	wrdreg s1;
	s0 =	simm.s32 @p5 $0x1;
	p5 =	seq.s32 s10, $0x9  }
0x30: {  	s25 =	simm.s32 $0x2;
	[smem:$0x7FC] =	sst s0;
	s0 =	simm.s32 @!p5 $0x0  }
0x31: {  	s1 =	simm.s32 $0x9;
	p2 =	seq.s32 s10, $0x7;
	s0 =	simm.s32 @p5 $0x1  }
0x32: {  	s10 =	simm.s32 $0x7000;
	[smem:$0x7FD] =	sst s0;
	s0 =	simm.s32 $0xB  }
.LBB2_28:
0x33: {  	_ =	swait.ge [sflag:s6], $0x400  }
0x34: {  	[sflag:s6] =	ssyncset.done $0x0  }
0x35: {  	[sflag:s6] =	ssyncadd.s32 $0xFFFFFC00  }
0x36: {  	[spmem:s3] =	stream.indirect.scatter.add.f32 [tilespmem:s9], [sflag:$0x10], $0x8, s24, s11, $0xb8;
	[tilespmem:$0x9B88] =	vst v63  }
0x37: {  	_ =	swait.ge [sflag:s16], $0x400  }
0x38: {  	[sflag:s16] =	ssyncset.done $0x0  }
0x39: {  	s17 =	simm.s32 $0xD;
	[sflag:s16] =	ssyncadd.s32 $0xFFFFFC00  }
0x3a: {  	_ =	swait.ge [sflag:s17], $0x400  }
0x3b: {  	[sflag:s17] =	ssyncset.done $0x0  }
0x3c: {  	s20 =	simm.s32 $0xE;
	[sflag:s17] =	ssyncadd.s32 $0xFFFFFC00  }
0x3d: {  	_ =	swait.ge [sflag:s20], $0x400  }
0x3e: {  	[sflag:s20] =	ssyncset.done $0x0  }
0x3f: {  	s21 =	simm.s32 $0xF;
	[sflag:s20] =	ssyncadd.s32 $0xFFFFFC00  }
0x40: {  	_ =	swait.ge [sflag:s21], $0x400  }
0x41: {  	[sflag:s21] =	ssyncset.done $0x0  }
0x42: {  	s22 =	simm.s32 $0x10;
	[sflag:s21] =	ssyncadd.s32 $0xFFFFFC00  }
0x43: {  	_ =	swait.ge [sflag:s22], $0x400  }
0x44: {  	[sflag:s22] =	ssyncset.done $0x0  }
0x45: {  	s23 =	stileid.u32;
	[sflag:s22] =	ssyncadd.s32 $0xFFFFFC00  }
0x46: {  	s17 =	sshll.u32 s23, $0x6;
	[bflag:$0x0] =	sbarrier.arrive $0xFFFF  }
0x47: {  	s19 =	sshrl.u32 s18, $0x3;
	s17 =	sor.u32 $0x1C11, s17;
	s20 =	rddreg [dreg:$0x15]  }
0x48: {  	[hbm:s20], [sflag:s17] =	dma.local [spmem:s19], $0x280  }
0x49: {  	_ =	swait.ge [sflag:s8], $0x280  }
0x4a: {  	s4 =	sadd.s32 $0x1, s4;
	s24 =	rddreg [dreg:$0x16]  }
0x4b: {  	p5 =	sne.s32 s4, s24  }
.Ltmp1:
0x4c: {  	_ = 	snop;
	(pc) =	sbr.rel @!p5 .LBB2_29-.Ltmp1, $3  }
0x4d: {  	_ =	sdelay $0x1  }
0x4e: {  	[sflag:s8] =	ssyncset.done $0x0  }
0x4f: {  	[sflag:s8] =	ssyncadd.s32 $0xFFFFFD80  }
.LBB2_1:
.Ltmp2:
0x50: {  	(pc) =	sbr.rel @p0 .LBB2_10-.Ltmp2, $1  }
0x51: {  	_ =	sdelay $0x3  }
.Ltmp3:
0x52: {  	(pc) =	sbr.rel @!p1 .LBB2_3-.Ltmp3, $1  }
0x53: {  	_ =	sdelay $0x3  }
.Ltmp4:
0x54: {  	(pc) =	sbr.rel @p4 .LBB2_19-.Ltmp4, $1  }
0x55: {  	_ =	sdelay $0x3  }
0x56: {  	s17 =	sld [smem:$0x7F8];
	_ =	sdelay $0x2  }
0x57: {  	p5 =	seq.s32 s17, $0x1  }
.Ltmp5:
0x58: {  	_ = 	snop;
	(pc) =	sbr.rel @p5 .LBB2_20-.Ltmp5, $1  }
0x59: {  	_ =	sdelay $0x3  }
0x5a: {  	s17 =	sld [smem:$0x7F9];
	_ =	sdelay $0x2  }
0x5b: {  	p5 =	seq.s32 s17, $0x1  }
.Ltmp6:
0x5c: {  	_ = 	snop;
	(pc) =	sbr.rel @!p5 .LBB2_25-.Ltmp6, $1  }
0x5d: {  	_ =	sdelay $0x3  }
.Ltmp7:
0x5e: {  	(pc) =	sbr.rel .LBB2_24-.Ltmp7, $4  }
0x5f: {  	_ = 	snop  }
0x60: {  	s17 =	rddreg [dreg:$0xb]  }
0x61: {  	s19 =	rddreg [dreg:$0x1a];
	s20 =	simm.s32 $0x1D11  }
0x62: {  	[spmem:s19], [sflag:s20] =	dma.local [hbm:s17], $0x3E8  }
.LBB2_10:
.Ltmp8:
0x63: {  	(pc) =	sbr.rel @!p3 .LBB2_11-.Ltmp8, $1  }
0x64: {  	_ =	sdelay $0x3  }
.Ltmp9:
0x65: {  	(pc) =	sbr.rel @p2 .LBB2_22-.Ltmp9, $1  }
0x66: {  	_ =	sdelay $0x3  }
0x67: {  	s17 =	sld [smem:$0x7FC];
	_ =	sdelay $0x2  }
0x68: {  	p5 =	seq.s32 s17, $0x1  }
.Ltmp10:
0x69: {  	_ = 	snop;
	(pc) =	sbr.rel @p5 .LBB2_23-.Ltmp10, $1  }
0x6a: {  	_ =	sdelay $0x3  }
0x6b: {  	s17 =	sld [smem:$0x7FD];
	_ =	sdelay $0x2  }
0x6c: {  	p5 =	seq.s32 s17, $0x1  }
.Ltmp11:
0x6d: {  	_ = 	snop;
	(pc) =	sbr.rel @!p5 .LBB2_25-.Ltmp11, $1  }
0x6e: {  	_ =	sdelay $0x3  }
.Ltmp12:
0x6f: {  	(pc) =	sbr.rel .LBB2_24-.Ltmp12, $4  }
0x70: {  	_ = 	snop  }
0x71: {  	s17 =	rddreg [dreg:$0x6]  }
0x72: {  	s19 =	rddreg [dreg:$0x1f];
	s20 =	simm.s32 $0x1E51  }
0x73: {  	[spmem:s19], [sflag:s20] =	dma.local [hbm:s17], $0x3E8  }
.LBB2_3:
0x74: {  	s17 =	sld [smem:$0x7F6];
	_ =	sdelay $0x2  }
0x75: {  	p5 =	seq.s32 s17, $0x1  }
.Ltmp13:
0x76: {  	_ = 	snop;
	(pc) =	sbr.rel @p5 .LBB2_18-.Ltmp13, $1  }
0x77: {  	_ =	sdelay $0x3  }
0x78: {  	s17 =	sld [smem:$0x7F7];
	_ =	sdelay $0x2  }
0x79: {  	p5 =	seq.s32 s17, $0x1  }
.Ltmp14:
0x7a: {  	_ = 	snop;
	(pc) =	sbr.rel @!p5 .LBB2_25-.Ltmp14, $1  }
0x7b: {  	_ =	sdelay $0x3  }
.Ltmp15:
0x7c: {  	(pc) =	sbr.rel .LBB2_24-.Ltmp15, $4  }
0x7d: {  	_ = 	snop  }
0x7e: {  	s17 =	rddreg [dreg:$0xe]  }
0x7f: {  	s19 =	rddreg [dreg:$0x17];
	s20 =	simm.s32 $0x1C51  }
0x80: {  	[spmem:s19], [sflag:s20] =	dma.local [hbm:s17], $0x3E8  }
.LBB2_11:
0x81: {  	s17 =	sld [smem:$0x7FA];
	_ =	sdelay $0x2  }
0x82: {  	p5 =	seq.s32 s17, $0x1  }
.Ltmp16:
0x83: {  	_ = 	snop;
	(pc) =	sbr.rel @p5 .LBB2_21-.Ltmp16, $1  }
0x84: {  	_ =	sdelay $0x3  }
0x85: {  	s17 =	sld [smem:$0x7FB];
	_ =	sdelay $0x2  }
0x86: {  	p5 =	seq.s32 s17, $0x1  }
.Ltmp17:
0x87: {  	_ = 	snop;
	(pc) =	sbr.rel @!p5 .LBB2_25-.Ltmp17, $1  }
0x88: {  	_ =	sdelay $0x3  }
.Ltmp18:
0x89: {  	(pc) =	sbr.rel .LBB2_24-.Ltmp18, $4  }
0x8a: {  	_ = 	snop  }
0x8b: {  	s17 =	rddreg [dreg:$0x9]  }
0x8c: {  	s19 =	rddreg [dreg:$0x1c];
	s20 =	simm.s32 $0x1D91  }
0x8d: {  	[spmem:s19], [sflag:s20] =	dma.local [hbm:s17], $0x3E8  }
.LBB2_18:
.Ltmp19:
0x8e: {  	(pc) =	sbr.rel .LBB2_24-.Ltmp19, $3  }
0x8f: {  	_ =	sdelay $0x1  }
0x90: {  	s22 =	sshrl.u32 s2, $0x3;
	s17 =	rddreg [dreg:$0x4];
	s19 =	simm.s32 $0x1C11  }
0x91: {  	[spmem:s22], [sflag:s19] =	dma.local [hbm:s17], $0x3E8  }
.LBB2_21:
.Ltmp20:
0x92: {  	(pc) =	sbr.rel .LBB2_24-.Ltmp20, $4  }
0x93: {  	_ = 	snop  }
0x94: {  	s17 =	rddreg [dreg:$0xa]  }
0x95: {  	s19 =	rddreg [dreg:$0x1b];
	s20 =	simm.s32 $0x1D51  }
0x96: {  	[spmem:s19], [sflag:s20] =	dma.local [hbm:s17], $0x3E8  }
.LBB2_19:
.Ltmp21:
0x97: {  	(pc) =	sbr.rel .LBB2_24-.Ltmp21, $4  }
0x98: {  	_ = 	snop  }
0x99: {  	s17 =	rddreg [dreg:$0xd]  }
0x9a: {  	s19 =	rddreg [dreg:$0x18];
	s20 =	simm.s32 $0x1C91  }
0x9b: {  	[spmem:s19], [sflag:s20] =	dma.local [hbm:s17], $0x3E8  }
.LBB2_22:
.Ltmp22:
0x9c: {  	(pc) =	sbr.rel .LBB2_24-.Ltmp22, $4  }
0x9d: {  	_ = 	snop  }
0x9e: {  	s17 =	rddreg [dreg:$0x8]  }
0x9f: {  	s19 =	rddreg [dreg:$0x1d];
	s20 =	simm.s32 $0x1DD1  }
0xa0: {  	[spmem:s19], [sflag:s20] =	dma.local [hbm:s17], $0x3E8  }
.LBB2_20:
.Ltmp23:
0xa1: {  	(pc) =	sbr.rel .LBB2_24-.Ltmp23, $4  }
0xa2: {  	_ = 	snop  }
0xa3: {  	s17 =	rddreg [dreg:$0xc]  }
0xa4: {  	s19 =	rddreg [dreg:$0x19];
	s20 =	simm.s32 $0x1CD1  }
0xa5: {  	[spmem:s19], [sflag:s20] =	dma.local [hbm:s17], $0x3E8  }
.LBB2_23:
0xa6: {  	s17 =	rddreg [dreg:$0x7]  }
0xa7: {  	s19 =	rddreg [dreg:$0x1e];
	s20 =	simm.s32 $0x1E11  }
0xa8: {  	[spmem:s19], [sflag:s20] =	dma.local [hbm:s17], $0x3E8  }
.LBB2_24:
0xa9: {  	_ =	swait.ge [sflag:s8], $0x3E8  }
0xaa: {  	[sflag:s8] =	ssyncset.done $0x0  }
0xab: {  	[sflag:s8] =	ssyncadd.s32 $0xFFFFFC18  }
.LBB2_25:
0xac: {  	s22 =	simm.s32 $0x0;
	s17 =	rddreg [dreg:$0xf]  }
0xad: {  	[tilespmem:s22], [sflag:$0x11] =	stream.linear.gather [hbm4b:s17+s22], $0x2800, $0x38;
	[tilespmem:$0x9B88] =	vst v63  }
0xae: {  	_ =	swait.ge [sflag:s8], $0x2800  }
0xaf: {  	[sflag:s8] =	ssyncset.done $0x0  }
0xb0: {  	s19 =	simm.s32 $0x2800;
	s21 =	rddreg [dreg:$0x10];
	[sflag:s8] =	ssyncadd.s32 $0xFFFFD800  }
0xb1: {  	[tilespmem:s19], [sflag:$0x11] =	stream.linear.gather [hbm4b:s21+s22], $0x2800, $0x38;
	[tilespmem:$0x9B88] =	vst v63  }
0xb2: {  	_ =	swait.ge [sflag:s8], $0x2800  }
0xb3: {  	[sflag:s8] =	ssyncset.done $0x0  }
0xb4: {  	s23 =	rddreg [dreg:$0x5];
	[sflag:s8] =	ssyncadd.s32 $0xFFFFD800  }
0xb5: {  	[tilespmem:s10], [sflag:$0x11] =	stream.linear.gather [hbm4b:s23+s22], $0x400, $0x38;
	[tilespmem:$0x9B88] =	vst v63  }
0xb6: {  	_ =	swait.ge [sflag:s8], $0x400  }
0xb7: {  	[sflag:s8] =	ssyncset.done $0x0  }
0xb8: {  	[sflag:s8] =	ssyncadd.s32 $0xFFFFFC00  }
0xb9: {  	[bflag:$0x0] =	sbarrier.arrive $0xFFFF  }
0xba: {  	[spmem:s18] =	stream.linear.scatter [tilespmem:s10], [sflag:$0x11], $0x400, $0x38;
	[tilespmem:$0x9B88] =	vst v63  }
0xbb: {  	_ =	swait.ge [sflag:s8], $0x400  }
0xbc: {  	[sflag:s8] =	ssyncset.done $0x0  }
0xbd: {  	s24 =	rddreg [dreg:$0x11];
	[sflag:s8] =	ssyncadd.s32 $0xFFFFFC00  }
0xbe: {  	[spmem:s24] =	stream.linear.scatter [tilespmem:s10], [sflag:$0x11], $0x400, $0x38;
	[tilespmem:$0x9B88] =	vst v63  }
0xbf: {  	_ =	swait.ge [sflag:s8], $0x400  }
0xc0: {  	[sflag:s8] =	ssyncset.done $0x0  }
0xc1: {  	s19 =	rddreg [dreg:$0x12];
	[sflag:s8] =	ssyncadd.s32 $0xFFFFFC00  }
0xc2: {  	[spmem:s19] =	stream.linear.scatter [tilespmem:s10], [sflag:$0x11], $0x400, $0x38;
	[tilespmem:$0x9B88] =	vst v63  }
0xc3: {  	_ =	swait.ge [sflag:s8], $0x400  }
0xc4: {  	[sflag:s8] =	ssyncset.done $0x0  }
0xc5: {  	s20 =	rddreg [dreg:$0x13];
	[sflag:s8] =	ssyncadd.s32 $0xFFFFFC00  }
0xc6: {  	[spmem:s20] =	stream.linear.scatter [tilespmem:s10], [sflag:$0x11], $0x400, $0x38;
	[tilespmem:$0x9B88] =	vst v63  }
0xc7: {  	_ =	swait.ge [sflag:s8], $0x400  }
0xc8: {  	[sflag:s8] =	ssyncset.done $0x0  }
0xc9: {  	s21 =	rddreg [dreg:$0x14];
	[sflag:s8] =	ssyncadd.s32 $0xFFFFFC00  }
0xca: {  	[spmem:s21] =	stream.linear.scatter [tilespmem:s10], [sflag:$0x11], $0x400, $0x38;
	[tilespmem:$0x9B88] =	vst v63  }
0xcb: {  	_ =	swait.ge [sflag:s8], $0x400  }
0xcc: {  	[sflag:s8] =	ssyncset.done $0x0  }
0xcd: {  	[sflag:s8] =	ssyncadd.s32 $0xFFFFFC00  }
0xce: {  	[bflag:$0x0] =	sbarrier.arrive $0xFFFF  }
0xcf: {  	[tilespmem:s12], [sflag:$0x1] =	stream.indirect.gather [spmem:s2], $0x8, s22, s11, $0xb8;
	[tilespmem:$0x9B88] =	vst v63  }
0xd0: {  	_ = 	snop  }
0xd1: {  	[tilespmem:s13], [sflag:$0x2] =	stream.indirect.gather [spmem:s2], $0x8, s11, s11, $0xb8;
	[tilespmem:$0x9B88] =	vst v63  }
0xd2: {  	s23 =	simm.s32 $0x100  }
0xd3: {  	[tilespmem:s15], [sflag:$0x3] =	stream.indirect.gather [spmem:s2], $0x8, s23, s11, $0xb8;
	[tilespmem:$0x9B88] =	vst v63  }
0xd4: {  	s24 =	simm.s32 $0x180  }
0xd5: {  	[tilespmem:s26], [sflag:$0x4] =	stream.indirect.gather [spmem:s2], $0x8, s24, s11, $0xb8;
	[tilespmem:$0x9B88] =	vst v63  }
0xd6: {  	s19 =	simm.s32 $0x200  }
0xd7: {  	[tilespmem:s29], [sflag:$0x5] =	stream.indirect.gather [spmem:s2], $0x8, s19, s11, $0xb8;
	[tilespmem:$0x9B88] =	vst v63  }
0xd8: {  	s20 =	simm.s32 $0x280;
	s21 =	simm.s32 $0x6400  }
0xd9: {  	[tilespmem:s21], [sflag:$0x6] =	stream.indirect.gather [spmem:s2], $0x8, s20, s11, $0xb8;
	[tilespmem:$0x9B88] =	vst v63  }
0xda: {  	s23 =	simm.s32 $0x300  }
0xdb: {  	[tilespmem:s5], [sflag:$0x7] =	stream.indirect.gather [spmem:s2], $0x8, s23, s11, $0xb8;
	[tilespmem:$0x9B88] =	vst v63  }
0xdc: {  	s24 =	simm.s32 $0x380  }
0xdd: {  	[tilespmem:s9], [sflag:$0x8] =	stream.indirect.gather [spmem:s2], $0x8, s24, s11, $0xb8;
	[tilespmem:$0x9B88] =	vst v63  }
.LBB2_26:
0xde: {  	_ =	swait.ge [sflag:s14], $0x400  }
0xdf: {  	s23 =	sshra.s32 s22, $0x2;
	[sflag:s14] =	ssyncset.done $0x0  }
0xe0: {  	p6 =	seq.s32 s22, $0x0;
	s24 =	sadd.s32 $0x2800, s23;
	[sflag:s14] =	ssyncadd.s32 $0xFFFFFC00  }
0xe1: {  	[spmem:s3] =	stream.indirect.scatter.add.f32 [tilespmem:s12], [sflag:$0x9], $0x8, s24, s11, $0xb8;
	[tilespmem:$0x9B88] =	vst v63  }
0xe2: {  	s24 =	simm.s32 @!p6 $0xD  }
0xe3: {  	_ =	swait.ge @!p6 [sflag:s24], $0x400  }
0xe4: {  	[sflag:s24] =	ssyncset.done @!p6 $0x0  }
0xe5: {  	[sflag:s24] =	ssyncadd.s32 @!p6 $0xFFFFFC00;
	s24 =	sshra.s32 @!p6 s22, $0x2  }
0xe6: {  	s19 =	simm.s32 @!p6 $0x80;
	s20 =	simm.s32 @!p6 $0x6000;
	s17 =	sadd.s32 @!p6 $0x200, s24  }
0xe7: {  	[tilespmem:s20], [sflag:$0x5] =	stream.indirect.gather @!p6 [spmem:s2], $0x8, s17, s19, $0xb8;
	[tilespmem:$0x9B88] =	vst v63  }
0xe8: {  	_ =	swait.ge [sflag:s25], $0x400  }
0xe9: {  	[sflag:s25] =	ssyncset.done $0x0  }
0xea: {  	s21 =	sadd.s32 $0x2880, s23;
	s17 =	simm.s32 @!p6 $0xE;
	[sflag:s25] =	ssyncadd.s32 $0xFFFFFC00  }
0xeb: {  	[spmem:s3] =	stream.indirect.scatter.add.f32 [tilespmem:s13], [sflag:$0xA], $0x8, s21, s11, $0xb8;
	[tilespmem:$0x9B88] =	vst v63  }
0xec: {  	_ =	swait.ge @!p6 [sflag:s17], $0x400  }
0xed: {  	[sflag:s17] =	ssyncset.done @!p6 $0x0  }
0xee: {  	s20 =	simm.s32 @!p6 $0x6400;
	[sflag:s17] =	ssyncadd.s32 @!p6 $0xFFFFFC00;
	s17 =	sadd.s32 @!p6 $0x280, s24  }
0xef: {  	[tilespmem:s20], [sflag:$0x6] =	stream.indirect.gather @!p6 [spmem:s2], $0x8, s17, s19, $0xb8;
	[tilespmem:$0x9B88] =	vst v63  }
0xf0: {  	_ =	swait.ge [sflag:s28], $0x400  }
0xf1: {  	[sflag:s28] =	ssyncset.done $0x0  }
0xf2: {  	s20 =	sadd.s32 $0x2900, s23;
	s17 =	simm.s32 @!p6 $0xF;
	[sflag:s28] =	ssyncadd.s32 $0xFFFFFC00  }
0xf3: {  	[spmem:s3] =	stream.indirect.scatter.add.f32 [tilespmem:s15], [sflag:$0xB], $0x8, s20, s11, $0xb8;
	[tilespmem:$0x9B88] =	vst v63  }
0xf4: {  	_ =	swait.ge @!p6 [sflag:s17], $0x400  }
0xf5: {  	[sflag:s17] =	ssyncset.done @!p6 $0x0  }
0xf6: {  	s20 =	simm.s32 @!p6 $0x6800;
	[sflag:s17] =	ssyncadd.s32 @!p6 $0xFFFFFC00;
	s17 =	sadd.s32 @!p6 $0x300, s24  }
0xf7: {  	[tilespmem:s20], [sflag:$0x7] =	stream.indirect.gather @!p6 [spmem:s2], $0x8, s17, s19, $0xb8;
	[tilespmem:$0x9B88] =	vst v63  }
0xf8: {  	_ =	swait.ge [sflag:s30], $0x400  }
0xf9: {  	[sflag:s30] =	ssyncset.done $0x0  }
0xfa: {  	s21 =	sadd.s32 $0x2980, s23;
	s17 =	simm.s32 @!p6 $0x10;
	[sflag:s30] =	ssyncadd.s32 $0xFFFFFC00  }
0xfb: {  	[spmem:s3] =	stream.indirect.scatter.add.f32 [tilespmem:s26], [sflag:$0xC], $0x8, s21, s11, $0xb8;
	[tilespmem:$0x9B88] =	vst v63  }
0xfc: {  	_ =	swait.ge @!p6 [sflag:s17], $0x400  }
0xfd: {  	s20 =	sadd.s32 @!p6 $0x800, s22;
	[sflag:s17] =	ssyncset.done @!p6 $0x0  }
0xfe: {  	[sflag:s17] =	ssyncadd.s32 @!p6 $0xFFFFFC00;
	s17 =	sadd.s32 @!p6 $0x380, s24;
	s24 =	simm.s32 @!p6 $0x6C00  }
0xff: {  	[tilespmem:s24], [sflag:$0x8] =	stream.indirect.gather @!p6 [spmem:s2], $0x8, s17, s19, $0xb8;
	[tilespmem:$0x9B88] =	vst v63  }
0x100: {  	s20 =	simm.s32 @p6 $0x800;
	_ =	swait.ge [sflag:s31], $0x400  }
0x101: {  	s20 =	sshra.s32 s20, $0x2;
	[sflag:s31] =	ssyncset.done $0x0  }
0x102: {  	s17 =	sadd.s32 $0x2800, s20;
	[sflag:s31] =	ssyncadd.s32 $0xFFFFFC00  }
0x103: {  	[spmem:s3] =	stream.indirect.scatter.add.f32 [tilespmem:s29], [sflag:$0xD], $0x8, s17, s11, $0xb8;
	[tilespmem:$0x9B88] =	vst v63  }
0x104: {  	_ =	swait.ge [sflag:s1], $0x400  }
0x105: {  	p5 =	seq.s32 s22, $0x9000;
	[sflag:s1] =	ssyncset.done $0x0  }
0x106: {  	s17 =	simm.s32 @p5 $0x6;
	[sflag:s1] =	ssyncadd.s32 $0xFFFFFC00  }
0x107: {  	s19 =	sadd.s32 @!p6 $0xA00, s22;
	_ =	swait.ge @p5 [sflag:s17], $0x400  }
0x108: {  	s19 =	simm.s32 @p6 $0xA00;
	[sflag:s17] =	ssyncset.done @p5 $0x0  }
0x109: {  	[sflag:s17] =	ssyncadd.s32 @p5 $0xFFFFFC00;
	s17 =	sshra.s32 @p5 s19, $0x2  }
0x10a: {  	s20 =	simm.s32 @p5 $0x80;
	s24 =	simm.s32 @p5 $0x6400;
	s17 =	sadd.s32 @p5 $0x2800, s17  }
0x10b: {  	[spmem:s3] =	stream.indirect.scatter.add.f32 @p5 [tilespmem:s24], [sflag:$0xE], $0x8, s17, s20, $0xb8;
	[tilespmem:$0x9B88] =	vst v63  }
0x10c: {  	s17 =	simm.s32 @p5 $0xA  }
0x10d: {  	_ =	swait.ge @p5 [sflag:s17], $0x400  }
0x10e: {  	[sflag:s17] =	ssyncset.done @p5 $0x0  }
0x10f: {  	[sflag:s17] =	ssyncadd.s32 @p5 $0xFFFFFC00;
	s17 =	sshra.s32 @!p5 s22, $0x2  }
0x110: {  	s21 =	simm.s32 @!p5 $0x5000;
	s24 =	simm.s32 @!p5 $0x80;
	s20 =	sadd.s32 @!p5 $0x400, s17  }
0x111: {  	[tilespmem:s21], [sflag:$0x1] =	stream.indirect.gather @!p5 [spmem:s2], $0x8, s20, s24, $0xb8;
	[tilespmem:$0x9B88] =	vst v63  }
0x112: {  	s20 =	simm.s32 @!p5 $0x6  }
0x113: {  	_ =	swait.ge @!p5 [sflag:s20], $0x400  }
0x114: {  	s19 =	sshra.s32 @!p5 s19, $0x2;
	[sflag:s20] =	ssyncset.done @!p5 $0x0  }
0x115: {  	s19 =	sadd.s32 @!p5 $0x2800, s19;
	[sflag:s20] =	ssyncadd.s32 @!p5 $0xFFFFFC00;
	s20 =	simm.s32 @!p5 $0x6400  }
0x116: {  	[spmem:s3] =	stream.indirect.scatter.add.f32 @!p5 [tilespmem:s20], [sflag:$0xE], $0x8, s19, s24, $0xb8;
	[tilespmem:$0x9B88] =	vst v63  }
0x117: {  	s19 =	simm.s32 @!p5 $0xA  }
0x118: {  	_ =	swait.ge @!p5 [sflag:s19], $0x400  }
0x119: {  	s17 =	sadd.s32 @!p5 $0x480, s17;
	[sflag:s19] =	ssyncset.done @!p5 $0x0  }
0x11a: {  	s20 =	sadd.s32 @!p6 $0xC00, s22;
	[sflag:s19] =	ssyncadd.s32 @!p5 $0xFFFFFC00;
	s19 =	simm.s32 @!p5 $0x5400  }
0x11b: {  	[tilespmem:s19], [sflag:$0x2] =	stream.indirect.gather @!p5 [spmem:s2], $0x8, s17, s24, $0xb8;
	[tilespmem:$0x9B88] =	vst v63  }
0x11c: {  	s20 =	simm.s32 @p6 $0xC00;
	_ =	swait.ge [sflag:s7], $0x400  }
0x11d: {  	s21 =	sshra.s32 s20, $0x2;
	s19 =	sadd.s32 @!p6 $0xE00, s22;
	[sflag:s7] =	ssyncset.done $0x0  }
.Ltmp24:
0x11e: {  	s17 =	sadd.s32 $0x2800, s21;
	[sflag:s7] =	ssyncadd.s32 $0xFFFFFC00;
	(pc) =	sbr.rel @p5 .LBB2_28-.Ltmp24, $4  }
0x11f: {  	[spmem:s3] =	stream.indirect.scatter.add.f32 [tilespmem:s5], [sflag:$0xF], $0x8, s17, s11, $0xb8;
	[tilespmem:$0x9B88] =	vst v63  }
0x120: {  	s19 =	simm.s32 @p6 $0xE00;
	_ =	swait.ge [sflag:s0], $0x400  }
0x121: {  	s24 =	sshra.s32 s19, $0x2;
	[sflag:s0] =	ssyncset.done $0x0  }
0x122: {  	s24 =	sadd.s32 $0x2800, s24;
	[sflag:s0] =	ssyncadd.s32 $0xFFFFFC00  }
0x123: {  	s17 =	sadd.s32 $0x500, s23  }
0x124: {  	[tilespmem:s15], [sflag:$0x3] =	stream.indirect.gather [spmem:s2], $0x8, s17, s11, $0xb8;
	[tilespmem:$0x9B88] =	vst v63  }
0x125: {  	_ =	swait.ge [sflag:s6], $0x400  }
0x126: {  	[sflag:s6] =	ssyncset.done $0x0  }
0x127: {  	[sflag:s6] =	ssyncadd.s32 $0xFFFFFC00  }
0x128: {  	[spmem:s3] =	stream.indirect.scatter.add.f32 [tilespmem:s9], [sflag:$0x10], $0x8, s24, s11, $0xb8;
	[tilespmem:$0x9B88] =	vst v63  }
.Ltmp25:
0x129: {  	_ = 	snop;
	(pc) =	sbr.rel .LBB2_26-.Ltmp25, $4  }
0x12a: {  	_ =	swait.ge [sflag:s16], $0x400  }
0x12b: {  	[sflag:s16] =	ssyncset.done $0x0  }
0x12c: {  	s22 =	sadd.s32 $0x1000, s22;
	s24 =	sadd.s32 $0x580, s23;
	[sflag:s16] =	ssyncadd.s32 $0xFFFFFC00  }
0x12d: {  	[tilespmem:s26], [sflag:$0x4] =	stream.indirect.gather [spmem:s2], $0x8, s24, s11, $0xb8;
	[tilespmem:$0x9B88] =	vst v63  }
.LBB2_29:
0x12e: {  	_ =	sfence.sel $0x180000  }
0x12f: {  	[bflag:$0x0] =	sbarrier.arrive $0xFFFF  }
0x130: {  	_ =	strace $0x9000004D  }
0x131: {  	s0 =	stileid.u32;
	[bflag:$0x2] =	sbarrier.arrive $0xFFFF  }
0x132: {  	p0 =	sne.s32 s0, $0x0;
	s0 =	rddreg [dreg:$0x3]  }
0x133: {  	s0 =	sadd.s32 @!p0 $0x100000, s0  }
0x134: {  	[sflag:s0] =	ssyncadd.tile.s32 @!p0 $0x1;
	_ =	shalt  }
.Lfunc_end2:
_tile_overlayer_lowered:
.L_overlay_start_2:
0x135: {  	(tag) =	ssettag $0x2  }
0x136: {  	s0 =	rddreg [dreg:$0x0];
	s2 =	stileid.u32  }
0x137: {  	s1 =	rddreg [dreg:$0x1];
	p0 =	sne.s32 s2, $0x0  }
0x138: {  	s3 =	rddreg [dreg:$0x2];
	[bflag:$0x3] =	sbarrier.arrive $0xFFFF;
	s2 =	simm.s32 @!p0 $0x1C11  }
0x139: {  	[timem:s3], [sflag:s2] =	dma.local @!p0 [hbm:s0], s1  }
0x13a: {  	s0 =	simm.s32 @!p0 $0x11  }
0x13b: {  	_ =	swait.ge @!p0 [sflag:s0], s1  }
0x13c: {  	s1 =	ssub.s32 @!p0 $0x0, s1;
	[sflag:s0] =	ssyncset.done @!p0 $0x0  }
0x13d: {  	[sflag:s0] =	ssyncadd.s32 @!p0 s1  }
0x13e: {  	[bflag:$0x3] =	sbarrier.arrive $0xFFFF  }
0x13f: {  	_ =	shalt  }

// kernel: kernel.9.cloned.1.call-start
scs
__scs_entry_jumppad:
0x0: {  	(pc) =	sbr.rel $0x88, $3  }
0x1: {  	(tag) =	ssettag $0x0;
	lr =	simm.s32 $0x1  }
0x2: {  	[smem:$0x3F9B] =	sst lr;
	_ =	strace $0xD0000000  }
0x3: {  	_ = 	snop  }
0x4: {  	_ = 	snop  }
0x5: {  	_ = 	snop  }
0x6: {  	_ = 	snop  }
0x7: {  	_ = 	snop  }
__scs_overlays_trampoline_lowered:
0x8: {  	[smem:$0x3FAA] =	sst s0  }
0x9: {  	[smem:$0x3FAB] =	sst s1  }
0xa: {  	[smem:$0x3FAC] =	sst s2  }
0xb: {  	[smem:$0x3FAD] =	sst s3  }
0xc: {  	[smem:$0x3FAE] =	sst s4  }
0xd: {  	[smem:$0x3FAF] =	sst s5  }
0xe: {  	[smem:$0x3FB0] =	sst s6  }
0xf: {  	[smem:$0x3FB1] =	sst s7  }
0x10: {  	[smem:$0x3FB2] =	sst s8  }
0x11: {  	[smem:$0x3FB3] =	sst s9;
	s0 =	simm.s32 @!p0 $0x0  }
0x12: {  	s1 =	sld [smem:$0x3F99];
	s0 =	simm.s32 @p0 $0x1  }
0x13: {  	[smem:$0x3FB4] =	sst s0;
	s0 =	simm.s32 @!p1 $0x0  }
0x14: {  	s2 =	sld [smem:$0x3F98];
	s0 =	simm.s32 @p1 $0x1  }
0x15: {  	[smem:$0x3FB5] =	sst s0;
	s0 =	simm.s32 @!p2 $0x0  }
0x16: {  	s3 =	sld [smem:$0x3FDB];
	s0 =	simm.s32 @p2 $0x1  }
0x17: {  	s4 =	simm.s32 $0x1BF5;
	[smem:$0x3FB7] =	sst s0  }
0x18: {  	s0 =	sld [smem:$0x3F9A];
	_ =	swait.ge [sflag:s4], $0x0  }
0x19: {  	s7 =	sld [smem:$0x3F9B]  }
0x1a: {  	s8 =	sadd.s32 $0xFFFFE003, lr  }
0x1b: {  	s9 =	sadd.s32 $0xFFFFFEF7, lr;
	s5 =	simm.s32 $0xFFFFFFFF;
	p2 =	slt.u32 s8, $0xFFFFF086  }
0x1c: {  	p1 =	slt.u32 s9, $0xF7A;
	s5 =	simm.s32 @!p2 $0x0  }
0x1d: {  	s5 =	simm.s32 @p1 $0x1;
	p0 =	seq.s32 s7, s2  }
0x1e: {  	s7 =	smul.u32 @!p0 $0xF7A, s2;
	p2 =	seq.s32 @!p0 s5, $0x0  }
0x1f: {  	s9 =	smul.u32 $0xF7A, s1;
	s8 =	simm.s32 @!p0 $0x1BF5;
	p2 =	por !p2, p0  }
0x20: {  	[sflag:s8] =	ssyncset.s32 @!p0 $0xFFFFF086;
	s6 =	sadd.s32 @!p0 s3, s7;
	s7 =	simm.s32 @!p0 $0x108  }
0x21: {  	s3 =	sadd.s32 s3, s9;
	s6 =	sadd.s32 @!p0 $0x88, s6;
	s7 =	simm.s32 @p2 $0x1082  }
0x22: {  	[simem:s7], [sflag:s8] =	dma.local @!p0 [hbm:s6], $0xF7A  }
0x23: {  	s9 =	sor.u32 $0xD0000000, s2;
	s6 =	simm.s32 $0x108;
	_ =	swait.ge @!p0 [sflag:s8], $0x0  }
0x24: {  	s3 =	sadd.s32 $0x88, s3;
	s6 =	simm.s32 @!p1 $0x1082;
	[sflag:s4] =	ssyncset.s32 $0xFFFFF086  }
0x25: {  	[simem:s6], [sflag:s4] =	dma.local [hbm:s3], $0xF7A  }
0x26: {  	[smem:$0x3F9B] =	sst s1;
	(tag) =	ssettag s2;
	_ =	strace s9  }
0x27: {  	s1 =	sld [smem:$0x3FAB]  }
0x28: {  	s2 =	sld [smem:$0x3FAC]  }
0x29: {  	s4 =	sld [smem:$0x3FAE]  }
0x2a: {  	p0 =	seq.s32 s5, $0x0;
	s5 =	sld [smem:$0x3FAF]  }
0x2b: {  	s6 =	sld [smem:$0x3FB0]  }
0x2c: {  	s7 =	sld [smem:$0x3FB1]  }
0x2d: {  	s3 =	simm.s32 $0x108;
	s8 =	sld [smem:$0x3FB2]  }
0x2e: {  	s3 =	simm.s32 @!p0 $0x1082;
	s9 =	sld [smem:$0x3FB3]  }
0x2f: {  	lr =	sadd.s32 s0, s3;
	s0 =	sld [smem:$0x3FAA]  }
0x30: {  	s3 =	sld [smem:$0x3FAD]  }
0x31: {  	[smem:$0x3FB6] =	sst s10  }
0x32: {  	s10 =	sld [smem:$0x3FB4];
	_ =	sdelay $0x3  }
0x33: {  	p0 =	seq.s32 s10, $0x1;
	s10 =	sld [smem:$0x3FB6];
	_ =	sdelay $0x3  }
0x34: {  	[smem:$0x3FB6] =	sst s10  }
0x35: {  	s10 =	sld [smem:$0x3FB5];
	_ =	sdelay $0x3  }
0x36: {  	p1 =	seq.s32 s10, $0x1;
	s10 =	sld [smem:$0x3FB6];
	_ =	sdelay $0x3  }
0x37: {  	[smem:$0x3FB6] =	sst s10  }
0x38: {  	s10 =	sld [smem:$0x3FB7]  }
0x39: {  	_ = 	snop;
	(pc) =	sbr.ind lr, $3  }
0x3a: {  	_ = 	snop  }
0x3b: {  	_ = 	snop  }
0x3c: {  	p2 =	seq.s32 s10, $0x1;
	s10 =	sld [smem:$0x3FB6]  }
0x3d: {  	_ =	shalt  }
0x3e: {  	_ =	shalt  }
0x3f: {  	_ =	shalt  }
0x40: {  	_ =	shalt  }
0x41: {  	_ =	shalt  }
0x42: {  	_ =	shalt  }
0x43: {  	_ =	shalt  }
0x44: {  	_ =	shalt  }
0x45: {  	_ =	shalt  }
0x46: {  	_ =	shalt  }
0x47: {  	_ =	shalt  }
0x48: {  	_ =	shalt  }
0x49: {  	_ =	shalt  }
0x4a: {  	_ =	shalt  }
0x4b: {  	_ =	shalt  }
0x4c: {  	_ =	shalt  }
0x4d: {  	_ =	shalt  }
0x4e: {  	_ =	shalt  }
0x4f: {  	_ =	shalt  }
0x50: {  	_ =	shalt  }
0x51: {  	_ =	shalt  }
0x52: {  	_ =	shalt  }
0x53: {  	_ =	shalt  }
0x54: {  	_ =	shalt  }
0x55: {  	_ =	shalt  }
0x56: {  	_ =	shalt  }
0x57: {  	_ =	shalt  }
0x58: {  	_ =	shalt  }
0x59: {  	_ =	shalt  }
0x5a: {  	_ =	shalt  }
0x5b: {  	_ =	shalt  }
0x5c: {  	_ =	shalt  }
0x5d: {  	_ =	shalt  }
0x5e: {  	_ =	shalt  }
0x5f: {  	_ =	shalt  }
0x60: {  	_ =	shalt  }
0x61: {  	_ =	shalt  }
0x62: {  	_ =	shalt  }
0x63: {  	_ =	shalt  }
0x64: {  	_ =	shalt  }
0x65: {  	_ =	shalt  }
0x66: {  	_ =	shalt  }
0x67: {  	_ =	shalt  }
0x68: {  	_ =	shalt  }
0x69: {  	_ =	shalt  }
0x6a: {  	_ =	shalt  }
0x6b: {  	_ =	shalt  }
0x6c: {  	_ =	shalt  }
0x6d: {  	_ =	shalt  }
0x6e: {  	_ =	shalt  }
0x6f: {  	_ =	shalt  }
0x70: {  	_ =	shalt  }
0x71: {  	_ =	shalt  }
0x72: {  	_ =	shalt  }
0x73: {  	_ =	shalt  }
0x74: {  	_ =	shalt  }
0x75: {  	_ =	shalt  }
0x76: {  	_ =	shalt  }
0x77: {  	_ =	shalt  }
0x78: {  	_ =	shalt  }
0x79: {  	_ =	shalt  }
0x7a: {  	_ =	shalt  }
0x7b: {  	_ =	shalt  }
0x7c: {  	_ =	shalt  }
0x7d: {  	_ =	shalt  }
0x7e: {  	_ =	shalt  }
0x7f: {  	_ =	shalt  }
0x80: {  	_ =	shalt  }
0x81: {  	_ =	shalt  }
0x82: {  	_ =	shalt  }
0x83: {  	_ =	shalt  }
0x84: {  	_ =	shalt  }
0x85: {  	_ =	shalt  }
0x86: {  	_ =	shalt  }
0x87: {  	_ =	shalt  }
.Lfunc_end0:
.L_simem_size_0:
called_computation_lowered:
.L_overlay_start_0:
0x88: {  	s2 =	sld [smem:$0x3FD9]  }
0x89: {  	s3 =	sld [smem:$0x3FFE];
	_ =	sdelay $0x1  }
0x8a: {  	s1 =	srdreg.scid  }
0x8b: {  	s0 =	sand.u32 $0x1, s1  }
0x8c: {  	s17 =	sshll.u32 s0, $0xA;
	s2 =	sadd.s32 s3, s2  }
0x8d: {  	s2 =	sadd.s32 s2, s17  }
0x8e: {  	[smem:$0x3FC2] =	sst s2  }
0x8f: {  	_ = 	snop  }
0x90: {  	s2 =	sld [smem:$0x3FD0];
	(tm) =	ssettm $0x1  }
0x91: {  	s18 =	sld [smem:$0x3FFB];
	_ =	sdelay $0x3  }
0x92: {  	_ =	strace s18  }
0x93: {  	s3 =	sld [smem:$0x3FFC];
	_ =	sdelay $0x3  }
0x94: {  	_ =	strace s3  }
0x95: {  	s3 =	sld [smem:$0x3FFD];
	_ =	sdelay $0x3  }
0x96: {  	_ =	strace s3  }
0x97: {  	_ =	strace $0x8FFFFFFF  }
0x98: {  	s19 =	sld [smem:$0x3FDB];
	_ =	sdelay $0x1  }
0x99: {  	s4 =	simm.s32 $_scs_section_size  }
0x9a: {  	s5 =	simm.s32 $_size__tile_overlayer_lowered;
	s6 =	simm.s32 $_tile_overlayer_lowered  }
0x9b: {  	s22 =	simm.s32 $0x1BFF;
	s21 =	sshll.u32 s6, $0x1;
	s3 =	sadd.s32 s4, s19  }
0x9c: {  	s7 =	simm.s32 $0x0;
	s20 =	sshll.u32 s5, $0x1;
	s5 =	sadd.s32 s21, s3  }
0x9d: {  	[timem:s7], [sflag:s22] =	dma.local [hbm:s5], s20  }
0x9e: {  	_ =	swait.ge [sflag:s22], s20  }
0x9f: {  	s4 =	ssub.s32 $0x0, s20;
	[sflag:s22] =	ssyncset.done $0x0  }
0xa0: {  	[sflag:s22] =	ssyncadd.s32 s4;
	_ =	sdelay $0x1  }
0xa1: {  	s23 =	simm.s32 $0x1B8B  }
0xa2: {  	_ =	swait.ge [sflag:s23], $0x1  }
0xa3: {  	[sflag:s23] =	ssyncset.done $0x0  }
0xa4: {  	s25 =	simm.s32 $0x1B8E;
	s24 =	sld [smem:$0x3FFE];
	[sflag:s23] =	ssyncadd.s32 $0xFFFFFFFF  }
0xa5: {  	s26 =	simm.s32 $execute0_lowered;
	[smem:$0x3FD2] =	sst s25  }
0xa6: {  	s5 =	sshll.u32 s26, $0x1;
	_ =	strace $0x80000046;
	[dreg:$0x1] =	wrdreg $0xFFFFFFFF  }
0xa7: {  	s28 =	simm.s32 $_size_execute0_lowered;
	s3 =	sadd.s32 s3, s5;
	[dreg:$0x0] =	wrdreg $0x0  }
0xa8: {  	s5 =	sshll.u32 s28, $0x1;
	[dreg:$0x2] =	wrdreg s3  }
0xa9: {  	[dreg:$0x3] =	wrdreg s5  }
0xaa: {  	[dreg:$0x4] =	wrdreg $0xC0  }
0xab: {  	_ =	task [dreg:s7], $0x5FFFF  }
0xac: {  	[dreg:$0x1] =	wrdreg $0xFFFFFFFF  }
0xad: {  	[dreg:$0x0] =	wrdreg $0x60  }
0xae: {  	[dreg:$0x2] =	wrdreg s24  }
0xaf: {  	[dreg:$0x3] =	wrdreg s2  }
0xb0: {  	[dreg:$0x4] =	wrdreg $0x30000  }
0xb1: {  	[dreg:$0x5] =	wrdreg $0x9  }
0xb2: {  	_ =	task.clear_ibuf [dreg:s7], $0x6FFFF;
	_ =	strace $0x90000046  }
0xb3: {  	s29 =	simm.s32 $0x9;
	_ =	strace $0x80000048  }
0xb4: {  	_ =	swait.ge [sflag:s29], $0x1  }
0xb5: {  	[sflag:s29] =	ssyncadd.s32 $0xFFFFFFFF  }
0xb6: {  	_ =	strace $0x90000048  }
0xb7: {  	_ =	sfence  }
0xb8: {  	s30 =	sld [smem:$0x0];
	_ =	sdelay $0x2  }
0xb9: {  	s31 =	sshll.u32 s1, $0xD;
	s1 =	sshrl.u32 s1, $0x2  }
0xba: {  	s3 =	sand.u32 $0x4000, s31;
	s1 =	sadd.s32 s1, s30  }
0xbb: {  	s0 =	sor.u32 s3, s0;
	s1 =	sshll.u32 s1, $0x11  }
0xbc: {  	s0 =	sor.u32 s1, s0  }
0xbd: {  	s0 =	sadd.s32 $0x8F2B, s0  }
0xbe: {  	[sflag:s0] =	ssyncadd.remote.s32 $0x1  }
0xbf: {  	_ =	sfence.sel $0xFFFF  }
0xc0: {  	[dreg:$0x0] =	wrdreg $0xFFFFFFFF;
	(pc) =	sbr.abs _section_cstart, $3  }
0xc1: {  	[dreg:$0x1] =	wrdreg $0xFFFFFFFF  }
0xc2: {  	_ =	task.clear_ibuf [dreg:s7], $0x2FFFF;
	_ =	strace $0x9FFFFFFF  }
0xc3: {  	(tm) =	ssettm $0x7FFFFFFF  }
tec
execute0_lowered:
.L_overlay_start_1:
0x0: {  	(tag) =	ssettag $0x1  }
0x1: {  	s0 =	srdreg.scid;
	s1 =	rddreg [dreg:$0x0]  }
0x2: {  	s5 =	stileid.u32;
	s3 =	rddreg [dreg:$0x2];
	s4 =	simm.s32 $0x0  }
0x3: {  	s14 =	simm.s32 $0x9;
	s15 =	simm.s32 $0x2800;
	s16 =	simm.s32 $0x2C00  }
0x4: {  	s17 =	simm.s32 $0x80;
	s22 =	simm.s32 $0x300;
	s23 =	simm.s32 $0x380  }
0x5: {  	s24 =	simm.s32 $0x1;
	s25 =	simm.s32 $0x2;
	s26 =	simm.s32 $0x3  }
0x6: {  	s28 =	simm.s32 $0x4;
	s29 =	simm.s32 $0x5;
	s30 =	simm.s32 $0x6  }
0x7: {  	s31 =	simm.s32 $0x7;
	s0 =	sand.u32 $0x1, s0;
	s7 =	smul.u32 $0x1400, s5  }
0x8: {  	[smem:$0x7FF] =	sst s4;
	s8 =	smul.u32 $0x5000, s5;
	s2 =	sshll.u32 s0, $0x4  }
0x9: {  	s6 =	smul.u32 $0x14000, s0;
	_ =	strace $0x80000047;
	s0 =	ssub.s32 $0x2, s0  }
0xa: {  	s2 =	sor.u32 s5, s2;
	s5 =	sadd.s32 $0xCA00, s1;
	s9 =	sshrl.u32 s0, $0x1  }
0xb: {  	s8 =	sshrl.u32 s8, $0x2;
	s2 =	smul.u32 $0x500, s2;
	s6 =	sadd.s32 s7, s6  }
0xc: {  	s0 =	ssub.s32 s0, s9;
	s11 =	sadd.s32 s8, s3;
	s7 =	sadd.s32 s7, s3  }
0xd: {  	s6 =	sshrl.u32 s6, $0x3;
	s8 =	sadd.s32 $0x400, s11;
	s9 =	sadd.s32 $0x800, s11  }
0xe: {  	s10 =	sadd.s32 $0xC00, s11;
	s11 =	sadd.s32 $0x1000, s11;
	s2 =	sadd.s32 s2, s1  }
0xf: {  	s13 =	smax.u32 s0, $0x1;
	s1 =	sadd.s32 s6, s1;
	s6 =	sadd.s32 $0x2A00, s2  }
0x10: {  	s12 =	sadd.s32 $0xCC00, s1;
	s1 =	simm.s32 $0x8;
	s2 =	simm.s32 $0x0  }
.LBB2_1:
0x11: {  	[tilespmem:s4], [sflag:$0x9] =	stream.linear.gather [hbm4b:s6+s4], $0x2800, $0x38;
	[tilespmem:$0x4400] =	vst v63  }
0x12: {  	_ =	swait.ge [sflag:s14], $0x2800  }
0x13: {  	[sflag:s14] =	ssyncset.done $0x0  }
0x14: {  	[sflag:s14] =	ssyncadd.s32 $0xFFFFD800  }
0x15: {  	s0 =	rddreg [dreg:$0x1]  }
0x16: {  	[tilespmem:s15], [sflag:$0x9] =	stream.linear.gather [hbm4b:s0+s4], $0x400, $0x38;
	[tilespmem:$0x4400] =	vst v63  }
0x17: {  	_ =	swait.ge [sflag:s14], $0x400  }
0x18: {  	[sflag:s14] =	ssyncset.done $0x0  }
0x19: {  	[sflag:s14] =	ssyncadd.s32 $0xFFFFFC00  }
0x1a: {  	[tilespmem:s16], [sflag:$0x9] =	stream.linear.gather [hbm4b:s5+s4], $0x400, $0x38;
	[tilespmem:$0x4400] =	vst v63  }
0x1b: {  	_ =	swait.ge [sflag:s14], $0x400  }
0x1c: {  	[sflag:s14] =	ssyncset.done $0x0  }
0x1d: {  	[sflag:s14] =	ssyncadd.s32 $0xFFFFFC00  }
0x1e: {  	[spmem:s7] =	stream.linear.scatter [tilespmem:s16], [sflag:$0x9], $0x400, $0x38;
	[tilespmem:$0x4400] =	vst v63  }
0x1f: {  	_ =	swait.ge [sflag:s14], $0x400  }
0x20: {  	[sflag:s14] =	ssyncset.done $0x0  }
0x21: {  	[sflag:s14] =	ssyncadd.s32 $0xFFFFFC00  }
0x22: {  	[spmem:s8] =	stream.linear.scatter [tilespmem:s16], [sflag:$0x9], $0x400, $0x38;
	[tilespmem:$0x4400] =	vst v63  }
0x23: {  	_ =	swait.ge [sflag:s14], $0x400  }
0x24: {  	[sflag:s14] =	ssyncset.done $0x0  }
0x25: {  	[sflag:s14] =	ssyncadd.s32 $0xFFFFFC00  }
0x26: {  	[spmem:s9] =	stream.linear.scatter [tilespmem:s16], [sflag:$0x9], $0x400, $0x38;
	[tilespmem:$0x4400] =	vst v63  }
0x27: {  	_ =	swait.ge [sflag:s14], $0x400  }
0x28: {  	[sflag:s14] =	ssyncset.done $0x0  }
0x29: {  	[sflag:s14] =	ssyncadd.s32 $0xFFFFFC00  }
0x2a: {  	[spmem:s10] =	stream.linear.scatter [tilespmem:s16], [sflag:$0x9], $0x400, $0x38;
	[tilespmem:$0x4400] =	vst v63  }
0x2b: {  	_ =	swait.ge [sflag:s14], $0x400  }
0x2c: {  	[sflag:s14] =	ssyncset.done $0x0  }
0x2d: {  	[sflag:s14] =	ssyncadd.s32 $0xFFFFFC00  }
0x2e: {  	[spmem:s11] =	stream.linear.scatter [tilespmem:s16], [sflag:$0x9], $0x400, $0x38;
	[tilespmem:$0x4400] =	vst v63  }
0x2f: {  	_ =	swait.ge [sflag:s14], $0x400  }
0x30: {  	[sflag:s14] =	ssyncset.done $0x0  }
0x31: {  	[sflag:s14] =	ssyncadd.s32 $0xFFFFFC00  }
0x32: {  	[bflag:$0x0] =	sbarrier.arrive $0xFFFF  }
0x33: {  	[spmem:s3] =	stream.indirect.scatter.add.f32 [tilespmem:s15], [sflag:$0x1], $0x8, s4, s17, $0xb8;
	[tilespmem:$0x4400] =	vst v63  }
0x34: {  	_ = 	snop  }
0x35: {  	[spmem:s3] =	stream.indirect.scatter.add.f32 [tilespmem:s15], [sflag:$0x2], $0x8, s17, s17, $0xb8;
	[tilespmem:$0x4400] =	vst v63  }
0x36: {  	s18 =	simm.s32 $0x100  }
0x37: {  	[spmem:s3] =	stream.indirect.scatter.add.f32 [tilespmem:s15], [sflag:$0x3], $0x8, s18, s17, $0xb8;
	[tilespmem:$0x4400] =	vst v63  }
0x38: {  	s19 =	simm.s32 $0x180  }
0x39: {  	[spmem:s3] =	stream.indirect.scatter.add.f32 [tilespmem:s15], [sflag:$0x4], $0x8, s19, s17, $0xb8;
	[tilespmem:$0x4400] =	vst v63  }
0x3a: {  	s20 =	simm.s32 $0x200  }
0x3b: {  	[spmem:s3] =	stream.indirect.scatter.add.f32 [tilespmem:s15], [sflag:$0x5], $0x8, s20, s17, $0xb8;
	[tilespmem:$0x4400] =	vst v63  }
0x3c: {  	s21 =	simm.s32 $0x280  }
0x3d: {  	[spmem:s3] =	stream.indirect.scatter.add.f32 [tilespmem:s15], [sflag:$0x6], $0x8, s21, s17, $0xb8;
	[tilespmem:$0x4400] =	vst v63  }
0x3e: {  	_ = 	snop  }
0x3f: {  	[spmem:s3] =	stream.indirect.scatter.add.f32 [tilespmem:s15], [sflag:$0x7], $0x8, s22, s17, $0xb8;
	[tilespmem:$0x4400] =	vst v63  }
0x40: {  	_ = 	snop  }
0x41: {  	[spmem:s3] =	stream.indirect.scatter.add.f32 [tilespmem:s15], [sflag:$0x8], $0x8, s23, s17, $0xb8;
	[tilespmem:$0x4400] =	vst v63  }
0x42: {  	s18 =	simm.s32 $0x400  }
0x43: {  	[spmem:s3] =	stream.indirect.scatter.add.f32 [tilespmem:s15], [sflag:$0x1], $0x8, s18, s17, $0xb8;
	[tilespmem:$0x4400] =	vst v63  }
0x44: {  	_ =	swait.ge [sflag:s24], $0x400  }
0x45: {  	[sflag:s24] =	ssyncset.done $0x0  }
0x46: {  	s19 =	simm.s32 $0x480;
	[sflag:s24] =	ssyncadd.s32 $0xFFFFFC00  }
0x47: {  	[spmem:s3] =	stream.indirect.scatter.add.f32 [tilespmem:s15], [sflag:$0x2], $0x8, s19, s17, $0xb8;
	[tilespmem:$0x4400] =	vst v63  }
0x48: {  	_ =	swait.ge [sflag:s25], $0x400  }
0x49: {  	[sflag:s25] =	ssyncset.done $0x0  }
0x4a: {  	s20 =	simm.s32 $0x500;
	[sflag:s25] =	ssyncadd.s32 $0xFFFFFC00  }
0x4b: {  	[spmem:s3] =	stream.indirect.scatter.add.f32 [tilespmem:s15], [sflag:$0x3], $0x8, s20, s17, $0xb8;
	[tilespmem:$0x4400] =	vst v63  }
0x4c: {  	_ =	swait.ge [sflag:s26], $0x400  }
0x4d: {  	[sflag:s26] =	ssyncset.done $0x0  }
0x4e: {  	s21 =	simm.s32 $0x580;
	[sflag:s26] =	ssyncadd.s32 $0xFFFFFC00  }
0x4f: {  	[spmem:s3] =	stream.indirect.scatter.add.f32 [tilespmem:s15], [sflag:$0x4], $0x8, s21, s17, $0xb8;
	[tilespmem:$0x4400] =	vst v63  }
0x50: {  	_ =	swait.ge [sflag:s28], $0x400  }
0x51: {  	[sflag:s28] =	ssyncset.done $0x0  }
0x52: {  	s18 =	simm.s32 $0x600;
	[sflag:s28] =	ssyncadd.s32 $0xFFFFFC00  }
0x53: {  	[spmem:s3] =	stream.indirect.scatter.add.f32 [tilespmem:s15], [sflag:$0x5], $0x8, s18, s17, $0xb8;
	[tilespmem:$0x4400] =	vst v63  }
0x54: {  	_ =	swait.ge [sflag:s29], $0x400  }
0x55: {  	[sflag:s29] =	ssyncset.done $0x0  }
0x56: {  	s19 =	simm.s32 $0x680;
	[sflag:s29] =	ssyncadd.s32 $0xFFFFFC00  }
0x57: {  	[spmem:s3] =	stream.indirect.scatter.add.f32 [tilespmem:s15], [sflag:$0x6], $0x8, s19, s17, $0xb8;
	[tilespmem:$0x4400] =	vst v63  }
0x58: {  	_ =	swait.ge [sflag:s30], $0x400  }
0x59: {  	[sflag:s30] =	ssyncset.done $0x0  }
0x5a: {  	s20 =	simm.s32 $0x700;
	[sflag:s30] =	ssyncadd.s32 $0xFFFFFC00  }
0x5b: {  	[spmem:s3] =	stream.indirect.scatter.add.f32 [tilespmem:s15], [sflag:$0x7], $0x8, s20, s17, $0xb8;
	[tilespmem:$0x4400] =	vst v63  }
0x5c: {  	_ =	swait.ge [sflag:s31], $0x400  }
0x5d: {  	[sflag:s31] =	ssyncset.done $0x0  }
0x5e: {  	s21 =	simm.s32 $0x780;
	[sflag:s31] =	ssyncadd.s32 $0xFFFFFC00  }
0x5f: {  	[spmem:s3] =	stream.indirect.scatter.add.f32 [tilespmem:s15], [sflag:$0x8], $0x8, s21, s17, $0xb8;
	[tilespmem:$0x4400] =	vst v63  }
0x60: {  	_ =	swait.ge [sflag:s1], $0x400  }
0x61: {  	s0 =	simm.s32 $0x400;
	s18 =	simm.s32 $0x2000;
	[sflag:s1] =	ssyncset.done $0x0  }
.LBB2_2:
0x62: {  	s21 =	sadd.s32 $0x400, s0  }
0x63: {  	[sflag:s1] =	ssyncadd.s32 $0xFFFFFC00;
	s19 =	smov.u32 s18;
	s20 =	sadd.s32 $0x1000, s18  }
0x64: {  	[spmem:s3] =	stream.indirect.scatter.add.f32 [tilespmem:s15], [sflag:$0x1], $0x8, s21, s17, $0xb8;
	[tilespmem:$0x4400] =	vst v63  }
0x65: {  	p0 =	sne.s32 s18, $0x8000;
	_ =	swait.ge [sflag:s24], $0x400  }
0x66: {  	[sflag:s24] =	ssyncset.done $0x0  }
0x67: {  	s18 =	sadd.s32 $0x480, s0;
	[sflag:s24] =	ssyncadd.s32 $0xFFFFFC00  }
0x68: {  	[spmem:s3] =	stream.indirect.scatter.add.f32 [tilespmem:s15], [sflag:$0x2], $0x8, s18, s17, $0xb8;
	[tilespmem:$0x4400] =	vst v63  }
0x69: {  	_ =	swait.ge [sflag:s25], $0x400  }
0x6a: {  	[sflag:s25] =	ssyncset.done $0x0  }
0x6b: {  	s18 =	sadd.s32 $0x500, s0;
	[sflag:s25] =	ssyncadd.s32 $0xFFFFFC00  }
0x6c: {  	[spmem:s3] =	stream.indirect.scatter.add.f32 [tilespmem:s15], [sflag:$0x3], $0x8, s18, s17, $0xb8;
	[tilespmem:$0x4400] =	vst v63  }
0x6d: {  	_ =	swait.ge [sflag:s26], $0x400  }
0x6e: {  	[sflag:s26] =	ssyncset.done $0x0  }
0x6f: {  	s18 =	sadd.s32 $0x580, s0;
	[sflag:s26] =	ssyncadd.s32 $0xFFFFFC00  }
0x70: {  	[spmem:s3] =	stream.indirect.scatter.add.f32 [tilespmem:s15], [sflag:$0x4], $0x8, s18, s17, $0xb8;
	[tilespmem:$0x4400] =	vst v63  }
0x71: {  	_ =	swait.ge [sflag:s28], $0x400  }
0x72: {  	[sflag:s28] =	ssyncset.done $0x0  }
0x73: {  	s18 =	sadd.s32 $0x600, s0;
	[sflag:s28] =	ssyncadd.s32 $0xFFFFFC00  }
0x74: {  	[spmem:s3] =	stream.indirect.scatter.add.f32 [tilespmem:s15], [sflag:$0x5], $0x8, s18, s17, $0xb8;
	[tilespmem:$0x4400] =	vst v63  }
0x75: {  	_ =	swait.ge [sflag:s29], $0x400  }
0x76: {  	[sflag:s29] =	ssyncset.done $0x0  }
0x77: {  	s18 =	sadd.s32 $0x680, s0;
	[sflag:s29] =	ssyncadd.s32 $0xFFFFFC00  }
0x78: {  	[spmem:s3] =	stream.indirect.scatter.add.f32 [tilespmem:s15], [sflag:$0x6], $0x8, s18, s17, $0xb8;
	[tilespmem:$0x4400] =	vst v63  }
0x79: {  	_ =	swait.ge [sflag:s30], $0x400  }
0x7a: {  	[sflag:s30] =	ssyncset.done $0x0  }
0x7b: {  	s18 =	sadd.s32 $0x700, s0;
	[sflag:s30] =	ssyncadd.s32 $0xFFFFFC00  }
0x7c: {  	[spmem:s3] =	stream.indirect.scatter.add.f32 [tilespmem:s15], [sflag:$0x7], $0x8, s18, s17, $0xb8;
	[tilespmem:$0x4400] =	vst v63  }
0x7d: {  	_ =	swait.ge [sflag:s31], $0x400  }
.Ltmp0:
0x7e: {  	[sflag:s31] =	ssyncset.done $0x0;
	(pc) =	sbr.rel @p0 .LBB2_2-.Ltmp0, $4  }
0x7f: {  	s0 =	sadd.s32 $0x780, s0;
	[sflag:s31] =	ssyncadd.s32 $0xFFFFFC00  }
0x80: {  	[spmem:s3] =	stream.indirect.scatter.add.f32 [tilespmem:s15], [sflag:$0x8], $0x8, s0, s17, $0xb8;
	[tilespmem:$0x4400] =	vst v63  }
0x81: {  	_ =	swait.ge [sflag:s1], $0x400  }
0x82: {  	s18 =	smov.u32 s20;
	s0 =	sshra.s32 s19, $0x2;
	[sflag:s1] =	ssyncset.done $0x0  }
0x83: {  	s18 =	sadd.s32 $0x400, s0;
	[sflag:s1] =	ssyncadd.s32 $0xFFFFFC00  }
0x84: {  	[spmem:s3] =	stream.indirect.scatter.add.f32 [tilespmem:s15], [sflag:$0x1], $0x8, s18, s17, $0xb8;
	[tilespmem:$0x4400] =	vst v63  }
0x85: {  	_ =	swait.ge [sflag:s24], $0x400  }
0x86: {  	[sflag:s24] =	ssyncset.done $0x0  }
0x87: {  	s19 =	sadd.s32 $0x480, s0;
	[sflag:s24] =	ssyncadd.s32 $0xFFFFFC00  }
0x88: {  	[spmem:s3] =	stream.indirect.scatter.add.f32 [tilespmem:s15], [sflag:$0x2], $0x8, s19, s17, $0xb8;
	[tilespmem:$0x4400] =	vst v63  }
0x89: {  	_ =	swait.ge [sflag:s25], $0x400  }
0x8a: {  	[sflag:s25] =	ssyncset.done $0x0  }
0x8b: {  	s20 =	sadd.s32 $0x500, s0;
	[sflag:s25] =	ssyncadd.s32 $0xFFFFFC00  }
0x8c: {  	[spmem:s3] =	stream.indirect.scatter.add.f32 [tilespmem:s15], [sflag:$0x3], $0x8, s20, s17, $0xb8;
	[tilespmem:$0x4400] =	vst v63  }
0x8d: {  	_ =	swait.ge [sflag:s26], $0x400  }
0x8e: {  	[sflag:s26] =	ssyncset.done $0x0  }
0x8f: {  	s21 =	sadd.s32 $0x580, s0;
	[sflag:s26] =	ssyncadd.s32 $0xFFFFFC00  }
0x90: {  	[spmem:s3] =	stream.indirect.scatter.add.f32 [tilespmem:s15], [sflag:$0x4], $0x8, s21, s17, $0xb8;
	[tilespmem:$0x4400] =	vst v63  }
0x91: {  	_ =	swait.ge [sflag:s28], $0x400  }
0x92: {  	[sflag:s28] =	ssyncset.done $0x0  }
0x93: {  	s19 =	sadd.s32 $0x600, s0;
	[sflag:s28] =	ssyncadd.s32 $0xFFFFFC00  }
0x94: {  	[spmem:s3] =	stream.indirect.scatter.add.f32 [tilespmem:s15], [sflag:$0x5], $0x8, s19, s17, $0xb8;
	[tilespmem:$0x4400] =	vst v63  }
0x95: {  	_ =	swait.ge [sflag:s29], $0x400  }
0x96: {  	[sflag:s29] =	ssyncset.done $0x0  }
0x97: {  	s20 =	sadd.s32 $0x680, s0;
	[sflag:s29] =	ssyncadd.s32 $0xFFFFFC00  }
0x98: {  	[spmem:s3] =	stream.indirect.scatter.add.f32 [tilespmem:s15], [sflag:$0x6], $0x8, s20, s17, $0xb8;
	[tilespmem:$0x4400] =	vst v63  }
0x99: {  	_ =	swait.ge [sflag:s30], $0x400  }
0x9a: {  	[sflag:s30] =	ssyncset.done $0x0  }
0x9b: {  	s21 =	sadd.s32 $0x700, s0;
	[sflag:s30] =	ssyncadd.s32 $0xFFFFFC00  }
0x9c: {  	[spmem:s3] =	stream.indirect.scatter.add.f32 [tilespmem:s15], [sflag:$0x7], $0x8, s21, s17, $0xb8;
	[tilespmem:$0x4400] =	vst v63  }
0x9d: {  	_ =	swait.ge [sflag:s31], $0x400  }
0x9e: {  	[sflag:s31] =	ssyncset.done $0x0  }
0x9f: {  	s19 =	sadd.s32 $0x780, s0;
	[sflag:s31] =	ssyncadd.s32 $0xFFFFFC00  }
0xa0: {  	[spmem:s3] =	stream.indirect.scatter.add.f32 [tilespmem:s15], [sflag:$0x8], $0x8, s19, s17, $0xb8;
	[tilespmem:$0x4400] =	vst v63  }
0xa1: {  	_ =	swait.ge [sflag:s1], $0x400  }
0xa2: {  	[sflag:s1] =	ssyncset.done $0x0  }
0xa3: {  	[sflag:s1] =	ssyncadd.s32 $0xFFFFFC00  }
0xa4: {  	_ =	swait.ge [sflag:s24], $0x400  }
0xa5: {  	[sflag:s24] =	ssyncset.done $0x0  }
0xa6: {  	[sflag:s24] =	ssyncadd.s32 $0xFFFFFC00  }
0xa7: {  	_ =	swait.ge [sflag:s25], $0x400  }
0xa8: {  	[sflag:s25] =	ssyncset.done $0x0  }
0xa9: {  	[sflag:s25] =	ssyncadd.s32 $0xFFFFFC00  }
0xaa: {  	_ =	swait.ge [sflag:s26], $0x400  }
0xab: {  	[sflag:s26] =	ssyncset.done $0x0  }
0xac: {  	[sflag:s26] =	ssyncadd.s32 $0xFFFFFC00  }
0xad: {  	_ =	swait.ge [sflag:s28], $0x400  }
0xae: {  	[sflag:s28] =	ssyncset.done $0x0  }
0xaf: {  	[sflag:s28] =	ssyncadd.s32 $0xFFFFFC00  }
0xb0: {  	_ =	swait.ge [sflag:s29], $0x400  }
0xb1: {  	[sflag:s29] =	ssyncset.done $0x0  }
0xb2: {  	[sflag:s29] =	ssyncadd.s32 $0xFFFFFC00  }
0xb3: {  	_ =	swait.ge [sflag:s30], $0x400  }
0xb4: {  	[sflag:s30] =	ssyncset.done $0x0  }
0xb5: {  	[sflag:s30] =	ssyncadd.s32 $0xFFFFFC00  }
0xb6: {  	_ =	swait.ge [sflag:s31], $0x400  }
0xb7: {  	[sflag:s31] =	ssyncset.done $0x0  }
0xb8: {  	[sflag:s31] =	ssyncadd.s32 $0xFFFFFC00  }
0xb9: {  	s20 =	stileid.u32;
	_ =	swait.ge [sflag:s1], $0x400  }
0xba: {  	s2 =	sadd.s32 $0x1, s2;
	s0 =	sshll.u32 s20, $0x6;
	[sflag:s1] =	ssyncset.done $0x0  }
0xbb: {  	p0 =	sne.s32 s2, s13;
	s0 =	sor.u32 $0x1C09, s0;
	[sflag:s1] =	ssyncadd.s32 $0xFFFFFC00  }
.Ltmp1:
0xbc: {  	s21 =	sshrl.u32 s7, $0x3;
	[bflag:$0x0] =	sbarrier.arrive $0xFFFF;
	(pc) =	sbr.rel @p0 .LBB2_1-.Ltmp1, $4  }
0xbd: {  	[hbm:s12], [sflag:s0] =	dma.local [spmem:s21], $0x280  }
0xbe: {  	_ =	swait.ge [sflag:s14], $0x280  }
0xbf: {  	[sflag:s14] =	ssyncset.done $0x0  }
0xc0: {  	[sflag:s14] =	ssyncadd.s32 $0xFFFFFD80  }
0xc1: {  	_ =	sfence.sel $0x180000  }
0xc2: {  	[bflag:$0x0] =	sbarrier.arrive $0xFFFF  }
0xc3: {  	_ =	strace $0x90000047  }
0xc4: {  	s0 =	stileid.u32;
	[bflag:$0x2] =	sbarrier.arrive $0xFFFF  }
0xc5: {  	p0 =	sne.s32 s0, $0x0;
	s0 =	rddreg [dreg:$0x3]  }
0xc6: {  	s0 =	sadd.s32 @!p0 $0x100000, s0  }
0xc7: {  	[sflag:s0] =	ssyncadd.tile.s32 @!p0 $0x1;
	_ =	shalt  }
.Lfunc_end2:
_tile_overlayer_lowered:
.L_overlay_start_2:
0xc8: {  	(tag) =	ssettag $0x2  }
0xc9: {  	s0 =	rddreg [dreg:$0x0];
	s2 =	stileid.u32  }
0xca: {  	s1 =	rddreg [dreg:$0x1];
	p0 =	sne.s32 s2, $0x0  }
0xcb: {  	s3 =	rddreg [dreg:$0x2];
	[bflag:$0x3] =	sbarrier.arrive $0xFFFF;
	s2 =	simm.s32 @!p0 $0x1C09  }
0xcc: {  	[timem:s3], [sflag:s2] =	dma.local @!p0 [hbm:s0], s1  }
0xcd: {  	s0 =	simm.s32 @!p0 $0x9  }
0xce: {  	_ =	swait.ge @!p0 [sflag:s0], s1  }
0xcf: {  	s1 =	ssub.s32 @!p0 $0x0, s1;
	[sflag:s0] =	ssyncset.done @!p0 $0x0  }
0xd0: {  	[sflag:s0] =	ssyncadd.s32 @!p0 s1  }
0xd1: {  	[bflag:$0x3] =	sbarrier.arrive $0xFFFF  }
0xd2: {  	_ =	shalt  }

</sc_bundles>
